<compile_context>
chip_gen: v7x
topology: tpu7x:2x2x1
jax: 0.10.2.dev20260603
libtpu: 0.0.44.dev20260713+nightly
codegen_flags: <defaults>
</compile_context>

<pallas_src>
import functools

import jax
import jax.numpy as jnp
from jax import lax
from jax.experimental import pallas as pl
from jax.experimental.pallas import tpu as pltpu
from jax.experimental.pallas import tpu_sc as plsc

_NC = 2
_NS = 16
_NW = _NC * _NS
_NPAD = 10240



def _proj_body(x_ref, x2_ref, w_ref, brow_ref, od_ref, os_ref, ot_ref, *,
               act, wd, thalf):
    xb = x_ref[...]
    if x2_ref is not None:
        xb = xb + x2_ref[...]
    if act:
        xb = jnp.maximum(xb, 0.0)
    res = jnp.dot(xb, w_ref[...], preferred_element_type=jnp.float32)
    od_ref[...] = res[:, :wd].astype(jnp.bfloat16)
    os_ref[...] = res[:, wd:2 * wd].astype(jnp.bfloat16)
    t = res[:, 2 * wd:] + brow_ref[...]
    ot_ref[...] = t * 0.5 if thalf else t


def _node_proj(hins, wcat, brow, act, wd, wt, thalf, rb=2000):
    n, f = 10000, hins[0].shape[1]
    k = wcat.shape[1]
    two = len(hins) == 2
    body = functools.partial(_proj_body, act=act, wd=wd, thalf=thalf)
    if not two:
        body = functools.partial(lambda b, x, w, br, od, os_, ot:
                                 b(x, None, w, br, od, os_, ot), body)
    in_specs = [pl.BlockSpec((rb, f), lambda i: (i, 0))]
    if two:
        in_specs.append(pl.BlockSpec((rb, f), lambda i: (i, 0)))
    in_specs += [
        pl.BlockSpec((f, k), lambda i: (0, 0)),
        pl.BlockSpec((1, wt), lambda i: (0, 0)),
    ]
    return pl.pallas_call(
        body,
        grid=(n // rb,),
        in_specs=in_specs,
        out_specs=[
            pl.BlockSpec((rb, wd), lambda i: (i, 0)),
            pl.BlockSpec((rb, wd), lambda i: (i, 0)),
            pl.BlockSpec((rb, wt), lambda i: (i, 0)),
        ],
        out_shape=[
            jax.ShapeDtypeStruct((n, wd), jnp.bfloat16),
            jax.ShapeDtypeStruct((n, wd), jnp.bfloat16),
            jax.ShapeDtypeStruct((n, wt), jnp.float32),
        ],
    )(*hins, wcat, brow)


def _unpack_pair(raw):
    f = jax.lax.bitcast_convert_type(raw << 16, jnp.float32)
    s = jax.lax.bitcast_convert_type(raw & jnp.int32(-65536), jnp.float32)
    return f, s


def _gate_body(gd_ref, gs_ref, ea_ref, wfe_ref, wse_ref, bf_ref, bs_ref,
               o_ref, *, h):
    fd, sd = _unpack_pair(gd_ref[...])
    fs, ss = _unpack_pair(gs_ref[...])
    ea = ea_ref[...]
    f = fd + fs + bf_ref[...] + jnp.dot(
        ea, wfe_ref[...], preferred_element_type=jnp.float32)
    s = sd + ss + bs_ref[...] + jnp.dot(
        ea, wse_ref[...], preferred_element_type=jnp.float32)
    o_ref[...] = jax.nn.sigmoid(f) * jax.nn.softplus(s)


def _gate(gd, gs, ea, wfe, wse, bf, bs, h, eb=2000):
    e = gd.shape[0]
    d = ea.shape[1]
    return pl.pallas_call(
        functools.partial(_gate_body, h=h),
        grid=(e // eb,),
        in_specs=[
            pl.BlockSpec((eb, h), lambda i: (i, 0)),
            pl.BlockSpec((eb, h), lambda i: (i, 0)),
            pl.BlockSpec((eb, d), lambda i: (i, 0)),
            pl.BlockSpec((d, h), lambda i: (0, 0)),
            pl.BlockSpec((d, h), lambda i: (0, 0)),
            pl.BlockSpec((1, h), lambda i: (0, 0)),
            pl.BlockSpec((1, h), lambda i: (0, 0)),
        ],
        out_specs=pl.BlockSpec((eb, h), lambda i: (i, 0)),
        out_shape=jax.ShapeDtypeStruct((e, h), jnp.float32),
    )(gd, gs, ea, wfe, wse, bf, bs)


def _cls_body(h_ref, g_ref, brow_ref, wc_ref, bc_ref, o_ref):
    inv = 1.0 / jnp.sqrt(1.0 + 1e-5)
    wce = wc_ref[...] * (g_ref[...] * inv)
    off = jnp.dot(brow_ref[...], wc_ref[...],
                  preferred_element_type=jnp.float32)
    o_ref[...] = jnp.dot(h_ref[...], wce,
                         preferred_element_type=jnp.float32) + off + bc_ref[...]


def _classifier(h, gamma_col, beta_row, wc, bc_row, rb=2000):
    o = h.shape[1]
    n = 10000
    c = wc.shape[1]
    return pl.pallas_call(
        _cls_body,
        grid=(n // rb,),
        in_specs=[
            pl.BlockSpec((rb, o), lambda i: (i, 0)),
            pl.BlockSpec((o, 1), lambda i: (0, 0)),
            pl.BlockSpec((1, o), lambda i: (0, 0)),
            pl.BlockSpec((o, c), lambda i: (0, 0)),
            pl.BlockSpec((1, c), lambda i: (0, 0)),
        ],
        out_specs=pl.BlockSpec((rb, c), lambda i: (i, 0)),
        out_shape=jax.ShapeDtypeStruct((n, c), jnp.float32),
    )(h, gamma_col, beta_row, wc, bc_row)



def _make_gather(e_total, width, kchunk=80):
    epw = e_total // _NW
    nchunks = epw // kchunk
    mesh = plsc.VectorSubcoreMesh(core_axis_name="c", subcore_axis_name="s")

    @functools.partial(
        pl.kernel, mesh=mesh,
        out_type=[
            jax.ShapeDtypeStruct((e_total, width), jnp.int32),
            jax.ShapeDtypeStruct((e_total, width), jnp.int32),
        ],
        scratch_types=(
            [pltpu.VMEM((kchunk,), jnp.int32)] * 6
            + [pltpu.VMEM((kchunk, width), jnp.int32)] * 6
            + [pltpu.SemaphoreType.DMA] * 9
        ),
    )
    def gather_k(tbl_d, tbl_s, dst, src, out_d, out_s,
                 idx_d0, idx_s0, idx_d1, idx_s1, idx_d2, idx_s2,
                 buf_d0, buf_s0, buf_d1, buf_s1, buf_d2, buf_s2,
                 sem_d0, sem_s0, sem_d1, sem_s1, sem_d2, sem_s2,
                 sem_w0, sem_w1, sem_w2):
        wid = lax.axis_index("s") * _NC + lax.axis_index("c")
        base = wid * epw
        slots = ((idx_d0, idx_s0, buf_d0, buf_s0, sem_d0, sem_s0, sem_w0),
                 (idx_d1, idx_s1, buf_d1, buf_s1, sem_d1, sem_s1, sem_w1),
                 (idx_d2, idx_s2, buf_d2, buf_s2, sem_d2, sem_s2, sem_w2))

        def load_and_fire(ci, slot):
            idx_d, idx_s, buf_d, buf_s, sem_d, sem_s, _ = slot
            eb = base + ci * kchunk
            pltpu.sync_copy(dst.at[pl.ds(eb, kchunk)], idx_d)
            pltpu.sync_copy(src.at[pl.ds(eb, kchunk)], idx_s)
            pltpu.async_copy(tbl_d.at[idx_d], buf_d, sem_d)
            pltpu.async_copy(tbl_s.at[idx_s], buf_s, sem_s)

        def wait_writes(ci, slot):
            _, _, buf_d, buf_s, _, _, sem_w = slot
            eb = base + ci * kchunk
            pltpu.make_async_copy(buf_d, out_d.at[pl.ds(eb, kchunk)],
                                  sem_w).wait()
            pltpu.make_async_copy(buf_s, out_s.at[pl.ds(eb, kchunk)],
                                  sem_w).wait()

        load_and_fire(0, slots[0])
        load_and_fire(1, slots[1])

        def body(ci, carry):
            def per_slot(cur, nxt2):
                idx_d, idx_s, buf_d, buf_s, sem_d, sem_s, sem_w = cur
                eb = base + ci * kchunk
                pltpu.make_async_copy(tbl_d.at[idx_d], buf_d, sem_d).wait()
                pltpu.make_async_copy(tbl_s.at[idx_s], buf_s, sem_s).wait()
                pltpu.async_copy(buf_d, out_d.at[pl.ds(eb, kchunk)], sem_w)
                pltpu.async_copy(buf_s, out_s.at[pl.ds(eb, kchunk)], sem_w)

                @pl.when(ci + 2 < nchunks)
                def _():
                    @pl.when(ci >= 1)
                    def _():
                        wait_writes(ci - 1, nxt2)

                    load_and_fire(ci + 2, nxt2)

            for p in range(3):
                @pl.when(lax.rem(ci, 3) == p)
                def _(p=p):
                    per_slot(slots[p], slots[(p + 2) % 3])

            return carry

        lax.fori_loop(0, nchunks, body, 0)
        for ci in range(max(nchunks - 3, 0), nchunks):
            wait_writes(ci, slots[ci % 3])

    return gather_k


def _make_scatter_esplit(e_total, h_out, kchunk=80):
    epw = e_total // _NW
    nchunks = epw // kchunk
    rows_pt = _NPAD // _NS
    mesh = plsc.VectorSubcoreMesh(core_axis_name="c", subcore_axis_name="s")

    @functools.partial(
        pl.kernel, mesh=mesh,
        out_type=[
            jax.ShapeDtypeStruct((_NPAD, h_out), jnp.float32),
            jax.ShapeDtypeStruct((_NPAD, h_out), jnp.float32),
        ],
        scratch_types=[
            pltpu.VMEM((kchunk,), jnp.int32),
            pltpu.VMEM((kchunk,), jnp.int32),
            pltpu.VMEM((kchunk, h_out), jnp.float32),
            pltpu.VMEM((kchunk, h_out), jnp.float32),
            pltpu.VMEM_SHARED((_NPAD, h_out), jnp.float32),
            pltpu.SemaphoreType.DMA,
            pltpu.SemaphoreType.DMA,
        ],
    )
    def scatter_k(m, dstn, t_half, out0, out1,
                  idx0, idx1, buf0, buf1, acc, sem0, sem1):
        cid = lax.axis_index("c")
        sid = lax.axis_index("s")
        r0 = sid * rows_pt
        pltpu.sync_copy(t_half.at[pl.ds(r0, rows_pt)],
                        acc.at[pl.ds(r0, rows_pt)])
        plsc.subcore_barrier()
        base = (cid * _NS + sid) * epw
        slots = ((idx0, buf0, sem0), (idx1, buf1, sem1))

        def load(ci, slot):
            idx_v, buf, sem = slot
            eb = base + ci * kchunk
            pltpu.async_copy(dstn.at[pl.ds(eb, kchunk)], idx_v, sem)
            pltpu.async_copy(m.at[pl.ds(eb, kchunk)], buf, sem)

        load(0, slots[0])

        def chunk(ci, carry):
            def per_slot(cur, nxt):
                idx_v, buf, sem = cur
                eb = base + ci * kchunk
                pltpu.make_async_copy(dstn.at[pl.ds(eb, kchunk)], idx_v,
                                      sem).wait()
                pltpu.make_async_copy(m.at[pl.ds(eb, kchunk)], buf,
                                      sem).wait()

                @pl.when(ci + 1 < nchunks)
                def _():
                    load(ci + 1, nxt)

                pltpu.sync_copy(buf, acc.at[idx_v], add=True)

            @pl.when(lax.rem(ci, 2) == 0)
            def _():
                per_slot(slots[0], slots[1])

            @pl.when(lax.rem(ci, 2) == 1)
            def _():
                per_slot(slots[1], slots[0])

            return carry

        lax.fori_loop(0, nchunks, chunk, 0)
        plsc.subcore_barrier()

        @pl.when(cid == 0)
        def _():
            pltpu.sync_copy(acc.at[pl.ds(r0, rows_pt)],
                            out0.at[pl.ds(r0, rows_pt)])

        @pl.when(cid == 1)
        def _():
            pltpu.sync_copy(acc.at[pl.ds(r0, rows_pt)],
                            out1.at[pl.ds(r0, rows_pt)])

    return scatter_k


def _make_scatter_csplit(e_total, h_out, kchunk=80):
    hh = h_out // _NC
    epw = e_total // _NS
    nchunks = epw // kchunk
    rows_pt = _NPAD // _NS
    mesh = plsc.VectorSubcoreMesh(core_axis_name="c", subcore_axis_name="s")

    @functools.partial(
        pl.kernel, mesh=mesh,
        out_type=jax.ShapeDtypeStruct((_NPAD, h_out), jnp.float32),
        scratch_types=[
            pltpu.VMEM((kchunk,), jnp.int32),
            pltpu.VMEM((kchunk,), jnp.int32),
            pltpu.VMEM((kchunk, hh), jnp.float32),
            pltpu.VMEM((kchunk, hh), jnp.float32),
            pltpu.VMEM_SHARED((_NPAD, hh), jnp.float32),
            pltpu.SemaphoreType.DMA,
            pltpu.SemaphoreType.DMA,
        ],
    )
    def scatter_k(m, dstn, t_init, out,
                  idx0, idx1, buf0, buf1, acc, sem0, sem1):
        cid = lax.axis_index("c")
        sid = lax.axis_index("s")
        col0 = cid * hh
        r0 = sid * rows_pt
        pltpu.sync_copy(t_init.at[pl.ds(r0, rows_pt), pl.ds(col0, hh)],
                        acc.at[pl.ds(r0, rows_pt)])
        plsc.subcore_barrier()
        base = sid * epw
        slots = ((idx0, buf0, sem0), (idx1, buf1, sem1))

        def load(ci, slot):
            idx_v, buf, sem = slot
            eb = base + ci * kchunk
            pltpu.async_copy(dstn.at[pl.ds(eb, kchunk)], idx_v, sem)
            pltpu.async_copy(m.at[pl.ds(eb, kchunk), pl.ds(col0, hh)], buf,
                             sem)

        load(0, slots[0])

        def chunk(ci, carry):
            def per_slot(cur, nxt):
                idx_v, buf, sem = cur
                eb = base + ci * kchunk
                pltpu.make_async_copy(dstn.at[pl.ds(eb, kchunk)], idx_v,
                                      sem).wait()
                pltpu.make_async_copy(m.at[pl.ds(eb, kchunk),
                                           pl.ds(col0, hh)], buf, sem).wait()

                @pl.when(ci + 1 < nchunks)
                def _():
                    load(ci + 1, nxt)

                pltpu.sync_copy(buf, acc.at[idx_v], add=True)

            @pl.when(lax.rem(ci, 2) == 0)
            def _():
                per_slot(slots[0], slots[1])

            @pl.when(lax.rem(ci, 2) == 1)
            def _():
                per_slot(slots[1], slots[0])

            return carry

        lax.fori_loop(0, nchunks, chunk, 0)
        plsc.subcore_barrier()
        pltpu.sync_copy(acc.at[pl.ds(r0, rows_pt)],
                        out.at[pl.ds(r0, rows_pt), pl.ds(col0, hh)])

    return scatter_k



def _cgconv_layer(hins, dst, src, edge_attr, Wf, bf, Ws, bs, Wt, bt, act,
                  colsplit):
    fin = hins[0].shape[1]
    e = dst.shape[0]
    h = Wt.shape[1]
    perm = jnp.stack([jnp.arange(h), h + jnp.arange(h)], axis=1).reshape(-1)
    wd_ = jnp.concatenate([Wf[:fin], Ws[:fin]], axis=1)[:, perm]
    ws_ = jnp.concatenate([Wf[fin:2 * fin], Ws[fin:2 * fin]], axis=1)[:, perm]
    wcat = jnp.concatenate([wd_, ws_, Wt], axis=1)
    wfe = Wf[2 * fin:]
    wse = Ws[2 * fin:]

    tbl_d, tbl_s, t_self = _node_proj(hins, wcat, bt.reshape(1, h), act,
                                      wd=2 * h, wt=h, thalf=not colsplit)
    t_pad = jnp.pad(t_self, ((0, _NPAD - t_self.shape[0]), (0, 0)))
    n = tbl_d.shape[0]
    tbl_d = jax.lax.bitcast_convert_type(tbl_d.reshape(n, h, 2), jnp.int32)
    tbl_s = jax.lax.bitcast_convert_type(tbl_s.reshape(n, h, 2), jnp.int32)
    gd, gs = _make_gather(e, h, kchunk=80)(tbl_d, tbl_s, dst, src)
    m = _gate(gd, gs, edge_attr, wfe, wse, bf.reshape(1, h), bs.reshape(1, h),
              h)
    if colsplit:
        return (_make_scatter_csplit(e, h)(m, dst, t_pad),)
    return _make_scatter_esplit(e, h)(m, dst, t_pad)


def kernel(x, edge_index, edge_attr,
           Wf1, bf1, Ws1, bs1, Wt1, bt1,
           Wf2, bf2, Ws2, bs2, Wt2, bt2,
           Wf3, bf3, Ws3, bs3, Wt3, bt3,
           bn_gamma, bn_beta, Wc, bc):
    src = edge_index[0]
    dst = edge_index[1]
    h1 = _cgconv_layer((x,), dst, src, edge_attr,
                       Wf1, bf1, Ws1, bs1, Wt1, bt1,
                       act=False, colsplit=False)
    h2 = _cgconv_layer(h1, dst, src, edge_attr,
                       Wf2, bf2, Ws2, bs2, Wt2, bt2,
                       act=True, colsplit=False)
    h3 = _cgconv_layer(h2, dst, src, edge_attr,
                       Wf3, bf3, Ws3, bs3, Wt3, bt3,
                       act=True, colsplit=True)[0]
    o = h3.shape[1]
    c = Wc.shape[1]
    return _classifier(h3, bn_gamma.reshape(o, 1), bn_beta.reshape(1, o),
                       Wc, bc.reshape(1, c))

# --- scband reference (transcript-rebuilt; emitter-appended) ---
"""Pipeline reference for scband-cgcnnet-28046136443437 (READ-ONLY COPY).

The authoritative reference and input builder live on the scoring server;
editing this copy changes nothing except your own understanding.
"""

import jax, jax.numpy as jnp
import numpy as np

N = 10000
E = 320000
F = 128
D = 16
H = 128
O = 256
C = 32


def _lin(key, fan_in, fan_out):
    return jax.random.normal(key, (fan_in, fan_out), dtype=jnp.float32) * 0.05


def setup_inputs(seed: int = 0) -> dict:
    key = jax.random.key(seed)
    ks = jax.random.split(key, 32)
    inp = {}
    inp['x'] = jax.random.normal(ks[0], (N, F), dtype=jnp.float32)
    inp['edge_index'] = jax.random.randint(ks[1], (2, E), 0, N, dtype=jnp.int32)
    inp['edge_attr'] = jax.random.normal(ks[2], (E, D), dtype=jnp.float32)
    # conv1: in=F, out=H, dim=D
    inp['Wf1'] = _lin(ks[3], 2 * F + D, H); inp['bf1'] = jnp.zeros((H,), jnp.float32)
    inp['Ws1'] = _lin(ks[4], 2 * F + D, H); inp['bs1'] = jnp.zeros((H,), jnp.float32)
    inp['Wt1'] = _lin(ks[5], F, H);         inp['bt1'] = jnp.zeros((H,), jnp.float32)
    # conv2: in=H, out=H, dim=D
    inp['Wf2'] = _lin(ks[6], 2 * H + D, H); inp['bf2'] = jnp.zeros((H,), jnp.float32)
    inp['Ws2'] = _lin(ks[7], 2 * H + D, H); inp['bs2'] = jnp.zeros((H,), jnp.float32)
    inp['Wt2'] = _lin(ks[8], H, H);         inp['bt2'] = jnp.zeros((H,), jnp.float32)
    # conv3: in=H, out=O, dim=D
    inp['Wf3'] = _lin(ks[9], 2 * H + D, O);  inp['bf3'] = jnp.zeros((O,), jnp.float32)
    inp['Ws3'] = _lin(ks[10], 2 * H + D, O); inp['bs3'] = jnp.zeros((O,), jnp.float32)
    inp['Wt3'] = _lin(ks[11], H, O);         inp['bt3'] = jnp.zeros((O,), jnp.float32)
    # final batch norm (eval mode: running mean 0, running var 1)
    inp['bn_gamma'] = jnp.ones((O,), jnp.float32)
    inp['bn_beta'] = jnp.zeros((O,), jnp.float32)
    # classifier
    inp['Wc'] = _lin(ks[12], O, C); inp['bc'] = jnp.zeros((C,), jnp.float32)
    return inp


def _cgconv(x, edge_index, edge_attr, Wf, bf, Ws, bs, Wt, bt):
    src = edge_index[0]  # x_j (source / neighbor)
    dst = edge_index[1]  # x_i (target / central)
    z = jnp.concatenate([x[dst], x[src], edge_attr], axis=-1)
    m = jax.nn.sigmoid(z @ Wf + bf) * jax.nn.softplus(z @ Ws + bs)
    agg = jax.ops.segment_sum(m, dst, num_segments=x.shape[0])
    return agg + (x @ Wt + bt)


def reference(x, edge_index, edge_attr,
              Wf1, bf1, Ws1, bs1, Wt1, bt1,
              Wf2, bf2, Ws2, bs2, Wt2, bt2,
              Wf3, bf3, Ws3, bs3, Wt3, bt3,
              bn_gamma, bn_beta, Wc, bc):
    h = _cgconv(x, edge_index, edge_attr, Wf1, bf1, Ws1, bs1, Wt1, bt1)
    h = jax.nn.relu(h)  # dropout is identity in eval mode
    h = _cgconv(h, edge_index, edge_attr, Wf2, bf2, Ws2, bs2, Wt2, bt2)
    h = jax.nn.relu(h)
    h = _cgconv(h, edge_index, edge_attr, Wf3, bf3, Ws3, bs3, Wt3, bt3)
    # BatchNorm1d in eval mode: running_mean=0, running_var=1
    h = (h - 0.0) / jnp.sqrt(1.0 + 1e-5) * bn_gamma + bn_beta
    return h @ Wc + bc

if __name__ == "__main__":
    import jax
    _d = setup_inputs()
    print(jax.jit(kernel)(*tuple(_d.values())))

</pallas_src>

<mosaic_0001>
#map = affine_map<(d0, d1) -> (0, 0)>
#map1 = affine_map<(d0, d1) -> (0)>
module attributes {stable_mosaic.version = 14 : i64} {
  func.func @scatter_k(%arg0: i32, %arg1: i32, %arg2: memref<320000x128xf32, #tpu.memory_space<hbm>>, %arg3: memref<320000xi32, #tpu.memory_space<hbm>>, %arg4: memref<10240x128xf32, #tpu.memory_space<hbm>>, %arg5: memref<10240x128xf32, #tpu.memory_space<hbm>>, %arg6: memref<10240x128xf32, #tpu.memory_space<hbm>>, %arg7: memref<80xi32, #tpu.memory_space<vmem>>, %arg8: memref<80xi32, #tpu.memory_space<vmem>>, %arg9: memref<80x128xf32, #tpu.memory_space<vmem>>, %arg10: memref<80x128xf32, #tpu.memory_space<vmem>>, %arg11: memref<10240x128xf32, #tpu.memory_space<vmem_shared>>, %arg12: memref<!tpu.dma_semaphore, #tpu.memory_space<semaphore_mem>>, %arg13: memref<!tpu.dma_semaphore, #tpu.memory_space<semaphore_mem>>) attributes {dimension_semantics = [#tpu.dimension_semantics<core_parallel>, #tpu.dimension_semantics<subcore_parallel>], iteration_bounds = array<i64: 2, 16>, scalar_prefetch = 0 : i64, scratch_operands = 7 : i64, tpu.core_type = #tpu.core_type<sc_vector_subcore>, window_params = [{transform_indices = #map}, {transform_indices = #map1}, {transform_indices = #map}, {transform_indices = #map}, {transform_indices = #map}]} {
    %mul3A = arith.constant 640 : i32
    %mul3A_0 = arith.muli %arg1, %mul3A : i32
    "tpu.region"() ({
      %run_scoped3A = tpu.sem_alloc : memref<!tpu.dma_semaphore, #tpu.memory_space<semaphore_mem>>
      %dma_start3A_25 = arith.constant 0 : i32
      %dma_start3A_26 = tpu.memref_slice %arg11[%mul3A_0, %dma_start3A_25] : memref<10240x128xf32, #tpu.memory_space<vmem_shared>> -> memref<640x128xf32, #tpu.memory_space<vmem_shared>>
      %dma_start3A_27 = arith.constant 0 : i32
      %dma_start3A_28 = tpu.memref_slice %arg4[%mul3A_0, %dma_start3A_27] : memref<10240x128xf32, #tpu.memory_space<hbm>> -> memref<640x128xf32, #tpu.memory_space<hbm>>
      tpu.enqueue_dma source(%dma_start3A_28 : memref<640x128xf32, #tpu.memory_space<hbm>>) target(%dma_start3A_26 : memref<640x128xf32, #tpu.memory_space<vmem_shared>>) target_semaphore(%run_scoped3A : memref<!tpu.dma_semaphore, #tpu.memory_space<semaphore_mem>>)
      %dma_wait3A = arith.constant 0 : i32
      %dma_wait3A_29 = tpu.memref_slice %arg11[%mul3A_0, %dma_wait3A] : memref<10240x128xf32, #tpu.memory_space<vmem_shared>> -> memref<640x128xf32, #tpu.memory_space<vmem_shared>>
      %dma_wait3A_30 = arith.constant 0 : i32
      %dma_wait3A_31 = tpu.memref_slice %arg4[%mul3A_0, %dma_wait3A_30] : memref<10240x128xf32, #tpu.memory_space<hbm>> -> memref<640x128xf32, #tpu.memory_space<hbm>>
      tpu.wait_dma2 semaphore(%run_scoped3A : memref<!tpu.dma_semaphore, #tpu.memory_space<semaphore_mem>>) src(%dma_wait3A_31 : memref<640x128xf32, #tpu.memory_space<hbm>>) dst(%dma_wait3A_29 : memref<640x128xf32, #tpu.memory_space<vmem_shared>>)
      tpu.yield
    }) : () -> ()
    %barrier3A = arith.constant 0 : index
    tpu.barrier barrier_id(%barrier3A)
    %mul3A_1 = arith.constant 16 : i32
    %mul3A_2 = arith.muli %arg0, %mul3A_1 : i32
    %add3A = arith.addi %mul3A_2, %arg1 : i32
    %mul3A_3 = arith.constant 10000 : i32
    %mul3A_4 = arith.muli %add3A, %mul3A_3 : i32
    %add3A_5 = arith.constant 0 : i32
    %add3A_6 = arith.addi %mul3A_4, %add3A_5 : i32
    %dma_start3A = tpu.memref_slice %arg3[%add3A_6] : memref<320000xi32, #tpu.memory_space<hbm>> -> memref<80xi32, #tpu.memory_space<hbm>>
    %dma_start3A_7 = tpu.memref_slice %arg3[%add3A_6] : memref<320000xi32, #tpu.memory_space<hbm>> -> memref<80xi32, #tpu.memory_space<hbm>>
    tpu.enqueue_dma source(%dma_start3A_7 : memref<80xi32, #tpu.memory_space<hbm>>) target(%arg7 : memref<80xi32, #tpu.memory_space<vmem>>) target_semaphore(%arg12 : memref<!tpu.dma_semaphore, #tpu.memory_space<semaphore_mem>>)
    %dma_start3A_8 = arith.constant 0 : i32
    %dma_start3A_9 = tpu.memref_slice %arg2[%add3A_6, %dma_start3A_8] : memref<320000x128xf32, #tpu.memory_space<hbm>> -> memref<80x128xf32, #tpu.memory_space<hbm>>
    %dma_start3A_10 = arith.constant 0 : i32
    %dma_start3A_11 = tpu.memref_slice %arg2[%add3A_6, %dma_start3A_10] : memref<320000x128xf32, #tpu.memory_space<hbm>> -> memref<80x128xf32, #tpu.memory_space<hbm>>
    tpu.enqueue_dma source(%dma_start3A_11 : memref<80x128xf32, #tpu.memory_space<hbm>>) target(%arg9 : memref<80x128xf32, #tpu.memory_space<vmem>>) target_semaphore(%arg12 : memref<!tpu.dma_semaphore, #tpu.memory_space<semaphore_mem>>)
    %scan3A = arith.constant 0 : i32
    %scan3A_12 = arith.constant 0 : i32
    %scan3A_13 = arith.constant 125 : i32
    %scan3A_14 = arith.addi %scan3A_12, %scan3A_13 : i32
    %scan3A_15 = arith.constant 1 : i32
    scf.for %scan3A_25 = %scan3A_12 to %scan3A_14 step %scan3A_15  : i32 {
      %rem3A = arith.constant 2 : i32
      %rem3A_26 = arith.remsi %scan3A_25, %rem3A : i32
      %eq3A_27 = arith.constant 0 : i32
      %eq3A_28 = arith.cmpi eq, %rem3A_26, %eq3A_27 : i32
      %convert_element_type3A_29 = arith.extui %eq3A_28 : i1 to i32
      %cond3A_30 = arith.constant 0 : i32
      %cond3A_31 = arith.cmpi ne, %convert_element_type3A_29, %cond3A_30 : i32
      scf.if %cond3A_31 {
        %mul3A_39 = arith.constant 80 : i32
        %mul3A_40 = arith.muli %scan3A_25, %mul3A_39 : i32
        %add3A_41 = arith.addi %mul3A_4, %mul3A_40 : i32
        %dma_wait3A = tpu.memref_slice %arg3[%add3A_41] : memref<320000xi32, #tpu.memory_space<hbm>> -> memref<80xi32, #tpu.memory_space<hbm>>
        %dma_wait3A_42 = tpu.memref_slice %arg3[%add3A_41] : memref<320000xi32, #tpu.memory_space<hbm>> -> memref<80xi32, #tpu.memory_space<hbm>>
        tpu.wait_dma2 semaphore(%arg12 : memref<!tpu.dma_semaphore, #tpu.memory_space<semaphore_mem>>) src(%dma_wait3A_42 : memref<80xi32, #tpu.memory_space<hbm>>) dst(%arg7 : memref<80xi32, #tpu.memory_space<vmem>>)
        %dma_wait3A_43 = arith.constant 0 : i32
        %dma_wait3A_44 = tpu.memref_slice %arg2[%add3A_41, %dma_wait3A_43] : memref<320000x128xf32, #tpu.memory_space<hbm>> -> memref<80x128xf32, #tpu.memory_space<hbm>>
        %dma_wait3A_45 = arith.constant 0 : i32
        %dma_wait3A_46 = tpu.memref_slice %arg2[%add3A_41, %dma_wait3A_45] : memref<320000x128xf32, #tpu.memory_space<hbm>> -> memref<80x128xf32, #tpu.memory_space<hbm>>
        tpu.wait_dma2 semaphore(%arg12 : memref<!tpu.dma_semaphore, #tpu.memory_space<semaphore_mem>>) src(%dma_wait3A_46 : memref<80x128xf32, #tpu.memory_space<hbm>>) dst(%arg9 : memref<80x128xf32, #tpu.memory_space<vmem>>)
        %add3A_47 = arith.constant 1 : i32
        %add3A_48 = arith.addi %scan3A_25, %add3A_47 : i32
        %lt3A = arith.constant 125 : i32
        %lt3A_49 = arith.cmpi slt, %add3A_48, %lt3A : i32
        %convert_element_type3A_50 = arith.extui %lt3A_49 : i1 to i32
        %cond3A_51 = arith.constant 0 : i32
        %cond3A_52 = arith.cmpi ne, %convert_element_type3A_50, %cond3A_51 : i32
        scf.if %cond3A_52 {
          %add3A_53 = arith.constant 1 : i32
          %add3A_54 = arith.addi %scan3A_25, %add3A_53 : i32
          %mul3A_55 = arith.constant 80 : i32
          %mul3A_56 = arith.muli %add3A_54, %mul3A_55 : i32
          %add3A_57 = arith.addi %mul3A_4, %mul3A_56 : i32
          %dma_start3A_58 = tpu.memref_slice %arg3[%add3A_57] : memref<320000xi32, #tpu.memory_space<hbm>> -> memref<80xi32, #tpu.memory_space<hbm>>
          %dma_start3A_59 = tpu.memref_slice %arg3[%add3A_57] : memref<320000xi32, #tpu.memory_space<hbm>> -> memref<80xi32, #tpu.memory_space<hbm>>
          tpu.enqueue_dma source(%dma_start3A_59 : memref<80xi32, #tpu.memory_space<hbm>>) target(%arg8 : memref<80xi32, #tpu.memory_space<vmem>>) target_semaphore(%arg13 : memref<!tpu.dma_semaphore, #tpu.memory_space<semaphore_mem>>)
          %dma_start3A_60 = arith.constant 0 : i32
          %dma_start3A_61 = tpu.memref_slice %arg2[%add3A_57, %dma_start3A_60] : memref<320000x128xf32, #tpu.memory_space<hbm>> -> memref<80x128xf32, #tpu.memory_space<hbm>>
          %dma_start3A_62 = arith.constant 0 : i32
          %dma_start3A_63 = tpu.memref_slice %arg2[%add3A_57, %dma_start3A_62] : memref<320000x128xf32, #tpu.memory_space<hbm>> -> memref<80x128xf32, #tpu.memory_space<hbm>>
          tpu.enqueue_dma source(%dma_start3A_63 : memref<80x128xf32, #tpu.memory_space<hbm>>) target(%arg10 : memref<80x128xf32, #tpu.memory_space<vmem>>) target_semaphore(%arg13 : memref<!tpu.dma_semaphore, #tpu.memory_space<semaphore_mem>>)
        } else {
        }
        "tpu.region"() ({
          %run_scoped3A = tpu.sem_alloc : memref<!tpu.dma_semaphore, #tpu.memory_space<semaphore_mem>>
          %dma_start3A_53 = arith.constant 0 : i32
          %dma_start3A_54 = arith.constant 0 : i32
          %dma_start3A_55 = tpu.memref_slice %arg11[%dma_start3A_53, %dma_start3A_54] : memref<10240x128xf32, #tpu.memory_space<vmem_shared>> -> memref<10240x128xf32, #tpu.memory_space<vmem_shared>>
          tpu.enqueue_indirect_dma source(%arg9 : memref<80x128xf32, #tpu.memory_space<vmem>>) target(%dma_start3A_55 : memref<10240x128xf32, #tpu.memory_space<vmem_shared>>) offsets(%arg7 : memref<80xi32, #tpu.memory_space<vmem>>) semaphore(%run_scoped3A : memref<!tpu.dma_semaphore, #tpu.memory_space<semaphore_mem>>) {add = true}
          %dma_wait3A_56 = arith.constant 0 : i32
          %dma_wait3A_57 = arith.constant 0 : i32
          %dma_wait3A_58 = tpu.memref_slice %arg11[%dma_wait3A_56, %dma_wait3A_57] : memref<10240x128xf32, #tpu.memory_space<vmem_shared>> -> memref<10240x128xf32, #tpu.memory_space<vmem_shared>>
          tpu.wait_indirect_dma semaphore(%run_scoped3A : memref<!tpu.dma_semaphore, #tpu.memory_space<semaphore_mem>>) src(%arg9 : memref<80x128xf32, #tpu.memory_space<vmem>>) dst(%dma_wait3A_58 : memref<10240x128xf32, #tpu.memory_space<vmem_shared>>)
          tpu.yield
        }) : () -> ()
      } else {
      }
      %rem3A_32 = arith.constant 2 : i32
      %rem3A_33 = arith.remsi %scan3A_25, %rem3A_32 : i32
      %eq3A_34 = arith.constant 1 : i32
      %eq3A_35 = arith.cmpi eq, %rem3A_33, %eq3A_34 : i32
      %convert_element_type3A_36 = arith.extui %eq3A_35 : i1 to i32
      %cond3A_37 = arith.constant 0 : i32
      %cond3A_38 = arith.cmpi ne, %convert_element_type3A_36, %cond3A_37 : i32
      scf.if %cond3A_38 {
        %mul3A_39 = arith.constant 80 : i32
        %mul3A_40 = arith.muli %scan3A_25, %mul3A_39 : i32
        %add3A_41 = arith.addi %mul3A_4, %mul3A_40 : i32
        %dma_wait3A = tpu.memref_slice %arg3[%add3A_41] : memref<320000xi32, #tpu.memory_space<hbm>> -> memref<80xi32, #tpu.memory_space<hbm>>
        %dma_wait3A_42 = tpu.memref_slice %arg3[%add3A_41] : memref<320000xi32, #tpu.memory_space<hbm>> -> memref<80xi32, #tpu.memory_space<hbm>>
        tpu.wait_dma2 semaphore(%arg13 : memref<!tpu.dma_semaphore, #tpu.memory_space<semaphore_mem>>) src(%dma_wait3A_42 : memref<80xi32, #tpu.memory_space<hbm>>) dst(%arg8 : memref<80xi32, #tpu.memory_space<vmem>>)
        %dma_wait3A_43 = arith.constant 0 : i32
        %dma_wait3A_44 = tpu.memref_slice %arg2[%add3A_41, %dma_wait3A_43] : memref<320000x128xf32, #tpu.memory_space<hbm>> -> memref<80x128xf32, #tpu.memory_space<hbm>>
        %dma_wait3A_45 = arith.constant 0 : i32
        %dma_wait3A_46 = tpu.memref_slice %arg2[%add3A_41, %dma_wait3A_45] : memref<320000x128xf32, #tpu.memory_space<hbm>> -> memref<80x128xf32, #tpu.memory_space<hbm>>
        tpu.wait_dma2 semaphore(%arg13 : memref<!tpu.dma_semaphore, #tpu.memory_space<semaphore_mem>>) src(%dma_wait3A_46 : memref<80x128xf32, #tpu.memory_space<hbm>>) dst(%arg10 : memref<80x128xf32, #tpu.memory_space<vmem>>)
        %add3A_47 = arith.constant 1 : i32
        %add3A_48 = arith.addi %scan3A_25, %add3A_47 : i32
        %lt3A = arith.constant 125 : i32
        %lt3A_49 = arith.cmpi slt, %add3A_48, %lt3A : i32
        %convert_element_type3A_50 = arith.extui %lt3A_49 : i1 to i32
        %cond3A_51 = arith.constant 0 : i32
        %cond3A_52 = arith.cmpi ne, %convert_element_type3A_50, %cond3A_51 : i32
        scf.if %cond3A_52 {
          %add3A_53 = arith.constant 1 : i32
          %add3A_54 = arith.addi %scan3A_25, %add3A_53 : i32
          %mul3A_55 = arith.constant 80 : i32
          %mul3A_56 = arith.muli %add3A_54, %mul3A_55 : i32
          %add3A_57 = arith.addi %mul3A_4, %mul3A_56 : i32
          %dma_start3A_58 = tpu.memref_slice %arg3[%add3A_57] : memref<320000xi32, #tpu.memory_space<hbm>> -> memref<80xi32, #tpu.memory_space<hbm>>
          %dma_start3A_59 = tpu.memref_slice %arg3[%add3A_57] : memref<320000xi32, #tpu.memory_space<hbm>> -> memref<80xi32, #tpu.memory_space<hbm>>
          tpu.enqueue_dma source(%dma_start3A_59 : memref<80xi32, #tpu.memory_space<hbm>>) target(%arg7 : memref<80xi32, #tpu.memory_space<vmem>>) target_semaphore(%arg12 : memref<!tpu.dma_semaphore, #tpu.memory_space<semaphore_mem>>)
          %dma_start3A_60 = arith.constant 0 : i32
          %dma_start3A_61 = tpu.memref_slice %arg2[%add3A_57, %dma_start3A_60] : memref<320000x128xf32, #tpu.memory_space<hbm>> -> memref<80x128xf32, #tpu.memory_space<hbm>>
          %dma_start3A_62 = arith.constant 0 : i32
          %dma_start3A_63 = tpu.memref_slice %arg2[%add3A_57, %dma_start3A_62] : memref<320000x128xf32, #tpu.memory_space<hbm>> -> memref<80x128xf32, #tpu.memory_space<hbm>>
          tpu.enqueue_dma source(%dma_start3A_63 : memref<80x128xf32, #tpu.memory_space<hbm>>) target(%arg9 : memref<80x128xf32, #tpu.memory_space<vmem>>) target_semaphore(%arg12 : memref<!tpu.dma_semaphore, #tpu.memory_space<semaphore_mem>>)
        } else {
        }
        "tpu.region"() ({
          %run_scoped3A = tpu.sem_alloc : memref<!tpu.dma_semaphore, #tpu.memory_space<semaphore_mem>>
          %dma_start3A_53 = arith.constant 0 : i32
          %dma_start3A_54 = arith.constant 0 : i32
          %dma_start3A_55 = tpu.memref_slice %arg11[%dma_start3A_53, %dma_start3A_54] : memref<10240x128xf32, #tpu.memory_space<vmem_shared>> -> memref<10240x128xf32, #tpu.memory_space<vmem_shared>>
          tpu.enqueue_indirect_dma source(%arg10 : memref<80x128xf32, #tpu.memory_space<vmem>>) target(%dma_start3A_55 : memref<10240x128xf32, #tpu.memory_space<vmem_shared>>) offsets(%arg8 : memref<80xi32, #tpu.memory_space<vmem>>) semaphore(%run_scoped3A : memref<!tpu.dma_semaphore, #tpu.memory_space<semaphore_mem>>) {add = true}
          %dma_wait3A_56 = arith.constant 0 : i32
          %dma_wait3A_57 = arith.constant 0 : i32
          %dma_wait3A_58 = tpu.memref_slice %arg11[%dma_wait3A_56, %dma_wait3A_57] : memref<10240x128xf32, #tpu.memory_space<vmem_shared>> -> memref<10240x128xf32, #tpu.memory_space<vmem_shared>>
          tpu.wait_indirect_dma semaphore(%run_scoped3A : memref<!tpu.dma_semaphore, #tpu.memory_space<semaphore_mem>>) src(%arg10 : memref<80x128xf32, #tpu.memory_space<vmem>>) dst(%dma_wait3A_58 : memref<10240x128xf32, #tpu.memory_space<vmem_shared>>)
          tpu.yield
        }) : () -> ()
      } else {
      }
    }
    %scan3A_16 = arith.constant 125 : i32
    %barrier3A_17 = arith.constant 0 : index
    tpu.barrier barrier_id(%barrier3A_17)
    %eq3A = arith.constant 0 : i32
    %eq3A_18 = arith.cmpi eq, %arg0, %eq3A : i32
    %convert_element_type3A = arith.extui %eq3A_18 : i1 to i32
    %cond3A = arith.constant 0 : i32
    %cond3A_19 = arith.cmpi ne, %convert_element_type3A, %cond3A : i32
    scf.if %cond3A_19 {
      "tpu.region"() ({
        %run_scoped3A = tpu.sem_alloc : memref<!tpu.dma_semaphore, #tpu.memory_space<semaphore_mem>>
        %dma_start3A_25 = arith.constant 0 : i32
        %dma_start3A_26 = tpu.memref_slice %arg5[%mul3A_0, %dma_start3A_25] : memref<10240x128xf32, #tpu.memory_space<hbm>> -> memref<640x128xf32, #tpu.memory_space<hbm>>
        %dma_start3A_27 = arith.constant 0 : i32
        %dma_start3A_28 = tpu.memref_slice %arg11[%mul3A_0, %dma_start3A_27] : memref<10240x128xf32, #tpu.memory_space<vmem_shared>> -> memref<640x128xf32, #tpu.memory_space<vmem_shared>>
        tpu.enqueue_dma source(%dma_start3A_28 : memref<640x128xf32, #tpu.memory_space<vmem_shared>>) target(%dma_start3A_26 : memref<640x128xf32, #tpu.memory_space<hbm>>) target_semaphore(%run_scoped3A : memref<!tpu.dma_semaphore, #tpu.memory_space<semaphore_mem>>)
        %dma_wait3A = arith.constant 0 : i32
        %dma_wait3A_29 = tpu.memref_slice %arg5[%mul3A_0, %dma_wait3A] : memref<10240x128xf32, #tpu.memory_space<hbm>> -> memref<640x128xf32, #tpu.memory_space<hbm>>
        %dma_wait3A_30 = arith.constant 0 : i32
        %dma_wait3A_31 = tpu.memref_slice %arg11[%mul3A_0, %dma_wait3A_30] : memref<10240x128xf32, #tpu.memory_space<vmem_shared>> -> memref<640x128xf32, #tpu.memory_space<vmem_shared>>
        tpu.wait_dma2 semaphore(%run_scoped3A : memref<!tpu.dma_semaphore, #tpu.memory_space<semaphore_mem>>) src(%dma_wait3A_31 : memref<640x128xf32, #tpu.memory_space<vmem_shared>>) dst(%dma_wait3A_29 : memref<640x128xf32, #tpu.memory_space<hbm>>)
        tpu.yield
      }) : () -> ()
    } else {
    }
    %eq3A_20 = arith.constant 1 : i32
    %eq3A_21 = arith.cmpi eq, %arg0, %eq3A_20 : i32
    %convert_element_type3A_22 = arith.extui %eq3A_21 : i1 to i32
    %cond3A_23 = arith.constant 0 : i32
    %cond3A_24 = arith.cmpi ne, %convert_element_type3A_22, %cond3A_23 : i32
    scf.if %cond3A_24 {
      "tpu.region"() ({
        %run_scoped3A = tpu.sem_alloc : memref<!tpu.dma_semaphore, #tpu.memory_space<semaphore_mem>>
        %dma_start3A_25 = arith.constant 0 : i32
        %dma_start3A_26 = tpu.memref_slice %arg6[%mul3A_0, %dma_start3A_25] : memref<10240x128xf32, #tpu.memory_space<hbm>> -> memref<640x128xf32, #tpu.memory_space<hbm>>
        %dma_start3A_27 = arith.constant 0 : i32
        %dma_start3A_28 = tpu.memref_slice %arg11[%mul3A_0, %dma_start3A_27] : memref<10240x128xf32, #tpu.memory_space<vmem_shared>> -> memref<640x128xf32, #tpu.memory_space<vmem_shared>>
        tpu.enqueue_dma source(%dma_start3A_28 : memref<640x128xf32, #tpu.memory_space<vmem_shared>>) target(%dma_start3A_26 : memref<640x128xf32, #tpu.memory_space<hbm>>) target_semaphore(%run_scoped3A : memref<!tpu.dma_semaphore, #tpu.memory_space<semaphore_mem>>)
        %dma_wait3A = arith.constant 0 : i32
        %dma_wait3A_29 = tpu.memref_slice %arg6[%mul3A_0, %dma_wait3A] : memref<10240x128xf32, #tpu.memory_space<hbm>> -> memref<640x128xf32, #tpu.memory_space<hbm>>
        %dma_wait3A_30 = arith.constant 0 : i32
        %dma_wait3A_31 = tpu.memref_slice %arg11[%mul3A_0, %dma_wait3A_30] : memref<10240x128xf32, #tpu.memory_space<vmem_shared>> -> memref<640x128xf32, #tpu.memory_space<vmem_shared>>
        tpu.wait_dma2 semaphore(%run_scoped3A : memref<!tpu.dma_semaphore, #tpu.memory_space<semaphore_mem>>) src(%dma_wait3A_31 : memref<640x128xf32, #tpu.memory_space<vmem_shared>>) dst(%dma_wait3A_29 : memref<640x128xf32, #tpu.memory_space<hbm>>)
        tpu.yield
      }) : () -> ()
    } else {
    }
    return
  }
}

#map = affine_map<(d0, d1) -> (0, 0)>
#map1 = affine_map<(d0, d1) -> (0)>
module attributes {stable_mosaic.version = 14 : i64} {
  func.func @gather_k(%arg0: i32, %arg1: i32, %arg2: memref<10000x128xi32, #tpu.memory_space<hbm>>, %arg3: memref<10000x128xi32, #tpu.memory_space<hbm>>, %arg4: memref<320000xi32, #tpu.memory_space<hbm>>, %arg5: memref<320000xi32, #tpu.memory_space<hbm>>, %arg6: memref<320000x128xi32, #tpu.memory_space<hbm>>, %arg7: memref<320000x128xi32, #tpu.memory_space<hbm>>, %arg8: memref<80xi32, #tpu.memory_space<vmem>>, %arg9: memref<80xi32, #tpu.memory_space<vmem>>, %arg10: memref<80xi32, #tpu.memory_space<vmem>>, %arg11: memref<80xi32, #tpu.memory_space<vmem>>, %arg12: memref<80xi32, #tpu.memory_space<vmem>>, %arg13: memref<80xi32, #tpu.memory_space<vmem>>, %arg14: memref<80x128xi32, #tpu.memory_space<vmem>>, %arg15: memref<80x128xi32, #tpu.memory_space<vmem>>, %arg16: memref<80x128xi32, #tpu.memory_space<vmem>>, %arg17: memref<80x128xi32, #tpu.memory_space<vmem>>, %arg18: memref<80x128xi32, #tpu.memory_space<vmem>>, %arg19: memref<80x128xi32, #tpu.memory_space<vmem>>, %arg20: memref<!tpu.dma_semaphore, #tpu.memory_space<semaphore_mem>>, %arg21: memref<!tpu.dma_semaphore, #tpu.memory_space<semaphore_mem>>, %arg22: memref<!tpu.dma_semaphore, #tpu.memory_space<semaphore_mem>>, %arg23: memref<!tpu.dma_semaphore, #tpu.memory_space<semaphore_mem>>, %arg24: memref<!tpu.dma_semaphore, #tpu.memory_space<semaphore_mem>>, %arg25: memref<!tpu.dma_semaphore, #tpu.memory_space<semaphore_mem>>, %arg26: memref<!tpu.dma_semaphore, #tpu.memory_space<semaphore_mem>>, %arg27: memref<!tpu.dma_semaphore, #tpu.memory_space<semaphore_mem>>, %arg28: memref<!tpu.dma_semaphore, #tpu.memory_space<semaphore_mem>>) attributes {dimension_semantics = [#tpu.dimension_semantics<core_parallel>, #tpu.dimension_semantics<subcore_parallel>], iteration_bounds = array<i64: 2, 16>, scalar_prefetch = 0 : i64, scratch_operands = 21 : i64, tpu.core_type = #tpu.core_type<sc_vector_subcore>, window_params = [{transform_indices = #map}, {transform_indices = #map}, {transform_indices = #map1}, {transform_indices = #map1}, {transform_indices = #map}, {transform_indices = #map}]} {
    %mul3A = arith.constant 2 : i32
    %mul3A_0 = arith.muli %arg1, %mul3A : i32
    %add3A = arith.addi %mul3A_0, %arg0 : i32
    %mul3A_1 = arith.constant 10000 : i32
    %mul3A_2 = arith.muli %add3A, %mul3A_1 : i32
    %add3A_3 = arith.constant 0 : i32
    %add3A_4 = arith.addi %mul3A_2, %add3A_3 : i32
    "tpu.region"() ({
      %run_scoped3A = tpu.sem_alloc : memref<!tpu.dma_semaphore, #tpu.memory_space<semaphore_mem>>
      %dma_start3A_52 = tpu.memref_slice %arg4[%add3A_4] : memref<320000xi32, #tpu.memory_space<hbm>> -> memref<80xi32, #tpu.memory_space<hbm>>
      %dma_start3A_53 = tpu.memref_slice %arg4[%add3A_4] : memref<320000xi32, #tpu.memory_space<hbm>> -> memref<80xi32, #tpu.memory_space<hbm>>
      tpu.enqueue_dma source(%dma_start3A_53 : memref<80xi32, #tpu.memory_space<hbm>>) target(%arg8 : memref<80xi32, #tpu.memory_space<vmem>>) target_semaphore(%run_scoped3A : memref<!tpu.dma_semaphore, #tpu.memory_space<semaphore_mem>>)
      %dma_wait3A_54 = tpu.memref_slice %arg4[%add3A_4] : memref<320000xi32, #tpu.memory_space<hbm>> -> memref<80xi32, #tpu.memory_space<hbm>>
      %dma_wait3A_55 = tpu.memref_slice %arg4[%add3A_4] : memref<320000xi32, #tpu.memory_space<hbm>> -> memref<80xi32, #tpu.memory_space<hbm>>
      tpu.wait_dma2 semaphore(%run_scoped3A : memref<!tpu.dma_semaphore, #tpu.memory_space<semaphore_mem>>) src(%dma_wait3A_55 : memref<80xi32, #tpu.memory_space<hbm>>) dst(%arg8 : memref<80xi32, #tpu.memory_space<vmem>>)
      tpu.yield
    }) : () -> ()
    "tpu.region"() ({
      %run_scoped3A = tpu.sem_alloc : memref<!tpu.dma_semaphore, #tpu.memory_space<semaphore_mem>>
      %dma_start3A_52 = tpu.memref_slice %arg5[%add3A_4] : memref<320000xi32, #tpu.memory_space<hbm>> -> memref<80xi32, #tpu.memory_space<hbm>>
      %dma_start3A_53 = tpu.memref_slice %arg5[%add3A_4] : memref<320000xi32, #tpu.memory_space<hbm>> -> memref<80xi32, #tpu.memory_space<hbm>>
      tpu.enqueue_dma source(%dma_start3A_53 : memref<80xi32, #tpu.memory_space<hbm>>) target(%arg9 : memref<80xi32, #tpu.memory_space<vmem>>) target_semaphore(%run_scoped3A : memref<!tpu.dma_semaphore, #tpu.memory_space<semaphore_mem>>)
      %dma_wait3A_54 = tpu.memref_slice %arg5[%add3A_4] : memref<320000xi32, #tpu.memory_space<hbm>> -> memref<80xi32, #tpu.memory_space<hbm>>
      %dma_wait3A_55 = tpu.memref_slice %arg5[%add3A_4] : memref<320000xi32, #tpu.memory_space<hbm>> -> memref<80xi32, #tpu.memory_space<hbm>>
      tpu.wait_dma2 semaphore(%run_scoped3A : memref<!tpu.dma_semaphore, #tpu.memory_space<semaphore_mem>>) src(%dma_wait3A_55 : memref<80xi32, #tpu.memory_space<hbm>>) dst(%arg9 : memref<80xi32, #tpu.memory_space<vmem>>)
      tpu.yield
    }) : () -> ()
    %dma_start3A = arith.constant 0 : i32
    %dma_start3A_5 = arith.constant 0 : i32
    %dma_start3A_6 = tpu.memref_slice %arg2[%dma_start3A, %dma_start3A_5] : memref<10000x128xi32, #tpu.memory_space<hbm>> -> memref<10000x128xi32, #tpu.memory_space<hbm>>
    tpu.enqueue_indirect_dma source(%dma_start3A_6 : memref<10000x128xi32, #tpu.memory_space<hbm>>) target(%arg14 : memref<80x128xi32, #tpu.memory_space<vmem>>) offsets(%arg8 : memref<80xi32, #tpu.memory_space<vmem>>) semaphore(%arg20 : memref<!tpu.dma_semaphore, #tpu.memory_space<semaphore_mem>>)
    %dma_start3A_7 = arith.constant 0 : i32
    %dma_start3A_8 = arith.constant 0 : i32
    %dma_start3A_9 = tpu.memref_slice %arg3[%dma_start3A_7, %dma_start3A_8] : memref<10000x128xi32, #tpu.memory_space<hbm>> -> memref<10000x128xi32, #tpu.memory_space<hbm>>
    tpu.enqueue_indirect_dma source(%dma_start3A_9 : memref<10000x128xi32, #tpu.memory_space<hbm>>) target(%arg15 : memref<80x128xi32, #tpu.memory_space<vmem>>) offsets(%arg9 : memref<80xi32, #tpu.memory_space<vmem>>) semaphore(%arg21 : memref<!tpu.dma_semaphore, #tpu.memory_space<semaphore_mem>>)
    %add3A_10 = arith.constant 80 : i32
    %add3A_11 = arith.addi %mul3A_2, %add3A_10 : i32
    "tpu.region"() ({
      %run_scoped3A = tpu.sem_alloc : memref<!tpu.dma_semaphore, #tpu.memory_space<semaphore_mem>>
      %dma_start3A_52 = tpu.memref_slice %arg4[%add3A_11] : memref<320000xi32, #tpu.memory_space<hbm>> -> memref<80xi32, #tpu.memory_space<hbm>>
      %dma_start3A_53 = tpu.memref_slice %arg4[%add3A_11] : memref<320000xi32, #tpu.memory_space<hbm>> -> memref<80xi32, #tpu.memory_space<hbm>>
      tpu.enqueue_dma source(%dma_start3A_53 : memref<80xi32, #tpu.memory_space<hbm>>) target(%arg10 : memref<80xi32, #tpu.memory_space<vmem>>) target_semaphore(%run_scoped3A : memref<!tpu.dma_semaphore, #tpu.memory_space<semaphore_mem>>)
      %dma_wait3A_54 = tpu.memref_slice %arg4[%add3A_11] : memref<320000xi32, #tpu.memory_space<hbm>> -> memref<80xi32, #tpu.memory_space<hbm>>
      %dma_wait3A_55 = tpu.memref_slice %arg4[%add3A_11] : memref<320000xi32, #tpu.memory_space<hbm>> -> memref<80xi32, #tpu.memory_space<hbm>>
      tpu.wait_dma2 semaphore(%run_scoped3A : memref<!tpu.dma_semaphore, #tpu.memory_space<semaphore_mem>>) src(%dma_wait3A_55 : memref<80xi32, #tpu.memory_space<hbm>>) dst(%arg10 : memref<80xi32, #tpu.memory_space<vmem>>)
      tpu.yield
    }) : () -> ()
    "tpu.region"() ({
      %run_scoped3A = tpu.sem_alloc : memref<!tpu.dma_semaphore, #tpu.memory_space<semaphore_mem>>
      %dma_start3A_52 = tpu.memref_slice %arg5[%add3A_11] : memref<320000xi32, #tpu.memory_space<hbm>> -> memref<80xi32, #tpu.memory_space<hbm>>
      %dma_start3A_53 = tpu.memref_slice %arg5[%add3A_11] : memref<320000xi32, #tpu.memory_space<hbm>> -> memref<80xi32, #tpu.memory_space<hbm>>
      tpu.enqueue_dma source(%dma_start3A_53 : memref<80xi32, #tpu.memory_space<hbm>>) target(%arg11 : memref<80xi32, #tpu.memory_space<vmem>>) target_semaphore(%run_scoped3A : memref<!tpu.dma_semaphore, #tpu.memory_space<semaphore_mem>>)
      %dma_wait3A_54 = tpu.memref_slice %arg5[%add3A_11] : memref<320000xi32, #tpu.memory_space<hbm>> -> memref<80xi32, #tpu.memory_space<hbm>>
      %dma_wait3A_55 = tpu.memref_slice %arg5[%add3A_11] : memref<320000xi32, #tpu.memory_space<hbm>> -> memref<80xi32, #tpu.memory_space<hbm>>
      tpu.wait_dma2 semaphore(%run_scoped3A : memref<!tpu.dma_semaphore, #tpu.memory_space<semaphore_mem>>) src(%dma_wait3A_55 : memref<80xi32, #tpu.memory_space<hbm>>) dst(%arg11 : memref<80xi32, #tpu.memory_space<vmem>>)
      tpu.yield
    }) : () -> ()
    %dma_start3A_12 = arith.constant 0 : i32
    %dma_start3A_13 = arith.constant 0 : i32
    %dma_start3A_14 = tpu.memref_slice %arg2[%dma_start3A_12, %dma_start3A_13] : memref<10000x128xi32, #tpu.memory_space<hbm>> -> memref<10000x128xi32, #tpu.memory_space<hbm>>
    tpu.enqueue_indirect_dma source(%dma_start3A_14 : memref<10000x128xi32, #tpu.memory_space<hbm>>) target(%arg16 : memref<80x128xi32, #tpu.memory_space<vmem>>) offsets(%arg10 : memref<80xi32, #tpu.memory_space<vmem>>) semaphore(%arg22 : memref<!tpu.dma_semaphore, #tpu.memory_space<semaphore_mem>>)
    %dma_start3A_15 = arith.constant 0 : i32
    %dma_start3A_16 = arith.constant 0 : i32
    %dma_start3A_17 = tpu.memref_slice %arg3[%dma_start3A_15, %dma_start3A_16] : memref<10000x128xi32, #tpu.memory_space<hbm>> -> memref<10000x128xi32, #tpu.memory_space<hbm>>
    tpu.enqueue_indirect_dma source(%dma_start3A_17 : memref<10000x128xi32, #tpu.memory_space<hbm>>) target(%arg17 : memref<80x128xi32, #tpu.memory_space<vmem>>) offsets(%arg11 : memref<80xi32, #tpu.memory_space<vmem>>) semaphore(%arg23 : memref<!tpu.dma_semaphore, #tpu.memory_space<semaphore_mem>>)
    %scan3A = arith.constant 0 : i32
    %scan3A_18 = arith.constant 0 : i32
    %scan3A_19 = arith.constant 125 : i32
    %scan3A_20 = arith.addi %scan3A_18, %scan3A_19 : i32
    %scan3A_21 = arith.constant 1 : i32
    scf.for %scan3A_52 = %scan3A_18 to %scan3A_20 step %scan3A_21  : i32 {
      %rem3A = arith.constant 3 : i32
      %rem3A_53 = arith.remsi %scan3A_52, %rem3A : i32
      %eq3A = arith.constant 0 : i32
      %eq3A_54 = arith.cmpi eq, %rem3A_53, %eq3A : i32
      %convert_element_type3A = arith.extui %eq3A_54 : i1 to i32
      %cond3A = arith.constant 0 : i32
      %cond3A_55 = arith.cmpi ne, %convert_element_type3A, %cond3A : i32
      scf.if %cond3A_55 {
        %mul3A_70 = arith.constant 80 : i32
        %mul3A_71 = arith.muli %scan3A_52, %mul3A_70 : i32
        %add3A_72 = arith.addi %mul3A_2, %mul3A_71 : i32
        %dma_wait3A_73 = arith.constant 0 : i32
        %dma_wait3A_74 = arith.constant 0 : i32
        %dma_wait3A_75 = tpu.memref_slice %arg2[%dma_wait3A_73, %dma_wait3A_74] : memref<10000x128xi32, #tpu.memory_space<hbm>> -> memref<10000x128xi32, #tpu.memory_space<hbm>>
        tpu.wait_indirect_dma semaphore(%arg20 : memref<!tpu.dma_semaphore, #tpu.memory_space<semaphore_mem>>) src(%dma_wait3A_75 : memref<10000x128xi32, #tpu.memory_space<hbm>>) dst(%arg14 : memref<80x128xi32, #tpu.memory_space<vmem>>)
        %dma_wait3A_76 = arith.constant 0 : i32
        %dma_wait3A_77 = arith.constant 0 : i32
        %dma_wait3A_78 = tpu.memref_slice %arg3[%dma_wait3A_76, %dma_wait3A_77] : memref<10000x128xi32, #tpu.memory_space<hbm>> -> memref<10000x128xi32, #tpu.memory_space<hbm>>
        tpu.wait_indirect_dma semaphore(%arg21 : memref<!tpu.dma_semaphore, #tpu.memory_space<semaphore_mem>>) src(%dma_wait3A_78 : memref<10000x128xi32, #tpu.memory_space<hbm>>) dst(%arg15 : memref<80x128xi32, #tpu.memory_space<vmem>>)
        %dma_start3A_79 = arith.constant 0 : i32
        %dma_start3A_80 = tpu.memref_slice %arg6[%add3A_72, %dma_start3A_79] : memref<320000x128xi32, #tpu.memory_space<hbm>> -> memref<80x128xi32, #tpu.memory_space<hbm>>
        %dma_start3A_81 = arith.constant 0 : i32
        %dma_start3A_82 = tpu.memref_slice %arg6[%add3A_72, %dma_start3A_81] : memref<320000x128xi32, #tpu.memory_space<hbm>> -> memref<80x128xi32, #tpu.memory_space<hbm>>
        tpu.enqueue_dma source(%arg14 : memref<80x128xi32, #tpu.memory_space<vmem>>) target(%dma_start3A_82 : memref<80x128xi32, #tpu.memory_space<hbm>>) target_semaphore(%arg26 : memref<!tpu.dma_semaphore, #tpu.memory_space<semaphore_mem>>)
        %dma_start3A_83 = arith.constant 0 : i32
        %dma_start3A_84 = tpu.memref_slice %arg7[%add3A_72, %dma_start3A_83] : memref<320000x128xi32, #tpu.memory_space<hbm>> -> memref<80x128xi32, #tpu.memory_space<hbm>>
        %dma_start3A_85 = arith.constant 0 : i32
        %dma_start3A_86 = tpu.memref_slice %arg7[%add3A_72, %dma_start3A_85] : memref<320000x128xi32, #tpu.memory_space<hbm>> -> memref<80x128xi32, #tpu.memory_space<hbm>>
        tpu.enqueue_dma source(%arg15 : memref<80x128xi32, #tpu.memory_space<vmem>>) target(%dma_start3A_86 : memref<80x128xi32, #tpu.memory_space<hbm>>) target_semaphore(%arg26 : memref<!tpu.dma_semaphore, #tpu.memory_space<semaphore_mem>>)
        %add3A_87 = arith.constant 2 : i32
        %add3A_88 = arith.addi %scan3A_52, %add3A_87 : i32
        %lt3A = arith.constant 125 : i32
        %lt3A_89 = arith.cmpi slt, %add3A_88, %lt3A : i32
        %convert_element_type3A_90 = arith.extui %lt3A_89 : i1 to i32
        %cond3A_91 = arith.constant 0 : i32
        %cond3A_92 = arith.cmpi ne, %convert_element_type3A_90, %cond3A_91 : i32
        scf.if %cond3A_92 {
          %ge3A = arith.constant 1 : i32
          %ge3A_93 = arith.cmpi sge, %scan3A_52, %ge3A : i32
          %convert_element_type3A_94 = arith.extui %ge3A_93 : i1 to i32
          %cond3A_95 = arith.constant 0 : i32
          %cond3A_96 = arith.cmpi ne, %convert_element_type3A_94, %cond3A_95 : i32
          scf.if %cond3A_96 {
            %sub3A = arith.constant 1 : i32
            %sub3A_108 = arith.subi %scan3A_52, %sub3A : i32
            %mul3A_109 = arith.constant 80 : i32
            %mul3A_110 = arith.muli %sub3A_108, %mul3A_109 : i32
            %add3A_111 = arith.addi %mul3A_2, %mul3A_110 : i32
            %dma_wait3A_112 = arith.constant 0 : i32
            %dma_wait3A_113 = tpu.memref_slice %arg6[%add3A_111, %dma_wait3A_112] : memref<320000x128xi32, #tpu.memory_space<hbm>> -> memref<80x128xi32, #tpu.memory_space<hbm>>
            %dma_wait3A_114 = arith.constant 0 : i32
            %dma_wait3A_115 = tpu.memref_slice %arg6[%add3A_111, %dma_wait3A_114] : memref<320000x128xi32, #tpu.memory_space<hbm>> -> memref<80x128xi32, #tpu.memory_space<hbm>>
            tpu.wait_dma2 semaphore(%arg28 : memref<!tpu.dma_semaphore, #tpu.memory_space<semaphore_mem>>) src(%arg18 : memref<80x128xi32, #tpu.memory_space<vmem>>) dst(%dma_wait3A_115 : memref<80x128xi32, #tpu.memory_space<hbm>>)
            %dma_wait3A_116 = arith.constant 0 : i32
            %dma_wait3A_117 = tpu.memref_slice %arg7[%add3A_111, %dma_wait3A_116] : memref<320000x128xi32, #tpu.memory_space<hbm>> -> memref<80x128xi32, #tpu.memory_space<hbm>>
            %dma_wait3A_118 = arith.constant 0 : i32
            %dma_wait3A_119 = tpu.memref_slice %arg7[%add3A_111, %dma_wait3A_118] : memref<320000x128xi32, #tpu.memory_space<hbm>> -> memref<80x128xi32, #tpu.memory_space<hbm>>
            tpu.wait_dma2 semaphore(%arg28 : memref<!tpu.dma_semaphore, #tpu.memory_space<semaphore_mem>>) src(%arg19 : memref<80x128xi32, #tpu.memory_space<vmem>>) dst(%dma_wait3A_119 : memref<80x128xi32, #tpu.memory_space<hbm>>)
          } else {
          }
          %add3A_97 = arith.constant 2 : i32
          %add3A_98 = arith.addi %scan3A_52, %add3A_97 : i32
          %mul3A_99 = arith.constant 80 : i32
          %mul3A_100 = arith.muli %add3A_98, %mul3A_99 : i32
          %add3A_101 = arith.addi %mul3A_2, %mul3A_100 : i32
          "tpu.region"() ({
            %run_scoped3A = tpu.sem_alloc : memref<!tpu.dma_semaphore, #tpu.memory_space<semaphore_mem>>
            %dma_start3A_108 = tpu.memref_slice %arg4[%add3A_101] : memref<320000xi32, #tpu.memory_space<hbm>> -> memref<80xi32, #tpu.memory_space<hbm>>
            %dma_start3A_109 = tpu.memref_slice %arg4[%add3A_101] : memref<320000xi32, #tpu.memory_space<hbm>> -> memref<80xi32, #tpu.memory_space<hbm>>
            tpu.enqueue_dma source(%dma_start3A_109 : memref<80xi32, #tpu.memory_space<hbm>>) target(%arg12 : memref<80xi32, #tpu.memory_space<vmem>>) target_semaphore(%run_scoped3A : memref<!tpu.dma_semaphore, #tpu.memory_space<semaphore_mem>>)
            %dma_wait3A_110 = tpu.memref_slice %arg4[%add3A_101] : memref<320000xi32, #tpu.memory_space<hbm>> -> memref<80xi32, #tpu.memory_space<hbm>>
            %dma_wait3A_111 = tpu.memref_slice %arg4[%add3A_101] : memref<320000xi32, #tpu.memory_space<hbm>> -> memref<80xi32, #tpu.memory_space<hbm>>
            tpu.wait_dma2 semaphore(%run_scoped3A : memref<!tpu.dma_semaphore, #tpu.memory_space<semaphore_mem>>) src(%dma_wait3A_111 : memref<80xi32, #tpu.memory_space<hbm>>) dst(%arg12 : memref<80xi32, #tpu.memory_space<vmem>>)
            tpu.yield
          }) : () -> ()
          "tpu.region"() ({
            %run_scoped3A = tpu.sem_alloc : memref<!tpu.dma_semaphore, #tpu.memory_space<semaphore_mem>>
            %dma_start3A_108 = tpu.memref_slice %arg5[%add3A_101] : memref<320000xi32, #tpu.memory_space<hbm>> -> memref<80xi32, #tpu.memory_space<hbm>>
            %dma_start3A_109 = tpu.memref_slice %arg5[%add3A_101] : memref<320000xi32, #tpu.memory_space<hbm>> -> memref<80xi32, #tpu.memory_space<hbm>>
            tpu.enqueue_dma source(%dma_start3A_109 : memref<80xi32, #tpu.memory_space<hbm>>) target(%arg13 : memref<80xi32, #tpu.memory_space<vmem>>) target_semaphore(%run_scoped3A : memref<!tpu.dma_semaphore, #tpu.memory_space<semaphore_mem>>)
            %dma_wait3A_110 = tpu.memref_slice %arg5[%add3A_101] : memref<320000xi32, #tpu.memory_space<hbm>> -> memref<80xi32, #tpu.memory_space<hbm>>
            %dma_wait3A_111 = tpu.memref_slice %arg5[%add3A_101] : memref<320000xi32, #tpu.memory_space<hbm>> -> memref<80xi32, #tpu.memory_space<hbm>>
            tpu.wait_dma2 semaphore(%run_scoped3A : memref<!tpu.dma_semaphore, #tpu.memory_space<semaphore_mem>>) src(%dma_wait3A_111 : memref<80xi32, #tpu.memory_space<hbm>>) dst(%arg13 : memref<80xi32, #tpu.memory_space<vmem>>)
            tpu.yield
          }) : () -> ()
          %dma_start3A_102 = arith.constant 0 : i32
          %dma_start3A_103 = arith.constant 0 : i32
          %dma_start3A_104 = tpu.memref_slice %arg2[%dma_start3A_102, %dma_start3A_103] : memref<10000x128xi32, #tpu.memory_space<hbm>> -> memref<10000x128xi32, #tpu.memory_space<hbm>>
          tpu.enqueue_indirect_dma source(%dma_start3A_104 : memref<10000x128xi32, #tpu.memory_space<hbm>>) target(%arg18 : memref<80x128xi32, #tpu.memory_space<vmem>>) offsets(%arg12 : memref<80xi32, #tpu.memory_space<vmem>>) semaphore(%arg24 : memref<!tpu.dma_semaphore, #tpu.memory_space<semaphore_mem>>)
          %dma_start3A_105 = arith.constant 0 : i32
          %dma_start3A_106 = arith.constant 0 : i32
          %dma_start3A_107 = tpu.memref_slice %arg3[%dma_start3A_105, %dma_start3A_106] : memref<10000x128xi32, #tpu.memory_space<hbm>> -> memref<10000x128xi32, #tpu.memory_space<hbm>>
          tpu.enqueue_indirect_dma source(%dma_start3A_107 : memref<10000x128xi32, #tpu.memory_space<hbm>>) target(%arg19 : memref<80x128xi32, #tpu.memory_space<vmem>>) offsets(%arg13 : memref<80xi32, #tpu.memory_space<vmem>>) semaphore(%arg25 : memref<!tpu.dma_semaphore, #tpu.memory_space<semaphore_mem>>)
        } else {
        }
      } else {
      }
      %rem3A_56 = arith.constant 3 : i32
      %rem3A_57 = arith.remsi %scan3A_52, %rem3A_56 : i32
      %eq3A_58 = arith.constant 1 : i32
      %eq3A_59 = arith.cmpi eq, %rem3A_57, %eq3A_58 : i32
      %convert_element_type3A_60 = arith.extui %eq3A_59 : i1 to i32
      %cond3A_61 = arith.constant 0 : i32
      %cond3A_62 = arith.cmpi ne, %convert_element_type3A_60, %cond3A_61 : i32
      scf.if %cond3A_62 {
        %mul3A_70 = arith.constant 80 : i32
        %mul3A_71 = arith.muli %scan3A_52, %mul3A_70 : i32
        %add3A_72 = arith.addi %mul3A_2, %mul3A_71 : i32
        %dma_wait3A_73 = arith.constant 0 : i32
        %dma_wait3A_74 = arith.constant 0 : i32
        %dma_wait3A_75 = tpu.memref_slice %arg2[%dma_wait3A_73, %dma_wait3A_74] : memref<10000x128xi32, #tpu.memory_space<hbm>> -> memref<10000x128xi32, #tpu.memory_space<hbm>>
        tpu.wait_indirect_dma semaphore(%arg22 : memref<!tpu.dma_semaphore, #tpu.memory_space<semaphore_mem>>) src(%dma_wait3A_75 : memref<10000x128xi32, #tpu.memory_space<hbm>>) dst(%arg16 : memref<80x128xi32, #tpu.memory_space<vmem>>)
        %dma_wait3A_76 = arith.constant 0 : i32
        %dma_wait3A_77 = arith.constant 0 : i32
        %dma_wait3A_78 = tpu.memref_slice %arg3[%dma_wait3A_76, %dma_wait3A_77] : memref<10000x128xi32, #tpu.memory_space<hbm>> -> memref<10000x128xi32, #tpu.memory_space<hbm>>
        tpu.wait_indirect_dma semaphore(%arg23 : memref<!tpu.dma_semaphore, #tpu.memory_space<semaphore_mem>>) src(%dma_wait3A_78 : memref<10000x128xi32, #tpu.memory_space<hbm>>) dst(%arg17 : memref<80x128xi32, #tpu.memory_space<vmem>>)
        %dma_start3A_79 = arith.constant 0 : i32
        %dma_start3A_80 = tpu.memref_slice %arg6[%add3A_72, %dma_start3A_79] : memref<320000x128xi32, #tpu.memory_space<hbm>> -> memref<80x128xi32, #tpu.memory_space<hbm>>
        %dma_start3A_81 = arith.constant 0 : i32
        %dma_start3A_82 = tpu.memref_slice %arg6[%add3A_72, %dma_start3A_81] : memref<320000x128xi32, #tpu.memory_space<hbm>> -> memref<80x128xi32, #tpu.memory_space<hbm>>
        tpu.enqueue_dma source(%arg16 : memref<80x128xi32, #tpu.memory_space<vmem>>) target(%dma_start3A_82 : memref<80x128xi32, #tpu.memory_space<hbm>>) target_semaphore(%arg27 : memref<!tpu.dma_semaphore, #tpu.memory_space<semaphore_mem>>)
        %dma_start3A_83 = arith.constant 0 : i32
        %dma_start3A_84 = tpu.memref_slice %arg7[%add3A_72, %dma_start3A_83] : memref<320000x128xi32, #tpu.memory_space<hbm>> -> memref<80x128xi32, #tpu.memory_space<hbm>>
        %dma_start3A_85 = arith.constant 0 : i32
        %dma_start3A_86 = tpu.memref_slice %arg7[%add3A_72, %dma_start3A_85] : memref<320000x128xi32, #tpu.memory_space<hbm>> -> memref<80x128xi32, #tpu.memory_space<hbm>>
        tpu.enqueue_dma source(%arg17 : memref<80x128xi32, #tpu.memory_space<vmem>>) target(%dma_start3A_86 : memref<80x128xi32, #tpu.memory_space<hbm>>) target_semaphore(%arg27 : memref<!tpu.dma_semaphore, #tpu.memory_space<semaphore_mem>>)
        %add3A_87 = arith.constant 2 : i32
        %add3A_88 = arith.addi %scan3A_52, %add3A_87 : i32
        %lt3A = arith.constant 125 : i32
        %lt3A_89 = arith.cmpi slt, %add3A_88, %lt3A : i32
        %convert_element_type3A_90 = arith.extui %lt3A_89 : i1 to i32
        %cond3A_91 = arith.constant 0 : i32
        %cond3A_92 = arith.cmpi ne, %convert_element_type3A_90, %cond3A_91 : i32
        scf.if %cond3A_92 {
          %ge3A = arith.constant 1 : i32
          %ge3A_93 = arith.cmpi sge, %scan3A_52, %ge3A : i32
          %convert_element_type3A_94 = arith.extui %ge3A_93 : i1 to i32
          %cond3A_95 = arith.constant 0 : i32
          %cond3A_96 = arith.cmpi ne, %convert_element_type3A_94, %cond3A_95 : i32
          scf.if %cond3A_96 {
            %sub3A = arith.constant 1 : i32
            %sub3A_108 = arith.subi %scan3A_52, %sub3A : i32
            %mul3A_109 = arith.constant 80 : i32
            %mul3A_110 = arith.muli %sub3A_108, %mul3A_109 : i32
            %add3A_111 = arith.addi %mul3A_2, %mul3A_110 : i32
            %dma_wait3A_112 = arith.constant 0 : i32
            %dma_wait3A_113 = tpu.memref_slice %arg6[%add3A_111, %dma_wait3A_112] : memref<320000x128xi32, #tpu.memory_space<hbm>> -> memref<80x128xi32, #tpu.memory_space<hbm>>
            %dma_wait3A_114 = arith.constant 0 : i32
            %dma_wait3A_115 = tpu.memref_slice %arg6[%add3A_111, %dma_wait3A_114] : memref<320000x128xi32, #tpu.memory_space<hbm>> -> memref<80x128xi32, #tpu.memory_space<hbm>>
            tpu.wait_dma2 semaphore(%arg26 : memref<!tpu.dma_semaphore, #tpu.memory_space<semaphore_mem>>) src(%arg14 : memref<80x128xi32, #tpu.memory_space<vmem>>) dst(%dma_wait3A_115 : memref<80x128xi32, #tpu.memory_space<hbm>>)
            %dma_wait3A_116 = arith.constant 0 : i32
            %dma_wait3A_117 = tpu.memref_slice %arg7[%add3A_111, %dma_wait3A_116] : memref<320000x128xi32, #tpu.memory_space<hbm>> -> memref<80x128xi32, #tpu.memory_space<hbm>>
            %dma_wait3A_118 = arith.constant 0 : i32
            %dma_wait3A_119 = tpu.memref_slice %arg7[%add3A_111, %dma_wait3A_118] : memref<320000x128xi32, #tpu.memory_space<hbm>> -> memref<80x128xi32, #tpu.memory_space<hbm>>
            tpu.wait_dma2 semaphore(%arg26 : memref<!tpu.dma_semaphore, #tpu.memory_space<semaphore_mem>>) src(%arg15 : memref<80x128xi32, #tpu.memory_space<vmem>>) dst(%dma_wait3A_119 : memref<80x128xi32, #tpu.memory_space<hbm>>)
          } else {
          }
          %add3A_97 = arith.constant 2 : i32
          %add3A_98 = arith.addi %scan3A_52, %add3A_97 : i32
          %mul3A_99 = arith.constant 80 : i32
          %mul3A_100 = arith.muli %add3A_98, %mul3A_99 : i32
          %add3A_101 = arith.addi %mul3A_2, %mul3A_100 : i32
          "tpu.region"() ({
            %run_scoped3A = tpu.sem_alloc : memref<!tpu.dma_semaphore, #tpu.memory_space<semaphore_mem>>
            %dma_start3A_108 = tpu.memref_slice %arg4[%add3A_101] : memref<320000xi32, #tpu.memory_space<hbm>> -> memref<80xi32, #tpu.memory_space<hbm>>
            %dma_start3A_109 = tpu.memref_slice %arg4[%add3A_101] : memref<320000xi32, #tpu.memory_space<hbm>> -> memref<80xi32, #tpu.memory_space<hbm>>
            tpu.enqueue_dma source(%dma_start3A_109 : memref<80xi32, #tpu.memory_space<hbm>>) target(%arg8 : memref<80xi32, #tpu.memory_space<vmem>>) target_semaphore(%run_scoped3A : memref<!tpu.dma_semaphore, #tpu.memory_space<semaphore_mem>>)
            %dma_wait3A_110 = tpu.memref_slice %arg4[%add3A_101] : memref<320000xi32, #tpu.memory_space<hbm>> -> memref<80xi32, #tpu.memory_space<hbm>>
            %dma_wait3A_111 = tpu.memref_slice %arg4[%add3A_101] : memref<320000xi32, #tpu.memory_space<hbm>> -> memref<80xi32, #tpu.memory_space<hbm>>
            tpu.wait_dma2 semaphore(%run_scoped3A : memref<!tpu.dma_semaphore, #tpu.memory_space<semaphore_mem>>) src(%dma_wait3A_111 : memref<80xi32, #tpu.memory_space<hbm>>) dst(%arg8 : memref<80xi32, #tpu.memory_space<vmem>>)
            tpu.yield
          }) : () -> ()
          "tpu.region"() ({
            %run_scoped3A = tpu.sem_alloc : memref<!tpu.dma_semaphore, #tpu.memory_space<semaphore_mem>>
            %dma_start3A_108 = tpu.memref_slice %arg5[%add3A_101] : memref<320000xi32, #tpu.memory_space<hbm>> -> memref<80xi32, #tpu.memory_space<hbm>>
            %dma_start3A_109 = tpu.memref_slice %arg5[%add3A_101] : memref<320000xi32, #tpu.memory_space<hbm>> -> memref<80xi32, #tpu.memory_space<hbm>>
            tpu.enqueue_dma source(%dma_start3A_109 : memref<80xi32, #tpu.memory_space<hbm>>) target(%arg9 : memref<80xi32, #tpu.memory_space<vmem>>) target_semaphore(%run_scoped3A : memref<!tpu.dma_semaphore, #tpu.memory_space<semaphore_mem>>)
            %dma_wait3A_110 = tpu.memref_slice %arg5[%add3A_101] : memref<320000xi32, #tpu.memory_space<hbm>> -> memref<80xi32, #tpu.memory_space<hbm>>
            %dma_wait3A_111 = tpu.memref_slice %arg5[%add3A_101] : memref<320000xi32, #tpu.memory_space<hbm>> -> memref<80xi32, #tpu.memory_space<hbm>>
            tpu.wait_dma2 semaphore(%run_scoped3A : memref<!tpu.dma_semaphore, #tpu.memory_space<semaphore_mem>>) src(%dma_wait3A_111 : memref<80xi32, #tpu.memory_space<hbm>>) dst(%arg9 : memref<80xi32, #tpu.memory_space<vmem>>)
            tpu.yield
          }) : () -> ()
          %dma_start3A_102 = arith.constant 0 : i32
          %dma_start3A_103 = arith.constant 0 : i32
          %dma_start3A_104 = tpu.memref_slice %arg2[%dma_start3A_102, %dma_start3A_103] : memref<10000x128xi32, #tpu.memory_space<hbm>> -> memref<10000x128xi32, #tpu.memory_space<hbm>>
          tpu.enqueue_indirect_dma source(%dma_start3A_104 : memref<10000x128xi32, #tpu.memory_space<hbm>>) target(%arg14 : memref<80x128xi32, #tpu.memory_space<vmem>>) offsets(%arg8 : memref<80xi32, #tpu.memory_space<vmem>>) semaphore(%arg20 : memref<!tpu.dma_semaphore, #tpu.memory_space<semaphore_mem>>)
          %dma_start3A_105 = arith.constant 0 : i32
          %dma_start3A_106 = arith.constant 0 : i32
          %dma_start3A_107 = tpu.memref_slice %arg3[%dma_start3A_105, %dma_start3A_106] : memref<10000x128xi32, #tpu.memory_space<hbm>> -> memref<10000x128xi32, #tpu.memory_space<hbm>>
          tpu.enqueue_indirect_dma source(%dma_start3A_107 : memref<10000x128xi32, #tpu.memory_space<hbm>>) target(%arg15 : memref<80x128xi32, #tpu.memory_space<vmem>>) offsets(%arg9 : memref<80xi32, #tpu.memory_space<vmem>>) semaphore(%arg21 : memref<!tpu.dma_semaphore, #tpu.memory_space<semaphore_mem>>)
        } else {
        }
      } else {
      }
      %rem3A_63 = arith.constant 3 : i32
      %rem3A_64 = arith.remsi %scan3A_52, %rem3A_63 : i32
      %eq3A_65 = arith.constant 2 : i32
      %eq3A_66 = arith.cmpi eq, %rem3A_64, %eq3A_65 : i32
      %convert_element_type3A_67 = arith.extui %eq3A_66 : i1 to i32
      %cond3A_68 = arith.constant 0 : i32
      %cond3A_69 = arith.cmpi ne, %convert_element_type3A_67, %cond3A_68 : i32
      scf.if %cond3A_69 {
        %mul3A_70 = arith.constant 80 : i32
        %mul3A_71 = arith.muli %scan3A_52, %mul3A_70 : i32
        %add3A_72 = arith.addi %mul3A_2, %mul3A_71 : i32
        %dma_wait3A_73 = arith.constant 0 : i32
        %dma_wait3A_74 = arith.constant 0 : i32
        %dma_wait3A_75 = tpu.memref_slice %arg2[%dma_wait3A_73, %dma_wait3A_74] : memref<10000x128xi32, #tpu.memory_space<hbm>> -> memref<10000x128xi32, #tpu.memory_space<hbm>>
        tpu.wait_indirect_dma semaphore(%arg24 : memref<!tpu.dma_semaphore, #tpu.memory_space<semaphore_mem>>) src(%dma_wait3A_75 : memref<10000x128xi32, #tpu.memory_space<hbm>>) dst(%arg18 : memref<80x128xi32, #tpu.memory_space<vmem>>)
        %dma_wait3A_76 = arith.constant 0 : i32
        %dma_wait3A_77 = arith.constant 0 : i32
        %dma_wait3A_78 = tpu.memref_slice %arg3[%dma_wait3A_76, %dma_wait3A_77] : memref<10000x128xi32, #tpu.memory_space<hbm>> -> memref<10000x128xi32, #tpu.memory_space<hbm>>
        tpu.wait_indirect_dma semaphore(%arg25 : memref<!tpu.dma_semaphore, #tpu.memory_space<semaphore_mem>>) src(%dma_wait3A_78 : memref<10000x128xi32, #tpu.memory_space<hbm>>) dst(%arg19 : memref<80x128xi32, #tpu.memory_space<vmem>>)
        %dma_start3A_79 = arith.constant 0 : i32
        %dma_start3A_80 = tpu.memref_slice %arg6[%add3A_72, %dma_start3A_79] : memref<320000x128xi32, #tpu.memory_space<hbm>> -> memref<80x128xi32, #tpu.memory_space<hbm>>
        %dma_start3A_81 = arith.constant 0 : i32
        %dma_start3A_82 = tpu.memref_slice %arg6[%add3A_72, %dma_start3A_81] : memref<320000x128xi32, #tpu.memory_space<hbm>> -> memref<80x128xi32, #tpu.memory_space<hbm>>
        tpu.enqueue_dma source(%arg18 : memref<80x128xi32, #tpu.memory_space<vmem>>) target(%dma_start3A_82 : memref<80x128xi32, #tpu.memory_space<hbm>>) target_semaphore(%arg28 : memref<!tpu.dma_semaphore, #tpu.memory_space<semaphore_mem>>)
        %dma_start3A_83 = arith.constant 0 : i32
        %dma_start3A_84 = tpu.memref_slice %arg7[%add3A_72, %dma_start3A_83] : memref<320000x128xi32, #tpu.memory_space<hbm>> -> memref<80x128xi32, #tpu.memory_space<hbm>>
        %dma_start3A_85 = arith.constant 0 : i32
        %dma_start3A_86 = tpu.memref_slice %arg7[%add3A_72, %dma_start3A_85] : memref<320000x128xi32, #tpu.memory_space<hbm>> -> memref<80x128xi32, #tpu.memory_space<hbm>>
        tpu.enqueue_dma source(%arg19 : memref<80x128xi32, #tpu.memory_space<vmem>>) target(%dma_start3A_86 : memref<80x128xi32, #tpu.memory_space<hbm>>) target_semaphore(%arg28 : memref<!tpu.dma_semaphore, #tpu.memory_space<semaphore_mem>>)
        %add3A_87 = arith.constant 2 : i32
        %add3A_88 = arith.addi %scan3A_52, %add3A_87 : i32
        %lt3A = arith.constant 125 : i32
        %lt3A_89 = arith.cmpi slt, %add3A_88, %lt3A : i32
        %convert_element_type3A_90 = arith.extui %lt3A_89 : i1 to i32
        %cond3A_91 = arith.constant 0 : i32
        %cond3A_92 = arith.cmpi ne, %convert_element_type3A_90, %cond3A_91 : i32
        scf.if %cond3A_92 {
          %ge3A = arith.constant 1 : i32
          %ge3A_93 = arith.cmpi sge, %scan3A_52, %ge3A : i32
          %convert_element_type3A_94 = arith.extui %ge3A_93 : i1 to i32
          %cond3A_95 = arith.constant 0 : i32
          %cond3A_96 = arith.cmpi ne, %convert_element_type3A_94, %cond3A_95 : i32
          scf.if %cond3A_96 {
            %sub3A = arith.constant 1 : i32
            %sub3A_108 = arith.subi %scan3A_52, %sub3A : i32
            %mul3A_109 = arith.constant 80 : i32
            %mul3A_110 = arith.muli %sub3A_108, %mul3A_109 : i32
            %add3A_111 = arith.addi %mul3A_2, %mul3A_110 : i32
            %dma_wait3A_112 = arith.constant 0 : i32
            %dma_wait3A_113 = tpu.memref_slice %arg6[%add3A_111, %dma_wait3A_112] : memref<320000x128xi32, #tpu.memory_space<hbm>> -> memref<80x128xi32, #tpu.memory_space<hbm>>
            %dma_wait3A_114 = arith.constant 0 : i32
            %dma_wait3A_115 = tpu.memref_slice %arg6[%add3A_111, %dma_wait3A_114] : memref<320000x128xi32, #tpu.memory_space<hbm>> -> memref<80x128xi32, #tpu.memory_space<hbm>>
            tpu.wait_dma2 semaphore(%arg27 : memref<!tpu.dma_semaphore, #tpu.memory_space<semaphore_mem>>) src(%arg16 : memref<80x128xi32, #tpu.memory_space<vmem>>) dst(%dma_wait3A_115 : memref<80x128xi32, #tpu.memory_space<hbm>>)
            %dma_wait3A_116 = arith.constant 0 : i32
            %dma_wait3A_117 = tpu.memref_slice %arg7[%add3A_111, %dma_wait3A_116] : memref<320000x128xi32, #tpu.memory_space<hbm>> -> memref<80x128xi32, #tpu.memory_space<hbm>>
            %dma_wait3A_118 = arith.constant 0 : i32
            %dma_wait3A_119 = tpu.memref_slice %arg7[%add3A_111, %dma_wait3A_118] : memref<320000x128xi32, #tpu.memory_space<hbm>> -> memref<80x128xi32, #tpu.memory_space<hbm>>
            tpu.wait_dma2 semaphore(%arg27 : memref<!tpu.dma_semaphore, #tpu.memory_space<semaphore_mem>>) src(%arg17 : memref<80x128xi32, #tpu.memory_space<vmem>>) dst(%dma_wait3A_119 : memref<80x128xi32, #tpu.memory_space<hbm>>)
          } else {
          }
          %add3A_97 = arith.constant 2 : i32
          %add3A_98 = arith.addi %scan3A_52, %add3A_97 : i32
          %mul3A_99 = arith.constant 80 : i32
          %mul3A_100 = arith.muli %add3A_98, %mul3A_99 : i32
          %add3A_101 = arith.addi %mul3A_2, %mul3A_100 : i32
          "tpu.region"() ({
            %run_scoped3A = tpu.sem_alloc : memref<!tpu.dma_semaphore, #tpu.memory_space<semaphore_mem>>
            %dma_start3A_108 = tpu.memref_slice %arg4[%add3A_101] : memref<320000xi32, #tpu.memory_space<hbm>> -> memref<80xi32, #tpu.memory_space<hbm>>
            %dma_start3A_109 = tpu.memref_slice %arg4[%add3A_101] : memref<320000xi32, #tpu.memory_space<hbm>> -> memref<80xi32, #tpu.memory_space<hbm>>
            tpu.enqueue_dma source(%dma_start3A_109 : memref<80xi32, #tpu.memory_space<hbm>>) target(%arg10 : memref<80xi32, #tpu.memory_space<vmem>>) target_semaphore(%run_scoped3A : memref<!tpu.dma_semaphore, #tpu.memory_space<semaphore_mem>>)
            %dma_wait3A_110 = tpu.memref_slice %arg4[%add3A_101] : memref<320000xi32, #tpu.memory_space<hbm>> -> memref<80xi32, #tpu.memory_space<hbm>>
            %dma_wait3A_111 = tpu.memref_slice %arg4[%add3A_101] : memref<320000xi32, #tpu.memory_space<hbm>> -> memref<80xi32, #tpu.memory_space<hbm>>
            tpu.wait_dma2 semaphore(%run_scoped3A : memref<!tpu.dma_semaphore, #tpu.memory_space<semaphore_mem>>) src(%dma_wait3A_111 : memref<80xi32, #tpu.memory_space<hbm>>) dst(%arg10 : memref<80xi32, #tpu.memory_space<vmem>>)
            tpu.yield
          }) : () -> ()
          "tpu.region"() ({
            %run_scoped3A = tpu.sem_alloc : memref<!tpu.dma_semaphore, #tpu.memory_space<semaphore_mem>>
            %dma_start3A_108 = tpu.memref_slice %arg5[%add3A_101] : memref<320000xi32, #tpu.memory_space<hbm>> -> memref<80xi32, #tpu.memory_space<hbm>>
            %dma_start3A_109 = tpu.memref_slice %arg5[%add3A_101] : memref<320000xi32, #tpu.memory_space<hbm>> -> memref<80xi32, #tpu.memory_space<hbm>>
            tpu.enqueue_dma source(%dma_start3A_109 : memref<80xi32, #tpu.memory_space<hbm>>) target(%arg11 : memref<80xi32, #tpu.memory_space<vmem>>) target_semaphore(%run_scoped3A : memref<!tpu.dma_semaphore, #tpu.memory_space<semaphore_mem>>)
            %dma_wait3A_110 = tpu.memref_slice %arg5[%add3A_101] : memref<320000xi32, #tpu.memory_space<hbm>> -> memref<80xi32, #tpu.memory_space<hbm>>
            %dma_wait3A_111 = tpu.memref_slice %arg5[%add3A_101] : memref<320000xi32, #tpu.memory_space<hbm>> -> memref<80xi32, #tpu.memory_space<hbm>>
            tpu.wait_dma2 semaphore(%run_scoped3A : memref<!tpu.dma_semaphore, #tpu.memory_space<semaphore_mem>>) src(%dma_wait3A_111 : memref<80xi32, #tpu.memory_space<hbm>>) dst(%arg11 : memref<80xi32, #tpu.memory_space<vmem>>)
            tpu.yield
          }) : () -> ()
          %dma_start3A_102 = arith.constant 0 : i32
          %dma_start3A_103 = arith.constant 0 : i32
          %dma_start3A_104 = tpu.memref_slice %arg2[%dma_start3A_102, %dma_start3A_103] : memref<10000x128xi32, #tpu.memory_space<hbm>> -> memref<10000x128xi32, #tpu.memory_space<hbm>>
          tpu.enqueue_indirect_dma source(%dma_start3A_104 : memref<10000x128xi32, #tpu.memory_space<hbm>>) target(%arg16 : memref<80x128xi32, #tpu.memory_space<vmem>>) offsets(%arg10 : memref<80xi32, #tpu.memory_space<vmem>>) semaphore(%arg22 : memref<!tpu.dma_semaphore, #tpu.memory_space<semaphore_mem>>)
          %dma_start3A_105 = arith.constant 0 : i32
          %dma_start3A_106 = arith.constant 0 : i32
          %dma_start3A_107 = tpu.memref_slice %arg3[%dma_start3A_105, %dma_start3A_106] : memref<10000x128xi32, #tpu.memory_space<hbm>> -> memref<10000x128xi32, #tpu.memory_space<hbm>>
          tpu.enqueue_indirect_dma source(%dma_start3A_107 : memref<10000x128xi32, #tpu.memory_space<hbm>>) target(%arg17 : memref<80x128xi32, #tpu.memory_space<vmem>>) offsets(%arg11 : memref<80xi32, #tpu.memory_space<vmem>>) semaphore(%arg23 : memref<!tpu.dma_semaphore, #tpu.memory_space<semaphore_mem>>)
        } else {
        }
      } else {
      }
    }
    %scan3A_22 = arith.constant 125 : i32
    %add3A_23 = arith.constant 9760 : i32
    %add3A_24 = arith.addi %mul3A_2, %add3A_23 : i32
    %dma_wait3A = arith.constant 0 : i32
    %dma_wait3A_25 = tpu.memref_slice %arg6[%add3A_24, %dma_wait3A] : memref<320000x128xi32, #tpu.memory_space<hbm>> -> memref<80x128xi32, #tpu.memory_space<hbm>>
    %dma_wait3A_26 = arith.constant 0 : i32
    %dma_wait3A_27 = tpu.memref_slice %arg6[%add3A_24, %dma_wait3A_26] : memref<320000x128xi32, #tpu.memory_space<hbm>> -> memref<80x128xi32, #tpu.memory_space<hbm>>
    tpu.wait_dma2 semaphore(%arg28 : memref<!tpu.dma_semaphore, #tpu.memory_space<semaphore_mem>>) src(%arg18 : memref<80x128xi32, #tpu.memory_space<vmem>>) dst(%dma_wait3A_27 : memref<80x128xi32, #tpu.memory_space<hbm>>)
    %dma_wait3A_28 = arith.constant 0 : i32
    %dma_wait3A_29 = tpu.memref_slice %arg7[%add3A_24, %dma_wait3A_28] : memref<320000x128xi32, #tpu.memory_space<hbm>> -> memref<80x128xi32, #tpu.memory_space<hbm>>
    %dma_wait3A_30 = arith.constant 0 : i32
    %dma_wait3A_31 = tpu.memref_slice %arg7[%add3A_24, %dma_wait3A_30] : memref<320000x128xi32, #tpu.memory_space<hbm>> -> memref<80x128xi32, #tpu.memory_space<hbm>>
    tpu.wait_dma2 semaphore(%arg28 : memref<!tpu.dma_semaphore, #tpu.memory_space<semaphore_mem>>) src(%arg19 : memref<80x128xi32, #tpu.memory_space<vmem>>) dst(%dma_wait3A_31 : memref<80x128xi32, #tpu.memory_space<hbm>>)
    %add3A_32 = arith.constant 9840 : i32
    %add3A_33 = arith.addi %mul3A_2, %add3A_32 : i32
    %dma_wait3A_34 = arith.constant 0 : i32
    %dma_wait3A_35 = tpu.memref_slice %arg6[%add3A_33, %dma_wait3A_34] : memref<320000x128xi32, #tpu.memory_space<hbm>> -> memref<80x128xi32, #tpu.memory_space<hbm>>
    %dma_wait3A_36 = arith.constant 0 : i32
    %dma_wait3A_37 = tpu.memref_slice %arg6[%add3A_33, %dma_wait3A_36] : memref<320000x128xi32, #tpu.memory_space<hbm>> -> memref<80x128xi32, #tpu.memory_space<hbm>>
    tpu.wait_dma2 semaphore(%arg26 : memref<!tpu.dma_semaphore, #tpu.memory_space<semaphore_mem>>) src(%arg14 : memref<80x128xi32, #tpu.memory_space<vmem>>) dst(%dma_wait3A_37 : memref<80x128xi32, #tpu.memory_space<hbm>>)
    %dma_wait3A_38 = arith.constant 0 : i32
    %dma_wait3A_39 = tpu.memref_slice %arg7[%add3A_33, %dma_wait3A_38] : memref<320000x128xi32, #tpu.memory_space<hbm>> -> memref<80x128xi32, #tpu.memory_space<hbm>>
    %dma_wait3A_40 = arith.constant 0 : i32
    %dma_wait3A_41 = tpu.memref_slice %arg7[%add3A_33, %dma_wait3A_40] : memref<320000x128xi32, #tpu.memory_space<hbm>> -> memref<80x128xi32, #tpu.memory_space<hbm>>
    tpu.wait_dma2 semaphore(%arg26 : memref<!tpu.dma_semaphore, #tpu.memory_space<semaphore_mem>>) src(%arg15 : memref<80x128xi32, #tpu.memory_space<vmem>>) dst(%dma_wait3A_41 : memref<80x128xi32, #tpu.memory_space<hbm>>)
    %add3A_42 = arith.constant 9920 : i32
    %add3A_43 = arith.addi %mul3A_2, %add3A_42 : i32
    %dma_wait3A_44 = arith.constant 0 : i32
    %dma_wait3A_45 = tpu.memref_slice %arg6[%add3A_43, %dma_wait3A_44] : memref<320000x128xi32, #tpu.memory_space<hbm>> -> memref<80x128xi32, #tpu.memory_space<hbm>>
    %dma_wait3A_46 = arith.constant 0 : i32
    %dma_wait3A_47 = tpu.memref_slice %arg6[%add3A_43, %dma_wait3A_46] : memref<320000x128xi32, #tpu.memory_space<hbm>> -> memref<80x128xi32, #tpu.memory_space<hbm>>
    tpu.wait_dma2 semaphore(%arg27 : memref<!tpu.dma_semaphore, #tpu.memory_space<semaphore_mem>>) src(%arg16 : memref<80x128xi32, #tpu.memory_space<vmem>>) dst(%dma_wait3A_47 : memref<80x128xi32, #tpu.memory_space<hbm>>)
    %dma_wait3A_48 = arith.constant 0 : i32
    %dma_wait3A_49 = tpu.memref_slice %arg7[%add3A_43, %dma_wait3A_48] : memref<320000x128xi32, #tpu.memory_space<hbm>> -> memref<80x128xi32, #tpu.memory_space<hbm>>
    %dma_wait3A_50 = arith.constant 0 : i32
    %dma_wait3A_51 = tpu.memref_slice %arg7[%add3A_43, %dma_wait3A_50] : memref<320000x128xi32, #tpu.memory_space<hbm>> -> memref<80x128xi32, #tpu.memory_space<hbm>>
    tpu.wait_dma2 semaphore(%arg27 : memref<!tpu.dma_semaphore, #tpu.memory_space<semaphore_mem>>) src(%arg17 : memref<80x128xi32, #tpu.memory_space<vmem>>) dst(%dma_wait3A_51 : memref<80x128xi32, #tpu.memory_space<hbm>>)
    return
  }
}

#map = affine_map<(d0, d1) -> (0, 0)>
#map1 = affine_map<(d0, d1) -> (0)>
module attributes {stable_mosaic.version = 14 : i64} {
  func.func @gather_k(%arg0: i32, %arg1: i32, %arg2: memref<10000x128xi32, #tpu.memory_space<hbm>>, %arg3: memref<10000x128xi32, #tpu.memory_space<hbm>>, %arg4: memref<320000xi32, #tpu.memory_space<hbm>>, %arg5: memref<320000xi32, #tpu.memory_space<hbm>>, %arg6: memref<320000x128xi32, #tpu.memory_space<hbm>>, %arg7: memref<320000x128xi32, #tpu.memory_space<hbm>>, %arg8: memref<80xi32, #tpu.memory_space<vmem>>, %arg9: memref<80xi32, #tpu.memory_space<vmem>>, %arg10: memref<80xi32, #tpu.memory_space<vmem>>, %arg11: memref<80xi32, #tpu.memory_space<vmem>>, %arg12: memref<80xi32, #tpu.memory_space<vmem>>, %arg13: memref<80xi32, #tpu.memory_space<vmem>>, %arg14: memref<80x128xi32, #tpu.memory_space<vmem>>, %arg15: memref<80x128xi32, #tpu.memory_space<vmem>>, %arg16: memref<80x128xi32, #tpu.memory_space<vmem>>, %arg17: memref<80x128xi32, #tpu.memory_space<vmem>>, %arg18: memref<80x128xi32, #tpu.memory_space<vmem>>, %arg19: memref<80x128xi32, #tpu.memory_space<vmem>>, %arg20: memref<!tpu.dma_semaphore, #tpu.memory_space<semaphore_mem>>, %arg21: memref<!tpu.dma_semaphore, #tpu.memory_space<semaphore_mem>>, %arg22: memref<!tpu.dma_semaphore, #tpu.memory_space<semaphore_mem>>, %arg23: memref<!tpu.dma_semaphore, #tpu.memory_space<semaphore_mem>>, %arg24: memref<!tpu.dma_semaphore, #tpu.memory_space<semaphore_mem>>, %arg25: memref<!tpu.dma_semaphore, #tpu.memory_space<semaphore_mem>>, %arg26: memref<!tpu.dma_semaphore, #tpu.memory_space<semaphore_mem>>, %arg27: memref<!tpu.dma_semaphore, #tpu.memory_space<semaphore_mem>>, %arg28: memref<!tpu.dma_semaphore, #tpu.memory_space<semaphore_mem>>) attributes {dimension_semantics = [#tpu.dimension_semantics<core_parallel>, #tpu.dimension_semantics<subcore_parallel>], iteration_bounds = array<i64: 2, 16>, scalar_prefetch = 0 : i64, scratch_operands = 21 : i64, tpu.core_type = #tpu.core_type<sc_vector_subcore>, window_params = [{transform_indices = #map}, {transform_indices = #map}, {transform_indices = #map1}, {transform_indices = #map1}, {transform_indices = #map}, {transform_indices = #map}]} {
    %mul3A = arith.constant 2 : i32
    %mul3A_0 = arith.muli %arg1, %mul3A : i32
    %add3A = arith.addi %mul3A_0, %arg0 : i32
    %mul3A_1 = arith.constant 10000 : i32
    %mul3A_2 = arith.muli %add3A, %mul3A_1 : i32
    %add3A_3 = arith.constant 0 : i32
    %add3A_4 = arith.addi %mul3A_2, %add3A_3 : i32
    "tpu.region"() ({
      %run_scoped3A = tpu.sem_alloc : memref<!tpu.dma_semaphore, #tpu.memory_space<semaphore_mem>>
      %dma_start3A_52 = tpu.memref_slice %arg4[%add3A_4] : memref<320000xi32, #tpu.memory_space<hbm>> -> memref<80xi32, #tpu.memory_space<hbm>>
      %dma_start3A_53 = tpu.memref_slice %arg4[%add3A_4] : memref<320000xi32, #tpu.memory_space<hbm>> -> memref<80xi32, #tpu.memory_space<hbm>>
      tpu.enqueue_dma source(%dma_start3A_53 : memref<80xi32, #tpu.memory_space<hbm>>) target(%arg8 : memref<80xi32, #tpu.memory_space<vmem>>) target_semaphore(%run_scoped3A : memref<!tpu.dma_semaphore, #tpu.memory_space<semaphore_mem>>)
      %dma_wait3A_54 = tpu.memref_slice %arg4[%add3A_4] : memref<320000xi32, #tpu.memory_space<hbm>> -> memref<80xi32, #tpu.memory_space<hbm>>
      %dma_wait3A_55 = tpu.memref_slice %arg4[%add3A_4] : memref<320000xi32, #tpu.memory_space<hbm>> -> memref<80xi32, #tpu.memory_space<hbm>>
      tpu.wait_dma2 semaphore(%run_scoped3A : memref<!tpu.dma_semaphore, #tpu.memory_space<semaphore_mem>>) src(%dma_wait3A_55 : memref<80xi32, #tpu.memory_space<hbm>>) dst(%arg8 : memref<80xi32, #tpu.memory_space<vmem>>)
      tpu.yield
    }) : () -> ()
    "tpu.region"() ({
      %run_scoped3A = tpu.sem_alloc : memref<!tpu.dma_semaphore, #tpu.memory_space<semaphore_mem>>
      %dma_start3A_52 = tpu.memref_slice %arg5[%add3A_4] : memref<320000xi32, #tpu.memory_space<hbm>> -> memref<80xi32, #tpu.memory_space<hbm>>
      %dma_start3A_53 = tpu.memref_slice %arg5[%add3A_4] : memref<320000xi32, #tpu.memory_space<hbm>> -> memref<80xi32, #tpu.memory_space<hbm>>
      tpu.enqueue_dma source(%dma_start3A_53 : memref<80xi32, #tpu.memory_space<hbm>>) target(%arg9 : memref<80xi32, #tpu.memory_space<vmem>>) target_semaphore(%run_scoped3A : memref<!tpu.dma_semaphore, #tpu.memory_space<semaphore_mem>>)
      %dma_wait3A_54 = tpu.memref_slice %arg5[%add3A_4] : memref<320000xi32, #tpu.memory_space<hbm>> -> memref<80xi32, #tpu.memory_space<hbm>>
      %dma_wait3A_55 = tpu.memref_slice %arg5[%add3A_4] : memref<320000xi32, #tpu.memory_space<hbm>> -> memref<80xi32, #tpu.memory_space<hbm>>
      tpu.wait_dma2 semaphore(%run_scoped3A : memref<!tpu.dma_semaphore, #tpu.memory_space<semaphore_mem>>) src(%dma_wait3A_55 : memref<80xi32, #tpu.memory_space<hbm>>) dst(%arg9 : memref<80xi32, #tpu.memory_space<vmem>>)
      tpu.yield
    }) : () -> ()
    %dma_start3A = arith.constant 0 : i32
    %dma_start3A_5 = arith.constant 0 : i32
    %dma_start3A_6 = tpu.memref_slice %arg2[%dma_start3A, %dma_start3A_5] : memref<10000x128xi32, #tpu.memory_space<hbm>> -> memref<10000x128xi32, #tpu.memory_space<hbm>>
    tpu.enqueue_indirect_dma source(%dma_start3A_6 : memref<10000x128xi32, #tpu.memory_space<hbm>>) target(%arg14 : memref<80x128xi32, #tpu.memory_space<vmem>>) offsets(%arg8 : memref<80xi32, #tpu.memory_space<vmem>>) semaphore(%arg20 : memref<!tpu.dma_semaphore, #tpu.memory_space<semaphore_mem>>)
    %dma_start3A_7 = arith.constant 0 : i32
    %dma_start3A_8 = arith.constant 0 : i32
    %dma_start3A_9 = tpu.memref_slice %arg3[%dma_start3A_7, %dma_start3A_8] : memref<10000x128xi32, #tpu.memory_space<hbm>> -> memref<10000x128xi32, #tpu.memory_space<hbm>>
    tpu.enqueue_indirect_dma source(%dma_start3A_9 : memref<10000x128xi32, #tpu.memory_space<hbm>>) target(%arg15 : memref<80x128xi32, #tpu.memory_space<vmem>>) offsets(%arg9 : memref<80xi32, #tpu.memory_space<vmem>>) semaphore(%arg21 : memref<!tpu.dma_semaphore, #tpu.memory_space<semaphore_mem>>)
    %add3A_10 = arith.constant 80 : i32
    %add3A_11 = arith.addi %mul3A_2, %add3A_10 : i32
    "tpu.region"() ({
      %run_scoped3A = tpu.sem_alloc : memref<!tpu.dma_semaphore, #tpu.memory_space<semaphore_mem>>
      %dma_start3A_52 = tpu.memref_slice %arg4[%add3A_11] : memref<320000xi32, #tpu.memory_space<hbm>> -> memref<80xi32, #tpu.memory_space<hbm>>
      %dma_start3A_53 = tpu.memref_slice %arg4[%add3A_11] : memref<320000xi32, #tpu.memory_space<hbm>> -> memref<80xi32, #tpu.memory_space<hbm>>
      tpu.enqueue_dma source(%dma_start3A_53 : memref<80xi32, #tpu.memory_space<hbm>>) target(%arg10 : memref<80xi32, #tpu.memory_space<vmem>>) target_semaphore(%run_scoped3A : memref<!tpu.dma_semaphore, #tpu.memory_space<semaphore_mem>>)
      %dma_wait3A_54 = tpu.memref_slice %arg4[%add3A_11] : memref<320000xi32, #tpu.memory_space<hbm>> -> memref<80xi32, #tpu.memory_space<hbm>>
      %dma_wait3A_55 = tpu.memref_slice %arg4[%add3A_11] : memref<320000xi32, #tpu.memory_space<hbm>> -> memref<80xi32, #tpu.memory_space<hbm>>
      tpu.wait_dma2 semaphore(%run_scoped3A : memref<!tpu.dma_semaphore, #tpu.memory_space<semaphore_mem>>) src(%dma_wait3A_55 : memref<80xi32, #tpu.memory_space<hbm>>) dst(%arg10 : memref<80xi32, #tpu.memory_space<vmem>>)
      tpu.yield
    }) : () -> ()
    "tpu.region"() ({
      %run_scoped3A = tpu.sem_alloc : memref<!tpu.dma_semaphore, #tpu.memory_space<semaphore_mem>>
      %dma_start3A_52 = tpu.memref_slice %arg5[%add3A_11] : memref<320000xi32, #tpu.memory_space<hbm>> -> memref<80xi32, #tpu.memory_space<hbm>>
      %dma_start3A_53 = tpu.memref_slice %arg5[%add3A_11] : memref<320000xi32, #tpu.memory_space<hbm>> -> memref<80xi32, #tpu.memory_space<hbm>>
      tpu.enqueue_dma source(%dma_start3A_53 : memref<80xi32, #tpu.memory_space<hbm>>) target(%arg11 : memref<80xi32, #tpu.memory_space<vmem>>) target_semaphore(%run_scoped3A : memref<!tpu.dma_semaphore, #tpu.memory_space<semaphore_mem>>)
      %dma_wait3A_54 = tpu.memref_slice %arg5[%add3A_11] : memref<320000xi32, #tpu.memory_space<hbm>> -> memref<80xi32, #tpu.memory_space<hbm>>
      %dma_wait3A_55 = tpu.memref_slice %arg5[%add3A_11] : memref<320000xi32, #tpu.memory_space<hbm>> -> memref<80xi32, #tpu.memory_space<hbm>>
      tpu.wait_dma2 semaphore(%run_scoped3A : memref<!tpu.dma_semaphore, #tpu.memory_space<semaphore_mem>>) src(%dma_wait3A_55 : memref<80xi32, #tpu.memory_space<hbm>>) dst(%arg11 : memref<80xi32, #tpu.memory_space<vmem>>)
      tpu.yield
    }) : () -> ()
    %dma_start3A_12 = arith.constant 0 : i32
    %dma_start3A_13 = arith.constant 0 : i32
    %dma_start3A_14 = tpu.memref_slice %arg2[%dma_start3A_12, %dma_start3A_13] : memref<10000x128xi32, #tpu.memory_space<hbm>> -> memref<10000x128xi32, #tpu.memory_space<hbm>>
    tpu.enqueue_indirect_dma source(%dma_start3A_14 : memref<10000x128xi32, #tpu.memory_space<hbm>>) target(%arg16 : memref<80x128xi32, #tpu.memory_space<vmem>>) offsets(%arg10 : memref<80xi32, #tpu.memory_space<vmem>>) semaphore(%arg22 : memref<!tpu.dma_semaphore, #tpu.memory_space<semaphore_mem>>)
    %dma_start3A_15 = arith.constant 0 : i32
    %dma_start3A_16 = arith.constant 0 : i32
    %dma_start3A_17 = tpu.memref_slice %arg3[%dma_start3A_15, %dma_start3A_16] : memref<10000x128xi32, #tpu.memory_space<hbm>> -> memref<10000x128xi32, #tpu.memory_space<hbm>>
    tpu.enqueue_indirect_dma source(%dma_start3A_17 : memref<10000x128xi32, #tpu.memory_space<hbm>>) target(%arg17 : memref<80x128xi32, #tpu.memory_space<vmem>>) offsets(%arg11 : memref<80xi32, #tpu.memory_space<vmem>>) semaphore(%arg23 : memref<!tpu.dma_semaphore, #tpu.memory_space<semaphore_mem>>)
    %scan3A = arith.constant 0 : i32
    %scan3A_18 = arith.constant 0 : i32
    %scan3A_19 = arith.constant 125 : i32
    %scan3A_20 = arith.addi %scan3A_18, %scan3A_19 : i32
    %scan3A_21 = arith.constant 1 : i32
    scf.for %scan3A_52 = %scan3A_18 to %scan3A_20 step %scan3A_21  : i32 {
      %rem3A = arith.constant 3 : i32
      %rem3A_53 = arith.remsi %scan3A_52, %rem3A : i32
      %eq3A = arith.constant 0 : i32
      %eq3A_54 = arith.cmpi eq, %rem3A_53, %eq3A : i32
      %convert_element_type3A = arith.extui %eq3A_54 : i1 to i32
      %cond3A = arith.constant 0 : i32
      %cond3A_55 = arith.cmpi ne, %convert_element_type3A, %cond3A : i32
      scf.if %cond3A_55 {
        %mul3A_70 = arith.constant 80 : i32
        %mul3A_71 = arith.muli %scan3A_52, %mul3A_70 : i32
        %add3A_72 = arith.addi %mul3A_2, %mul3A_71 : i32
        %dma_wait3A_73 = arith.constant 0 : i32
        %dma_wait3A_74 = arith.constant 0 : i32
        %dma_wait3A_75 = tpu.memref_slice %arg2[%dma_wait3A_73, %dma_wait3A_74] : memref<10000x128xi32, #tpu.memory_space<hbm>> -> memref<10000x128xi32, #tpu.memory_space<hbm>>
        tpu.wait_indirect_dma semaphore(%arg20 : memref<!tpu.dma_semaphore, #tpu.memory_space<semaphore_mem>>) src(%dma_wait3A_75 : memref<10000x128xi32, #tpu.memory_space<hbm>>) dst(%arg14 : memref<80x128xi32, #tpu.memory_space<vmem>>)
        %dma_wait3A_76 = arith.constant 0 : i32
        %dma_wait3A_77 = arith.constant 0 : i32
        %dma_wait3A_78 = tpu.memref_slice %arg3[%dma_wait3A_76, %dma_wait3A_77] : memref<10000x128xi32, #tpu.memory_space<hbm>> -> memref<10000x128xi32, #tpu.memory_space<hbm>>
        tpu.wait_indirect_dma semaphore(%arg21 : memref<!tpu.dma_semaphore, #tpu.memory_space<semaphore_mem>>) src(%dma_wait3A_78 : memref<10000x128xi32, #tpu.memory_space<hbm>>) dst(%arg15 : memref<80x128xi32, #tpu.memory_space<vmem>>)
        %dma_start3A_79 = arith.constant 0 : i32
        %dma_start3A_80 = tpu.memref_slice %arg6[%add3A_72, %dma_start3A_79] : memref<320000x128xi32, #tpu.memory_space<hbm>> -> memref<80x128xi32, #tpu.memory_space<hbm>>
        %dma_start3A_81 = arith.constant 0 : i32
        %dma_start3A_82 = tpu.memref_slice %arg6[%add3A_72, %dma_start3A_81] : memref<320000x128xi32, #tpu.memory_space<hbm>> -> memref<80x128xi32, #tpu.memory_space<hbm>>
        tpu.enqueue_dma source(%arg14 : memref<80x128xi32, #tpu.memory_space<vmem>>) target(%dma_start3A_82 : memref<80x128xi32, #tpu.memory_space<hbm>>) target_semaphore(%arg26 : memref<!tpu.dma_semaphore, #tpu.memory_space<semaphore_mem>>)
        %dma_start3A_83 = arith.constant 0 : i32
        %dma_start3A_84 = tpu.memref_slice %arg7[%add3A_72, %dma_start3A_83] : memref<320000x128xi32, #tpu.memory_space<hbm>> -> memref<80x128xi32, #tpu.memory_space<hbm>>
        %dma_start3A_85 = arith.constant 0 : i32
        %dma_start3A_86 = tpu.memref_slice %arg7[%add3A_72, %dma_start3A_85] : memref<320000x128xi32, #tpu.memory_space<hbm>> -> memref<80x128xi32, #tpu.memory_space<hbm>>
        tpu.enqueue_dma source(%arg15 : memref<80x128xi32, #tpu.memory_space<vmem>>) target(%dma_start3A_86 : memref<80x128xi32, #tpu.memory_space<hbm>>) target_semaphore(%arg26 : memref<!tpu.dma_semaphore, #tpu.memory_space<semaphore_mem>>)
        %add3A_87 = arith.constant 2 : i32
        %add3A_88 = arith.addi %scan3A_52, %add3A_87 : i32
        %lt3A = arith.constant 125 : i32
        %lt3A_89 = arith.cmpi slt, %add3A_88, %lt3A : i32
        %convert_element_type3A_90 = arith.extui %lt3A_89 : i1 to i32
        %cond3A_91 = arith.constant 0 : i32
        %cond3A_92 = arith.cmpi ne, %convert_element_type3A_90, %cond3A_91 : i32
        scf.if %cond3A_92 {
          %ge3A = arith.constant 1 : i32
          %ge3A_93 = arith.cmpi sge, %scan3A_52, %ge3A : i32
          %convert_element_type3A_94 = arith.extui %ge3A_93 : i1 to i32
          %cond3A_95 = arith.constant 0 : i32
          %cond3A_96 = arith.cmpi ne, %convert_element_type3A_94, %cond3A_95 : i32
          scf.if %cond3A_96 {
            %sub3A = arith.constant 1 : i32
            %sub3A_108 = arith.subi %scan3A_52, %sub3A : i32
            %mul3A_109 = arith.constant 80 : i32
            %mul3A_110 = arith.muli %sub3A_108, %mul3A_109 : i32
            %add3A_111 = arith.addi %mul3A_2, %mul3A_110 : i32
            %dma_wait3A_112 = arith.constant 0 : i32
            %dma_wait3A_113 = tpu.memref_slice %arg6[%add3A_111, %dma_wait3A_112] : memref<320000x128xi32, #tpu.memory_space<hbm>> -> memref<80x128xi32, #tpu.memory_space<hbm>>
            %dma_wait3A_114 = arith.constant 0 : i32
            %dma_wait3A_115 = tpu.memref_slice %arg6[%add3A_111, %dma_wait3A_114] : memref<320000x128xi32, #tpu.memory_space<hbm>> -> memref<80x128xi32, #tpu.memory_space<hbm>>
            tpu.wait_dma2 semaphore(%arg28 : memref<!tpu.dma_semaphore, #tpu.memory_space<semaphore_mem>>) src(%arg18 : memref<80x128xi32, #tpu.memory_space<vmem>>) dst(%dma_wait3A_115 : memref<80x128xi32, #tpu.memory_space<hbm>>)
            %dma_wait3A_116 = arith.constant 0 : i32
            %dma_wait3A_117 = tpu.memref_slice %arg7[%add3A_111, %dma_wait3A_116] : memref<320000x128xi32, #tpu.memory_space<hbm>> -> memref<80x128xi32, #tpu.memory_space<hbm>>
            %dma_wait3A_118 = arith.constant 0 : i32
            %dma_wait3A_119 = tpu.memref_slice %arg7[%add3A_111, %dma_wait3A_118] : memref<320000x128xi32, #tpu.memory_space<hbm>> -> memref<80x128xi32, #tpu.memory_space<hbm>>
            tpu.wait_dma2 semaphore(%arg28 : memref<!tpu.dma_semaphore, #tpu.memory_space<semaphore_mem>>) src(%arg19 : memref<80x128xi32, #tpu.memory_space<vmem>>) dst(%dma_wait3A_119 : memref<80x128xi32, #tpu.memory_space<hbm>>)
          } else {
          }
          %add3A_97 = arith.constant 2 : i32
          %add3A_98 = arith.addi %scan3A_52, %add3A_97 : i32
          %mul3A_99 = arith.constant 80 : i32
          %mul3A_100 = arith.muli %add3A_98, %mul3A_99 : i32
          %add3A_101 = arith.addi %mul3A_2, %mul3A_100 : i32
          "tpu.region"() ({
            %run_scoped3A = tpu.sem_alloc : memref<!tpu.dma_semaphore, #tpu.memory_space<semaphore_mem>>
            %dma_start3A_108 = tpu.memref_slice %arg4[%add3A_101] : memref<320000xi32, #tpu.memory_space<hbm>> -> memref<80xi32, #tpu.memory_space<hbm>>
            %dma_start3A_109 = tpu.memref_slice %arg4[%add3A_101] : memref<320000xi32, #tpu.memory_space<hbm>> -> memref<80xi32, #tpu.memory_space<hbm>>
            tpu.enqueue_dma source(%dma_start3A_109 : memref<80xi32, #tpu.memory_space<hbm>>) target(%arg12 : memref<80xi32, #tpu.memory_space<vmem>>) target_semaphore(%run_scoped3A : memref<!tpu.dma_semaphore, #tpu.memory_space<semaphore_mem>>)
            %dma_wait3A_110 = tpu.memref_slice %arg4[%add3A_101] : memref<320000xi32, #tpu.memory_space<hbm>> -> memref<80xi32, #tpu.memory_space<hbm>>
            %dma_wait3A_111 = tpu.memref_slice %arg4[%add3A_101] : memref<320000xi32, #tpu.memory_space<hbm>> -> memref<80xi32, #tpu.memory_space<hbm>>
            tpu.wait_dma2 semaphore(%run_scoped3A : memref<!tpu.dma_semaphore, #tpu.memory_space<semaphore_mem>>) src(%dma_wait3A_111 : memref<80xi32, #tpu.memory_space<hbm>>) dst(%arg12 : memref<80xi32, #tpu.memory_space<vmem>>)
            tpu.yield
          }) : () -> ()
          "tpu.region"() ({
            %run_scoped3A = tpu.sem_alloc : memref<!tpu.dma_semaphore, #tpu.memory_space<semaphore_mem>>
            %dma_start3A_108 = tpu.memref_slice %arg5[%add3A_101] : memref<320000xi32, #tpu.memory_space<hbm>> -> memref<80xi32, #tpu.memory_space<hbm>>
            %dma_start3A_109 = tpu.memref_slice %arg5[%add3A_101] : memref<320000xi32, #tpu.memory_space<hbm>> -> memref<80xi32, #tpu.memory_space<hbm>>
            tpu.enqueue_dma source(%dma_start3A_109 : memref<80xi32, #tpu.memory_space<hbm>>) target(%arg13 : memref<80xi32, #tpu.memory_space<vmem>>) target_semaphore(%run_scoped3A : memref<!tpu.dma_semaphore, #tpu.memory_space<semaphore_mem>>)
            %dma_wait3A_110 = tpu.memref_slice %arg5[%add3A_101] : memref<320000xi32, #tpu.memory_space<hbm>> -> memref<80xi32, #tpu.memory_space<hbm>>
            %dma_wait3A_111 = tpu.memref_slice %arg5[%add3A_101] : memref<320000xi32, #tpu.memory_space<hbm>> -> memref<80xi32, #tpu.memory_space<hbm>>
            tpu.wait_dma2 semaphore(%run_scoped3A : memref<!tpu.dma_semaphore, #tpu.memory_space<semaphore_mem>>) src(%dma_wait3A_111 : memref<80xi32, #tpu.memory_space<hbm>>) dst(%arg13 : memref<80xi32, #tpu.memory_space<vmem>>)
            tpu.yield
          }) : () -> ()
          %dma_start3A_102 = arith.constant 0 : i32
          %dma_start3A_103 = arith.constant 0 : i32
          %dma_start3A_104 = tpu.memref_slice %arg2[%dma_start3A_102, %dma_start3A_103] : memref<10000x128xi32, #tpu.memory_space<hbm>> -> memref<10000x128xi32, #tpu.memory_space<hbm>>
          tpu.enqueue_indirect_dma source(%dma_start3A_104 : memref<10000x128xi32, #tpu.memory_space<hbm>>) target(%arg18 : memref<80x128xi32, #tpu.memory_space<vmem>>) offsets(%arg12 : memref<80xi32, #tpu.memory_space<vmem>>) semaphore(%arg24 : memref<!tpu.dma_semaphore, #tpu.memory_space<semaphore_mem>>)
          %dma_start3A_105 = arith.constant 0 : i32
          %dma_start3A_106 = arith.constant 0 : i32
          %dma_start3A_107 = tpu.memref_slice %arg3[%dma_start3A_105, %dma_start3A_106] : memref<10000x128xi32, #tpu.memory_space<hbm>> -> memref<10000x128xi32, #tpu.memory_space<hbm>>
          tpu.enqueue_indirect_dma source(%dma_start3A_107 : memref<10000x128xi32, #tpu.memory_space<hbm>>) target(%arg19 : memref<80x128xi32, #tpu.memory_space<vmem>>) offsets(%arg13 : memref<80xi32, #tpu.memory_space<vmem>>) semaphore(%arg25 : memref<!tpu.dma_semaphore, #tpu.memory_space<semaphore_mem>>)
        } else {
        }
      } else {
      }
      %rem3A_56 = arith.constant 3 : i32
      %rem3A_57 = arith.remsi %scan3A_52, %rem3A_56 : i32
      %eq3A_58 = arith.constant 1 : i32
      %eq3A_59 = arith.cmpi eq, %rem3A_57, %eq3A_58 : i32
      %convert_element_type3A_60 = arith.extui %eq3A_59 : i1 to i32
      %cond3A_61 = arith.constant 0 : i32
      %cond3A_62 = arith.cmpi ne, %convert_element_type3A_60, %cond3A_61 : i32
      scf.if %cond3A_62 {
        %mul3A_70 = arith.constant 80 : i32
        %mul3A_71 = arith.muli %scan3A_52, %mul3A_70 : i32
        %add3A_72 = arith.addi %mul3A_2, %mul3A_71 : i32
        %dma_wait3A_73 = arith.constant 0 : i32
        %dma_wait3A_74 = arith.constant 0 : i32
        %dma_wait3A_75 = tpu.memref_slice %arg2[%dma_wait3A_73, %dma_wait3A_74] : memref<10000x128xi32, #tpu.memory_space<hbm>> -> memref<10000x128xi32, #tpu.memory_space<hbm>>
        tpu.wait_indirect_dma semaphore(%arg22 : memref<!tpu.dma_semaphore, #tpu.memory_space<semaphore_mem>>) src(%dma_wait3A_75 : memref<10000x128xi32, #tpu.memory_space<hbm>>) dst(%arg16 : memref<80x128xi32, #tpu.memory_space<vmem>>)
        %dma_wait3A_76 = arith.constant 0 : i32
        %dma_wait3A_77 = arith.constant 0 : i32
        %dma_wait3A_78 = tpu.memref_slice %arg3[%dma_wait3A_76, %dma_wait3A_77] : memref<10000x128xi32, #tpu.memory_space<hbm>> -> memref<10000x128xi32, #tpu.memory_space<hbm>>
        tpu.wait_indirect_dma semaphore(%arg23 : memref<!tpu.dma_semaphore, #tpu.memory_space<semaphore_mem>>) src(%dma_wait3A_78 : memref<10000x128xi32, #tpu.memory_space<hbm>>) dst(%arg17 : memref<80x128xi32, #tpu.memory_space<vmem>>)
        %dma_start3A_79 = arith.constant 0 : i32
        %dma_start3A_80 = tpu.memref_slice %arg6[%add3A_72, %dma_start3A_79] : memref<320000x128xi32, #tpu.memory_space<hbm>> -> memref<80x128xi32, #tpu.memory_space<hbm>>
        %dma_start3A_81 = arith.constant 0 : i32
        %dma_start3A_82 = tpu.memref_slice %arg6[%add3A_72, %dma_start3A_81] : memref<320000x128xi32, #tpu.memory_space<hbm>> -> memref<80x128xi32, #tpu.memory_space<hbm>>
        tpu.enqueue_dma source(%arg16 : memref<80x128xi32, #tpu.memory_space<vmem>>) target(%dma_start3A_82 : memref<80x128xi32, #tpu.memory_space<hbm>>) target_semaphore(%arg27 : memref<!tpu.dma_semaphore, #tpu.memory_space<semaphore_mem>>)
        %dma_start3A_83 = arith.constant 0 : i32
        %dma_start3A_84 = tpu.memref_slice %arg7[%add3A_72, %dma_start3A_83] : memref<320000x128xi32, #tpu.memory_space<hbm>> -> memref<80x128xi32, #tpu.memory_space<hbm>>
        %dma_start3A_85 = arith.constant 0 : i32
        %dma_start3A_86 = tpu.memref_slice %arg7[%add3A_72, %dma_start3A_85] : memref<320000x128xi32, #tpu.memory_space<hbm>> -> memref<80x128xi32, #tpu.memory_space<hbm>>
        tpu.enqueue_dma source(%arg17 : memref<80x128xi32, #tpu.memory_space<vmem>>) target(%dma_start3A_86 : memref<80x128xi32, #tpu.memory_space<hbm>>) target_semaphore(%arg27 : memref<!tpu.dma_semaphore, #tpu.memory_space<semaphore_mem>>)
        %add3A_87 = arith.constant 2 : i32
        %add3A_88 = arith.addi %scan3A_52, %add3A_87 : i32
        %lt3A = arith.constant 125 : i32
        %lt3A_89 = arith.cmpi slt, %add3A_88, %lt3A : i32
        %convert_element_type3A_90 = arith.extui %lt3A_89 : i1 to i32
        %cond3A_91 = arith.constant 0 : i32
        %cond3A_92 = arith.cmpi ne, %convert_element_type3A_90, %cond3A_91 : i32
        scf.if %cond3A_92 {
          %ge3A = arith.constant 1 : i32
          %ge3A_93 = arith.cmpi sge, %scan3A_52, %ge3A : i32
          %convert_element_type3A_94 = arith.extui %ge3A_93 : i1 to i32
          %cond3A_95 = arith.constant 0 : i32
          %cond3A_96 = arith.cmpi ne, %convert_element_type3A_94, %cond3A_95 : i32
          scf.if %cond3A_96 {
            %sub3A = arith.constant 1 : i32
            %sub3A_108 = arith.subi %scan3A_52, %sub3A : i32
            %mul3A_109 = arith.constant 80 : i32
            %mul3A_110 = arith.muli %sub3A_108, %mul3A_109 : i32
            %add3A_111 = arith.addi %mul3A_2, %mul3A_110 : i32
            %dma_wait3A_112 = arith.constant 0 : i32
            %dma_wait3A_113 = tpu.memref_slice %arg6[%add3A_111, %dma_wait3A_112] : memref<320000x128xi32, #tpu.memory_space<hbm>> -> memref<80x128xi32, #tpu.memory_space<hbm>>
            %dma_wait3A_114 = arith.constant 0 : i32
            %dma_wait3A_115 = tpu.memref_slice %arg6[%add3A_111, %dma_wait3A_114] : memref<320000x128xi32, #tpu.memory_space<hbm>> -> memref<80x128xi32, #tpu.memory_space<hbm>>
            tpu.wait_dma2 semaphore(%arg26 : memref<!tpu.dma_semaphore, #tpu.memory_space<semaphore_mem>>) src(%arg14 : memref<80x128xi32, #tpu.memory_space<vmem>>) dst(%dma_wait3A_115 : memref<80x128xi32, #tpu.memory_space<hbm>>)
            %dma_wait3A_116 = arith.constant 0 : i32
            %dma_wait3A_117 = tpu.memref_slice %arg7[%add3A_111, %dma_wait3A_116] : memref<320000x128xi32, #tpu.memory_space<hbm>> -> memref<80x128xi32, #tpu.memory_space<hbm>>
            %dma_wait3A_118 = arith.constant 0 : i32
            %dma_wait3A_119 = tpu.memref_slice %arg7[%add3A_111, %dma_wait3A_118] : memref<320000x128xi32, #tpu.memory_space<hbm>> -> memref<80x128xi32, #tpu.memory_space<hbm>>
            tpu.wait_dma2 semaphore(%arg26 : memref<!tpu.dma_semaphore, #tpu.memory_space<semaphore_mem>>) src(%arg15 : memref<80x128xi32, #tpu.memory_space<vmem>>) dst(%dma_wait3A_119 : memref<80x128xi32, #tpu.memory_space<hbm>>)
          } else {
          }
          %add3A_97 = arith.constant 2 : i32
          %add3A_98 = arith.addi %scan3A_52, %add3A_97 : i32
          %mul3A_99 = arith.constant 80 : i32
          %mul3A_100 = arith.muli %add3A_98, %mul3A_99 : i32
          %add3A_101 = arith.addi %mul3A_2, %mul3A_100 : i32
          "tpu.region"() ({
            %run_scoped3A = tpu.sem_alloc : memref<!tpu.dma_semaphore, #tpu.memory_space<semaphore_mem>>
            %dma_start3A_108 = tpu.memref_slice %arg4[%add3A_101] : memref<320000xi32, #tpu.memory_space<hbm>> -> memref<80xi32, #tpu.memory_space<hbm>>
            %dma_start3A_109 = tpu.memref_slice %arg4[%add3A_101] : memref<320000xi32, #tpu.memory_space<hbm>> -> memref<80xi32, #tpu.memory_space<hbm>>
            tpu.enqueue_dma source(%dma_start3A_109 : memref<80xi32, #tpu.memory_space<hbm>>) target(%arg8 : memref<80xi32, #tpu.memory_space<vmem>>) target_semaphore(%run_scoped3A : memref<!tpu.dma_semaphore, #tpu.memory_space<semaphore_mem>>)
            %dma_wait3A_110 = tpu.memref_slice %arg4[%add3A_101] : memref<320000xi32, #tpu.memory_space<hbm>> -> memref<80xi32, #tpu.memory_space<hbm>>
            %dma_wait3A_111 = tpu.memref_slice %arg4[%add3A_101] : memref<320000xi32, #tpu.memory_space<hbm>> -> memref<80xi32, #tpu.memory_space<hbm>>
            tpu.wait_dma2 semaphore(%run_scoped3A : memref<!tpu.dma_semaphore, #tpu.memory_space<semaphore_mem>>) src(%dma_wait3A_111 : memref<80xi32, #tpu.memory_space<hbm>>) dst(%arg8 : memref<80xi32, #tpu.memory_space<vmem>>)
            tpu.yield
          }) : () -> ()
          "tpu.region"() ({
            %run_scoped3A = tpu.sem_alloc : memref<!tpu.dma_semaphore, #tpu.memory_space<semaphore_mem>>
            %dma_start3A_108 = tpu.memref_slice %arg5[%add3A_101] : memref<320000xi32, #tpu.memory_space<hbm>> -> memref<80xi32, #tpu.memory_space<hbm>>
            %dma_start3A_109 = tpu.memref_slice %arg5[%add3A_101] : memref<320000xi32, #tpu.memory_space<hbm>> -> memref<80xi32, #tpu.memory_space<hbm>>
            tpu.enqueue_dma source(%dma_start3A_109 : memref<80xi32, #tpu.memory_space<hbm>>) target(%arg9 : memref<80xi32, #tpu.memory_space<vmem>>) target_semaphore(%run_scoped3A : memref<!tpu.dma_semaphore, #tpu.memory_space<semaphore_mem>>)
            %dma_wait3A_110 = tpu.memref_slice %arg5[%add3A_101] : memref<320000xi32, #tpu.memory_space<hbm>> -> memref<80xi32, #tpu.memory_space<hbm>>
            %dma_wait3A_111 = tpu.memref_slice %arg5[%add3A_101] : memref<320000xi32, #tpu.memory_space<hbm>> -> memref<80xi32, #tpu.memory_space<hbm>>
            tpu.wait_dma2 semaphore(%run_scoped3A : memref<!tpu.dma_semaphore, #tpu.memory_space<semaphore_mem>>) src(%dma_wait3A_111 : memref<80xi32, #tpu.memory_space<hbm>>) dst(%arg9 : memref<80xi32, #tpu.memory_space<vmem>>)
            tpu.yield
          }) : () -> ()
          %dma_start3A_102 = arith.constant 0 : i32
          %dma_start3A_103 = arith.constant 0 : i32
          %dma_start3A_104 = tpu.memref_slice %arg2[%dma_start3A_102, %dma_start3A_103] : memref<10000x128xi32, #tpu.memory_space<hbm>> -> memref<10000x128xi32, #tpu.memory_space<hbm>>
          tpu.enqueue_indirect_dma source(%dma_start3A_104 : memref<10000x128xi32, #tpu.memory_space<hbm>>) target(%arg14 : memref<80x128xi32, #tpu.memory_space<vmem>>) offsets(%arg8 : memref<80xi32, #tpu.memory_space<vmem>>) semaphore(%arg20 : memref<!tpu.dma_semaphore, #tpu.memory_space<semaphore_mem>>)
          %dma_start3A_105 = arith.constant 0 : i32
          %dma_start3A_106 = arith.constant 0 : i32
          %dma_start3A_107 = tpu.memref_slice %arg3[%dma_start3A_105, %dma_start3A_106] : memref<10000x128xi32, #tpu.memory_space<hbm>> -> memref<10000x128xi32, #tpu.memory_space<hbm>>
          tpu.enqueue_indirect_dma source(%dma_start3A_107 : memref<10000x128xi32, #tpu.memory_space<hbm>>) target(%arg15 : memref<80x128xi32, #tpu.memory_space<vmem>>) offsets(%arg9 : memref<80xi32, #tpu.memory_space<vmem>>) semaphore(%arg21 : memref<!tpu.dma_semaphore, #tpu.memory_space<semaphore_mem>>)
        } else {
        }
      } else {
      }
      %rem3A_63 = arith.constant 3 : i32
      %rem3A_64 = arith.remsi %scan3A_52, %rem3A_63 : i32
      %eq3A_65 = arith.constant 2 : i32
      %eq3A_66 = arith.cmpi eq, %rem3A_64, %eq3A_65 : i32
      %convert_element_type3A_67 = arith.extui %eq3A_66 : i1 to i32
      %cond3A_68 = arith.constant 0 : i32
      %cond3A_69 = arith.cmpi ne, %convert_element_type3A_67, %cond3A_68 : i32
      scf.if %cond3A_69 {
        %mul3A_70 = arith.constant 80 : i32
        %mul3A_71 = arith.muli %scan3A_52, %mul3A_70 : i32
        %add3A_72 = arith.addi %mul3A_2, %mul3A_71 : i32
        %dma_wait3A_73 = arith.constant 0 : i32
        %dma_wait3A_74 = arith.constant 0 : i32
        %dma_wait3A_75 = tpu.memref_slice %arg2[%dma_wait3A_73, %dma_wait3A_74] : memref<10000x128xi32, #tpu.memory_space<hbm>> -> memref<10000x128xi32, #tpu.memory_space<hbm>>
        tpu.wait_indirect_dma semaphore(%arg24 : memref<!tpu.dma_semaphore, #tpu.memory_space<semaphore_mem>>) src(%dma_wait3A_75 : memref<10000x128xi32, #tpu.memory_space<hbm>>) dst(%arg18 : memref<80x128xi32, #tpu.memory_space<vmem>>)
        %dma_wait3A_76 = arith.constant 0 : i32
        %dma_wait3A_77 = arith.constant 0 : i32
        %dma_wait3A_78 = tpu.memref_slice %arg3[%dma_wait3A_76, %dma_wait3A_77] : memref<10000x128xi32, #tpu.memory_space<hbm>> -> memref<10000x128xi32, #tpu.memory_space<hbm>>
        tpu.wait_indirect_dma semaphore(%arg25 : memref<!tpu.dma_semaphore, #tpu.memory_space<semaphore_mem>>) src(%dma_wait3A_78 : memref<10000x128xi32, #tpu.memory_space<hbm>>) dst(%arg19 : memref<80x128xi32, #tpu.memory_space<vmem>>)
        %dma_start3A_79 = arith.constant 0 : i32
        %dma_start3A_80 = tpu.memref_slice %arg6[%add3A_72, %dma_start3A_79] : memref<320000x128xi32, #tpu.memory_space<hbm>> -> memref<80x128xi32, #tpu.memory_space<hbm>>
        %dma_start3A_81 = arith.constant 0 : i32
        %dma_start3A_82 = tpu.memref_slice %arg6[%add3A_72, %dma_start3A_81] : memref<320000x128xi32, #tpu.memory_space<hbm>> -> memref<80x128xi32, #tpu.memory_space<hbm>>
        tpu.enqueue_dma source(%arg18 : memref<80x128xi32, #tpu.memory_space<vmem>>) target(%dma_start3A_82 : memref<80x128xi32, #tpu.memory_space<hbm>>) target_semaphore(%arg28 : memref<!tpu.dma_semaphore, #tpu.memory_space<semaphore_mem>>)
        %dma_start3A_83 = arith.constant 0 : i32
        %dma_start3A_84 = tpu.memref_slice %arg7[%add3A_72, %dma_start3A_83] : memref<320000x128xi32, #tpu.memory_space<hbm>> -> memref<80x128xi32, #tpu.memory_space<hbm>>
        %dma_start3A_85 = arith.constant 0 : i32
        %dma_start3A_86 = tpu.memref_slice %arg7[%add3A_72, %dma_start3A_85] : memref<320000x128xi32, #tpu.memory_space<hbm>> -> memref<80x128xi32, #tpu.memory_space<hbm>>
        tpu.enqueue_dma source(%arg19 : memref<80x128xi32, #tpu.memory_space<vmem>>) target(%dma_start3A_86 : memref<80x128xi32, #tpu.memory_space<hbm>>) target_semaphore(%arg28 : memref<!tpu.dma_semaphore, #tpu.memory_space<semaphore_mem>>)
        %add3A_87 = arith.constant 2 : i32
        %add3A_88 = arith.addi %scan3A_52, %add3A_87 : i32
        %lt3A = arith.constant 125 : i32
        %lt3A_89 = arith.cmpi slt, %add3A_88, %lt3A : i32
        %convert_element_type3A_90 = arith.extui %lt3A_89 : i1 to i32
        %cond3A_91 = arith.constant 0 : i32
        %cond3A_92 = arith.cmpi ne, %convert_element_type3A_90, %cond3A_91 : i32
        scf.if %cond3A_92 {
          %ge3A = arith.constant 1 : i32
          %ge3A_93 = arith.cmpi sge, %scan3A_52, %ge3A : i32
          %convert_element_type3A_94 = arith.extui %ge3A_93 : i1 to i32
          %cond3A_95 = arith.constant 0 : i32
          %cond3A_96 = arith.cmpi ne, %convert_element_type3A_94, %cond3A_95 : i32
          scf.if %cond3A_96 {
            %sub3A = arith.constant 1 : i32
            %sub3A_108 = arith.subi %scan3A_52, %sub3A : i32
            %mul3A_109 = arith.constant 80 : i32
            %mul3A_110 = arith.muli %sub3A_108, %mul3A_109 : i32
            %add3A_111 = arith.addi %mul3A_2, %mul3A_110 : i32
            %dma_wait3A_112 = arith.constant 0 : i32
            %dma_wait3A_113 = tpu.memref_slice %arg6[%add3A_111, %dma_wait3A_112] : memref<320000x128xi32, #tpu.memory_space<hbm>> -> memref<80x128xi32, #tpu.memory_space<hbm>>
            %dma_wait3A_114 = arith.constant 0 : i32
            %dma_wait3A_115 = tpu.memref_slice %arg6[%add3A_111, %dma_wait3A_114] : memref<320000x128xi32, #tpu.memory_space<hbm>> -> memref<80x128xi32, #tpu.memory_space<hbm>>
            tpu.wait_dma2 semaphore(%arg27 : memref<!tpu.dma_semaphore, #tpu.memory_space<semaphore_mem>>) src(%arg16 : memref<80x128xi32, #tpu.memory_space<vmem>>) dst(%dma_wait3A_115 : memref<80x128xi32, #tpu.memory_space<hbm>>)
            %dma_wait3A_116 = arith.constant 0 : i32
            %dma_wait3A_117 = tpu.memref_slice %arg7[%add3A_111, %dma_wait3A_116] : memref<320000x128xi32, #tpu.memory_space<hbm>> -> memref<80x128xi32, #tpu.memory_space<hbm>>
            %dma_wait3A_118 = arith.constant 0 : i32
            %dma_wait3A_119 = tpu.memref_slice %arg7[%add3A_111, %dma_wait3A_118] : memref<320000x128xi32, #tpu.memory_space<hbm>> -> memref<80x128xi32, #tpu.memory_space<hbm>>
            tpu.wait_dma2 semaphore(%arg27 : memref<!tpu.dma_semaphore, #tpu.memory_space<semaphore_mem>>) src(%arg17 : memref<80x128xi32, #tpu.memory_space<vmem>>) dst(%dma_wait3A_119 : memref<80x128xi32, #tpu.memory_space<hbm>>)
          } else {
          }
          %add3A_97 = arith.constant 2 : i32
          %add3A_98 = arith.addi %scan3A_52, %add3A_97 : i32
          %mul3A_99 = arith.constant 80 : i32
          %mul3A_100 = arith.muli %add3A_98, %mul3A_99 : i32
          %add3A_101 = arith.addi %mul3A_2, %mul3A_100 : i32
          "tpu.region"() ({
            %run_scoped3A = tpu.sem_alloc : memref<!tpu.dma_semaphore, #tpu.memory_space<semaphore_mem>>
            %dma_start3A_108 = tpu.memref_slice %arg4[%add3A_101] : memref<320000xi32, #tpu.memory_space<hbm>> -> memref<80xi32, #tpu.memory_space<hbm>>
            %dma_start3A_109 = tpu.memref_slice %arg4[%add3A_101] : memref<320000xi32, #tpu.memory_space<hbm>> -> memref<80xi32, #tpu.memory_space<hbm>>
            tpu.enqueue_dma source(%dma_start3A_109 : memref<80xi32, #tpu.memory_space<hbm>>) target(%arg10 : memref<80xi32, #tpu.memory_space<vmem>>) target_semaphore(%run_scoped3A : memref<!tpu.dma_semaphore, #tpu.memory_space<semaphore_mem>>)
            %dma_wait3A_110 = tpu.memref_slice %arg4[%add3A_101] : memref<320000xi32, #tpu.memory_space<hbm>> -> memref<80xi32, #tpu.memory_space<hbm>>
            %dma_wait3A_111 = tpu.memref_slice %arg4[%add3A_101] : memref<320000xi32, #tpu.memory_space<hbm>> -> memref<80xi32, #tpu.memory_space<hbm>>
            tpu.wait_dma2 semaphore(%run_scoped3A : memref<!tpu.dma_semaphore, #tpu.memory_space<semaphore_mem>>) src(%dma_wait3A_111 : memref<80xi32, #tpu.memory_space<hbm>>) dst(%arg10 : memref<80xi32, #tpu.memory_space<vmem>>)
            tpu.yield
          }) : () -> ()
          "tpu.region"() ({
            %run_scoped3A = tpu.sem_alloc : memref<!tpu.dma_semaphore, #tpu.memory_space<semaphore_mem>>
            %dma_start3A_108 = tpu.memref_slice %arg5[%add3A_101] : memref<320000xi32, #tpu.memory_space<hbm>> -> memref<80xi32, #tpu.memory_space<hbm>>
            %dma_start3A_109 = tpu.memref_slice %arg5[%add3A_101] : memref<320000xi32, #tpu.memory_space<hbm>> -> memref<80xi32, #tpu.memory_space<hbm>>
            tpu.enqueue_dma source(%dma_start3A_109 : memref<80xi32, #tpu.memory_space<hbm>>) target(%arg11 : memref<80xi32, #tpu.memory_space<vmem>>) target_semaphore(%run_scoped3A : memref<!tpu.dma_semaphore, #tpu.memory_space<semaphore_mem>>)
            %dma_wait3A_110 = tpu.memref_slice %arg5[%add3A_101] : memref<320000xi32, #tpu.memory_space<hbm>> -> memref<80xi32, #tpu.memory_space<hbm>>
            %dma_wait3A_111 = tpu.memref_slice %arg5[%add3A_101] : memref<320000xi32, #tpu.memory_space<hbm>> -> memref<80xi32, #tpu.memory_space<hbm>>
            tpu.wait_dma2 semaphore(%run_scoped3A : memref<!tpu.dma_semaphore, #tpu.memory_space<semaphore_mem>>) src(%dma_wait3A_111 : memref<80xi32, #tpu.memory_space<hbm>>) dst(%arg11 : memref<80xi32, #tpu.memory_space<vmem>>)
            tpu.yield
          }) : () -> ()
          %dma_start3A_102 = arith.constant 0 : i32
          %dma_start3A_103 = arith.constant 0 : i32
          %dma_start3A_104 = tpu.memref_slice %arg2[%dma_start3A_102, %dma_start3A_103] : memref<10000x128xi32, #tpu.memory_space<hbm>> -> memref<10000x128xi32, #tpu.memory_space<hbm>>
          tpu.enqueue_indirect_dma source(%dma_start3A_104 : memref<10000x128xi32, #tpu.memory_space<hbm>>) target(%arg16 : memref<80x128xi32, #tpu.memory_space<vmem>>) offsets(%arg10 : memref<80xi32, #tpu.memory_space<vmem>>) semaphore(%arg22 : memref<!tpu.dma_semaphore, #tpu.memory_space<semaphore_mem>>)
          %dma_start3A_105 = arith.constant 0 : i32
          %dma_start3A_106 = arith.constant 0 : i32
          %dma_start3A_107 = tpu.memref_slice %arg3[%dma_start3A_105, %dma_start3A_106] : memref<10000x128xi32, #tpu.memory_space<hbm>> -> memref<10000x128xi32, #tpu.memory_space<hbm>>
          tpu.enqueue_indirect_dma source(%dma_start3A_107 : memref<10000x128xi32, #tpu.memory_space<hbm>>) target(%arg17 : memref<80x128xi32, #tpu.memory_space<vmem>>) offsets(%arg11 : memref<80xi32, #tpu.memory_space<vmem>>) semaphore(%arg23 : memref<!tpu.dma_semaphore, #tpu.memory_space<semaphore_mem>>)
        } else {
        }
      } else {
      }
    }
    %scan3A_22 = arith.constant 125 : i32
    %add3A_23 = arith.constant 9760 : i32
    %add3A_24 = arith.addi %mul3A_2, %add3A_23 : i32
    %dma_wait3A = arith.constant 0 : i32
    %dma_wait3A_25 = tpu.memref_slice %arg6[%add3A_24, %dma_wait3A] : memref<320000x128xi32, #tpu.memory_space<hbm>> -> memref<80x128xi32, #tpu.memory_space<hbm>>
    %dma_wait3A_26 = arith.constant 0 : i32
    %dma_wait3A_27 = tpu.memref_slice %arg6[%add3A_24, %dma_wait3A_26] : memref<320000x128xi32, #tpu.memory_space<hbm>> -> memref<80x128xi32, #tpu.memory_space<hbm>>
    tpu.wait_dma2 semaphore(%arg28 : memref<!tpu.dma_semaphore, #tpu.memory_space<semaphore_mem>>) src(%arg18 : memref<80x128xi32, #tpu.memory_space<vmem>>) dst(%dma_wait3A_27 : memref<80x128xi32, #tpu.memory_space<hbm>>)
    %dma_wait3A_28 = arith.constant 0 : i32
    %dma_wait3A_29 = tpu.memref_slice %arg7[%add3A_24, %dma_wait3A_28] : memref<320000x128xi32, #tpu.memory_space<hbm>> -> memref<80x128xi32, #tpu.memory_space<hbm>>
    %dma_wait3A_30 = arith.constant 0 : i32
    %dma_wait3A_31 = tpu.memref_slice %arg7[%add3A_24, %dma_wait3A_30] : memref<320000x128xi32, #tpu.memory_space<hbm>> -> memref<80x128xi32, #tpu.memory_space<hbm>>
    tpu.wait_dma2 semaphore(%arg28 : memref<!tpu.dma_semaphore, #tpu.memory_space<semaphore_mem>>) src(%arg19 : memref<80x128xi32, #tpu.memory_space<vmem>>) dst(%dma_wait3A_31 : memref<80x128xi32, #tpu.memory_space<hbm>>)
    %add3A_32 = arith.constant 9840 : i32
    %add3A_33 = arith.addi %mul3A_2, %add3A_32 : i32
    %dma_wait3A_34 = arith.constant 0 : i32
    %dma_wait3A_35 = tpu.memref_slice %arg6[%add3A_33, %dma_wait3A_34] : memref<320000x128xi32, #tpu.memory_space<hbm>> -> memref<80x128xi32, #tpu.memory_space<hbm>>
    %dma_wait3A_36 = arith.constant 0 : i32
    %dma_wait3A_37 = tpu.memref_slice %arg6[%add3A_33, %dma_wait3A_36] : memref<320000x128xi32, #tpu.memory_space<hbm>> -> memref<80x128xi32, #tpu.memory_space<hbm>>
    tpu.wait_dma2 semaphore(%arg26 : memref<!tpu.dma_semaphore, #tpu.memory_space<semaphore_mem>>) src(%arg14 : memref<80x128xi32, #tpu.memory_space<vmem>>) dst(%dma_wait3A_37 : memref<80x128xi32, #tpu.memory_space<hbm>>)
    %dma_wait3A_38 = arith.constant 0 : i32
    %dma_wait3A_39 = tpu.memref_slice %arg7[%add3A_33, %dma_wait3A_38] : memref<320000x128xi32, #tpu.memory_space<hbm>> -> memref<80x128xi32, #tpu.memory_space<hbm>>
    %dma_wait3A_40 = arith.constant 0 : i32
    %dma_wait3A_41 = tpu.memref_slice %arg7[%add3A_33, %dma_wait3A_40] : memref<320000x128xi32, #tpu.memory_space<hbm>> -> memref<80x128xi32, #tpu.memory_space<hbm>>
    tpu.wait_dma2 semaphore(%arg26 : memref<!tpu.dma_semaphore, #tpu.memory_space<semaphore_mem>>) src(%arg15 : memref<80x128xi32, #tpu.memory_space<vmem>>) dst(%dma_wait3A_41 : memref<80x128xi32, #tpu.memory_space<hbm>>)
    %add3A_42 = arith.constant 9920 : i32
    %add3A_43 = arith.addi %mul3A_2, %add3A_42 : i32
    %dma_wait3A_44 = arith.constant 0 : i32
    %dma_wait3A_45 = tpu.memref_slice %arg6[%add3A_43, %dma_wait3A_44] : memref<320000x128xi32, #tpu.memory_space<hbm>> -> memref<80x128xi32, #tpu.memory_space<hbm>>
    %dma_wait3A_46 = arith.constant 0 : i32
    %dma_wait3A_47 = tpu.memref_slice %arg6[%add3A_43, %dma_wait3A_46] : memref<320000x128xi32, #tpu.memory_space<hbm>> -> memref<80x128xi32, #tpu.memory_space<hbm>>
    tpu.wait_dma2 semaphore(%arg27 : memref<!tpu.dma_semaphore, #tpu.memory_space<semaphore_mem>>) src(%arg16 : memref<80x128xi32, #tpu.memory_space<vmem>>) dst(%dma_wait3A_47 : memref<80x128xi32, #tpu.memory_space<hbm>>)
    %dma_wait3A_48 = arith.constant 0 : i32
    %dma_wait3A_49 = tpu.memref_slice %arg7[%add3A_43, %dma_wait3A_48] : memref<320000x128xi32, #tpu.memory_space<hbm>> -> memref<80x128xi32, #tpu.memory_space<hbm>>
    %dma_wait3A_50 = arith.constant 0 : i32
    %dma_wait3A_51 = tpu.memref_slice %arg7[%add3A_43, %dma_wait3A_50] : memref<320000x128xi32, #tpu.memory_space<hbm>> -> memref<80x128xi32, #tpu.memory_space<hbm>>
    tpu.wait_dma2 semaphore(%arg27 : memref<!tpu.dma_semaphore, #tpu.memory_space<semaphore_mem>>) src(%arg17 : memref<80x128xi32, #tpu.memory_space<vmem>>) dst(%dma_wait3A_51 : memref<80x128xi32, #tpu.memory_space<hbm>>)
    return
  }
}

#map = affine_map<(d0, d1) -> (0, 0)>
#map1 = affine_map<(d0, d1) -> (0)>
module attributes {stable_mosaic.version = 14 : i64} {
  func.func @scatter_k(%arg0: i32, %arg1: i32, %arg2: memref<320000x128xf32, #tpu.memory_space<hbm>>, %arg3: memref<320000xi32, #tpu.memory_space<hbm>>, %arg4: memref<10240x128xf32, #tpu.memory_space<hbm>>, %arg5: memref<10240x128xf32, #tpu.memory_space<hbm>>, %arg6: memref<10240x128xf32, #tpu.memory_space<hbm>>, %arg7: memref<80xi32, #tpu.memory_space<vmem>>, %arg8: memref<80xi32, #tpu.memory_space<vmem>>, %arg9: memref<80x128xf32, #tpu.memory_space<vmem>>, %arg10: memref<80x128xf32, #tpu.memory_space<vmem>>, %arg11: memref<10240x128xf32, #tpu.memory_space<vmem_shared>>, %arg12: memref<!tpu.dma_semaphore, #tpu.memory_space<semaphore_mem>>, %arg13: memref<!tpu.dma_semaphore, #tpu.memory_space<semaphore_mem>>) attributes {dimension_semantics = [#tpu.dimension_semantics<core_parallel>, #tpu.dimension_semantics<subcore_parallel>], iteration_bounds = array<i64: 2, 16>, scalar_prefetch = 0 : i64, scratch_operands = 7 : i64, tpu.core_type = #tpu.core_type<sc_vector_subcore>, window_params = [{transform_indices = #map}, {transform_indices = #map1}, {transform_indices = #map}, {transform_indices = #map}, {transform_indices = #map}]} {
    %mul3A = arith.constant 640 : i32
    %mul3A_0 = arith.muli %arg1, %mul3A : i32
    "tpu.region"() ({
      %run_scoped3A = tpu.sem_alloc : memref<!tpu.dma_semaphore, #tpu.memory_space<semaphore_mem>>
      %dma_start3A_25 = arith.constant 0 : i32
      %dma_start3A_26 = tpu.memref_slice %arg11[%mul3A_0, %dma_start3A_25] : memref<10240x128xf32, #tpu.memory_space<vmem_shared>> -> memref<640x128xf32, #tpu.memory_space<vmem_shared>>
      %dma_start3A_27 = arith.constant 0 : i32
      %dma_start3A_28 = tpu.memref_slice %arg4[%mul3A_0, %dma_start3A_27] : memref<10240x128xf32, #tpu.memory_space<hbm>> -> memref<640x128xf32, #tpu.memory_space<hbm>>
      tpu.enqueue_dma source(%dma_start3A_28 : memref<640x128xf32, #tpu.memory_space<hbm>>) target(%dma_start3A_26 : memref<640x128xf32, #tpu.memory_space<vmem_shared>>) target_semaphore(%run_scoped3A : memref<!tpu.dma_semaphore, #tpu.memory_space<semaphore_mem>>)
      %dma_wait3A = arith.constant 0 : i32
      %dma_wait3A_29 = tpu.memref_slice %arg11[%mul3A_0, %dma_wait3A] : memref<10240x128xf32, #tpu.memory_space<vmem_shared>> -> memref<640x128xf32, #tpu.memory_space<vmem_shared>>
      %dma_wait3A_30 = arith.constant 0 : i32
      %dma_wait3A_31 = tpu.memref_slice %arg4[%mul3A_0, %dma_wait3A_30] : memref<10240x128xf32, #tpu.memory_space<hbm>> -> memref<640x128xf32, #tpu.memory_space<hbm>>
      tpu.wait_dma2 semaphore(%run_scoped3A : memref<!tpu.dma_semaphore, #tpu.memory_space<semaphore_mem>>) src(%dma_wait3A_31 : memref<640x128xf32, #tpu.memory_space<hbm>>) dst(%dma_wait3A_29 : memref<640x128xf32, #tpu.memory_space<vmem_shared>>)
      tpu.yield
    }) : () -> ()
    %barrier3A = arith.constant 0 : index
    tpu.barrier barrier_id(%barrier3A)
    %mul3A_1 = arith.constant 16 : i32
    %mul3A_2 = arith.muli %arg0, %mul3A_1 : i32
    %add3A = arith.addi %mul3A_2, %arg1 : i32
    %mul3A_3 = arith.constant 10000 : i32
    %mul3A_4 = arith.muli %add3A, %mul3A_3 : i32
    %add3A_5 = arith.constant 0 : i32
    %add3A_6 = arith.addi %mul3A_4, %add3A_5 : i32
    %dma_start3A = tpu.memref_slice %arg3[%add3A_6] : memref<320000xi32, #tpu.memory_space<hbm>> -> memref<80xi32, #tpu.memory_space<hbm>>
    %dma_start3A_7 = tpu.memref_slice %arg3[%add3A_6] : memref<320000xi32, #tpu.memory_space<hbm>> -> memref<80xi32, #tpu.memory_space<hbm>>
    tpu.enqueue_dma source(%dma_start3A_7 : memref<80xi32, #tpu.memory_space<hbm>>) target(%arg7 : memref<80xi32, #tpu.memory_space<vmem>>) target_semaphore(%arg12 : memref<!tpu.dma_semaphore, #tpu.memory_space<semaphore_mem>>)
    %dma_start3A_8 = arith.constant 0 : i32
    %dma_start3A_9 = tpu.memref_slice %arg2[%add3A_6, %dma_start3A_8] : memref<320000x128xf32, #tpu.memory_space<hbm>> -> memref<80x128xf32, #tpu.memory_space<hbm>>
    %dma_start3A_10 = arith.constant 0 : i32
    %dma_start3A_11 = tpu.memref_slice %arg2[%add3A_6, %dma_start3A_10] : memref<320000x128xf32, #tpu.memory_space<hbm>> -> memref<80x128xf32, #tpu.memory_space<hbm>>
    tpu.enqueue_dma source(%dma_start3A_11 : memref<80x128xf32, #tpu.memory_space<hbm>>) target(%arg9 : memref<80x128xf32, #tpu.memory_space<vmem>>) target_semaphore(%arg12 : memref<!tpu.dma_semaphore, #tpu.memory_space<semaphore_mem>>)
    %scan3A = arith.constant 0 : i32
    %scan3A_12 = arith.constant 0 : i32
    %scan3A_13 = arith.constant 125 : i32
    %scan3A_14 = arith.addi %scan3A_12, %scan3A_13 : i32
    %scan3A_15 = arith.constant 1 : i32
    scf.for %scan3A_25 = %scan3A_12 to %scan3A_14 step %scan3A_15  : i32 {
      %rem3A = arith.constant 2 : i32
      %rem3A_26 = arith.remsi %scan3A_25, %rem3A : i32
      %eq3A_27 = arith.constant 0 : i32
      %eq3A_28 = arith.cmpi eq, %rem3A_26, %eq3A_27 : i32
      %convert_element_type3A_29 = arith.extui %eq3A_28 : i1 to i32
      %cond3A_30 = arith.constant 0 : i32
      %cond3A_31 = arith.cmpi ne, %convert_element_type3A_29, %cond3A_30 : i32
      scf.if %cond3A_31 {
        %mul3A_39 = arith.constant 80 : i32
        %mul3A_40 = arith.muli %scan3A_25, %mul3A_39 : i32
        %add3A_41 = arith.addi %mul3A_4, %mul3A_40 : i32
        %dma_wait3A = tpu.memref_slice %arg3[%add3A_41] : memref<320000xi32, #tpu.memory_space<hbm>> -> memref<80xi32, #tpu.memory_space<hbm>>
        %dma_wait3A_42 = tpu.memref_slice %arg3[%add3A_41] : memref<320000xi32, #tpu.memory_space<hbm>> -> memref<80xi32, #tpu.memory_space<hbm>>
        tpu.wait_dma2 semaphore(%arg12 : memref<!tpu.dma_semaphore, #tpu.memory_space<semaphore_mem>>) src(%dma_wait3A_42 : memref<80xi32, #tpu.memory_space<hbm>>) dst(%arg7 : memref<80xi32, #tpu.memory_space<vmem>>)
        %dma_wait3A_43 = arith.constant 0 : i32
        %dma_wait3A_44 = tpu.memref_slice %arg2[%add3A_41, %dma_wait3A_43] : memref<320000x128xf32, #tpu.memory_space<hbm>> -> memref<80x128xf32, #tpu.memory_space<hbm>>
        %dma_wait3A_45 = arith.constant 0 : i32
        %dma_wait3A_46 = tpu.memref_slice %arg2[%add3A_41, %dma_wait3A_45] : memref<320000x128xf32, #tpu.memory_space<hbm>> -> memref<80x128xf32, #tpu.memory_space<hbm>>
        tpu.wait_dma2 semaphore(%arg12 : memref<!tpu.dma_semaphore, #tpu.memory_space<semaphore_mem>>) src(%dma_wait3A_46 : memref<80x128xf32, #tpu.memory_space<hbm>>) dst(%arg9 : memref<80x128xf32, #tpu.memory_space<vmem>>)
        %add3A_47 = arith.constant 1 : i32
        %add3A_48 = arith.addi %scan3A_25, %add3A_47 : i32
        %lt3A = arith.constant 125 : i32
        %lt3A_49 = arith.cmpi slt, %add3A_48, %lt3A : i32
        %convert_element_type3A_50 = arith.extui %lt3A_49 : i1 to i32
        %cond3A_51 = arith.constant 0 : i32
        %cond3A_52 = arith.cmpi ne, %convert_element_type3A_50, %cond3A_51 : i32
        scf.if %cond3A_52 {
          %add3A_53 = arith.constant 1 : i32
          %add3A_54 = arith.addi %scan3A_25, %add3A_53 : i32
          %mul3A_55 = arith.constant 80 : i32
          %mul3A_56 = arith.muli %add3A_54, %mul3A_55 : i32
          %add3A_57 = arith.addi %mul3A_4, %mul3A_56 : i32
          %dma_start3A_58 = tpu.memref_slice %arg3[%add3A_57] : memref<320000xi32, #tpu.memory_space<hbm>> -> memref<80xi32, #tpu.memory_space<hbm>>
          %dma_start3A_59 = tpu.memref_slice %arg3[%add3A_57] : memref<320000xi32, #tpu.memory_space<hbm>> -> memref<80xi32, #tpu.memory_space<hbm>>
          tpu.enqueue_dma source(%dma_start3A_59 : memref<80xi32, #tpu.memory_space<hbm>>) target(%arg8 : memref<80xi32, #tpu.memory_space<vmem>>) target_semaphore(%arg13 : memref<!tpu.dma_semaphore, #tpu.memory_space<semaphore_mem>>)
          %dma_start3A_60 = arith.constant 0 : i32
          %dma_start3A_61 = tpu.memref_slice %arg2[%add3A_57, %dma_start3A_60] : memref<320000x128xf32, #tpu.memory_space<hbm>> -> memref<80x128xf32, #tpu.memory_space<hbm>>
          %dma_start3A_62 = arith.constant 0 : i32
          %dma_start3A_63 = tpu.memref_slice %arg2[%add3A_57, %dma_start3A_62] : memref<320000x128xf32, #tpu.memory_space<hbm>> -> memref<80x128xf32, #tpu.memory_space<hbm>>
          tpu.enqueue_dma source(%dma_start3A_63 : memref<80x128xf32, #tpu.memory_space<hbm>>) target(%arg10 : memref<80x128xf32, #tpu.memory_space<vmem>>) target_semaphore(%arg13 : memref<!tpu.dma_semaphore, #tpu.memory_space<semaphore_mem>>)
        } else {
        }
        "tpu.region"() ({
          %run_scoped3A = tpu.sem_alloc : memref<!tpu.dma_semaphore, #tpu.memory_space<semaphore_mem>>
          %dma_start3A_53 = arith.constant 0 : i32
          %dma_start3A_54 = arith.constant 0 : i32
          %dma_start3A_55 = tpu.memref_slice %arg11[%dma_start3A_53, %dma_start3A_54] : memref<10240x128xf32, #tpu.memory_space<vmem_shared>> -> memref<10240x128xf32, #tpu.memory_space<vmem_shared>>
          tpu.enqueue_indirect_dma source(%arg9 : memref<80x128xf32, #tpu.memory_space<vmem>>) target(%dma_start3A_55 : memref<10240x128xf32, #tpu.memory_space<vmem_shared>>) offsets(%arg7 : memref<80xi32, #tpu.memory_space<vmem>>) semaphore(%run_scoped3A : memref<!tpu.dma_semaphore, #tpu.memory_space<semaphore_mem>>) {add = true}
          %dma_wait3A_56 = arith.constant 0 : i32
          %dma_wait3A_57 = arith.constant 0 : i32
          %dma_wait3A_58 = tpu.memref_slice %arg11[%dma_wait3A_56, %dma_wait3A_57] : memref<10240x128xf32, #tpu.memory_space<vmem_shared>> -> memref<10240x128xf32, #tpu.memory_space<vmem_shared>>
          tpu.wait_indirect_dma semaphore(%run_scoped3A : memref<!tpu.dma_semaphore, #tpu.memory_space<semaphore_mem>>) src(%arg9 : memref<80x128xf32, #tpu.memory_space<vmem>>) dst(%dma_wait3A_58 : memref<10240x128xf32, #tpu.memory_space<vmem_shared>>)
          tpu.yield
        }) : () -> ()
      } else {
      }
      %rem3A_32 = arith.constant 2 : i32
      %rem3A_33 = arith.remsi %scan3A_25, %rem3A_32 : i32
      %eq3A_34 = arith.constant 1 : i32
      %eq3A_35 = arith.cmpi eq, %rem3A_33, %eq3A_34 : i32
      %convert_element_type3A_36 = arith.extui %eq3A_35 : i1 to i32
      %cond3A_37 = arith.constant 0 : i32
      %cond3A_38 = arith.cmpi ne, %convert_element_type3A_36, %cond3A_37 : i32
      scf.if %cond3A_38 {
        %mul3A_39 = arith.constant 80 : i32
        %mul3A_40 = arith.muli %scan3A_25, %mul3A_39 : i32
        %add3A_41 = arith.addi %mul3A_4, %mul3A_40 : i32
        %dma_wait3A = tpu.memref_slice %arg3[%add3A_41] : memref<320000xi32, #tpu.memory_space<hbm>> -> memref<80xi32, #tpu.memory_space<hbm>>
        %dma_wait3A_42 = tpu.memref_slice %arg3[%add3A_41] : memref<320000xi32, #tpu.memory_space<hbm>> -> memref<80xi32, #tpu.memory_space<hbm>>
        tpu.wait_dma2 semaphore(%arg13 : memref<!tpu.dma_semaphore, #tpu.memory_space<semaphore_mem>>) src(%dma_wait3A_42 : memref<80xi32, #tpu.memory_space<hbm>>) dst(%arg8 : memref<80xi32, #tpu.memory_space<vmem>>)
        %dma_wait3A_43 = arith.constant 0 : i32
        %dma_wait3A_44 = tpu.memref_slice %arg2[%add3A_41, %dma_wait3A_43] : memref<320000x128xf32, #tpu.memory_space<hbm>> -> memref<80x128xf32, #tpu.memory_space<hbm>>
        %dma_wait3A_45 = arith.constant 0 : i32
        %dma_wait3A_46 = tpu.memref_slice %arg2[%add3A_41, %dma_wait3A_45] : memref<320000x128xf32, #tpu.memory_space<hbm>> -> memref<80x128xf32, #tpu.memory_space<hbm>>
        tpu.wait_dma2 semaphore(%arg13 : memref<!tpu.dma_semaphore, #tpu.memory_space<semaphore_mem>>) src(%dma_wait3A_46 : memref<80x128xf32, #tpu.memory_space<hbm>>) dst(%arg10 : memref<80x128xf32, #tpu.memory_space<vmem>>)
        %add3A_47 = arith.constant 1 : i32
        %add3A_48 = arith.addi %scan3A_25, %add3A_47 : i32
        %lt3A = arith.constant 125 : i32
        %lt3A_49 = arith.cmpi slt, %add3A_48, %lt3A : i32
        %convert_element_type3A_50 = arith.extui %lt3A_49 : i1 to i32
        %cond3A_51 = arith.constant 0 : i32
        %cond3A_52 = arith.cmpi ne, %convert_element_type3A_50, %cond3A_51 : i32
        scf.if %cond3A_52 {
          %add3A_53 = arith.constant 1 : i32
          %add3A_54 = arith.addi %scan3A_25, %add3A_53 : i32
          %mul3A_55 = arith.constant 80 : i32
          %mul3A_56 = arith.muli %add3A_54, %mul3A_55 : i32
          %add3A_57 = arith.addi %mul3A_4, %mul3A_56 : i32
          %dma_start3A_58 = tpu.memref_slice %arg3[%add3A_57] : memref<320000xi32, #tpu.memory_space<hbm>> -> memref<80xi32, #tpu.memory_space<hbm>>
          %dma_start3A_59 = tpu.memref_slice %arg3[%add3A_57] : memref<320000xi32, #tpu.memory_space<hbm>> -> memref<80xi32, #tpu.memory_space<hbm>>
          tpu.enqueue_dma source(%dma_start3A_59 : memref<80xi32, #tpu.memory_space<hbm>>) target(%arg7 : memref<80xi32, #tpu.memory_space<vmem>>) target_semaphore(%arg12 : memref<!tpu.dma_semaphore, #tpu.memory_space<semaphore_mem>>)
          %dma_start3A_60 = arith.constant 0 : i32
          %dma_start3A_61 = tpu.memref_slice %arg2[%add3A_57, %dma_start3A_60] : memref<320000x128xf32, #tpu.memory_space<hbm>> -> memref<80x128xf32, #tpu.memory_space<hbm>>
          %dma_start3A_62 = arith.constant 0 : i32
          %dma_start3A_63 = tpu.memref_slice %arg2[%add3A_57, %dma_start3A_62] : memref<320000x128xf32, #tpu.memory_space<hbm>> -> memref<80x128xf32, #tpu.memory_space<hbm>>
          tpu.enqueue_dma source(%dma_start3A_63 : memref<80x128xf32, #tpu.memory_space<hbm>>) target(%arg9 : memref<80x128xf32, #tpu.memory_space<vmem>>) target_semaphore(%arg12 : memref<!tpu.dma_semaphore, #tpu.memory_space<semaphore_mem>>)
        } else {
        }
        "tpu.region"() ({
          %run_scoped3A = tpu.sem_alloc : memref<!tpu.dma_semaphore, #tpu.memory_space<semaphore_mem>>
          %dma_start3A_53 = arith.constant 0 : i32
          %dma_start3A_54 = arith.constant 0 : i32
          %dma_start3A_55 = tpu.memref_slice %arg11[%dma_start3A_53, %dma_start3A_54] : memref<10240x128xf32, #tpu.memory_space<vmem_shared>> -> memref<10240x128xf32, #tpu.memory_space<vmem_shared>>
          tpu.enqueue_indirect_dma source(%arg10 : memref<80x128xf32, #tpu.memory_space<vmem>>) target(%dma_start3A_55 : memref<10240x128xf32, #tpu.memory_space<vmem_shared>>) offsets(%arg8 : memref<80xi32, #tpu.memory_space<vmem>>) semaphore(%run_scoped3A : memref<!tpu.dma_semaphore, #tpu.memory_space<semaphore_mem>>) {add = true}
          %dma_wait3A_56 = arith.constant 0 : i32
          %dma_wait3A_57 = arith.constant 0 : i32
          %dma_wait3A_58 = tpu.memref_slice %arg11[%dma_wait3A_56, %dma_wait3A_57] : memref<10240x128xf32, #tpu.memory_space<vmem_shared>> -> memref<10240x128xf32, #tpu.memory_space<vmem_shared>>
          tpu.wait_indirect_dma semaphore(%run_scoped3A : memref<!tpu.dma_semaphore, #tpu.memory_space<semaphore_mem>>) src(%arg10 : memref<80x128xf32, #tpu.memory_space<vmem>>) dst(%dma_wait3A_58 : memref<10240x128xf32, #tpu.memory_space<vmem_shared>>)
          tpu.yield
        }) : () -> ()
      } else {
      }
    }
    %scan3A_16 = arith.constant 125 : i32
    %barrier3A_17 = arith.constant 0 : index
    tpu.barrier barrier_id(%barrier3A_17)
    %eq3A = arith.constant 0 : i32
    %eq3A_18 = arith.cmpi eq, %arg0, %eq3A : i32
    %convert_element_type3A = arith.extui %eq3A_18 : i1 to i32
    %cond3A = arith.constant 0 : i32
    %cond3A_19 = arith.cmpi ne, %convert_element_type3A, %cond3A : i32
    scf.if %cond3A_19 {
      "tpu.region"() ({
        %run_scoped3A = tpu.sem_alloc : memref<!tpu.dma_semaphore, #tpu.memory_space<semaphore_mem>>
        %dma_start3A_25 = arith.constant 0 : i32
        %dma_start3A_26 = tpu.memref_slice %arg5[%mul3A_0, %dma_start3A_25] : memref<10240x128xf32, #tpu.memory_space<hbm>> -> memref<640x128xf32, #tpu.memory_space<hbm>>
        %dma_start3A_27 = arith.constant 0 : i32
        %dma_start3A_28 = tpu.memref_slice %arg11[%mul3A_0, %dma_start3A_27] : memref<10240x128xf32, #tpu.memory_space<vmem_shared>> -> memref<640x128xf32, #tpu.memory_space<vmem_shared>>
        tpu.enqueue_dma source(%dma_start3A_28 : memref<640x128xf32, #tpu.memory_space<vmem_shared>>) target(%dma_start3A_26 : memref<640x128xf32, #tpu.memory_space<hbm>>) target_semaphore(%run_scoped3A : memref<!tpu.dma_semaphore, #tpu.memory_space<semaphore_mem>>)
        %dma_wait3A = arith.constant 0 : i32
        %dma_wait3A_29 = tpu.memref_slice %arg5[%mul3A_0, %dma_wait3A] : memref<10240x128xf32, #tpu.memory_space<hbm>> -> memref<640x128xf32, #tpu.memory_space<hbm>>
        %dma_wait3A_30 = arith.constant 0 : i32
        %dma_wait3A_31 = tpu.memref_slice %arg11[%mul3A_0, %dma_wait3A_30] : memref<10240x128xf32, #tpu.memory_space<vmem_shared>> -> memref<640x128xf32, #tpu.memory_space<vmem_shared>>
        tpu.wait_dma2 semaphore(%run_scoped3A : memref<!tpu.dma_semaphore, #tpu.memory_space<semaphore_mem>>) src(%dma_wait3A_31 : memref<640x128xf32, #tpu.memory_space<vmem_shared>>) dst(%dma_wait3A_29 : memref<640x128xf32, #tpu.memory_space<hbm>>)
        tpu.yield
      }) : () -> ()
    } else {
    }
    %eq3A_20 = arith.constant 1 : i32
    %eq3A_21 = arith.cmpi eq, %arg0, %eq3A_20 : i32
    %convert_element_type3A_22 = arith.extui %eq3A_21 : i1 to i32
    %cond3A_23 = arith.constant 0 : i32
    %cond3A_24 = arith.cmpi ne, %convert_element_type3A_22, %cond3A_23 : i32
    scf.if %cond3A_24 {
      "tpu.region"() ({
        %run_scoped3A = tpu.sem_alloc : memref<!tpu.dma_semaphore, #tpu.memory_space<semaphore_mem>>
        %dma_start3A_25 = arith.constant 0 : i32
        %dma_start3A_26 = tpu.memref_slice %arg6[%mul3A_0, %dma_start3A_25] : memref<10240x128xf32, #tpu.memory_space<hbm>> -> memref<640x128xf32, #tpu.memory_space<hbm>>
        %dma_start3A_27 = arith.constant 0 : i32
        %dma_start3A_28 = tpu.memref_slice %arg11[%mul3A_0, %dma_start3A_27] : memref<10240x128xf32, #tpu.memory_space<vmem_shared>> -> memref<640x128xf32, #tpu.memory_space<vmem_shared>>
        tpu.enqueue_dma source(%dma_start3A_28 : memref<640x128xf32, #tpu.memory_space<vmem_shared>>) target(%dma_start3A_26 : memref<640x128xf32, #tpu.memory_space<hbm>>) target_semaphore(%run_scoped3A : memref<!tpu.dma_semaphore, #tpu.memory_space<semaphore_mem>>)
        %dma_wait3A = arith.constant 0 : i32
        %dma_wait3A_29 = tpu.memref_slice %arg6[%mul3A_0, %dma_wait3A] : memref<10240x128xf32, #tpu.memory_space<hbm>> -> memref<640x128xf32, #tpu.memory_space<hbm>>
        %dma_wait3A_30 = arith.constant 0 : i32
        %dma_wait3A_31 = tpu.memref_slice %arg11[%mul3A_0, %dma_wait3A_30] : memref<10240x128xf32, #tpu.memory_space<vmem_shared>> -> memref<640x128xf32, #tpu.memory_space<vmem_shared>>
        tpu.wait_dma2 semaphore(%run_scoped3A : memref<!tpu.dma_semaphore, #tpu.memory_space<semaphore_mem>>) src(%dma_wait3A_31 : memref<640x128xf32, #tpu.memory_space<vmem_shared>>) dst(%dma_wait3A_29 : memref<640x128xf32, #tpu.memory_space<hbm>>)
        tpu.yield
      }) : () -> ()
    } else {
    }
    return
  }
}

#map = affine_map<(d0, d1) -> (0, 0)>
#map1 = affine_map<(d0, d1) -> (0)>
module attributes {stable_mosaic.version = 14 : i64} {
  func.func @gather_k(%arg0: i32, %arg1: i32, %arg2: memref<10000x256xi32, #tpu.memory_space<hbm>>, %arg3: memref<10000x256xi32, #tpu.memory_space<hbm>>, %arg4: memref<320000xi32, #tpu.memory_space<hbm>>, %arg5: memref<320000xi32, #tpu.memory_space<hbm>>, %arg6: memref<320000x256xi32, #tpu.memory_space<hbm>>, %arg7: memref<320000x256xi32, #tpu.memory_space<hbm>>, %arg8: memref<80xi32, #tpu.memory_space<vmem>>, %arg9: memref<80xi32, #tpu.memory_space<vmem>>, %arg10: memref<80xi32, #tpu.memory_space<vmem>>, %arg11: memref<80xi32, #tpu.memory_space<vmem>>, %arg12: memref<80xi32, #tpu.memory_space<vmem>>, %arg13: memref<80xi32, #tpu.memory_space<vmem>>, %arg14: memref<80x256xi32, #tpu.memory_space<vmem>>, %arg15: memref<80x256xi32, #tpu.memory_space<vmem>>, %arg16: memref<80x256xi32, #tpu.memory_space<vmem>>, %arg17: memref<80x256xi32, #tpu.memory_space<vmem>>, %arg18: memref<80x256xi32, #tpu.memory_space<vmem>>, %arg19: memref<80x256xi32, #tpu.memory_space<vmem>>, %arg20: memref<!tpu.dma_semaphore, #tpu.memory_space<semaphore_mem>>, %arg21: memref<!tpu.dma_semaphore, #tpu.memory_space<semaphore_mem>>, %arg22: memref<!tpu.dma_semaphore, #tpu.memory_space<semaphore_mem>>, %arg23: memref<!tpu.dma_semaphore, #tpu.memory_space<semaphore_mem>>, %arg24: memref<!tpu.dma_semaphore, #tpu.memory_space<semaphore_mem>>, %arg25: memref<!tpu.dma_semaphore, #tpu.memory_space<semaphore_mem>>, %arg26: memref<!tpu.dma_semaphore, #tpu.memory_space<semaphore_mem>>, %arg27: memref<!tpu.dma_semaphore, #tpu.memory_space<semaphore_mem>>, %arg28: memref<!tpu.dma_semaphore, #tpu.memory_space<semaphore_mem>>) attributes {dimension_semantics = [#tpu.dimension_semantics<core_parallel>, #tpu.dimension_semantics<subcore_parallel>], iteration_bounds = array<i64: 2, 16>, scalar_prefetch = 0 : i64, scratch_operands = 21 : i64, tpu.core_type = #tpu.core_type<sc_vector_subcore>, window_params = [{transform_indices = #map}, {transform_indices = #map}, {transform_indices = #map1}, {transform_indices = #map1}, {transform_indices = #map}, {transform_indices = #map}]} {
    %mul3A = arith.constant 2 : i32
    %mul3A_0 = arith.muli %arg1, %mul3A : i32
    %add3A = arith.addi %mul3A_0, %arg0 : i32
    %mul3A_1 = arith.constant 10000 : i32
    %mul3A_2 = arith.muli %add3A, %mul3A_1 : i32
    %add3A_3 = arith.constant 0 : i32
    %add3A_4 = arith.addi %mul3A_2, %add3A_3 : i32
    "tpu.region"() ({
      %run_scoped3A = tpu.sem_alloc : memref<!tpu.dma_semaphore, #tpu.memory_space<semaphore_mem>>
      %dma_start3A_52 = tpu.memref_slice %arg4[%add3A_4] : memref<320000xi32, #tpu.memory_space<hbm>> -> memref<80xi32, #tpu.memory_space<hbm>>
      %dma_start3A_53 = tpu.memref_slice %arg4[%add3A_4] : memref<320000xi32, #tpu.memory_space<hbm>> -> memref<80xi32, #tpu.memory_space<hbm>>
      tpu.enqueue_dma source(%dma_start3A_53 : memref<80xi32, #tpu.memory_space<hbm>>) target(%arg8 : memref<80xi32, #tpu.memory_space<vmem>>) target_semaphore(%run_scoped3A : memref<!tpu.dma_semaphore, #tpu.memory_space<semaphore_mem>>)
      %dma_wait3A_54 = tpu.memref_slice %arg4[%add3A_4] : memref<320000xi32, #tpu.memory_space<hbm>> -> memref<80xi32, #tpu.memory_space<hbm>>
      %dma_wait3A_55 = tpu.memref_slice %arg4[%add3A_4] : memref<320000xi32, #tpu.memory_space<hbm>> -> memref<80xi32, #tpu.memory_space<hbm>>
      tpu.wait_dma2 semaphore(%run_scoped3A : memref<!tpu.dma_semaphore, #tpu.memory_space<semaphore_mem>>) src(%dma_wait3A_55 : memref<80xi32, #tpu.memory_space<hbm>>) dst(%arg8 : memref<80xi32, #tpu.memory_space<vmem>>)
      tpu.yield
    }) : () -> ()
    "tpu.region"() ({
      %run_scoped3A = tpu.sem_alloc : memref<!tpu.dma_semaphore, #tpu.memory_space<semaphore_mem>>
      %dma_start3A_52 = tpu.memref_slice %arg5[%add3A_4] : memref<320000xi32, #tpu.memory_space<hbm>> -> memref<80xi32, #tpu.memory_space<hbm>>
      %dma_start3A_53 = tpu.memref_slice %arg5[%add3A_4] : memref<320000xi32, #tpu.memory_space<hbm>> -> memref<80xi32, #tpu.memory_space<hbm>>
      tpu.enqueue_dma source(%dma_start3A_53 : memref<80xi32, #tpu.memory_space<hbm>>) target(%arg9 : memref<80xi32, #tpu.memory_space<vmem>>) target_semaphore(%run_scoped3A : memref<!tpu.dma_semaphore, #tpu.memory_space<semaphore_mem>>)
      %dma_wait3A_54 = tpu.memref_slice %arg5[%add3A_4] : memref<320000xi32, #tpu.memory_space<hbm>> -> memref<80xi32, #tpu.memory_space<hbm>>
      %dma_wait3A_55 = tpu.memref_slice %arg5[%add3A_4] : memref<320000xi32, #tpu.memory_space<hbm>> -> memref<80xi32, #tpu.memory_space<hbm>>
      tpu.wait_dma2 semaphore(%run_scoped3A : memref<!tpu.dma_semaphore, #tpu.memory_space<semaphore_mem>>) src(%dma_wait3A_55 : memref<80xi32, #tpu.memory_space<hbm>>) dst(%arg9 : memref<80xi32, #tpu.memory_space<vmem>>)
      tpu.yield
    }) : () -> ()
    %dma_start3A = arith.constant 0 : i32
    %dma_start3A_5 = arith.constant 0 : i32
    %dma_start3A_6 = tpu.memref_slice %arg2[%dma_start3A, %dma_start3A_5] : memref<10000x256xi32, #tpu.memory_space<hbm>> -> memref<10000x256xi32, #tpu.memory_space<hbm>>
    tpu.enqueue_indirect_dma source(%dma_start3A_6 : memref<10000x256xi32, #tpu.memory_space<hbm>>) target(%arg14 : memref<80x256xi32, #tpu.memory_space<vmem>>) offsets(%arg8 : memref<80xi32, #tpu.memory_space<vmem>>) semaphore(%arg20 : memref<!tpu.dma_semaphore, #tpu.memory_space<semaphore_mem>>)
    %dma_start3A_7 = arith.constant 0 : i32
    %dma_start3A_8 = arith.constant 0 : i32
    %dma_start3A_9 = tpu.memref_slice %arg3[%dma_start3A_7, %dma_start3A_8] : memref<10000x256xi32, #tpu.memory_space<hbm>> -> memref<10000x256xi32, #tpu.memory_space<hbm>>
    tpu.enqueue_indirect_dma source(%dma_start3A_9 : memref<10000x256xi32, #tpu.memory_space<hbm>>) target(%arg15 : memref<80x256xi32, #tpu.memory_space<vmem>>) offsets(%arg9 : memref<80xi32, #tpu.memory_space<vmem>>) semaphore(%arg21 : memref<!tpu.dma_semaphore, #tpu.memory_space<semaphore_mem>>)
    %add3A_10 = arith.constant 80 : i32
    %add3A_11 = arith.addi %mul3A_2, %add3A_10 : i32
    "tpu.region"() ({
      %run_scoped3A = tpu.sem_alloc : memref<!tpu.dma_semaphore, #tpu.memory_space<semaphore_mem>>
      %dma_start3A_52 = tpu.memref_slice %arg4[%add3A_11] : memref<320000xi32, #tpu.memory_space<hbm>> -> memref<80xi32, #tpu.memory_space<hbm>>
      %dma_start3A_53 = tpu.memref_slice %arg4[%add3A_11] : memref<320000xi32, #tpu.memory_space<hbm>> -> memref<80xi32, #tpu.memory_space<hbm>>
      tpu.enqueue_dma source(%dma_start3A_53 : memref<80xi32, #tpu.memory_space<hbm>>) target(%arg10 : memref<80xi32, #tpu.memory_space<vmem>>) target_semaphore(%run_scoped3A : memref<!tpu.dma_semaphore, #tpu.memory_space<semaphore_mem>>)
      %dma_wait3A_54 = tpu.memref_slice %arg4[%add3A_11] : memref<320000xi32, #tpu.memory_space<hbm>> -> memref<80xi32, #tpu.memory_space<hbm>>
      %dma_wait3A_55 = tpu.memref_slice %arg4[%add3A_11] : memref<320000xi32, #tpu.memory_space<hbm>> -> memref<80xi32, #tpu.memory_space<hbm>>
      tpu.wait_dma2 semaphore(%run_scoped3A : memref<!tpu.dma_semaphore, #tpu.memory_space<semaphore_mem>>) src(%dma_wait3A_55 : memref<80xi32, #tpu.memory_space<hbm>>) dst(%arg10 : memref<80xi32, #tpu.memory_space<vmem>>)
      tpu.yield
    }) : () -> ()
    "tpu.region"() ({
      %run_scoped3A = tpu.sem_alloc : memref<!tpu.dma_semaphore, #tpu.memory_space<semaphore_mem>>
      %dma_start3A_52 = tpu.memref_slice %arg5[%add3A_11] : memref<320000xi32, #tpu.memory_space<hbm>> -> memref<80xi32, #tpu.memory_space<hbm>>
      %dma_start3A_53 = tpu.memref_slice %arg5[%add3A_11] : memref<320000xi32, #tpu.memory_space<hbm>> -> memref<80xi32, #tpu.memory_space<hbm>>
      tpu.enqueue_dma source(%dma_start3A_53 : memref<80xi32, #tpu.memory_space<hbm>>) target(%arg11 : memref<80xi32, #tpu.memory_space<vmem>>) target_semaphore(%run_scoped3A : memref<!tpu.dma_semaphore, #tpu.memory_space<semaphore_mem>>)
      %dma_wait3A_54 = tpu.memref_slice %arg5[%add3A_11] : memref<320000xi32, #tpu.memory_space<hbm>> -> memref<80xi32, #tpu.memory_space<hbm>>
      %dma_wait3A_55 = tpu.memref_slice %arg5[%add3A_11] : memref<320000xi32, #tpu.memory_space<hbm>> -> memref<80xi32, #tpu.memory_space<hbm>>
      tpu.wait_dma2 semaphore(%run_scoped3A : memref<!tpu.dma_semaphore, #tpu.memory_space<semaphore_mem>>) src(%dma_wait3A_55 : memref<80xi32, #tpu.memory_space<hbm>>) dst(%arg11 : memref<80xi32, #tpu.memory_space<vmem>>)
      tpu.yield
    }) : () -> ()
    %dma_start3A_12 = arith.constant 0 : i32
    %dma_start3A_13 = arith.constant 0 : i32
    %dma_start3A_14 = tpu.memref_slice %arg2[%dma_start3A_12, %dma_start3A_13] : memref<10000x256xi32, #tpu.memory_space<hbm>> -> memref<10000x256xi32, #tpu.memory_space<hbm>>
    tpu.enqueue_indirect_dma source(%dma_start3A_14 : memref<10000x256xi32, #tpu.memory_space<hbm>>) target(%arg16 : memref<80x256xi32, #tpu.memory_space<vmem>>) offsets(%arg10 : memref<80xi32, #tpu.memory_space<vmem>>) semaphore(%arg22 : memref<!tpu.dma_semaphore, #tpu.memory_space<semaphore_mem>>)
    %dma_start3A_15 = arith.constant 0 : i32
    %dma_start3A_16 = arith.constant 0 : i32
    %dma_start3A_17 = tpu.memref_slice %arg3[%dma_start3A_15, %dma_start3A_16] : memref<10000x256xi32, #tpu.memory_space<hbm>> -> memref<10000x256xi32, #tpu.memory_space<hbm>>
    tpu.enqueue_indirect_dma source(%dma_start3A_17 : memref<10000x256xi32, #tpu.memory_space<hbm>>) target(%arg17 : memref<80x256xi32, #tpu.memory_space<vmem>>) offsets(%arg11 : memref<80xi32, #tpu.memory_space<vmem>>) semaphore(%arg23 : memref<!tpu.dma_semaphore, #tpu.memory_space<semaphore_mem>>)
    %scan3A = arith.constant 0 : i32
    %scan3A_18 = arith.constant 0 : i32
    %scan3A_19 = arith.constant 125 : i32
    %scan3A_20 = arith.addi %scan3A_18, %scan3A_19 : i32
    %scan3A_21 = arith.constant 1 : i32
    scf.for %scan3A_52 = %scan3A_18 to %scan3A_20 step %scan3A_21  : i32 {
      %rem3A = arith.constant 3 : i32
      %rem3A_53 = arith.remsi %scan3A_52, %rem3A : i32
      %eq3A = arith.constant 0 : i32
      %eq3A_54 = arith.cmpi eq, %rem3A_53, %eq3A : i32
      %convert_element_type3A = arith.extui %eq3A_54 : i1 to i32
      %cond3A = arith.constant 0 : i32
      %cond3A_55 = arith.cmpi ne, %convert_element_type3A, %cond3A : i32
      scf.if %cond3A_55 {
        %mul3A_70 = arith.constant 80 : i32
        %mul3A_71 = arith.muli %scan3A_52, %mul3A_70 : i32
        %add3A_72 = arith.addi %mul3A_2, %mul3A_71 : i32
        %dma_wait3A_73 = arith.constant 0 : i32
        %dma_wait3A_74 = arith.constant 0 : i32
        %dma_wait3A_75 = tpu.memref_slice %arg2[%dma_wait3A_73, %dma_wait3A_74] : memref<10000x256xi32, #tpu.memory_space<hbm>> -> memref<10000x256xi32, #tpu.memory_space<hbm>>
        tpu.wait_indirect_dma semaphore(%arg20 : memref<!tpu.dma_semaphore, #tpu.memory_space<semaphore_mem>>) src(%dma_wait3A_75 : memref<10000x256xi32, #tpu.memory_space<hbm>>) dst(%arg14 : memref<80x256xi32, #tpu.memory_space<vmem>>)
        %dma_wait3A_76 = arith.constant 0 : i32
        %dma_wait3A_77 = arith.constant 0 : i32
        %dma_wait3A_78 = tpu.memref_slice %arg3[%dma_wait3A_76, %dma_wait3A_77] : memref<10000x256xi32, #tpu.memory_space<hbm>> -> memref<10000x256xi32, #tpu.memory_space<hbm>>
        tpu.wait_indirect_dma semaphore(%arg21 : memref<!tpu.dma_semaphore, #tpu.memory_space<semaphore_mem>>) src(%dma_wait3A_78 : memref<10000x256xi32, #tpu.memory_space<hbm>>) dst(%arg15 : memref<80x256xi32, #tpu.memory_space<vmem>>)
        %dma_start3A_79 = arith.constant 0 : i32
        %dma_start3A_80 = tpu.memref_slice %arg6[%add3A_72, %dma_start3A_79] : memref<320000x256xi32, #tpu.memory_space<hbm>> -> memref<80x256xi32, #tpu.memory_space<hbm>>
        %dma_start3A_81 = arith.constant 0 : i32
        %dma_start3A_82 = tpu.memref_slice %arg6[%add3A_72, %dma_start3A_81] : memref<320000x256xi32, #tpu.memory_space<hbm>> -> memref<80x256xi32, #tpu.memory_space<hbm>>
        tpu.enqueue_dma source(%arg14 : memref<80x256xi32, #tpu.memory_space<vmem>>) target(%dma_start3A_82 : memref<80x256xi32, #tpu.memory_space<hbm>>) target_semaphore(%arg26 : memref<!tpu.dma_semaphore, #tpu.memory_space<semaphore_mem>>)
        %dma_start3A_83 = arith.constant 0 : i32
        %dma_start3A_84 = tpu.memref_slice %arg7[%add3A_72, %dma_start3A_83] : memref<320000x256xi32, #tpu.memory_space<hbm>> -> memref<80x256xi32, #tpu.memory_space<hbm>>
        %dma_start3A_85 = arith.constant 0 : i32
        %dma_start3A_86 = tpu.memref_slice %arg7[%add3A_72, %dma_start3A_85] : memref<320000x256xi32, #tpu.memory_space<hbm>> -> memref<80x256xi32, #tpu.memory_space<hbm>>
        tpu.enqueue_dma source(%arg15 : memref<80x256xi32, #tpu.memory_space<vmem>>) target(%dma_start3A_86 : memref<80x256xi32, #tpu.memory_space<hbm>>) target_semaphore(%arg26 : memref<!tpu.dma_semaphore, #tpu.memory_space<semaphore_mem>>)
        %add3A_87 = arith.constant 2 : i32
        %add3A_88 = arith.addi %scan3A_52, %add3A_87 : i32
        %lt3A = arith.constant 125 : i32
        %lt3A_89 = arith.cmpi slt, %add3A_88, %lt3A : i32
        %convert_element_type3A_90 = arith.extui %lt3A_89 : i1 to i32
        %cond3A_91 = arith.constant 0 : i32
        %cond3A_92 = arith.cmpi ne, %convert_element_type3A_90, %cond3A_91 : i32
        scf.if %cond3A_92 {
          %ge3A = arith.constant 1 : i32
          %ge3A_93 = arith.cmpi sge, %scan3A_52, %ge3A : i32
          %convert_element_type3A_94 = arith.extui %ge3A_93 : i1 to i32
          %cond3A_95 = arith.constant 0 : i32
          %cond3A_96 = arith.cmpi ne, %convert_element_type3A_94, %cond3A_95 : i32
          scf.if %cond3A_96 {
            %sub3A = arith.constant 1 : i32
            %sub3A_108 = arith.subi %scan3A_52, %sub3A : i32
            %mul3A_109 = arith.constant 80 : i32
            %mul3A_110 = arith.muli %sub3A_108, %mul3A_109 : i32
            %add3A_111 = arith.addi %mul3A_2, %mul3A_110 : i32
            %dma_wait3A_112 = arith.constant 0 : i32
            %dma_wait3A_113 = tpu.memref_slice %arg6[%add3A_111, %dma_wait3A_112] : memref<320000x256xi32, #tpu.memory_space<hbm>> -> memref<80x256xi32, #tpu.memory_space<hbm>>
            %dma_wait3A_114 = arith.constant 0 : i32
            %dma_wait3A_115 = tpu.memref_slice %arg6[%add3A_111, %dma_wait3A_114] : memref<320000x256xi32, #tpu.memory_space<hbm>> -> memref<80x256xi32, #tpu.memory_space<hbm>>
            tpu.wait_dma2 semaphore(%arg28 : memref<!tpu.dma_semaphore, #tpu.memory_space<semaphore_mem>>) src(%arg18 : memref<80x256xi32, #tpu.memory_space<vmem>>) dst(%dma_wait3A_115 : memref<80x256xi32, #tpu.memory_space<hbm>>)
            %dma_wait3A_116 = arith.constant 0 : i32
            %dma_wait3A_117 = tpu.memref_slice %arg7[%add3A_111, %dma_wait3A_116] : memref<320000x256xi32, #tpu.memory_space<hbm>> -> memref<80x256xi32, #tpu.memory_space<hbm>>
            %dma_wait3A_118 = arith.constant 0 : i32
            %dma_wait3A_119 = tpu.memref_slice %arg7[%add3A_111, %dma_wait3A_118] : memref<320000x256xi32, #tpu.memory_space<hbm>> -> memref<80x256xi32, #tpu.memory_space<hbm>>
            tpu.wait_dma2 semaphore(%arg28 : memref<!tpu.dma_semaphore, #tpu.memory_space<semaphore_mem>>) src(%arg19 : memref<80x256xi32, #tpu.memory_space<vmem>>) dst(%dma_wait3A_119 : memref<80x256xi32, #tpu.memory_space<hbm>>)
          } else {
          }
          %add3A_97 = arith.constant 2 : i32
          %add3A_98 = arith.addi %scan3A_52, %add3A_97 : i32
          %mul3A_99 = arith.constant 80 : i32
          %mul3A_100 = arith.muli %add3A_98, %mul3A_99 : i32
          %add3A_101 = arith.addi %mul3A_2, %mul3A_100 : i32
          "tpu.region"() ({
            %run_scoped3A = tpu.sem_alloc : memref<!tpu.dma_semaphore, #tpu.memory_space<semaphore_mem>>
            %dma_start3A_108 = tpu.memref_slice %arg4[%add3A_101] : memref<320000xi32, #tpu.memory_space<hbm>> -> memref<80xi32, #tpu.memory_space<hbm>>
            %dma_start3A_109 = tpu.memref_slice %arg4[%add3A_101] : memref<320000xi32, #tpu.memory_space<hbm>> -> memref<80xi32, #tpu.memory_space<hbm>>
            tpu.enqueue_dma source(%dma_start3A_109 : memref<80xi32, #tpu.memory_space<hbm>>) target(%arg12 : memref<80xi32, #tpu.memory_space<vmem>>) target_semaphore(%run_scoped3A : memref<!tpu.dma_semaphore, #tpu.memory_space<semaphore_mem>>)
            %dma_wait3A_110 = tpu.memref_slice %arg4[%add3A_101] : memref<320000xi32, #tpu.memory_space<hbm>> -> memref<80xi32, #tpu.memory_space<hbm>>
            %dma_wait3A_111 = tpu.memref_slice %arg4[%add3A_101] : memref<320000xi32, #tpu.memory_space<hbm>> -> memref<80xi32, #tpu.memory_space<hbm>>
            tpu.wait_dma2 semaphore(%run_scoped3A : memref<!tpu.dma_semaphore, #tpu.memory_space<semaphore_mem>>) src(%dma_wait3A_111 : memref<80xi32, #tpu.memory_space<hbm>>) dst(%arg12 : memref<80xi32, #tpu.memory_space<vmem>>)
            tpu.yield
          }) : () -> ()
          "tpu.region"() ({
            %run_scoped3A = tpu.sem_alloc : memref<!tpu.dma_semaphore, #tpu.memory_space<semaphore_mem>>
            %dma_start3A_108 = tpu.memref_slice %arg5[%add3A_101] : memref<320000xi32, #tpu.memory_space<hbm>> -> memref<80xi32, #tpu.memory_space<hbm>>
            %dma_start3A_109 = tpu.memref_slice %arg5[%add3A_101] : memref<320000xi32, #tpu.memory_space<hbm>> -> memref<80xi32, #tpu.memory_space<hbm>>
            tpu.enqueue_dma source(%dma_start3A_109 : memref<80xi32, #tpu.memory_space<hbm>>) target(%arg13 : memref<80xi32, #tpu.memory_space<vmem>>) target_semaphore(%run_scoped3A : memref<!tpu.dma_semaphore, #tpu.memory_space<semaphore_mem>>)
            %dma_wait3A_110 = tpu.memref_slice %arg5[%add3A_101] : memref<320000xi32, #tpu.memory_space<hbm>> -> memref<80xi32, #tpu.memory_space<hbm>>
            %dma_wait3A_111 = tpu.memref_slice %arg5[%add3A_101] : memref<320000xi32, #tpu.memory_space<hbm>> -> memref<80xi32, #tpu.memory_space<hbm>>
            tpu.wait_dma2 semaphore(%run_scoped3A : memref<!tpu.dma_semaphore, #tpu.memory_space<semaphore_mem>>) src(%dma_wait3A_111 : memref<80xi32, #tpu.memory_space<hbm>>) dst(%arg13 : memref<80xi32, #tpu.memory_space<vmem>>)
            tpu.yield
          }) : () -> ()
          %dma_start3A_102 = arith.constant 0 : i32
          %dma_start3A_103 = arith.constant 0 : i32
          %dma_start3A_104 = tpu.memref_slice %arg2[%dma_start3A_102, %dma_start3A_103] : memref<10000x256xi32, #tpu.memory_space<hbm>> -> memref<10000x256xi32, #tpu.memory_space<hbm>>
          tpu.enqueue_indirect_dma source(%dma_start3A_104 : memref<10000x256xi32, #tpu.memory_space<hbm>>) target(%arg18 : memref<80x256xi32, #tpu.memory_space<vmem>>) offsets(%arg12 : memref<80xi32, #tpu.memory_space<vmem>>) semaphore(%arg24 : memref<!tpu.dma_semaphore, #tpu.memory_space<semaphore_mem>>)
          %dma_start3A_105 = arith.constant 0 : i32
          %dma_start3A_106 = arith.constant 0 : i32
          %dma_start3A_107 = tpu.memref_slice %arg3[%dma_start3A_105, %dma_start3A_106] : memref<10000x256xi32, #tpu.memory_space<hbm>> -> memref<10000x256xi32, #tpu.memory_space<hbm>>
          tpu.enqueue_indirect_dma source(%dma_start3A_107 : memref<10000x256xi32, #tpu.memory_space<hbm>>) target(%arg19 : memref<80x256xi32, #tpu.memory_space<vmem>>) offsets(%arg13 : memref<80xi32, #tpu.memory_space<vmem>>) semaphore(%arg25 : memref<!tpu.dma_semaphore, #tpu.memory_space<semaphore_mem>>)
        } else {
        }
      } else {
      }
      %rem3A_56 = arith.constant 3 : i32
      %rem3A_57 = arith.remsi %scan3A_52, %rem3A_56 : i32
      %eq3A_58 = arith.constant 1 : i32
      %eq3A_59 = arith.cmpi eq, %rem3A_57, %eq3A_58 : i32
      %convert_element_type3A_60 = arith.extui %eq3A_59 : i1 to i32
      %cond3A_61 = arith.constant 0 : i32
      %cond3A_62 = arith.cmpi ne, %convert_element_type3A_60, %cond3A_61 : i32
      scf.if %cond3A_62 {
        %mul3A_70 = arith.constant 80 : i32
        %mul3A_71 = arith.muli %scan3A_52, %mul3A_70 : i32
        %add3A_72 = arith.addi %mul3A_2, %mul3A_71 : i32
        %dma_wait3A_73 = arith.constant 0 : i32
        %dma_wait3A_74 = arith.constant 0 : i32
        %dma_wait3A_75 = tpu.memref_slice %arg2[%dma_wait3A_73, %dma_wait3A_74] : memref<10000x256xi32, #tpu.memory_space<hbm>> -> memref<10000x256xi32, #tpu.memory_space<hbm>>
        tpu.wait_indirect_dma semaphore(%arg22 : memref<!tpu.dma_semaphore, #tpu.memory_space<semaphore_mem>>) src(%dma_wait3A_75 : memref<10000x256xi32, #tpu.memory_space<hbm>>) dst(%arg16 : memref<80x256xi32, #tpu.memory_space<vmem>>)
        %dma_wait3A_76 = arith.constant 0 : i32
        %dma_wait3A_77 = arith.constant 0 : i32
        %dma_wait3A_78 = tpu.memref_slice %arg3[%dma_wait3A_76, %dma_wait3A_77] : memref<10000x256xi32, #tpu.memory_space<hbm>> -> memref<10000x256xi32, #tpu.memory_space<hbm>>
        tpu.wait_indirect_dma semaphore(%arg23 : memref<!tpu.dma_semaphore, #tpu.memory_space<semaphore_mem>>) src(%dma_wait3A_78 : memref<10000x256xi32, #tpu.memory_space<hbm>>) dst(%arg17 : memref<80x256xi32, #tpu.memory_space<vmem>>)
        %dma_start3A_79 = arith.constant 0 : i32
        %dma_start3A_80 = tpu.memref_slice %arg6[%add3A_72, %dma_start3A_79] : memref<320000x256xi32, #tpu.memory_space<hbm>> -> memref<80x256xi32, #tpu.memory_space<hbm>>
        %dma_start3A_81 = arith.constant 0 : i32
        %dma_start3A_82 = tpu.memref_slice %arg6[%add3A_72, %dma_start3A_81] : memref<320000x256xi32, #tpu.memory_space<hbm>> -> memref<80x256xi32, #tpu.memory_space<hbm>>
        tpu.enqueue_dma source(%arg16 : memref<80x256xi32, #tpu.memory_space<vmem>>) target(%dma_start3A_82 : memref<80x256xi32, #tpu.memory_space<hbm>>) target_semaphore(%arg27 : memref<!tpu.dma_semaphore, #tpu.memory_space<semaphore_mem>>)
        %dma_start3A_83 = arith.constant 0 : i32
        %dma_start3A_84 = tpu.memref_slice %arg7[%add3A_72, %dma_start3A_83] : memref<320000x256xi32, #tpu.memory_space<hbm>> -> memref<80x256xi32, #tpu.memory_space<hbm>>
        %dma_start3A_85 = arith.constant 0 : i32
        %dma_start3A_86 = tpu.memref_slice %arg7[%add3A_72, %dma_start3A_85] : memref<320000x256xi32, #tpu.memory_space<hbm>> -> memref<80x256xi32, #tpu.memory_space<hbm>>
        tpu.enqueue_dma source(%arg17 : memref<80x256xi32, #tpu.memory_space<vmem>>) target(%dma_start3A_86 : memref<80x256xi32, #tpu.memory_space<hbm>>) target_semaphore(%arg27 : memref<!tpu.dma_semaphore, #tpu.memory_space<semaphore_mem>>)
        %add3A_87 = arith.constant 2 : i32
        %add3A_88 = arith.addi %scan3A_52, %add3A_87 : i32
        %lt3A = arith.constant 125 : i32
        %lt3A_89 = arith.cmpi slt, %add3A_88, %lt3A : i32
        %convert_element_type3A_90 = arith.extui %lt3A_89 : i1 to i32
        %cond3A_91 = arith.constant 0 : i32
        %cond3A_92 = arith.cmpi ne, %convert_element_type3A_90, %cond3A_91 : i32
        scf.if %cond3A_92 {
          %ge3A = arith.constant 1 : i32
          %ge3A_93 = arith.cmpi sge, %scan3A_52, %ge3A : i32
          %convert_element_type3A_94 = arith.extui %ge3A_93 : i1 to i32
          %cond3A_95 = arith.constant 0 : i32
          %cond3A_96 = arith.cmpi ne, %convert_element_type3A_94, %cond3A_95 : i32
          scf.if %cond3A_96 {
            %sub3A = arith.constant 1 : i32
            %sub3A_108 = arith.subi %scan3A_52, %sub3A : i32
            %mul3A_109 = arith.constant 80 : i32
            %mul3A_110 = arith.muli %sub3A_108, %mul3A_109 : i32
            %add3A_111 = arith.addi %mul3A_2, %mul3A_110 : i32
            %dma_wait3A_112 = arith.constant 0 : i32
            %dma_wait3A_113 = tpu.memref_slice %arg6[%add3A_111, %dma_wait3A_112] : memref<320000x256xi32, #tpu.memory_space<hbm>> -> memref<80x256xi32, #tpu.memory_space<hbm>>
            %dma_wait3A_114 = arith.constant 0 : i32
            %dma_wait3A_115 = tpu.memref_slice %arg6[%add3A_111, %dma_wait3A_114] : memref<320000x256xi32, #tpu.memory_space<hbm>> -> memref<80x256xi32, #tpu.memory_space<hbm>>
            tpu.wait_dma2 semaphore(%arg26 : memref<!tpu.dma_semaphore, #tpu.memory_space<semaphore_mem>>) src(%arg14 : memref<80x256xi32, #tpu.memory_space<vmem>>) dst(%dma_wait3A_115 : memref<80x256xi32, #tpu.memory_space<hbm>>)
            %dma_wait3A_116 = arith.constant 0 : i32
            %dma_wait3A_117 = tpu.memref_slice %arg7[%add3A_111, %dma_wait3A_116] : memref<320000x256xi32, #tpu.memory_space<hbm>> -> memref<80x256xi32, #tpu.memory_space<hbm>>
            %dma_wait3A_118 = arith.constant 0 : i32
            %dma_wait3A_119 = tpu.memref_slice %arg7[%add3A_111, %dma_wait3A_118] : memref<320000x256xi32, #tpu.memory_space<hbm>> -> memref<80x256xi32, #tpu.memory_space<hbm>>
            tpu.wait_dma2 semaphore(%arg26 : memref<!tpu.dma_semaphore, #tpu.memory_space<semaphore_mem>>) src(%arg15 : memref<80x256xi32, #tpu.memory_space<vmem>>) dst(%dma_wait3A_119 : memref<80x256xi32, #tpu.memory_space<hbm>>)
          } else {
          }
          %add3A_97 = arith.constant 2 : i32
          %add3A_98 = arith.addi %scan3A_52, %add3A_97 : i32
          %mul3A_99 = arith.constant 80 : i32
          %mul3A_100 = arith.muli %add3A_98, %mul3A_99 : i32
          %add3A_101 = arith.addi %mul3A_2, %mul3A_100 : i32
          "tpu.region"() ({
            %run_scoped3A = tpu.sem_alloc : memref<!tpu.dma_semaphore, #tpu.memory_space<semaphore_mem>>
            %dma_start3A_108 = tpu.memref_slice %arg4[%add3A_101] : memref<320000xi32, #tpu.memory_space<hbm>> -> memref<80xi32, #tpu.memory_space<hbm>>
            %dma_start3A_109 = tpu.memref_slice %arg4[%add3A_101] : memref<320000xi32, #tpu.memory_space<hbm>> -> memref<80xi32, #tpu.memory_space<hbm>>
            tpu.enqueue_dma source(%dma_start3A_109 : memref<80xi32, #tpu.memory_space<hbm>>) target(%arg8 : memref<80xi32, #tpu.memory_space<vmem>>) target_semaphore(%run_scoped3A : memref<!tpu.dma_semaphore, #tpu.memory_space<semaphore_mem>>)
            %dma_wait3A_110 = tpu.memref_slice %arg4[%add3A_101] : memref<320000xi32, #tpu.memory_space<hbm>> -> memref<80xi32, #tpu.memory_space<hbm>>
            %dma_wait3A_111 = tpu.memref_slice %arg4[%add3A_101] : memref<320000xi32, #tpu.memory_space<hbm>> -> memref<80xi32, #tpu.memory_space<hbm>>
            tpu.wait_dma2 semaphore(%run_scoped3A : memref<!tpu.dma_semaphore, #tpu.memory_space<semaphore_mem>>) src(%dma_wait3A_111 : memref<80xi32, #tpu.memory_space<hbm>>) dst(%arg8 : memref<80xi32, #tpu.memory_space<vmem>>)
            tpu.yield
          }) : () -> ()
          "tpu.region"() ({
            %run_scoped3A = tpu.sem_alloc : memref<!tpu.dma_semaphore, #tpu.memory_space<semaphore_mem>>
            %dma_start3A_108 = tpu.memref_slice %arg5[%add3A_101] : memref<320000xi32, #tpu.memory_space<hbm>> -> memref<80xi32, #tpu.memory_space<hbm>>
            %dma_start3A_109 = tpu.memref_slice %arg5[%add3A_101] : memref<320000xi32, #tpu.memory_space<hbm>> -> memref<80xi32, #tpu.memory_space<hbm>>
            tpu.enqueue_dma source(%dma_start3A_109 : memref<80xi32, #tpu.memory_space<hbm>>) target(%arg9 : memref<80xi32, #tpu.memory_space<vmem>>) target_semaphore(%run_scoped3A : memref<!tpu.dma_semaphore, #tpu.memory_space<semaphore_mem>>)
            %dma_wait3A_110 = tpu.memref_slice %arg5[%add3A_101] : memref<320000xi32, #tpu.memory_space<hbm>> -> memref<80xi32, #tpu.memory_space<hbm>>
            %dma_wait3A_111 = tpu.memref_slice %arg5[%add3A_101] : memref<320000xi32, #tpu.memory_space<hbm>> -> memref<80xi32, #tpu.memory_space<hbm>>
            tpu.wait_dma2 semaphore(%run_scoped3A : memref<!tpu.dma_semaphore, #tpu.memory_space<semaphore_mem>>) src(%dma_wait3A_111 : memref<80xi32, #tpu.memory_space<hbm>>) dst(%arg9 : memref<80xi32, #tpu.memory_space<vmem>>)
            tpu.yield
          }) : () -> ()
          %dma_start3A_102 = arith.constant 0 : i32
          %dma_start3A_103 = arith.constant 0 : i32
          %dma_start3A_104 = tpu.memref_slice %arg2[%dma_start3A_102, %dma_start3A_103] : memref<10000x256xi32, #tpu.memory_space<hbm>> -> memref<10000x256xi32, #tpu.memory_space<hbm>>
          tpu.enqueue_indirect_dma source(%dma_start3A_104 : memref<10000x256xi32, #tpu.memory_space<hbm>>) target(%arg14 : memref<80x256xi32, #tpu.memory_space<vmem>>) offsets(%arg8 : memref<80xi32, #tpu.memory_space<vmem>>) semaphore(%arg20 : memref<!tpu.dma_semaphore, #tpu.memory_space<semaphore_mem>>)
          %dma_start3A_105 = arith.constant 0 : i32
          %dma_start3A_106 = arith.constant 0 : i32
          %dma_start3A_107 = tpu.memref_slice %arg3[%dma_start3A_105, %dma_start3A_106] : memref<10000x256xi32, #tpu.memory_space<hbm>> -> memref<10000x256xi32, #tpu.memory_space<hbm>>
          tpu.enqueue_indirect_dma source(%dma_start3A_107 : memref<10000x256xi32, #tpu.memory_space<hbm>>) target(%arg15 : memref<80x256xi32, #tpu.memory_space<vmem>>) offsets(%arg9 : memref<80xi32, #tpu.memory_space<vmem>>) semaphore(%arg21 : memref<!tpu.dma_semaphore, #tpu.memory_space<semaphore_mem>>)
        } else {
        }
      } else {
      }
      %rem3A_63 = arith.constant 3 : i32
      %rem3A_64 = arith.remsi %scan3A_52, %rem3A_63 : i32
      %eq3A_65 = arith.constant 2 : i32
      %eq3A_66 = arith.cmpi eq, %rem3A_64, %eq3A_65 : i32
      %convert_element_type3A_67 = arith.extui %eq3A_66 : i1 to i32
      %cond3A_68 = arith.constant 0 : i32
      %cond3A_69 = arith.cmpi ne, %convert_element_type3A_67, %cond3A_68 : i32
      scf.if %cond3A_69 {
        %mul3A_70 = arith.constant 80 : i32
        %mul3A_71 = arith.muli %scan3A_52, %mul3A_70 : i32
        %add3A_72 = arith.addi %mul3A_2, %mul3A_71 : i32
        %dma_wait3A_73 = arith.constant 0 : i32
        %dma_wait3A_74 = arith.constant 0 : i32
        %dma_wait3A_75 = tpu.memref_slice %arg2[%dma_wait3A_73, %dma_wait3A_74] : memref<10000x256xi32, #tpu.memory_space<hbm>> -> memref<10000x256xi32, #tpu.memory_space<hbm>>
        tpu.wait_indirect_dma semaphore(%arg24 : memref<!tpu.dma_semaphore, #tpu.memory_space<semaphore_mem>>) src(%dma_wait3A_75 : memref<10000x256xi32, #tpu.memory_space<hbm>>) dst(%arg18 : memref<80x256xi32, #tpu.memory_space<vmem>>)
        %dma_wait3A_76 = arith.constant 0 : i32
        %dma_wait3A_77 = arith.constant 0 : i32
        %dma_wait3A_78 = tpu.memref_slice %arg3[%dma_wait3A_76, %dma_wait3A_77] : memref<10000x256xi32, #tpu.memory_space<hbm>> -> memref<10000x256xi32, #tpu.memory_space<hbm>>
        tpu.wait_indirect_dma semaphore(%arg25 : memref<!tpu.dma_semaphore, #tpu.memory_space<semaphore_mem>>) src(%dma_wait3A_78 : memref<10000x256xi32, #tpu.memory_space<hbm>>) dst(%arg19 : memref<80x256xi32, #tpu.memory_space<vmem>>)
        %dma_start3A_79 = arith.constant 0 : i32
        %dma_start3A_80 = tpu.memref_slice %arg6[%add3A_72, %dma_start3A_79] : memref<320000x256xi32, #tpu.memory_space<hbm>> -> memref<80x256xi32, #tpu.memory_space<hbm>>
        %dma_start3A_81 = arith.constant 0 : i32
        %dma_start3A_82 = tpu.memref_slice %arg6[%add3A_72, %dma_start3A_81] : memref<320000x256xi32, #tpu.memory_space<hbm>> -> memref<80x256xi32, #tpu.memory_space<hbm>>
        tpu.enqueue_dma source(%arg18 : memref<80x256xi32, #tpu.memory_space<vmem>>) target(%dma_start3A_82 : memref<80x256xi32, #tpu.memory_space<hbm>>) target_semaphore(%arg28 : memref<!tpu.dma_semaphore, #tpu.memory_space<semaphore_mem>>)
        %dma_start3A_83 = arith.constant 0 : i32
        %dma_start3A_84 = tpu.memref_slice %arg7[%add3A_72, %dma_start3A_83] : memref<320000x256xi32, #tpu.memory_space<hbm>> -> memref<80x256xi32, #tpu.memory_space<hbm>>
        %dma_start3A_85 = arith.constant 0 : i32
        %dma_start3A_86 = tpu.memref_slice %arg7[%add3A_72, %dma_start3A_85] : memref<320000x256xi32, #tpu.memory_space<hbm>> -> memref<80x256xi32, #tpu.memory_space<hbm>>
        tpu.enqueue_dma source(%arg19 : memref<80x256xi32, #tpu.memory_space<vmem>>) target(%dma_start3A_86 : memref<80x256xi32, #tpu.memory_space<hbm>>) target_semaphore(%arg28 : memref<!tpu.dma_semaphore, #tpu.memory_space<semaphore_mem>>)
        %add3A_87 = arith.constant 2 : i32
        %add3A_88 = arith.addi %scan3A_52, %add3A_87 : i32
        %lt3A = arith.constant 125 : i32
        %lt3A_89 = arith.cmpi slt, %add3A_88, %lt3A : i32
        %convert_element_type3A_90 = arith.extui %lt3A_89 : i1 to i32
        %cond3A_91 = arith.constant 0 : i32
        %cond3A_92 = arith.cmpi ne, %convert_element_type3A_90, %cond3A_91 : i32
        scf.if %cond3A_92 {
          %ge3A = arith.constant 1 : i32
          %ge3A_93 = arith.cmpi sge, %scan3A_52, %ge3A : i32
          %convert_element_type3A_94 = arith.extui %ge3A_93 : i1 to i32
          %cond3A_95 = arith.constant 0 : i32
          %cond3A_96 = arith.cmpi ne, %convert_element_type3A_94, %cond3A_95 : i32
          scf.if %cond3A_96 {
            %sub3A = arith.constant 1 : i32
            %sub3A_108 = arith.subi %scan3A_52, %sub3A : i32
            %mul3A_109 = arith.constant 80 : i32
            %mul3A_110 = arith.muli %sub3A_108, %mul3A_109 : i32
            %add3A_111 = arith.addi %mul3A_2, %mul3A_110 : i32
            %dma_wait3A_112 = arith.constant 0 : i32
            %dma_wait3A_113 = tpu.memref_slice %arg6[%add3A_111, %dma_wait3A_112] : memref<320000x256xi32, #tpu.memory_space<hbm>> -> memref<80x256xi32, #tpu.memory_space<hbm>>
            %dma_wait3A_114 = arith.constant 0 : i32
            %dma_wait3A_115 = tpu.memref_slice %arg6[%add3A_111, %dma_wait3A_114] : memref<320000x256xi32, #tpu.memory_space<hbm>> -> memref<80x256xi32, #tpu.memory_space<hbm>>
            tpu.wait_dma2 semaphore(%arg27 : memref<!tpu.dma_semaphore, #tpu.memory_space<semaphore_mem>>) src(%arg16 : memref<80x256xi32, #tpu.memory_space<vmem>>) dst(%dma_wait3A_115 : memref<80x256xi32, #tpu.memory_space<hbm>>)
            %dma_wait3A_116 = arith.constant 0 : i32
            %dma_wait3A_117 = tpu.memref_slice %arg7[%add3A_111, %dma_wait3A_116] : memref<320000x256xi32, #tpu.memory_space<hbm>> -> memref<80x256xi32, #tpu.memory_space<hbm>>
            %dma_wait3A_118 = arith.constant 0 : i32
            %dma_wait3A_119 = tpu.memref_slice %arg7[%add3A_111, %dma_wait3A_118] : memref<320000x256xi32, #tpu.memory_space<hbm>> -> memref<80x256xi32, #tpu.memory_space<hbm>>
            tpu.wait_dma2 semaphore(%arg27 : memref<!tpu.dma_semaphore, #tpu.memory_space<semaphore_mem>>) src(%arg17 : memref<80x256xi32, #tpu.memory_space<vmem>>) dst(%dma_wait3A_119 : memref<80x256xi32, #tpu.memory_space<hbm>>)
          } else {
          }
          %add3A_97 = arith.constant 2 : i32
          %add3A_98 = arith.addi %scan3A_52, %add3A_97 : i32
          %mul3A_99 = arith.constant 80 : i32
          %mul3A_100 = arith.muli %add3A_98, %mul3A_99 : i32
          %add3A_101 = arith.addi %mul3A_2, %mul3A_100 : i32
          "tpu.region"() ({
            %run_scoped3A = tpu.sem_alloc : memref<!tpu.dma_semaphore, #tpu.memory_space<semaphore_mem>>
            %dma_start3A_108 = tpu.memref_slice %arg4[%add3A_101] : memref<320000xi32, #tpu.memory_space<hbm>> -> memref<80xi32, #tpu.memory_space<hbm>>
            %dma_start3A_109 = tpu.memref_slice %arg4[%add3A_101] : memref<320000xi32, #tpu.memory_space<hbm>> -> memref<80xi32, #tpu.memory_space<hbm>>
            tpu.enqueue_dma source(%dma_start3A_109 : memref<80xi32, #tpu.memory_space<hbm>>) target(%arg10 : memref<80xi32, #tpu.memory_space<vmem>>) target_semaphore(%run_scoped3A : memref<!tpu.dma_semaphore, #tpu.memory_space<semaphore_mem>>)
            %dma_wait3A_110 = tpu.memref_slice %arg4[%add3A_101] : memref<320000xi32, #tpu.memory_space<hbm>> -> memref<80xi32, #tpu.memory_space<hbm>>
            %dma_wait3A_111 = tpu.memref_slice %arg4[%add3A_101] : memref<320000xi32, #tpu.memory_space<hbm>> -> memref<80xi32, #tpu.memory_space<hbm>>
            tpu.wait_dma2 semaphore(%run_scoped3A : memref<!tpu.dma_semaphore, #tpu.memory_space<semaphore_mem>>) src(%dma_wait3A_111 : memref<80xi32, #tpu.memory_space<hbm>>) dst(%arg10 : memref<80xi32, #tpu.memory_space<vmem>>)
            tpu.yield
          }) : () -> ()
          "tpu.region"() ({
            %run_scoped3A = tpu.sem_alloc : memref<!tpu.dma_semaphore, #tpu.memory_space<semaphore_mem>>
            %dma_start3A_108 = tpu.memref_slice %arg5[%add3A_101] : memref<320000xi32, #tpu.memory_space<hbm>> -> memref<80xi32, #tpu.memory_space<hbm>>
            %dma_start3A_109 = tpu.memref_slice %arg5[%add3A_101] : memref<320000xi32, #tpu.memory_space<hbm>> -> memref<80xi32, #tpu.memory_space<hbm>>
            tpu.enqueue_dma source(%dma_start3A_109 : memref<80xi32, #tpu.memory_space<hbm>>) target(%arg11 : memref<80xi32, #tpu.memory_space<vmem>>) target_semaphore(%run_scoped3A : memref<!tpu.dma_semaphore, #tpu.memory_space<semaphore_mem>>)
            %dma_wait3A_110 = tpu.memref_slice %arg5[%add3A_101] : memref<320000xi32, #tpu.memory_space<hbm>> -> memref<80xi32, #tpu.memory_space<hbm>>
            %dma_wait3A_111 = tpu.memref_slice %arg5[%add3A_101] : memref<320000xi32, #tpu.memory_space<hbm>> -> memref<80xi32, #tpu.memory_space<hbm>>
            tpu.wait_dma2 semaphore(%run_scoped3A : memref<!tpu.dma_semaphore, #tpu.memory_space<semaphore_mem>>) src(%dma_wait3A_111 : memref<80xi32, #tpu.memory_space<hbm>>) dst(%arg11 : memref<80xi32, #tpu.memory_space<vmem>>)
            tpu.yield
          }) : () -> ()
          %dma_start3A_102 = arith.constant 0 : i32
          %dma_start3A_103 = arith.constant 0 : i32
          %dma_start3A_104 = tpu.memref_slice %arg2[%dma_start3A_102, %dma_start3A_103] : memref<10000x256xi32, #tpu.memory_space<hbm>> -> memref<10000x256xi32, #tpu.memory_space<hbm>>
          tpu.enqueue_indirect_dma source(%dma_start3A_104 : memref<10000x256xi32, #tpu.memory_space<hbm>>) target(%arg16 : memref<80x256xi32, #tpu.memory_space<vmem>>) offsets(%arg10 : memref<80xi32, #tpu.memory_space<vmem>>) semaphore(%arg22 : memref<!tpu.dma_semaphore, #tpu.memory_space<semaphore_mem>>)
          %dma_start3A_105 = arith.constant 0 : i32
          %dma_start3A_106 = arith.constant 0 : i32
          %dma_start3A_107 = tpu.memref_slice %arg3[%dma_start3A_105, %dma_start3A_106] : memref<10000x256xi32, #tpu.memory_space<hbm>> -> memref<10000x256xi32, #tpu.memory_space<hbm>>
          tpu.enqueue_indirect_dma source(%dma_start3A_107 : memref<10000x256xi32, #tpu.memory_space<hbm>>) target(%arg17 : memref<80x256xi32, #tpu.memory_space<vmem>>) offsets(%arg11 : memref<80xi32, #tpu.memory_space<vmem>>) semaphore(%arg23 : memref<!tpu.dma_semaphore, #tpu.memory_space<semaphore_mem>>)
        } else {
        }
      } else {
      }
    }
    %scan3A_22 = arith.constant 125 : i32
    %add3A_23 = arith.constant 9760 : i32
    %add3A_24 = arith.addi %mul3A_2, %add3A_23 : i32
    %dma_wait3A = arith.constant 0 : i32
    %dma_wait3A_25 = tpu.memref_slice %arg6[%add3A_24, %dma_wait3A] : memref<320000x256xi32, #tpu.memory_space<hbm>> -> memref<80x256xi32, #tpu.memory_space<hbm>>
    %dma_wait3A_26 = arith.constant 0 : i32
    %dma_wait3A_27 = tpu.memref_slice %arg6[%add3A_24, %dma_wait3A_26] : memref<320000x256xi32, #tpu.memory_space<hbm>> -> memref<80x256xi32, #tpu.memory_space<hbm>>
    tpu.wait_dma2 semaphore(%arg28 : memref<!tpu.dma_semaphore, #tpu.memory_space<semaphore_mem>>) src(%arg18 : memref<80x256xi32, #tpu.memory_space<vmem>>) dst(%dma_wait3A_27 : memref<80x256xi32, #tpu.memory_space<hbm>>)
    %dma_wait3A_28 = arith.constant 0 : i32
    %dma_wait3A_29 = tpu.memref_slice %arg7[%add3A_24, %dma_wait3A_28] : memref<320000x256xi32, #tpu.memory_space<hbm>> -> memref<80x256xi32, #tpu.memory_space<hbm>>
    %dma_wait3A_30 = arith.constant 0 : i32
    %dma_wait3A_31 = tpu.memref_slice %arg7[%add3A_24, %dma_wait3A_30] : memref<320000x256xi32, #tpu.memory_space<hbm>> -> memref<80x256xi32, #tpu.memory_space<hbm>>
    tpu.wait_dma2 semaphore(%arg28 : memref<!tpu.dma_semaphore, #tpu.memory_space<semaphore_mem>>) src(%arg19 : memref<80x256xi32, #tpu.memory_space<vmem>>) dst(%dma_wait3A_31 : memref<80x256xi32, #tpu.memory_space<hbm>>)
    %add3A_32 = arith.constant 9840 : i32
    %add3A_33 = arith.addi %mul3A_2, %add3A_32 : i32
    %dma_wait3A_34 = arith.constant 0 : i32
    %dma_wait3A_35 = tpu.memref_slice %arg6[%add3A_33, %dma_wait3A_34] : memref<320000x256xi32, #tpu.memory_space<hbm>> -> memref<80x256xi32, #tpu.memory_space<hbm>>
    %dma_wait3A_36 = arith.constant 0 : i32
    %dma_wait3A_37 = tpu.memref_slice %arg6[%add3A_33, %dma_wait3A_36] : memref<320000x256xi32, #tpu.memory_space<hbm>> -> memref<80x256xi32, #tpu.memory_space<hbm>>
    tpu.wait_dma2 semaphore(%arg26 : memref<!tpu.dma_semaphore, #tpu.memory_space<semaphore_mem>>) src(%arg14 : memref<80x256xi32, #tpu.memory_space<vmem>>) dst(%dma_wait3A_37 : memref<80x256xi32, #tpu.memory_space<hbm>>)
    %dma_wait3A_38 = arith.constant 0 : i32
    %dma_wait3A_39 = tpu.memref_slice %arg7[%add3A_33, %dma_wait3A_38] : memref<320000x256xi32, #tpu.memory_space<hbm>> -> memref<80x256xi32, #tpu.memory_space<hbm>>
    %dma_wait3A_40 = arith.constant 0 : i32
    %dma_wait3A_41 = tpu.memref_slice %arg7[%add3A_33, %dma_wait3A_40] : memref<320000x256xi32, #tpu.memory_space<hbm>> -> memref<80x256xi32, #tpu.memory_space<hbm>>
    tpu.wait_dma2 semaphore(%arg26 : memref<!tpu.dma_semaphore, #tpu.memory_space<semaphore_mem>>) src(%arg15 : memref<80x256xi32, #tpu.memory_space<vmem>>) dst(%dma_wait3A_41 : memref<80x256xi32, #tpu.memory_space<hbm>>)
    %add3A_42 = arith.constant 9920 : i32
    %add3A_43 = arith.addi %mul3A_2, %add3A_42 : i32
    %dma_wait3A_44 = arith.constant 0 : i32
    %dma_wait3A_45 = tpu.memref_slice %arg6[%add3A_43, %dma_wait3A_44] : memref<320000x256xi32, #tpu.memory_space<hbm>> -> memref<80x256xi32, #tpu.memory_space<hbm>>
    %dma_wait3A_46 = arith.constant 0 : i32
    %dma_wait3A_47 = tpu.memref_slice %arg6[%add3A_43, %dma_wait3A_46] : memref<320000x256xi32, #tpu.memory_space<hbm>> -> memref<80x256xi32, #tpu.memory_space<hbm>>
    tpu.wait_dma2 semaphore(%arg27 : memref<!tpu.dma_semaphore, #tpu.memory_space<semaphore_mem>>) src(%arg16 : memref<80x256xi32, #tpu.memory_space<vmem>>) dst(%dma_wait3A_47 : memref<80x256xi32, #tpu.memory_space<hbm>>)
    %dma_wait3A_48 = arith.constant 0 : i32
    %dma_wait3A_49 = tpu.memref_slice %arg7[%add3A_43, %dma_wait3A_48] : memref<320000x256xi32, #tpu.memory_space<hbm>> -> memref<80x256xi32, #tpu.memory_space<hbm>>
    %dma_wait3A_50 = arith.constant 0 : i32
    %dma_wait3A_51 = tpu.memref_slice %arg7[%add3A_43, %dma_wait3A_50] : memref<320000x256xi32, #tpu.memory_space<hbm>> -> memref<80x256xi32, #tpu.memory_space<hbm>>
    tpu.wait_dma2 semaphore(%arg27 : memref<!tpu.dma_semaphore, #tpu.memory_space<semaphore_mem>>) src(%arg17 : memref<80x256xi32, #tpu.memory_space<vmem>>) dst(%dma_wait3A_51 : memref<80x256xi32, #tpu.memory_space<hbm>>)
    return
  }
}

#map = affine_map<(d0, d1) -> (0, 0)>
#map1 = affine_map<(d0, d1) -> (0)>
module attributes {stable_mosaic.version = 14 : i64} {
  func.func @scatter_k(%arg0: i32, %arg1: i32, %arg2: memref<320000x256xf32, #tpu.memory_space<hbm>>, %arg3: memref<320000xi32, #tpu.memory_space<hbm>>, %arg4: memref<10240x256xf32, #tpu.memory_space<hbm>>, %arg5: memref<10240x256xf32, #tpu.memory_space<hbm>>, %arg6: memref<80xi32, #tpu.memory_space<vmem>>, %arg7: memref<80xi32, #tpu.memory_space<vmem>>, %arg8: memref<80x128xf32, #tpu.memory_space<vmem>>, %arg9: memref<80x128xf32, #tpu.memory_space<vmem>>, %arg10: memref<10240x128xf32, #tpu.memory_space<vmem_shared>>, %arg11: memref<!tpu.dma_semaphore, #tpu.memory_space<semaphore_mem>>, %arg12: memref<!tpu.dma_semaphore, #tpu.memory_space<semaphore_mem>>) attributes {dimension_semantics = [#tpu.dimension_semantics<core_parallel>, #tpu.dimension_semantics<subcore_parallel>], iteration_bounds = array<i64: 2, 16>, scalar_prefetch = 0 : i64, scratch_operands = 7 : i64, tpu.core_type = #tpu.core_type<sc_vector_subcore>, window_params = [{transform_indices = #map}, {transform_indices = #map1}, {transform_indices = #map}, {transform_indices = #map}]} {
    %mul3A = arith.constant 128 : i32
    %mul3A_0 = arith.muli %arg0, %mul3A : i32
    %mul3A_1 = arith.constant 640 : i32
    %mul3A_2 = arith.muli %arg1, %mul3A_1 : i32
    "tpu.region"() ({
      %run_scoped3A = tpu.sem_alloc : memref<!tpu.dma_semaphore, #tpu.memory_space<semaphore_mem>>
      %dma_start3A_15 = arith.constant 0 : i32
      %dma_start3A_16 = tpu.memref_slice %arg10[%mul3A_2, %dma_start3A_15] : memref<10240x128xf32, #tpu.memory_space<vmem_shared>> -> memref<640x128xf32, #tpu.memory_space<vmem_shared>>
      %dma_start3A_17 = tpu.memref_slice %arg4[%mul3A_2, %mul3A_0] : memref<10240x256xf32, #tpu.memory_space<hbm>> -> memref<640x128xf32, #tpu.memory_space<hbm>>
      tpu.enqueue_dma source(%dma_start3A_17 : memref<640x128xf32, #tpu.memory_space<hbm>>) target(%dma_start3A_16 : memref<640x128xf32, #tpu.memory_space<vmem_shared>>) target_semaphore(%run_scoped3A : memref<!tpu.dma_semaphore, #tpu.memory_space<semaphore_mem>>)
      %dma_wait3A = arith.constant 0 : i32
      %dma_wait3A_18 = tpu.memref_slice %arg10[%mul3A_2, %dma_wait3A] : memref<10240x128xf32, #tpu.memory_space<vmem_shared>> -> memref<640x128xf32, #tpu.memory_space<vmem_shared>>
      %dma_wait3A_19 = tpu.memref_slice %arg4[%mul3A_2, %mul3A_0] : memref<10240x256xf32, #tpu.memory_space<hbm>> -> memref<640x128xf32, #tpu.memory_space<hbm>>
      tpu.wait_dma2 semaphore(%run_scoped3A : memref<!tpu.dma_semaphore, #tpu.memory_space<semaphore_mem>>) src(%dma_wait3A_19 : memref<640x128xf32, #tpu.memory_space<hbm>>) dst(%dma_wait3A_18 : memref<640x128xf32, #tpu.memory_space<vmem_shared>>)
      tpu.yield
    }) : () -> ()
    %barrier3A = arith.constant 0 : index
    tpu.barrier barrier_id(%barrier3A)
    %mul3A_3 = arith.constant 20000 : i32
    %mul3A_4 = arith.muli %arg1, %mul3A_3 : i32
    %add3A = arith.constant 0 : i32
    %add3A_5 = arith.addi %mul3A_4, %add3A : i32
    %dma_start3A = tpu.memref_slice %arg3[%add3A_5] : memref<320000xi32, #tpu.memory_space<hbm>> -> memref<80xi32, #tpu.memory_space<hbm>>
    %dma_start3A_6 = tpu.memref_slice %arg3[%add3A_5] : memref<320000xi32, #tpu.memory_space<hbm>> -> memref<80xi32, #tpu.memory_space<hbm>>
    tpu.enqueue_dma source(%dma_start3A_6 : memref<80xi32, #tpu.memory_space<hbm>>) target(%arg6 : memref<80xi32, #tpu.memory_space<vmem>>) target_semaphore(%arg11 : memref<!tpu.dma_semaphore, #tpu.memory_space<semaphore_mem>>)
    %dma_start3A_7 = tpu.memref_slice %arg2[%add3A_5, %mul3A_0] : memref<320000x256xf32, #tpu.memory_space<hbm>> -> memref<80x128xf32, #tpu.memory_space<hbm>>
    %dma_start3A_8 = tpu.memref_slice %arg2[%add3A_5, %mul3A_0] : memref<320000x256xf32, #tpu.memory_space<hbm>> -> memref<80x128xf32, #tpu.memory_space<hbm>>
    tpu.enqueue_dma source(%dma_start3A_8 : memref<80x128xf32, #tpu.memory_space<hbm>>) target(%arg8 : memref<80x128xf32, #tpu.memory_space<vmem>>) target_semaphore(%arg11 : memref<!tpu.dma_semaphore, #tpu.memory_space<semaphore_mem>>)
    %scan3A = arith.constant 0 : i32
    %scan3A_9 = arith.constant 0 : i32
    %scan3A_10 = arith.constant 250 : i32
    %scan3A_11 = arith.addi %scan3A_9, %scan3A_10 : i32
    %scan3A_12 = arith.constant 1 : i32
    scf.for %scan3A_15 = %scan3A_9 to %scan3A_11 step %scan3A_12  : i32 {
      %rem3A = arith.constant 2 : i32
      %rem3A_16 = arith.remsi %scan3A_15, %rem3A : i32
      %eq3A = arith.constant 0 : i32
      %eq3A_17 = arith.cmpi eq, %rem3A_16, %eq3A : i32
      %convert_element_type3A = arith.extui %eq3A_17 : i1 to i32
      %cond3A = arith.constant 0 : i32
      %cond3A_18 = arith.cmpi ne, %convert_element_type3A, %cond3A : i32
      scf.if %cond3A_18 {
        %mul3A_26 = arith.constant 80 : i32
        %mul3A_27 = arith.muli %scan3A_15, %mul3A_26 : i32
        %add3A_28 = arith.addi %mul3A_4, %mul3A_27 : i32
        %dma_wait3A = tpu.memref_slice %arg3[%add3A_28] : memref<320000xi32, #tpu.memory_space<hbm>> -> memref<80xi32, #tpu.memory_space<hbm>>
        %dma_wait3A_29 = tpu.memref_slice %arg3[%add3A_28] : memref<320000xi32, #tpu.memory_space<hbm>> -> memref<80xi32, #tpu.memory_space<hbm>>
        tpu.wait_dma2 semaphore(%arg11 : memref<!tpu.dma_semaphore, #tpu.memory_space<semaphore_mem>>) src(%dma_wait3A_29 : memref<80xi32, #tpu.memory_space<hbm>>) dst(%arg6 : memref<80xi32, #tpu.memory_space<vmem>>)
        %dma_wait3A_30 = tpu.memref_slice %arg2[%add3A_28, %mul3A_0] : memref<320000x256xf32, #tpu.memory_space<hbm>> -> memref<80x128xf32, #tpu.memory_space<hbm>>
        %dma_wait3A_31 = tpu.memref_slice %arg2[%add3A_28, %mul3A_0] : memref<320000x256xf32, #tpu.memory_space<hbm>> -> memref<80x128xf32, #tpu.memory_space<hbm>>
        tpu.wait_dma2 semaphore(%arg11 : memref<!tpu.dma_semaphore, #tpu.memory_space<semaphore_mem>>) src(%dma_wait3A_31 : memref<80x128xf32, #tpu.memory_space<hbm>>) dst(%arg8 : memref<80x128xf32, #tpu.memory_space<vmem>>)
        %add3A_32 = arith.constant 1 : i32
        %add3A_33 = arith.addi %scan3A_15, %add3A_32 : i32
        %lt3A = arith.constant 250 : i32
        %lt3A_34 = arith.cmpi slt, %add3A_33, %lt3A : i32
        %convert_element_type3A_35 = arith.extui %lt3A_34 : i1 to i32
        %cond3A_36 = arith.constant 0 : i32
        %cond3A_37 = arith.cmpi ne, %convert_element_type3A_35, %cond3A_36 : i32
        scf.if %cond3A_37 {
          %add3A_38 = arith.constant 1 : i32
          %add3A_39 = arith.addi %scan3A_15, %add3A_38 : i32
          %mul3A_40 = arith.constant 80 : i32
          %mul3A_41 = arith.muli %add3A_39, %mul3A_40 : i32
          %add3A_42 = arith.addi %mul3A_4, %mul3A_41 : i32
          %dma_start3A_43 = tpu.memref_slice %arg3[%add3A_42] : memref<320000xi32, #tpu.memory_space<hbm>> -> memref<80xi32, #tpu.memory_space<hbm>>
          %dma_start3A_44 = tpu.memref_slice %arg3[%add3A_42] : memref<320000xi32, #tpu.memory_space<hbm>> -> memref<80xi32, #tpu.memory_space<hbm>>
          tpu.enqueue_dma source(%dma_start3A_44 : memref<80xi32, #tpu.memory_space<hbm>>) target(%arg7 : memref<80xi32, #tpu.memory_space<vmem>>) target_semaphore(%arg12 : memref<!tpu.dma_semaphore, #tpu.memory_space<semaphore_mem>>)
          %dma_start3A_45 = tpu.memref_slice %arg2[%add3A_42, %mul3A_0] : memref<320000x256xf32, #tpu.memory_space<hbm>> -> memref<80x128xf32, #tpu.memory_space<hbm>>
          %dma_start3A_46 = tpu.memref_slice %arg2[%add3A_42, %mul3A_0] : memref<320000x256xf32, #tpu.memory_space<hbm>> -> memref<80x128xf32, #tpu.memory_space<hbm>>
          tpu.enqueue_dma source(%dma_start3A_46 : memref<80x128xf32, #tpu.memory_space<hbm>>) target(%arg9 : memref<80x128xf32, #tpu.memory_space<vmem>>) target_semaphore(%arg12 : memref<!tpu.dma_semaphore, #tpu.memory_space<semaphore_mem>>)
        } else {
        }
        "tpu.region"() ({
          %run_scoped3A = tpu.sem_alloc : memref<!tpu.dma_semaphore, #tpu.memory_space<semaphore_mem>>
          %dma_start3A_38 = arith.constant 0 : i32
          %dma_start3A_39 = arith.constant 0 : i32
          %dma_start3A_40 = tpu.memref_slice %arg10[%dma_start3A_38, %dma_start3A_39] : memref<10240x128xf32, #tpu.memory_space<vmem_shared>> -> memref<10240x128xf32, #tpu.memory_space<vmem_shared>>
          tpu.enqueue_indirect_dma source(%arg8 : memref<80x128xf32, #tpu.memory_space<vmem>>) target(%dma_start3A_40 : memref<10240x128xf32, #tpu.memory_space<vmem_shared>>) offsets(%arg6 : memref<80xi32, #tpu.memory_space<vmem>>) semaphore(%run_scoped3A : memref<!tpu.dma_semaphore, #tpu.memory_space<semaphore_mem>>) {add = true}
          %dma_wait3A_41 = arith.constant 0 : i32
          %dma_wait3A_42 = arith.constant 0 : i32
          %dma_wait3A_43 = tpu.memref_slice %arg10[%dma_wait3A_41, %dma_wait3A_42] : memref<10240x128xf32, #tpu.memory_space<vmem_shared>> -> memref<10240x128xf32, #tpu.memory_space<vmem_shared>>
          tpu.wait_indirect_dma semaphore(%run_scoped3A : memref<!tpu.dma_semaphore, #tpu.memory_space<semaphore_mem>>) src(%arg8 : memref<80x128xf32, #tpu.memory_space<vmem>>) dst(%dma_wait3A_43 : memref<10240x128xf32, #tpu.memory_space<vmem_shared>>)
          tpu.yield
        }) : () -> ()
      } else {
      }
      %rem3A_19 = arith.constant 2 : i32
      %rem3A_20 = arith.remsi %scan3A_15, %rem3A_19 : i32
      %eq3A_21 = arith.constant 1 : i32
      %eq3A_22 = arith.cmpi eq, %rem3A_20, %eq3A_21 : i32
      %convert_element_type3A_23 = arith.extui %eq3A_22 : i1 to i32
      %cond3A_24 = arith.constant 0 : i32
      %cond3A_25 = arith.cmpi ne, %convert_element_type3A_23, %cond3A_24 : i32
      scf.if %cond3A_25 {
        %mul3A_26 = arith.constant 80 : i32
        %mul3A_27 = arith.muli %scan3A_15, %mul3A_26 : i32
        %add3A_28 = arith.addi %mul3A_4, %mul3A_27 : i32
        %dma_wait3A = tpu.memref_slice %arg3[%add3A_28] : memref<320000xi32, #tpu.memory_space<hbm>> -> memref<80xi32, #tpu.memory_space<hbm>>
        %dma_wait3A_29 = tpu.memref_slice %arg3[%add3A_28] : memref<320000xi32, #tpu.memory_space<hbm>> -> memref<80xi32, #tpu.memory_space<hbm>>
        tpu.wait_dma2 semaphore(%arg12 : memref<!tpu.dma_semaphore, #tpu.memory_space<semaphore_mem>>) src(%dma_wait3A_29 : memref<80xi32, #tpu.memory_space<hbm>>) dst(%arg7 : memref<80xi32, #tpu.memory_space<vmem>>)
        %dma_wait3A_30 = tpu.memref_slice %arg2[%add3A_28, %mul3A_0] : memref<320000x256xf32, #tpu.memory_space<hbm>> -> memref<80x128xf32, #tpu.memory_space<hbm>>
        %dma_wait3A_31 = tpu.memref_slice %arg2[%add3A_28, %mul3A_0] : memref<320000x256xf32, #tpu.memory_space<hbm>> -> memref<80x128xf32, #tpu.memory_space<hbm>>
        tpu.wait_dma2 semaphore(%arg12 : memref<!tpu.dma_semaphore, #tpu.memory_space<semaphore_mem>>) src(%dma_wait3A_31 : memref<80x128xf32, #tpu.memory_space<hbm>>) dst(%arg9 : memref<80x128xf32, #tpu.memory_space<vmem>>)
        %add3A_32 = arith.constant 1 : i32
        %add3A_33 = arith.addi %scan3A_15, %add3A_32 : i32
        %lt3A = arith.constant 250 : i32
        %lt3A_34 = arith.cmpi slt, %add3A_33, %lt3A : i32
        %convert_element_type3A_35 = arith.extui %lt3A_34 : i1 to i32
        %cond3A_36 = arith.constant 0 : i32
        %cond3A_37 = arith.cmpi ne, %convert_element_type3A_35, %cond3A_36 : i32
        scf.if %cond3A_37 {
          %add3A_38 = arith.constant 1 : i32
          %add3A_39 = arith.addi %scan3A_15, %add3A_38 : i32
          %mul3A_40 = arith.constant 80 : i32
          %mul3A_41 = arith.muli %add3A_39, %mul3A_40 : i32
          %add3A_42 = arith.addi %mul3A_4, %mul3A_41 : i32
          %dma_start3A_43 = tpu.memref_slice %arg3[%add3A_42] : memref<320000xi32, #tpu.memory_space<hbm>> -> memref<80xi32, #tpu.memory_space<hbm>>
          %dma_start3A_44 = tpu.memref_slice %arg3[%add3A_42] : memref<320000xi32, #tpu.memory_space<hbm>> -> memref<80xi32, #tpu.memory_space<hbm>>
          tpu.enqueue_dma source(%dma_start3A_44 : memref<80xi32, #tpu.memory_space<hbm>>) target(%arg6 : memref<80xi32, #tpu.memory_space<vmem>>) target_semaphore(%arg11 : memref<!tpu.dma_semaphore, #tpu.memory_space<semaphore_mem>>)
          %dma_start3A_45 = tpu.memref_slice %arg2[%add3A_42, %mul3A_0] : memref<320000x256xf32, #tpu.memory_space<hbm>> -> memref<80x128xf32, #tpu.memory_space<hbm>>
          %dma_start3A_46 = tpu.memref_slice %arg2[%add3A_42, %mul3A_0] : memref<320000x256xf32, #tpu.memory_space<hbm>> -> memref<80x128xf32, #tpu.memory_space<hbm>>
          tpu.enqueue_dma source(%dma_start3A_46 : memref<80x128xf32, #tpu.memory_space<hbm>>) target(%arg8 : memref<80x128xf32, #tpu.memory_space<vmem>>) target_semaphore(%arg11 : memref<!tpu.dma_semaphore, #tpu.memory_space<semaphore_mem>>)
        } else {
        }
        "tpu.region"() ({
          %run_scoped3A = tpu.sem_alloc : memref<!tpu.dma_semaphore, #tpu.memory_space<semaphore_mem>>
          %dma_start3A_38 = arith.constant 0 : i32
          %dma_start3A_39 = arith.constant 0 : i32
          %dma_start3A_40 = tpu.memref_slice %arg10[%dma_start3A_38, %dma_start3A_39] : memref<10240x128xf32, #tpu.memory_space<vmem_shared>> -> memref<10240x128xf32, #tpu.memory_space<vmem_shared>>
          tpu.enqueue_indirect_dma source(%arg9 : memref<80x128xf32, #tpu.memory_space<vmem>>) target(%dma_start3A_40 : memref<10240x128xf32, #tpu.memory_space<vmem_shared>>) offsets(%arg7 : memref<80xi32, #tpu.memory_space<vmem>>) semaphore(%run_scoped3A : memref<!tpu.dma_semaphore, #tpu.memory_space<semaphore_mem>>) {add = true}
          %dma_wait3A_41 = arith.constant 0 : i32
          %dma_wait3A_42 = arith.constant 0 : i32
          %dma_wait3A_43 = tpu.memref_slice %arg10[%dma_wait3A_41, %dma_wait3A_42] : memref<10240x128xf32, #tpu.memory_space<vmem_shared>> -> memref<10240x128xf32, #tpu.memory_space<vmem_shared>>
          tpu.wait_indirect_dma semaphore(%run_scoped3A : memref<!tpu.dma_semaphore, #tpu.memory_space<semaphore_mem>>) src(%arg9 : memref<80x128xf32, #tpu.memory_space<vmem>>) dst(%dma_wait3A_43 : memref<10240x128xf32, #tpu.memory_space<vmem_shared>>)
          tpu.yield
        }) : () -> ()
      } else {
      }
    }
    %scan3A_13 = arith.constant 250 : i32
    %barrier3A_14 = arith.constant 0 : index
    tpu.barrier barrier_id(%barrier3A_14)
    "tpu.region"() ({
      %run_scoped3A = tpu.sem_alloc : memref<!tpu.dma_semaphore, #tpu.memory_space<semaphore_mem>>
      %dma_start3A_15 = tpu.memref_slice %arg5[%mul3A_2, %mul3A_0] : memref<10240x256xf32, #tpu.memory_space<hbm>> -> memref<640x128xf32, #tpu.memory_space<hbm>>
      %dma_start3A_16 = arith.constant 0 : i32
      %dma_start3A_17 = tpu.memref_slice %arg10[%mul3A_2, %dma_start3A_16] : memref<10240x128xf32, #tpu.memory_space<vmem_shared>> -> memref<640x128xf32, #tpu.memory_space<vmem_shared>>
      tpu.enqueue_dma source(%dma_start3A_17 : memref<640x128xf32, #tpu.memory_space<vmem_shared>>) target(%dma_start3A_15 : memref<640x128xf32, #tpu.memory_space<hbm>>) target_semaphore(%run_scoped3A : memref<!tpu.dma_semaphore, #tpu.memory_space<semaphore_mem>>)
      %dma_wait3A = tpu.memref_slice %arg5[%mul3A_2, %mul3A_0] : memref<10240x256xf32, #tpu.memory_space<hbm>> -> memref<640x128xf32, #tpu.memory_space<hbm>>
      %dma_wait3A_18 = arith.constant 0 : i32
      %dma_wait3A_19 = tpu.memref_slice %arg10[%mul3A_2, %dma_wait3A_18] : memref<10240x128xf32, #tpu.memory_space<vmem_shared>> -> memref<640x128xf32, #tpu.memory_space<vmem_shared>>
      tpu.wait_dma2 semaphore(%run_scoped3A : memref<!tpu.dma_semaphore, #tpu.memory_space<semaphore_mem>>) src(%dma_wait3A_19 : memref<640x128xf32, #tpu.memory_space<vmem_shared>>) dst(%dma_wait3A : memref<640x128xf32, #tpu.memory_space<hbm>>)
      tpu.yield
    }) : () -> ()
    return
  }
}

module attributes {stable_mosaic.version = 14 : i64} {
  func.func @_lambda_(%arg0: i32, %arg1: memref<2000x128xf32, #tpu.memory_space<vmem>>, %arg2: memref<128x640xf32, #tpu.memory_space<vmem>>, %arg3: memref<1x128xf32, #tpu.memory_space<vmem>>, %arg4: memref<2000x256xbf16, #tpu.memory_space<vmem>>, %arg5: memref<2000x256xbf16, #tpu.memory_space<vmem>>, %arg6: memref<2000x128xf32, #tpu.memory_space<vmem>>) attributes {dimension_semantics = [#tpu.dimension_semantics<arbitrary>], iteration_bounds = array<i64: 5>, scalar_prefetch = 0 : i64, scratch_operands = 0 : i64, tpu.core_type = #tpu.core_type<tc>, window_params = [{transform_indices = @transform_0, window_bounds = array<i64: 2000, 128>}, {pipeline_mode = #tpu.pipeline_mode<synchronous>, transform_indices = @transform_1, window_bounds = array<i64: 128, 640>}, {pipeline_mode = #tpu.pipeline_mode<synchronous>, transform_indices = @transform_2, window_bounds = array<i64: 1, 128>}, {transform_indices = @transform_3, window_bounds = array<i64: 2000, 256>}, {transform_indices = @transform_4, window_bounds = array<i64: 2000, 256>}, {transform_indices = @transform_5, window_bounds = array<i64: 2000, 128>}]} {
    %get3A = arith.constant 0 : index
    %get3A_0 = arith.constant 0 : index
    %get3A_1 = vector.load %arg1[%get3A, %get3A_0] : memref<2000x128xf32, #tpu.memory_space<vmem>>, vector<2000x128xf32>
    %get3A_2 = arith.constant 0 : index
    %get3A_3 = arith.constant 0 : index
    %get3A_4 = vector.load %arg2[%get3A_2, %get3A_3] : memref<128x640xf32, #tpu.memory_space<vmem>>, vector<128x640xf32>
    %dot_general3A = arith.constant dense<0.000000e+00> : vector<2000x640xf32>
    %dot_general3A_5 = tpu.matmul %get3A_1, %get3A_4, %dot_general3A {dimension_numbers = #tpu.dot_dimension_numbers<[1], [0], [0], [1], [0, 0, 1, 1], [], []>, transpose_lhs_hint = false} : vector<2000x128xf32>, vector<128x640xf32>, vector<2000x640xf32> -> vector<2000x640xf32>
    %slice3A = vector.extract_strided_slice %dot_general3A_5 {offsets = [0, 0], sizes = [2000, 256], strides = [1, 1]} : vector<2000x640xf32> to vector<2000x256xf32>
    %convert_element_type3A = arith.truncf %slice3A : vector<2000x256xf32> to vector<2000x256xbf16>
    %swap3A = arith.constant 0 : index
    %swap3A_6 = arith.constant 0 : index
    %swap3A_7 = vector.load %arg4[%swap3A, %swap3A_6] : memref<2000x256xbf16, #tpu.memory_space<vmem>>, vector<2000x256xbf16>
    tpu.vector_store %arg4[%swap3A, %swap3A_6], %convert_element_type3A {strides = array<i32>} : memref<2000x256xbf16, #tpu.memory_space<vmem>>, vector<2000x256xbf16>,
    %slice3A_8 = vector.extract_strided_slice %dot_general3A_5 {offsets = [0, 256], sizes = [2000, 256], strides = [1, 1]} : vector<2000x640xf32> to vector<2000x256xf32>
    %convert_element_type3A_9 = arith.truncf %slice3A_8 : vector<2000x256xf32> to vector<2000x256xbf16>
    %swap3A_10 = arith.constant 0 : index
    %swap3A_11 = arith.constant 0 : index
    %swap3A_12 = vector.load %arg5[%swap3A_10, %swap3A_11] : memref<2000x256xbf16, #tpu.memory_space<vmem>>, vector<2000x256xbf16>
    tpu.vector_store %arg5[%swap3A_10, %swap3A_11], %convert_element_type3A_9 {strides = array<i32>} : memref<2000x256xbf16, #tpu.memory_space<vmem>>, vector<2000x256xbf16>,
    %slice3A_13 = vector.extract_strided_slice %dot_general3A_5 {offsets = [0, 512], sizes = [2000, 128], strides = [1, 1]} : vector<2000x640xf32> to vector<2000x128xf32>
    %get3A_14 = arith.constant 0 : index
    %get3A_15 = arith.constant 0 : index
    %get3A_16 = vector.load %arg3[%get3A_14, %get3A_15] : memref<1x128xf32, #tpu.memory_space<vmem>>, vector<1x128xf32>
    %add3A = vector.broadcast %get3A_16 : vector<1x128xf32> to vector<2000x128xf32>
    %add3A_17 = arith.addf %slice3A_13, %add3A : vector<2000x128xf32>
    %mul3A = arith.constant 5.000000e-01 : f32
    %mul3A_18 = vector.broadcast %mul3A : f32 to vector<2000x128xf32>
    %mul3A_19 = arith.mulf %add3A_17, %mul3A_18 : vector<2000x128xf32>
    %swap3A_20 = arith.constant 0 : index
    %swap3A_21 = arith.constant 0 : index
    %swap3A_22 = vector.load %arg6[%swap3A_20, %swap3A_21] : memref<2000x128xf32, #tpu.memory_space<vmem>>, vector<2000x128xf32>
    tpu.vector_store %arg6[%swap3A_20, %swap3A_21], %mul3A_19 {strides = array<i32>} : memref<2000x128xf32, #tpu.memory_space<vmem>>, vector<2000x128xf32>,
    return
  }
  func.func @transform_0(%arg0: i32) -> (i32, i32) {
    %c0_i32 = arith.constant 0 : i32
    %c0_i32_0 = arith.constant 0 : i32
    return %arg0, %c0_i32 : i32, i32
  }
  func.func @transform_1(%arg0: i32) -> (i32, i32) {
    %c0_i32 = arith.constant 0 : i32
    %c0_i32_0 = arith.constant 0 : i32
    %c0_i32_1 = arith.constant 0 : i32
    return %c0_i32, %c0_i32_0 : i32, i32
  }
  func.func @transform_2(%arg0: i32) -> (i32, i32) {
    %c0_i32 = arith.constant 0 : i32
    %c0_i32_0 = arith.constant 0 : i32
    %c0_i32_1 = arith.constant 0 : i32
    return %c0_i32, %c0_i32_0 : i32, i32
  }
  func.func @transform_3(%arg0: i32) -> (i32, i32) {
    %c0_i32 = arith.constant 0 : i32
    %c0_i32_0 = arith.constant 0 : i32
    return %arg0, %c0_i32 : i32, i32
  }
  func.func @transform_4(%arg0: i32) -> (i32, i32) {
    %c0_i32 = arith.constant 0 : i32
    %c0_i32_0 = arith.constant 0 : i32
    return %arg0, %c0_i32 : i32, i32
  }
  func.func @transform_5(%arg0: i32) -> (i32, i32) {
    %c0_i32 = arith.constant 0 : i32
    %c0_i32_0 = arith.constant 0 : i32
    return %arg0, %c0_i32 : i32, i32
  }
}

module attributes {stable_mosaic.version = 14 : i64} {
  func.func @_gate_body(%arg0: i32, %arg1: memref<2000x128xi32, #tpu.memory_space<vmem>>, %arg2: memref<2000x128xi32, #tpu.memory_space<vmem>>, %arg3: memref<2000x16xf32, #tpu.memory_space<vmem>>, %arg4: memref<16x128xf32, #tpu.memory_space<vmem>>, %arg5: memref<16x128xf32, #tpu.memory_space<vmem>>, %arg6: memref<1x128xf32, #tpu.memory_space<vmem>>, %arg7: memref<1x128xf32, #tpu.memory_space<vmem>>, %arg8: memref<2000x128xf32, #tpu.memory_space<vmem>>) attributes {dimension_semantics = [#tpu.dimension_semantics<arbitrary>], iteration_bounds = array<i64: 160>, scalar_prefetch = 0 : i64, scratch_operands = 0 : i64, tpu.core_type = #tpu.core_type<tc>, window_params = [{transform_indices = @transform_0, window_bounds = array<i64: 2000, 128>}, {transform_indices = @transform_1, window_bounds = array<i64: 2000, 128>}, {transform_indices = @transform_2, window_bounds = array<i64: 2000, 16>}, {pipeline_mode = #tpu.pipeline_mode<synchronous>, transform_indices = @transform_3, window_bounds = array<i64: 16, 128>}, {pipeline_mode = #tpu.pipeline_mode<synchronous>, transform_indices = @transform_4, window_bounds = array<i64: 16, 128>}, {pipeline_mode = #tpu.pipeline_mode<synchronous>, transform_indices = @transform_5, window_bounds = array<i64: 1, 128>}, {pipeline_mode = #tpu.pipeline_mode<synchronous>, transform_indices = @transform_6, window_bounds = array<i64: 1, 128>}, {transform_indices = @transform_7, window_bounds = array<i64: 2000, 128>}]} {
    %get3A = arith.constant 0 : index
    %get3A_0 = arith.constant 0 : index
    %get3A_1 = vector.load %arg1[%get3A, %get3A_0] : memref<2000x128xi32, #tpu.memory_space<vmem>>, vector<2000x128xi32>
    %shift_left3A = arith.constant 16 : i32
    %shift_left3A_2 = vector.broadcast %shift_left3A : i32 to vector<2000x128xi32>
    %shift_left3A_3 = arith.shli %get3A_1, %shift_left3A_2 : vector<2000x128xi32>
    %bitcast_convert_type3A = tpu.bitcast %shift_left3A_3 : vector<2000x128xi32> -> vector<2000x128xf32>
    %and3A = arith.constant -65536 : i32
    %and3A_4 = vector.broadcast %and3A : i32 to vector<2000x128xi32>
    %and3A_5 = arith.andi %get3A_1, %and3A_4 : vector<2000x128xi32>
    %bitcast_convert_type3A_6 = tpu.bitcast %and3A_5 : vector<2000x128xi32> -> vector<2000x128xf32>
    %get3A_7 = arith.constant 0 : index
    %get3A_8 = arith.constant 0 : index
    %get3A_9 = vector.load %arg2[%get3A_7, %get3A_8] : memref<2000x128xi32, #tpu.memory_space<vmem>>, vector<2000x128xi32>
    %shift_left3A_10 = arith.constant 16 : i32
    %shift_left3A_11 = vector.broadcast %shift_left3A_10 : i32 to vector<2000x128xi32>
    %shift_left3A_12 = arith.shli %get3A_9, %shift_left3A_11 : vector<2000x128xi32>
    %bitcast_convert_type3A_13 = tpu.bitcast %shift_left3A_12 : vector<2000x128xi32> -> vector<2000x128xf32>
    %and3A_14 = arith.constant -65536 : i32
    %and3A_15 = vector.broadcast %and3A_14 : i32 to vector<2000x128xi32>
    %and3A_16 = arith.andi %get3A_9, %and3A_15 : vector<2000x128xi32>
    %bitcast_convert_type3A_17 = tpu.bitcast %and3A_16 : vector<2000x128xi32> -> vector<2000x128xf32>
    %get3A_18 = arith.constant 0 : index
    %get3A_19 = arith.constant 0 : index
    %get3A_20 = vector.load %arg3[%get3A_18, %get3A_19] : memref<2000x16xf32, #tpu.memory_space<vmem>>, vector<2000x16xf32>
    %add3A = arith.addf %bitcast_convert_type3A, %bitcast_convert_type3A_13 : vector<2000x128xf32>
    %get3A_21 = arith.constant 0 : index
    %get3A_22 = arith.constant 0 : index
    %get3A_23 = vector.load %arg6[%get3A_21, %get3A_22] : memref<1x128xf32, #tpu.memory_space<vmem>>, vector<1x128xf32>
    %add3A_24 = vector.broadcast %get3A_23 : vector<1x128xf32> to vector<2000x128xf32>
    %add3A_25 = arith.addf %add3A, %add3A_24 : vector<2000x128xf32>
    %get3A_26 = arith.constant 0 : index
    %get3A_27 = arith.constant 0 : index
    %get3A_28 = vector.load %arg4[%get3A_26, %get3A_27] : memref<16x128xf32, #tpu.memory_space<vmem>>, vector<16x128xf32>
    %dot_general3A = arith.constant dense<0.000000e+00> : vector<2000x128xf32>
    %dot_general3A_29 = tpu.matmul %get3A_20, %get3A_28, %dot_general3A {dimension_numbers = #tpu.dot_dimension_numbers<[1], [0], [0], [1], [0, 0, 1, 1], [], []>, transpose_lhs_hint = false} : vector<2000x16xf32>, vector<16x128xf32>, vector<2000x128xf32> -> vector<2000x128xf32>
    %add3A_30 = arith.addf %add3A_25, %dot_general3A_29 : vector<2000x128xf32>
    %add3A_31 = arith.addf %bitcast_convert_type3A_6, %bitcast_convert_type3A_17 : vector<2000x128xf32>
    %get3A_32 = arith.constant 0 : index
    %get3A_33 = arith.constant 0 : index
    %get3A_34 = vector.load %arg7[%get3A_32, %get3A_33] : memref<1x128xf32, #tpu.memory_space<vmem>>, vector<1x128xf32>
    %add3A_35 = vector.broadcast %get3A_34 : vector<1x128xf32> to vector<2000x128xf32>
    %add3A_36 = arith.addf %add3A_31, %add3A_35 : vector<2000x128xf32>
    %get3A_37 = arith.constant 0 : index
    %get3A_38 = arith.constant 0 : index
    %get3A_39 = vector.load %arg5[%get3A_37, %get3A_38] : memref<16x128xf32, #tpu.memory_space<vmem>>, vector<16x128xf32>
    %dot_general3A_40 = arith.constant dense<0.000000e+00> : vector<2000x128xf32>
    %dot_general3A_41 = tpu.matmul %get3A_20, %get3A_39, %dot_general3A_40 {dimension_numbers = #tpu.dot_dimension_numbers<[1], [0], [0], [1], [0, 0, 1, 1], [], []>, transpose_lhs_hint = false} : vector<2000x16xf32>, vector<16x128xf32>, vector<2000x128xf32> -> vector<2000x128xf32>
    %add3A_42 = arith.addf %add3A_36, %dot_general3A_41 : vector<2000x128xf32>
    %logistic3A = arith.negf %add3A_30 : vector<2000x128xf32>
    %logistic3A_43 = math.exp %logistic3A : vector<2000x128xf32>
    %logistic3A_44 = arith.constant 1.000000e+00 : f32
    %logistic3A_45 = vector.broadcast %logistic3A_44 : f32 to vector<2000x128xf32>
    %logistic3A_46 = arith.addf %logistic3A_45, %logistic3A_43 : vector<2000x128xf32>
    %logistic3A_47 = arith.divf %logistic3A_45, %logistic3A_46 : vector<2000x128xf32>
    %custom_jvp_call3A = arith.constant 0.000000e+00 : f32
    %max3A = vector.broadcast %custom_jvp_call3A : f32 to vector<2000x128xf32>
    %max3A_48 = arith.maximumf %add3A_42, %max3A : vector<2000x128xf32>
    %sub3A = vector.broadcast %custom_jvp_call3A : f32 to vector<2000x128xf32>
    %sub3A_49 = arith.subf %add3A_42, %sub3A : vector<2000x128xf32>
    %ne3A = arith.cmpf one, %sub3A_49, %sub3A_49 : vector<2000x128xf32>
    %add3A_50 = vector.broadcast %custom_jvp_call3A : f32 to vector<2000x128xf32>
    %add3A_51 = arith.addf %add3A_42, %add3A_50 : vector<2000x128xf32>
    %abs3A = math.absf %sub3A_49 : vector<2000x128xf32>
    %neg3A = arith.constant 0.000000e+00 : f32
    %neg3A_52 = vector.broadcast %neg3A : f32 to vector<2000x128xf32>
    %neg3A_53 = arith.subf %neg3A_52, %abs3A : vector<2000x128xf32>
    %exp3A = math.exp %neg3A_53 : vector<2000x128xf32>
    %log1p3A = math.log1p %exp3A : vector<2000x128xf32>
    %add3A_54 = arith.addf %max3A_48, %log1p3A : vector<2000x128xf32>
    %select_n3A = arith.select %ne3A, %add3A_51, %add3A_54 : vector<2000x128xi1>, vector<2000x128xf32>
    %mul3A = arith.mulf %logistic3A_47, %select_n3A : vector<2000x128xf32>
    %swap3A = arith.constant 0 : index
    %swap3A_55 = arith.constant 0 : index
    %swap3A_56 = vector.load %arg8[%swap3A, %swap3A_55] : memref<2000x128xf32, #tpu.memory_space<vmem>>, vector<2000x128xf32>
    tpu.vector_store %arg8[%swap3A, %swap3A_55], %mul3A {strides = array<i32>} : memref<2000x128xf32, #tpu.memory_space<vmem>>, vector<2000x128xf32>,
    return
  }
  func.func @transform_0(%arg0: i32) -> (i32, i32) {
    %c0_i32 = arith.constant 0 : i32
    %c0_i32_0 = arith.constant 0 : i32
    return %arg0, %c0_i32 : i32, i32
  }
  func.func @transform_1(%arg0: i32) -> (i32, i32) {
    %c0_i32 = arith.constant 0 : i32
    %c0_i32_0 = arith.constant 0 : i32
    return %arg0, %c0_i32 : i32, i32
  }
  func.func @transform_2(%arg0: i32) -> (i32, i32) {
    %c0_i32 = arith.constant 0 : i32
    %c0_i32_0 = arith.constant 0 : i32
    return %arg0, %c0_i32 : i32, i32
  }
  func.func @transform_3(%arg0: i32) -> (i32, i32) {
    %c0_i32 = arith.constant 0 : i32
    %c0_i32_0 = arith.constant 0 : i32
    %c0_i32_1 = arith.constant 0 : i32
    return %c0_i32, %c0_i32_0 : i32, i32
  }
  func.func @transform_4(%arg0: i32) -> (i32, i32) {
    %c0_i32 = arith.constant 0 : i32
    %c0_i32_0 = arith.constant 0 : i32
    %c0_i32_1 = arith.constant 0 : i32
    return %c0_i32, %c0_i32_0 : i32, i32
  }
  func.func @transform_5(%arg0: i32) -> (i32, i32) {
    %c0_i32 = arith.constant 0 : i32
    %c0_i32_0 = arith.constant 0 : i32
    %c0_i32_1 = arith.constant 0 : i32
    return %c0_i32, %c0_i32_0 : i32, i32
  }
  func.func @transform_6(%arg0: i32) -> (i32, i32) {
    %c0_i32 = arith.constant 0 : i32
    %c0_i32_0 = arith.constant 0 : i32
    %c0_i32_1 = arith.constant 0 : i32
    return %c0_i32, %c0_i32_0 : i32, i32
  }
  func.func @transform_7(%arg0: i32) -> (i32, i32) {
    %c0_i32 = arith.constant 0 : i32
    %c0_i32_0 = arith.constant 0 : i32
    return %arg0, %c0_i32 : i32, i32
  }
}

module attributes {stable_mosaic.version = 14 : i64} {
  func.func @_proj_body(%arg0: i32, %arg1: memref<2000x128xf32, #tpu.memory_space<vmem>>, %arg2: memref<2000x128xf32, #tpu.memory_space<vmem>>, %arg3: memref<128x640xf32, #tpu.memory_space<vmem>>, %arg4: memref<1x128xf32, #tpu.memory_space<vmem>>, %arg5: memref<2000x256xbf16, #tpu.memory_space<vmem>>, %arg6: memref<2000x256xbf16, #tpu.memory_space<vmem>>, %arg7: memref<2000x128xf32, #tpu.memory_space<vmem>>) attributes {dimension_semantics = [#tpu.dimension_semantics<arbitrary>], iteration_bounds = array<i64: 5>, scalar_prefetch = 0 : i64, scratch_operands = 0 : i64, tpu.core_type = #tpu.core_type<tc>, window_params = [{transform_indices = @transform_0, window_bounds = array<i64: 2000, 128>}, {transform_indices = @transform_1, window_bounds = array<i64: 2000, 128>}, {pipeline_mode = #tpu.pipeline_mode<synchronous>, transform_indices = @transform_2, window_bounds = array<i64: 128, 640>}, {pipeline_mode = #tpu.pipeline_mode<synchronous>, transform_indices = @transform_3, window_bounds = array<i64: 1, 128>}, {transform_indices = @transform_4, window_bounds = array<i64: 2000, 256>}, {transform_indices = @transform_5, window_bounds = array<i64: 2000, 256>}, {transform_indices = @transform_6, window_bounds = array<i64: 2000, 128>}]} {
    %get3A = arith.constant 0 : index
    %get3A_0 = arith.constant 0 : index
    %get3A_1 = vector.load %arg1[%get3A, %get3A_0] : memref<2000x128xf32, #tpu.memory_space<vmem>>, vector<2000x128xf32>
    %get3A_2 = arith.constant 0 : index
    %get3A_3 = arith.constant 0 : index
    %get3A_4 = vector.load %arg2[%get3A_2, %get3A_3] : memref<2000x128xf32, #tpu.memory_space<vmem>>, vector<2000x128xf32>
    %add3A = arith.addf %get3A_1, %get3A_4 : vector<2000x128xf32>
    %max3A = arith.constant 0.000000e+00 : f32
    %max3A_5 = vector.broadcast %max3A : f32 to vector<2000x128xf32>
    %max3A_6 = arith.maximumf %add3A, %max3A_5 : vector<2000x128xf32>
    %get3A_7 = arith.constant 0 : index
    %get3A_8 = arith.constant 0 : index
    %get3A_9 = vector.load %arg3[%get3A_7, %get3A_8] : memref<128x640xf32, #tpu.memory_space<vmem>>, vector<128x640xf32>
    %dot_general3A = arith.constant dense<0.000000e+00> : vector<2000x640xf32>
    %dot_general3A_10 = tpu.matmul %max3A_6, %get3A_9, %dot_general3A {dimension_numbers = #tpu.dot_dimension_numbers<[1], [0], [0], [1], [0, 0, 1, 1], [], []>, transpose_lhs_hint = false} : vector<2000x128xf32>, vector<128x640xf32>, vector<2000x640xf32> -> vector<2000x640xf32>
    %slice3A = vector.extract_strided_slice %dot_general3A_10 {offsets = [0, 0], sizes = [2000, 256], strides = [1, 1]} : vector<2000x640xf32> to vector<2000x256xf32>
    %convert_element_type3A = arith.truncf %slice3A : vector<2000x256xf32> to vector<2000x256xbf16>
    %swap3A = arith.constant 0 : index
    %swap3A_11 = arith.constant 0 : index
    %swap3A_12 = vector.load %arg5[%swap3A, %swap3A_11] : memref<2000x256xbf16, #tpu.memory_space<vmem>>, vector<2000x256xbf16>
    tpu.vector_store %arg5[%swap3A, %swap3A_11], %convert_element_type3A {strides = array<i32>} : memref<2000x256xbf16, #tpu.memory_space<vmem>>, vector<2000x256xbf16>,
    %slice3A_13 = vector.extract_strided_slice %dot_general3A_10 {offsets = [0, 256], sizes = [2000, 256], strides = [1, 1]} : vector<2000x640xf32> to vector<2000x256xf32>
    %convert_element_type3A_14 = arith.truncf %slice3A_13 : vector<2000x256xf32> to vector<2000x256xbf16>
    %swap3A_15 = arith.constant 0 : index
    %swap3A_16 = arith.constant 0 : index
    %swap3A_17 = vector.load %arg6[%swap3A_15, %swap3A_16] : memref<2000x256xbf16, #tpu.memory_space<vmem>>, vector<2000x256xbf16>
    tpu.vector_store %arg6[%swap3A_15, %swap3A_16], %convert_element_type3A_14 {strides = array<i32>} : memref<2000x256xbf16, #tpu.memory_space<vmem>>, vector<2000x256xbf16>,
    %slice3A_18 = vector.extract_strided_slice %dot_general3A_10 {offsets = [0, 512], sizes = [2000, 128], strides = [1, 1]} : vector<2000x640xf32> to vector<2000x128xf32>
    %get3A_19 = arith.constant 0 : index
    %get3A_20 = arith.constant 0 : index
    %get3A_21 = vector.load %arg4[%get3A_19, %get3A_20] : memref<1x128xf32, #tpu.memory_space<vmem>>, vector<1x128xf32>
    %add3A_22 = vector.broadcast %get3A_21 : vector<1x128xf32> to vector<2000x128xf32>
    %add3A_23 = arith.addf %slice3A_18, %add3A_22 : vector<2000x128xf32>
    %mul3A = arith.constant 5.000000e-01 : f32
    %mul3A_24 = vector.broadcast %mul3A : f32 to vector<2000x128xf32>
    %mul3A_25 = arith.mulf %add3A_23, %mul3A_24 : vector<2000x128xf32>
    %swap3A_26 = arith.constant 0 : index
    %swap3A_27 = arith.constant 0 : index
    %swap3A_28 = vector.load %arg7[%swap3A_26, %swap3A_27] : memref<2000x128xf32, #tpu.memory_space<vmem>>, vector<2000x128xf32>
    tpu.vector_store %arg7[%swap3A_26, %swap3A_27], %mul3A_25 {strides = array<i32>} : memref<2000x128xf32, #tpu.memory_space<vmem>>, vector<2000x128xf32>,
    return
  }
  func.func @transform_0(%arg0: i32) -> (i32, i32) {
    %c0_i32 = arith.constant 0 : i32
    %c0_i32_0 = arith.constant 0 : i32
    return %arg0, %c0_i32 : i32, i32
  }
  func.func @transform_1(%arg0: i32) -> (i32, i32) {
    %c0_i32 = arith.constant 0 : i32
    %c0_i32_0 = arith.constant 0 : i32
    return %arg0, %c0_i32 : i32, i32
  }
  func.func @transform_2(%arg0: i32) -> (i32, i32) {
    %c0_i32 = arith.constant 0 : i32
    %c0_i32_0 = arith.constant 0 : i32
    %c0_i32_1 = arith.constant 0 : i32
    return %c0_i32, %c0_i32_0 : i32, i32
  }
  func.func @transform_3(%arg0: i32) -> (i32, i32) {
    %c0_i32 = arith.constant 0 : i32
    %c0_i32_0 = arith.constant 0 : i32
    %c0_i32_1 = arith.constant 0 : i32
    return %c0_i32, %c0_i32_0 : i32, i32
  }
  func.func @transform_4(%arg0: i32) -> (i32, i32) {
    %c0_i32 = arith.constant 0 : i32
    %c0_i32_0 = arith.constant 0 : i32
    return %arg0, %c0_i32 : i32, i32
  }
  func.func @transform_5(%arg0: i32) -> (i32, i32) {
    %c0_i32 = arith.constant 0 : i32
    %c0_i32_0 = arith.constant 0 : i32
    return %arg0, %c0_i32 : i32, i32
  }
  func.func @transform_6(%arg0: i32) -> (i32, i32) {
    %c0_i32 = arith.constant 0 : i32
    %c0_i32_0 = arith.constant 0 : i32
    return %arg0, %c0_i32 : i32, i32
  }
}

module attributes {stable_mosaic.version = 14 : i64} {
  func.func @_proj_body(%arg0: i32, %arg1: memref<2000x128xf32, #tpu.memory_space<vmem>>, %arg2: memref<2000x128xf32, #tpu.memory_space<vmem>>, %arg3: memref<128x1280xf32, #tpu.memory_space<vmem>>, %arg4: memref<1x256xf32, #tpu.memory_space<vmem>>, %arg5: memref<2000x512xbf16, #tpu.memory_space<vmem>>, %arg6: memref<2000x512xbf16, #tpu.memory_space<vmem>>, %arg7: memref<2000x256xf32, #tpu.memory_space<vmem>>) attributes {dimension_semantics = [#tpu.dimension_semantics<arbitrary>], iteration_bounds = array<i64: 5>, scalar_prefetch = 0 : i64, scratch_operands = 0 : i64, tpu.core_type = #tpu.core_type<tc>, window_params = [{transform_indices = @transform_0, window_bounds = array<i64: 2000, 128>}, {transform_indices = @transform_1, window_bounds = array<i64: 2000, 128>}, {pipeline_mode = #tpu.pipeline_mode<synchronous>, transform_indices = @transform_2, window_bounds = array<i64: 128, 1280>}, {pipeline_mode = #tpu.pipeline_mode<synchronous>, transform_indices = @transform_3, window_bounds = array<i64: 1, 256>}, {transform_indices = @transform_4, window_bounds = array<i64: 2000, 512>}, {transform_indices = @transform_5, window_bounds = array<i64: 2000, 512>}, {transform_indices = @transform_6, window_bounds = array<i64: 2000, 256>}]} {
    %get3A = arith.constant 0 : index
    %get3A_0 = arith.constant 0 : index
    %get3A_1 = vector.load %arg1[%get3A, %get3A_0] : memref<2000x128xf32, #tpu.memory_space<vmem>>, vector<2000x128xf32>
    %get3A_2 = arith.constant 0 : index
    %get3A_3 = arith.constant 0 : index
    %get3A_4 = vector.load %arg2[%get3A_2, %get3A_3] : memref<2000x128xf32, #tpu.memory_space<vmem>>, vector<2000x128xf32>
    %add3A = arith.addf %get3A_1, %get3A_4 : vector<2000x128xf32>
    %max3A = arith.constant 0.000000e+00 : f32
    %max3A_5 = vector.broadcast %max3A : f32 to vector<2000x128xf32>
    %max3A_6 = arith.maximumf %add3A, %max3A_5 : vector<2000x128xf32>
    %get3A_7 = arith.constant 0 : index
    %get3A_8 = arith.constant 0 : index
    %get3A_9 = vector.load %arg3[%get3A_7, %get3A_8] : memref<128x1280xf32, #tpu.memory_space<vmem>>, vector<128x1280xf32>
    %dot_general3A = arith.constant dense<0.000000e+00> : vector<2000x1280xf32>
    %dot_general3A_10 = tpu.matmul %max3A_6, %get3A_9, %dot_general3A {dimension_numbers = #tpu.dot_dimension_numbers<[1], [0], [0], [1], [0, 0, 1, 1], [], []>, transpose_lhs_hint = false} : vector<2000x128xf32>, vector<128x1280xf32>, vector<2000x1280xf32> -> vector<2000x1280xf32>
    %slice3A = vector.extract_strided_slice %dot_general3A_10 {offsets = [0, 0], sizes = [2000, 512], strides = [1, 1]} : vector<2000x1280xf32> to vector<2000x512xf32>
    %convert_element_type3A = arith.truncf %slice3A : vector<2000x512xf32> to vector<2000x512xbf16>
    %swap3A = arith.constant 0 : index
    %swap3A_11 = arith.constant 0 : index
    %swap3A_12 = vector.load %arg5[%swap3A, %swap3A_11] : memref<2000x512xbf16, #tpu.memory_space<vmem>>, vector<2000x512xbf16>
    tpu.vector_store %arg5[%swap3A, %swap3A_11], %convert_element_type3A {strides = array<i32>} : memref<2000x512xbf16, #tpu.memory_space<vmem>>, vector<2000x512xbf16>,
    %slice3A_13 = vector.extract_strided_slice %dot_general3A_10 {offsets = [0, 512], sizes = [2000, 512], strides = [1, 1]} : vector<2000x1280xf32> to vector<2000x512xf32>
    %convert_element_type3A_14 = arith.truncf %slice3A_13 : vector<2000x512xf32> to vector<2000x512xbf16>
    %swap3A_15 = arith.constant 0 : index
    %swap3A_16 = arith.constant 0 : index
    %swap3A_17 = vector.load %arg6[%swap3A_15, %swap3A_16] : memref<2000x512xbf16, #tpu.memory_space<vmem>>, vector<2000x512xbf16>
    tpu.vector_store %arg6[%swap3A_15, %swap3A_16], %convert_element_type3A_14 {strides = array<i32>} : memref<2000x512xbf16, #tpu.memory_space<vmem>>, vector<2000x512xbf16>,
    %slice3A_18 = vector.extract_strided_slice %dot_general3A_10 {offsets = [0, 1024], sizes = [2000, 256], strides = [1, 1]} : vector<2000x1280xf32> to vector<2000x256xf32>
    %get3A_19 = arith.constant 0 : index
    %get3A_20 = arith.constant 0 : index
    %get3A_21 = vector.load %arg4[%get3A_19, %get3A_20] : memref<1x256xf32, #tpu.memory_space<vmem>>, vector<1x256xf32>
    %add3A_22 = vector.broadcast %get3A_21 : vector<1x256xf32> to vector<2000x256xf32>
    %add3A_23 = arith.addf %slice3A_18, %add3A_22 : vector<2000x256xf32>
    %swap3A_24 = arith.constant 0 : index
    %swap3A_25 = arith.constant 0 : index
    %swap3A_26 = vector.load %arg7[%swap3A_24, %swap3A_25] : memref<2000x256xf32, #tpu.memory_space<vmem>>, vector<2000x256xf32>
    tpu.vector_store %arg7[%swap3A_24, %swap3A_25], %add3A_23 {strides = array<i32>} : memref<2000x256xf32, #tpu.memory_space<vmem>>, vector<2000x256xf32>,
    return
  }
  func.func @transform_0(%arg0: i32) -> (i32, i32) {
    %c0_i32 = arith.constant 0 : i32
    %c0_i32_0 = arith.constant 0 : i32
    return %arg0, %c0_i32 : i32, i32
  }
  func.func @transform_1(%arg0: i32) -> (i32, i32) {
    %c0_i32 = arith.constant 0 : i32
    %c0_i32_0 = arith.constant 0 : i32
    return %arg0, %c0_i32 : i32, i32
  }
  func.func @transform_2(%arg0: i32) -> (i32, i32) {
    %c0_i32 = arith.constant 0 : i32
    %c0_i32_0 = arith.constant 0 : i32
    %c0_i32_1 = arith.constant 0 : i32
    return %c0_i32, %c0_i32_0 : i32, i32
  }
  func.func @transform_3(%arg0: i32) -> (i32, i32) {
    %c0_i32 = arith.constant 0 : i32
    %c0_i32_0 = arith.constant 0 : i32
    %c0_i32_1 = arith.constant 0 : i32
    return %c0_i32, %c0_i32_0 : i32, i32
  }
  func.func @transform_4(%arg0: i32) -> (i32, i32) {
    %c0_i32 = arith.constant 0 : i32
    %c0_i32_0 = arith.constant 0 : i32
    return %arg0, %c0_i32 : i32, i32
  }
  func.func @transform_5(%arg0: i32) -> (i32, i32) {
    %c0_i32 = arith.constant 0 : i32
    %c0_i32_0 = arith.constant 0 : i32
    return %arg0, %c0_i32 : i32, i32
  }
  func.func @transform_6(%arg0: i32) -> (i32, i32) {
    %c0_i32 = arith.constant 0 : i32
    %c0_i32_0 = arith.constant 0 : i32
    return %arg0, %c0_i32 : i32, i32
  }
}

module attributes {stable_mosaic.version = 14 : i64} {
  func.func @_gate_body(%arg0: i32, %arg1: memref<2000x256xi32, #tpu.memory_space<vmem>>, %arg2: memref<2000x256xi32, #tpu.memory_space<vmem>>, %arg3: memref<2000x16xf32, #tpu.memory_space<vmem>>, %arg4: memref<16x256xf32, #tpu.memory_space<vmem>>, %arg5: memref<16x256xf32, #tpu.memory_space<vmem>>, %arg6: memref<1x256xf32, #tpu.memory_space<vmem>>, %arg7: memref<1x256xf32, #tpu.memory_space<vmem>>, %arg8: memref<2000x256xf32, #tpu.memory_space<vmem>>) attributes {dimension_semantics = [#tpu.dimension_semantics<arbitrary>], iteration_bounds = array<i64: 160>, scalar_prefetch = 0 : i64, scratch_operands = 0 : i64, tpu.core_type = #tpu.core_type<tc>, window_params = [{transform_indices = @transform_0, window_bounds = array<i64: 2000, 256>}, {transform_indices = @transform_1, window_bounds = array<i64: 2000, 256>}, {transform_indices = @transform_2, window_bounds = array<i64: 2000, 16>}, {pipeline_mode = #tpu.pipeline_mode<synchronous>, transform_indices = @transform_3, window_bounds = array<i64: 16, 256>}, {pipeline_mode = #tpu.pipeline_mode<synchronous>, transform_indices = @transform_4, window_bounds = array<i64: 16, 256>}, {pipeline_mode = #tpu.pipeline_mode<synchronous>, transform_indices = @transform_5, window_bounds = array<i64: 1, 256>}, {pipeline_mode = #tpu.pipeline_mode<synchronous>, transform_indices = @transform_6, window_bounds = array<i64: 1, 256>}, {transform_indices = @transform_7, window_bounds = array<i64: 2000, 256>}]} {
    %get3A = arith.constant 0 : index
    %get3A_0 = arith.constant 0 : index
    %get3A_1 = vector.load %arg1[%get3A, %get3A_0] : memref<2000x256xi32, #tpu.memory_space<vmem>>, vector<2000x256xi32>
    %shift_left3A = arith.constant 16 : i32
    %shift_left3A_2 = vector.broadcast %shift_left3A : i32 to vector<2000x256xi32>
    %shift_left3A_3 = arith.shli %get3A_1, %shift_left3A_2 : vector<2000x256xi32>
    %bitcast_convert_type3A = tpu.bitcast %shift_left3A_3 : vector<2000x256xi32> -> vector<2000x256xf32>
    %and3A = arith.constant -65536 : i32
    %and3A_4 = vector.broadcast %and3A : i32 to vector<2000x256xi32>
    %and3A_5 = arith.andi %get3A_1, %and3A_4 : vector<2000x256xi32>
    %bitcast_convert_type3A_6 = tpu.bitcast %and3A_5 : vector<2000x256xi32> -> vector<2000x256xf32>
    %get3A_7 = arith.constant 0 : index
    %get3A_8 = arith.constant 0 : index
    %get3A_9 = vector.load %arg2[%get3A_7, %get3A_8] : memref<2000x256xi32, #tpu.memory_space<vmem>>, vector<2000x256xi32>
    %shift_left3A_10 = arith.constant 16 : i32
    %shift_left3A_11 = vector.broadcast %shift_left3A_10 : i32 to vector<2000x256xi32>
    %shift_left3A_12 = arith.shli %get3A_9, %shift_left3A_11 : vector<2000x256xi32>
    %bitcast_convert_type3A_13 = tpu.bitcast %shift_left3A_12 : vector<2000x256xi32> -> vector<2000x256xf32>
    %and3A_14 = arith.constant -65536 : i32
    %and3A_15 = vector.broadcast %and3A_14 : i32 to vector<2000x256xi32>
    %and3A_16 = arith.andi %get3A_9, %and3A_15 : vector<2000x256xi32>
    %bitcast_convert_type3A_17 = tpu.bitcast %and3A_16 : vector<2000x256xi32> -> vector<2000x256xf32>
    %get3A_18 = arith.constant 0 : index
    %get3A_19 = arith.constant 0 : index
    %get3A_20 = vector.load %arg3[%get3A_18, %get3A_19] : memref<2000x16xf32, #tpu.memory_space<vmem>>, vector<2000x16xf32>
    %add3A = arith.addf %bitcast_convert_type3A, %bitcast_convert_type3A_13 : vector<2000x256xf32>
    %get3A_21 = arith.constant 0 : index
    %get3A_22 = arith.constant 0 : index
    %get3A_23 = vector.load %arg6[%get3A_21, %get3A_22] : memref<1x256xf32, #tpu.memory_space<vmem>>, vector<1x256xf32>
    %add3A_24 = vector.broadcast %get3A_23 : vector<1x256xf32> to vector<2000x256xf32>
    %add3A_25 = arith.addf %add3A, %add3A_24 : vector<2000x256xf32>
    %get3A_26 = arith.constant 0 : index
    %get3A_27 = arith.constant 0 : index
    %get3A_28 = vector.load %arg4[%get3A_26, %get3A_27] : memref<16x256xf32, #tpu.memory_space<vmem>>, vector<16x256xf32>
    %dot_general3A = arith.constant dense<0.000000e+00> : vector<2000x256xf32>
    %dot_general3A_29 = tpu.matmul %get3A_20, %get3A_28, %dot_general3A {dimension_numbers = #tpu.dot_dimension_numbers<[1], [0], [0], [1], [0, 0, 1, 1], [], []>, transpose_lhs_hint = false} : vector<2000x16xf32>, vector<16x256xf32>, vector<2000x256xf32> -> vector<2000x256xf32>
    %add3A_30 = arith.addf %add3A_25, %dot_general3A_29 : vector<2000x256xf32>
    %add3A_31 = arith.addf %bitcast_convert_type3A_6, %bitcast_convert_type3A_17 : vector<2000x256xf32>
    %get3A_32 = arith.constant 0 : index
    %get3A_33 = arith.constant 0 : index
    %get3A_34 = vector.load %arg7[%get3A_32, %get3A_33] : memref<1x256xf32, #tpu.memory_space<vmem>>, vector<1x256xf32>
    %add3A_35 = vector.broadcast %get3A_34 : vector<1x256xf32> to vector<2000x256xf32>
    %add3A_36 = arith.addf %add3A_31, %add3A_35 : vector<2000x256xf32>
    %get3A_37 = arith.constant 0 : index
    %get3A_38 = arith.constant 0 : index
    %get3A_39 = vector.load %arg5[%get3A_37, %get3A_38] : memref<16x256xf32, #tpu.memory_space<vmem>>, vector<16x256xf32>
    %dot_general3A_40 = arith.constant dense<0.000000e+00> : vector<2000x256xf32>
    %dot_general3A_41 = tpu.matmul %get3A_20, %get3A_39, %dot_general3A_40 {dimension_numbers = #tpu.dot_dimension_numbers<[1], [0], [0], [1], [0, 0, 1, 1], [], []>, transpose_lhs_hint = false} : vector<2000x16xf32>, vector<16x256xf32>, vector<2000x256xf32> -> vector<2000x256xf32>
    %add3A_42 = arith.addf %add3A_36, %dot_general3A_41 : vector<2000x256xf32>
    %logistic3A = arith.negf %add3A_30 : vector<2000x256xf32>
    %logistic3A_43 = math.exp %logistic3A : vector<2000x256xf32>
    %logistic3A_44 = arith.constant 1.000000e+00 : f32
    %logistic3A_45 = vector.broadcast %logistic3A_44 : f32 to vector<2000x256xf32>
    %logistic3A_46 = arith.addf %logistic3A_45, %logistic3A_43 : vector<2000x256xf32>
    %logistic3A_47 = arith.divf %logistic3A_45, %logistic3A_46 : vector<2000x256xf32>
    %custom_jvp_call3A = arith.constant 0.000000e+00 : f32
    %max3A = vector.broadcast %custom_jvp_call3A : f32 to vector<2000x256xf32>
    %max3A_48 = arith.maximumf %add3A_42, %max3A : vector<2000x256xf32>
    %sub3A = vector.broadcast %custom_jvp_call3A : f32 to vector<2000x256xf32>
    %sub3A_49 = arith.subf %add3A_42, %sub3A : vector<2000x256xf32>
    %ne3A = arith.cmpf one, %sub3A_49, %sub3A_49 : vector<2000x256xf32>
    %add3A_50 = vector.broadcast %custom_jvp_call3A : f32 to vector<2000x256xf32>
    %add3A_51 = arith.addf %add3A_42, %add3A_50 : vector<2000x256xf32>
    %abs3A = math.absf %sub3A_49 : vector<2000x256xf32>
    %neg3A = arith.constant 0.000000e+00 : f32
    %neg3A_52 = vector.broadcast %neg3A : f32 to vector<2000x256xf32>
    %neg3A_53 = arith.subf %neg3A_52, %abs3A : vector<2000x256xf32>
    %exp3A = math.exp %neg3A_53 : vector<2000x256xf32>
    %log1p3A = math.log1p %exp3A : vector<2000x256xf32>
    %add3A_54 = arith.addf %max3A_48, %log1p3A : vector<2000x256xf32>
    %select_n3A = arith.select %ne3A, %add3A_51, %add3A_54 : vector<2000x256xi1>, vector<2000x256xf32>
    %mul3A = arith.mulf %logistic3A_47, %select_n3A : vector<2000x256xf32>
    %swap3A = arith.constant 0 : index
    %swap3A_55 = arith.constant 0 : index
    %swap3A_56 = vector.load %arg8[%swap3A, %swap3A_55] : memref<2000x256xf32, #tpu.memory_space<vmem>>, vector<2000x256xf32>
    tpu.vector_store %arg8[%swap3A, %swap3A_55], %mul3A {strides = array<i32>} : memref<2000x256xf32, #tpu.memory_space<vmem>>, vector<2000x256xf32>,
    return
  }
  func.func @transform_0(%arg0: i32) -> (i32, i32) {
    %c0_i32 = arith.constant 0 : i32
    %c0_i32_0 = arith.constant 0 : i32
    return %arg0, %c0_i32 : i32, i32
  }
  func.func @transform_1(%arg0: i32) -> (i32, i32) {
    %c0_i32 = arith.constant 0 : i32
    %c0_i32_0 = arith.constant 0 : i32
    return %arg0, %c0_i32 : i32, i32
  }
  func.func @transform_2(%arg0: i32) -> (i32, i32) {
    %c0_i32 = arith.constant 0 : i32
    %c0_i32_0 = arith.constant 0 : i32
    return %arg0, %c0_i32 : i32, i32
  }
  func.func @transform_3(%arg0: i32) -> (i32, i32) {
    %c0_i32 = arith.constant 0 : i32
    %c0_i32_0 = arith.constant 0 : i32
    %c0_i32_1 = arith.constant 0 : i32
    return %c0_i32, %c0_i32_0 : i32, i32
  }
  func.func @transform_4(%arg0: i32) -> (i32, i32) {
    %c0_i32 = arith.constant 0 : i32
    %c0_i32_0 = arith.constant 0 : i32
    %c0_i32_1 = arith.constant 0 : i32
    return %c0_i32, %c0_i32_0 : i32, i32
  }
  func.func @transform_5(%arg0: i32) -> (i32, i32) {
    %c0_i32 = arith.constant 0 : i32
    %c0_i32_0 = arith.constant 0 : i32
    %c0_i32_1 = arith.constant 0 : i32
    return %c0_i32, %c0_i32_0 : i32, i32
  }
  func.func @transform_6(%arg0: i32) -> (i32, i32) {
    %c0_i32 = arith.constant 0 : i32
    %c0_i32_0 = arith.constant 0 : i32
    %c0_i32_1 = arith.constant 0 : i32
    return %c0_i32, %c0_i32_0 : i32, i32
  }
  func.func @transform_7(%arg0: i32) -> (i32, i32) {
    %c0_i32 = arith.constant 0 : i32
    %c0_i32_0 = arith.constant 0 : i32
    return %arg0, %c0_i32 : i32, i32
  }
}

module attributes {stable_mosaic.version = 14 : i64} {
  func.func @_cls_body(%arg0: i32, %arg1: memref<2000x256xf32, #tpu.memory_space<vmem>>, %arg2: memref<256x1xf32, #tpu.memory_space<vmem>>, %arg3: memref<1x256xf32, #tpu.memory_space<vmem>>, %arg4: memref<256x32xf32, #tpu.memory_space<vmem>>, %arg5: memref<1x32xf32, #tpu.memory_space<vmem>>, %arg6: memref<2000x32xf32, #tpu.memory_space<vmem>>) attributes {dimension_semantics = [#tpu.dimension_semantics<arbitrary>], iteration_bounds = array<i64: 5>, scalar_prefetch = 0 : i64, scratch_operands = 0 : i64, tpu.core_type = #tpu.core_type<tc>, window_params = [{transform_indices = @transform_0, window_bounds = array<i64: 2000, 256>}, {pipeline_mode = #tpu.pipeline_mode<synchronous>, transform_indices = @transform_1, window_bounds = array<i64: 256, 1>}, {pipeline_mode = #tpu.pipeline_mode<synchronous>, transform_indices = @transform_2, window_bounds = array<i64: 1, 256>}, {pipeline_mode = #tpu.pipeline_mode<synchronous>, transform_indices = @transform_3, window_bounds = array<i64: 256, 32>}, {pipeline_mode = #tpu.pipeline_mode<synchronous>, transform_indices = @transform_4, window_bounds = array<i64: 1, 32>}, {transform_indices = @transform_5, window_bounds = array<i64: 2000, 32>}]} {
    %sqrt3A = arith.constant 1.000010e+00 : f32
    %sqrt3A_0 = math.sqrt %sqrt3A : f32
    %div3A = arith.constant 1.000000e+00 : f32
    %div3A_1 = arith.divf %div3A, %sqrt3A_0 : f32
    %get3A = arith.constant 0 : index
    %get3A_2 = arith.constant 0 : index
    %get3A_3 = vector.load %arg4[%get3A, %get3A_2] : memref<256x32xf32, #tpu.memory_space<vmem>>, vector<256x32xf32>
    %get3A_4 = arith.constant 0 : index
    %get3A_5 = arith.constant 0 : index
    %get3A_6 = vector.load %arg2[%get3A_4, %get3A_5] : memref<256x1xf32, #tpu.memory_space<vmem>>, vector<256x1xf32>
    %mul3A = vector.broadcast %div3A_1 : f32 to vector<256x1xf32>
    %mul3A_7 = arith.mulf %get3A_6, %mul3A : vector<256x1xf32>
    %mul3A_8 = vector.broadcast %mul3A_7 : vector<256x1xf32> to vector<256x32xf32>
    %mul3A_9 = arith.mulf %get3A_3, %mul3A_8 : vector<256x32xf32>
    %get3A_10 = arith.constant 0 : index
    %get3A_11 = arith.constant 0 : index
    %get3A_12 = vector.load %arg3[%get3A_10, %get3A_11] : memref<1x256xf32, #tpu.memory_space<vmem>>, vector<1x256xf32>
    %get3A_13 = arith.constant 0 : index
    %get3A_14 = arith.constant 0 : index
    %get3A_15 = vector.load %arg4[%get3A_13, %get3A_14] : memref<256x32xf32, #tpu.memory_space<vmem>>, vector<256x32xf32>
    %dot_general3A = arith.constant dense<0.000000e+00> : vector<1x32xf32>
    %dot_general3A_16 = tpu.matmul %get3A_12, %get3A_15, %dot_general3A {dimension_numbers = #tpu.dot_dimension_numbers<[1], [0], [0], [1], [0, 0, 1, 1], [], []>, transpose_lhs_hint = false} : vector<1x256xf32>, vector<256x32xf32>, vector<1x32xf32> -> vector<1x32xf32>
    %get3A_17 = arith.constant 0 : index
    %get3A_18 = arith.constant 0 : index
    %get3A_19 = vector.load %arg1[%get3A_17, %get3A_18] : memref<2000x256xf32, #tpu.memory_space<vmem>>, vector<2000x256xf32>
    %dot_general3A_20 = arith.constant dense<0.000000e+00> : vector<2000x32xf32>
    %dot_general3A_21 = tpu.matmul %get3A_19, %mul3A_9, %dot_general3A_20 {dimension_numbers = #tpu.dot_dimension_numbers<[1], [0], [0], [1], [0, 0, 1, 1], [], []>, transpose_lhs_hint = false} : vector<2000x256xf32>, vector<256x32xf32>, vector<2000x32xf32> -> vector<2000x32xf32>
    %add3A = vector.broadcast %dot_general3A_16 : vector<1x32xf32> to vector<2000x32xf32>
    %add3A_22 = arith.addf %dot_general3A_21, %add3A : vector<2000x32xf32>
    %get3A_23 = arith.constant 0 : index
    %get3A_24 = arith.constant 0 : index
    %get3A_25 = vector.load %arg5[%get3A_23, %get3A_24] : memref<1x32xf32, #tpu.memory_space<vmem>>, vector<1x32xf32>
    %add3A_26 = vector.broadcast %get3A_25 : vector<1x32xf32> to vector<2000x32xf32>
    %add3A_27 = arith.addf %add3A_22, %add3A_26 : vector<2000x32xf32>
    %swap3A = arith.constant 0 : index
    %swap3A_28 = arith.constant 0 : index
    %swap3A_29 = vector.load %arg6[%swap3A, %swap3A_28] : memref<2000x32xf32, #tpu.memory_space<vmem>>, vector<2000x32xf32>
    tpu.vector_store %arg6[%swap3A, %swap3A_28], %add3A_27 {strides = array<i32>} : memref<2000x32xf32, #tpu.memory_space<vmem>>, vector<2000x32xf32>,
    return
  }
  func.func @transform_0(%arg0: i32) -> (i32, i32) {
    %c0_i32 = arith.constant 0 : i32
    %c0_i32_0 = arith.constant 0 : i32
    return %arg0, %c0_i32 : i32, i32
  }
  func.func @transform_1(%arg0: i32) -> (i32, i32) {
    %c0_i32 = arith.constant 0 : i32
    %c0_i32_0 = arith.constant 0 : i32
    %c0_i32_1 = arith.constant 0 : i32
    return %c0_i32, %c0_i32_0 : i32, i32
  }
  func.func @transform_2(%arg0: i32) -> (i32, i32) {
    %c0_i32 = arith.constant 0 : i32
    %c0_i32_0 = arith.constant 0 : i32
    %c0_i32_1 = arith.constant 0 : i32
    return %c0_i32, %c0_i32_0 : i32, i32
  }
  func.func @transform_3(%arg0: i32) -> (i32, i32) {
    %c0_i32 = arith.constant 0 : i32
    %c0_i32_0 = arith.constant 0 : i32
    %c0_i32_1 = arith.constant 0 : i32
    return %c0_i32, %c0_i32_0 : i32, i32
  }
  func.func @transform_4(%arg0: i32) -> (i32, i32) {
    %c0_i32 = arith.constant 0 : i32
    %c0_i32_0 = arith.constant 0 : i32
    %c0_i32_1 = arith.constant 0 : i32
    return %c0_i32, %c0_i32_0 : i32, i32
  }
  func.func @transform_5(%arg0: i32) -> (i32, i32) {
    %c0_i32 = arith.constant 0 : i32
    %c0_i32_0 = arith.constant 0 : i32
    return %arg0, %c0_i32 : i32, i32
  }
}

</mosaic_0001>

<sc_bundles>
// kernel: kernel.15.cloned.1.call-start
scs
__scs_entry_jumppad:
0x0: {  	(pc) =	sbr.rel $0x88, $3  }
0x1: {  	(tag) =	ssettag $0x0;
	lr =	simm.s32 $0x1  }
0x2: {  	[smem:$0x3F88] =	sst lr;
	_ =	strace $0xD0000000  }
0x3: {  	_ = 	snop  }
0x4: {  	_ = 	snop  }
0x5: {  	_ = 	snop  }
0x6: {  	_ = 	snop  }
0x7: {  	_ = 	snop  }
__scs_overlays_trampoline_lowered:
0x8: {  	[smem:$0x3F97] =	sst s0  }
0x9: {  	[smem:$0x3F98] =	sst s1  }
0xa: {  	[smem:$0x3F99] =	sst s2  }
0xb: {  	[smem:$0x3F9A] =	sst s3  }
0xc: {  	[smem:$0x3F9B] =	sst s4  }
0xd: {  	[smem:$0x3F9C] =	sst s5  }
0xe: {  	[smem:$0x3F9D] =	sst s6  }
0xf: {  	[smem:$0x3F9E] =	sst s7  }
0x10: {  	[smem:$0x3F9F] =	sst s8  }
0x11: {  	[smem:$0x3FA0] =	sst s9;
	s0 =	simm.s32 @!p0 $0x0  }
0x12: {  	s1 =	sld [smem:$0x3F86];
	s0 =	simm.s32 @p0 $0x1  }
0x13: {  	[smem:$0x3FA1] =	sst s0;
	s0 =	simm.s32 @!p1 $0x0  }
0x14: {  	s2 =	sld [smem:$0x3F85];
	s0 =	simm.s32 @p1 $0x1  }
0x15: {  	[smem:$0x3FA2] =	sst s0;
	s0 =	simm.s32 @!p2 $0x0  }
0x16: {  	s3 =	sld [smem:$0x3FDB];
	s0 =	simm.s32 @p2 $0x1  }
0x17: {  	s4 =	simm.s32 $0x1BF5;
	[smem:$0x3FA4] =	sst s0  }
0x18: {  	s0 =	sld [smem:$0x3F87];
	_ =	swait.ge [sflag:s4], $0x0  }
0x19: {  	s7 =	sld [smem:$0x3F88]  }
0x1a: {  	s8 =	sadd.s32 $0xFFFFE003, lr  }
0x1b: {  	s9 =	sadd.s32 $0xFFFFFEF7, lr;
	s5 =	simm.s32 $0xFFFFFFFF;
	p2 =	slt.u32 s8, $0xFFFFF086  }
0x1c: {  	p1 =	slt.u32 s9, $0xF7A;
	s5 =	simm.s32 @!p2 $0x0  }
0x1d: {  	s5 =	simm.s32 @p1 $0x1;
	p0 =	seq.s32 s7, s2  }
0x1e: {  	s7 =	smul.u32 @!p0 $0xF7A, s2;
	p2 =	seq.s32 @!p0 s5, $0x0  }
0x1f: {  	s9 =	smul.u32 $0xF7A, s1;
	s8 =	simm.s32 @!p0 $0x1BF5;
	p2 =	por !p2, p0  }
0x20: {  	[sflag:s8] =	ssyncset.s32 @!p0 $0xFFFFF086;
	s6 =	sadd.s32 @!p0 s3, s7;
	s7 =	simm.s32 @!p0 $0x108  }
0x21: {  	s3 =	sadd.s32 s3, s9;
	s6 =	sadd.s32 @!p0 $0x88, s6;
	s7 =	simm.s32 @p2 $0x1082  }
0x22: {  	[simem:s7], [sflag:s8] =	dma.local @!p0 [hbm:s6], $0xF7A  }
0x23: {  	s9 =	sor.u32 $0xD0000000, s2;
	s6 =	simm.s32 $0x108;
	_ =	swait.ge @!p0 [sflag:s8], $0x0  }
0x24: {  	s3 =	sadd.s32 $0x88, s3;
	s6 =	simm.s32 @!p1 $0x1082;
	[sflag:s4] =	ssyncset.s32 $0xFFFFF086  }
0x25: {  	[simem:s6], [sflag:s4] =	dma.local [hbm:s3], $0xF7A  }
0x26: {  	[smem:$0x3F88] =	sst s1;
	(tag) =	ssettag s2;
	_ =	strace s9  }
0x27: {  	s1 =	sld [smem:$0x3F98]  }
0x28: {  	s2 =	sld [smem:$0x3F99]  }
0x29: {  	s4 =	sld [smem:$0x3F9B]  }
0x2a: {  	p0 =	seq.s32 s5, $0x0;
	s5 =	sld [smem:$0x3F9C]  }
0x2b: {  	s6 =	sld [smem:$0x3F9D]  }
0x2c: {  	s7 =	sld [smem:$0x3F9E]  }
0x2d: {  	s3 =	simm.s32 $0x108;
	s8 =	sld [smem:$0x3F9F]  }
0x2e: {  	s3 =	simm.s32 @!p0 $0x1082;
	s9 =	sld [smem:$0x3FA0]  }
0x2f: {  	lr =	sadd.s32 s0, s3;
	s0 =	sld [smem:$0x3F97]  }
0x30: {  	s3 =	sld [smem:$0x3F9A]  }
0x31: {  	[smem:$0x3FA3] =	sst s10  }
0x32: {  	s10 =	sld [smem:$0x3FA1];
	_ =	sdelay $0x3  }
0x33: {  	p0 =	seq.s32 s10, $0x1;
	s10 =	sld [smem:$0x3FA3];
	_ =	sdelay $0x3  }
0x34: {  	[smem:$0x3FA3] =	sst s10  }
0x35: {  	s10 =	sld [smem:$0x3FA2];
	_ =	sdelay $0x3  }
0x36: {  	p1 =	seq.s32 s10, $0x1;
	s10 =	sld [smem:$0x3FA3];
	_ =	sdelay $0x3  }
0x37: {  	[smem:$0x3FA3] =	sst s10  }
0x38: {  	s10 =	sld [smem:$0x3FA4]  }
0x39: {  	_ = 	snop;
	(pc) =	sbr.ind lr, $3  }
0x3a: {  	_ = 	snop  }
0x3b: {  	_ = 	snop  }
0x3c: {  	p2 =	seq.s32 s10, $0x1;
	s10 =	sld [smem:$0x3FA3]  }
0x3d: {  	_ =	shalt  }
0x3e: {  	_ =	shalt  }
0x3f: {  	_ =	shalt  }
0x40: {  	_ =	shalt  }
0x41: {  	_ =	shalt  }
0x42: {  	_ =	shalt  }
0x43: {  	_ =	shalt  }
0x44: {  	_ =	shalt  }
0x45: {  	_ =	shalt  }
0x46: {  	_ =	shalt  }
0x47: {  	_ =	shalt  }
0x48: {  	_ =	shalt  }
0x49: {  	_ =	shalt  }
0x4a: {  	_ =	shalt  }
0x4b: {  	_ =	shalt  }
0x4c: {  	_ =	shalt  }
0x4d: {  	_ =	shalt  }
0x4e: {  	_ =	shalt  }
0x4f: {  	_ =	shalt  }
0x50: {  	_ =	shalt  }
0x51: {  	_ =	shalt  }
0x52: {  	_ =	shalt  }
0x53: {  	_ =	shalt  }
0x54: {  	_ =	shalt  }
0x55: {  	_ =	shalt  }
0x56: {  	_ =	shalt  }
0x57: {  	_ =	shalt  }
0x58: {  	_ =	shalt  }
0x59: {  	_ =	shalt  }
0x5a: {  	_ =	shalt  }
0x5b: {  	_ =	shalt  }
0x5c: {  	_ =	shalt  }
0x5d: {  	_ =	shalt  }
0x5e: {  	_ =	shalt  }
0x5f: {  	_ =	shalt  }
0x60: {  	_ =	shalt  }
0x61: {  	_ =	shalt  }
0x62: {  	_ =	shalt  }
0x63: {  	_ =	shalt  }
0x64: {  	_ =	shalt  }
0x65: {  	_ =	shalt  }
0x66: {  	_ =	shalt  }
0x67: {  	_ =	shalt  }
0x68: {  	_ =	shalt  }
0x69: {  	_ =	shalt  }
0x6a: {  	_ =	shalt  }
0x6b: {  	_ =	shalt  }
0x6c: {  	_ =	shalt  }
0x6d: {  	_ =	shalt  }
0x6e: {  	_ =	shalt  }
0x6f: {  	_ =	shalt  }
0x70: {  	_ =	shalt  }
0x71: {  	_ =	shalt  }
0x72: {  	_ =	shalt  }
0x73: {  	_ =	shalt  }
0x74: {  	_ =	shalt  }
0x75: {  	_ =	shalt  }
0x76: {  	_ =	shalt  }
0x77: {  	_ =	shalt  }
0x78: {  	_ =	shalt  }
0x79: {  	_ =	shalt  }
0x7a: {  	_ =	shalt  }
0x7b: {  	_ =	shalt  }
0x7c: {  	_ =	shalt  }
0x7d: {  	_ =	shalt  }
0x7e: {  	_ =	shalt  }
0x7f: {  	_ =	shalt  }
0x80: {  	_ =	shalt  }
0x81: {  	_ =	shalt  }
0x82: {  	_ =	shalt  }
0x83: {  	_ =	shalt  }
0x84: {  	_ =	shalt  }
0x85: {  	_ =	shalt  }
0x86: {  	_ =	shalt  }
0x87: {  	_ =	shalt  }
.Lfunc_end0:
.L_simem_size_0:
called_computation_lowered:
.L_overlay_start_0:
0x88: {  	s2 =	sld [smem:$0x3FD9]  }
0x89: {  	s3 =	sld [smem:$0x3FFE];
	_ =	sdelay $0x1  }
0x8a: {  	s1 =	srdreg.scid  }
0x8b: {  	s0 =	sand.u32 $0x1, s1  }
0x8c: {  	s17 =	sshll.u32 s0, $0xA;
	s2 =	sadd.s32 s3, s2  }
0x8d: {  	s2 =	sadd.s32 s2, s17  }
0x8e: {  	[smem:$0x3FAF] =	sst s2  }
0x8f: {  	_ = 	snop  }
0x90: {  	s2 =	sld [smem:$0x3FD0];
	(tm) =	ssettm $0x1  }
0x91: {  	s18 =	sld [smem:$0x3FFB];
	_ =	sdelay $0x3  }
0x92: {  	_ =	strace s18  }
0x93: {  	s3 =	sld [smem:$0x3FFC];
	_ =	sdelay $0x3  }
0x94: {  	_ =	strace s3  }
0x95: {  	s3 =	sld [smem:$0x3FFD];
	_ =	sdelay $0x3  }
0x96: {  	_ =	strace s3  }
0x97: {  	_ =	strace $0x8FFFFFFF  }
0x98: {  	s19 =	sld [smem:$0x3FDB];
	_ =	sdelay $0x1  }
0x99: {  	s4 =	simm.s32 $_scs_section_size  }
0x9a: {  	s5 =	simm.s32 $_size__tile_overlayer_lowered;
	s6 =	simm.s32 $_tile_overlayer_lowered  }
0x9b: {  	s22 =	simm.s32 $0x1BFF;
	s21 =	sshll.u32 s6, $0x1;
	s3 =	sadd.s32 s4, s19  }
0x9c: {  	s7 =	simm.s32 $0x0;
	s20 =	sshll.u32 s5, $0x1;
	s5 =	sadd.s32 s21, s3  }
0x9d: {  	[timem:s7], [sflag:s22] =	dma.local [hbm:s5], s20  }
0x9e: {  	_ =	swait.ge [sflag:s22], s20  }
0x9f: {  	s4 =	ssub.s32 $0x0, s20;
	[sflag:s22] =	ssyncset.done $0x0  }
0xa0: {  	[sflag:s22] =	ssyncadd.s32 s4;
	_ =	sdelay $0x1  }
0xa1: {  	s23 =	simm.s32 $0x1B8B  }
0xa2: {  	_ =	swait.ge [sflag:s23], $0x1  }
0xa3: {  	[sflag:s23] =	ssyncset.done $0x0  }
0xa4: {  	s25 =	simm.s32 $0x1B8E;
	s24 =	sld [smem:$0x3FFE];
	[sflag:s23] =	ssyncadd.s32 $0xFFFFFFFF  }
0xa5: {  	s26 =	simm.s32 $execute0_lowered;
	[smem:$0x3FD2] =	sst s25  }
0xa6: {  	s5 =	sshll.u32 s26, $0x1;
	_ =	strace $0x80000046;
	[dreg:$0x1] =	wrdreg $0xFFFFFFFF  }
0xa7: {  	s28 =	simm.s32 $_size_execute0_lowered;
	s3 =	sadd.s32 s3, s5;
	[dreg:$0x0] =	wrdreg $0x0  }
0xa8: {  	s5 =	sshll.u32 s28, $0x1;
	[dreg:$0x2] =	wrdreg s3  }
0xa9: {  	[dreg:$0x3] =	wrdreg s5  }
0xaa: {  	[dreg:$0x4] =	wrdreg $0xC0  }
0xab: {  	_ =	task [dreg:s7], $0x5FFFF  }
0xac: {  	[dreg:$0x1] =	wrdreg $0xFFFFFFFF  }
0xad: {  	[dreg:$0x0] =	wrdreg $0x60  }
0xae: {  	[dreg:$0x2] =	wrdreg s24  }
0xaf: {  	[dreg:$0x3] =	wrdreg s2  }
0xb0: {  	[dreg:$0x4] =	wrdreg $0x9  }
0xb1: {  	_ =	task.clear_ibuf [dreg:s7], $0x5FFFF;
	_ =	strace $0x90000046  }
0xb2: {  	s29 =	simm.s32 $0x9;
	_ =	strace $0x80000048  }
0xb3: {  	_ =	swait.ge [sflag:s29], $0x1  }
0xb4: {  	[sflag:s29] =	ssyncadd.s32 $0xFFFFFFFF  }
0xb5: {  	_ =	strace $0x90000048  }
0xb6: {  	_ =	sfence  }
0xb7: {  	s30 =	sld [smem:$0x0];
	_ =	sdelay $0x2  }
0xb8: {  	s31 =	sshll.u32 s1, $0xD;
	s1 =	sshrl.u32 s1, $0x2  }
0xb9: {  	s3 =	sand.u32 $0x4000, s31;
	s1 =	sadd.s32 s1, s30  }
0xba: {  	s0 =	sor.u32 s3, s0;
	s1 =	sshll.u32 s1, $0x11  }
0xbb: {  	s0 =	sor.u32 s1, s0  }
0xbc: {  	s0 =	sadd.s32 $0x8F2B, s0  }
0xbd: {  	[sflag:s0] =	ssyncadd.remote.s32 $0x1  }
0xbe: {  	_ =	sfence.sel $0xFFFF  }
0xbf: {  	[dreg:$0x0] =	wrdreg $0xFFFFFFFF;
	(pc) =	sbr.abs _section_cstart, $3  }
0xc0: {  	[dreg:$0x1] =	wrdreg $0xFFFFFFFF  }
0xc1: {  	_ =	task.clear_ibuf [dreg:s7], $0x2FFFF;
	_ =	strace $0x9FFFFFFF  }
0xc2: {  	(tm) =	ssettm $0x7FFFFFFF  }
0xc3: {  	_ =	shalt  }
tec
execute0_lowered:
.L_overlay_start_1:
0x0: {  	(tag) =	ssettag $0x1  }
0x1: {  	s0 =	rddreg [dreg:$0x0]  }
0x2: {  	s1 =	rddreg [dreg:$0x1]  }
0x3: {  	s9 =	stileid.u32;
	s3 =	srdreg.scid;
	s2 =	simm.s32 $0x0  }
0x4: {  	s14 =	simm.s32 $0xA;
	s17 =	simm.s32 $0x300;
	s18 =	simm.s32 $0x2B00  }
0x5: {  	s28 =	simm.s32 $0x9;
	s29 =	simm.s32 $0x7;
	s30 =	simm.s32 $0x8  }
0x6: {  	s31 =	simm.s32 $0x3;
	s5 =	sand.u32 $0x1, s3;
	s6 =	smul.u32 $0x4E200, s9  }
0x7: {  	s19 =	sshll.u32 s9, $0x1;
	[smem:$0x7FF] =	sst s2;
	s9 =	smul.u32 $0x4E20, s9  }
0x8: {  	s3 =	sadd.s32 $0x56600, s0;
	s11 =	sadd.s32 $0x2F600, s0;
	s12 =	smul.u32 $0x2710, s5  }
0x9: {  	s4 =	sor.u32 s5, s19;
	s8 =	ssub.s32 $0x2, s5;
	s5 =	smul.u32 $0x27100, s5  }
0xa: {  	_ =	strace $0x80000047;
	s7 =	smul.u32 $0x2710, s4;
	s10 =	sshrl.u32 s8, $0x1  }
0xb: {  	s4 =	sadd.s32 $0x8400, s0;
	s0 =	sadd.s32 s6, s0;
	s20 =	ssub.s32 s8, s10  }
0xc: {  	s23 =	sadd.s32 s12, s9;
	s0 =	sadd.s32 s5, s0;
	s5 =	simm.s32 $0x2  }
0xd: {  	s7 =	sshrl.u32 s7, $0x3;
	s8 =	sadd.s32 $0xA0, s23;
	s6 =	smax.u32 s20, $0x1  }
0xe: {  	s26 =	sadd.s32 $0x7D800, s0;
	s0 =	sadd.s32 $0x55F800, s0;
	s23 =	simm.s32 $0x5  }
0xf: {  	s21 =	sadd.s32 s11, s7;
	s22 =	sadd.s32 s1, s7;
	[dreg:$0x7] =	wrdreg s6  }
0x10: {  	s7 =	sadd.s32 $0xA, s7;
	s25 =	sshrl.u32 s8, $0x3;
	[dreg:$0x8] =	wrdreg s26  }
0x11: {  	[dreg:$0x9] =	wrdreg s0;
	s26 =	simm.s32 $0xCB00;
	s0 =	simm.s32 $0x4  }
.Ltmp0:
0x12: {  	s6 =	simm.s32 $0x0;
	[dreg:$0x3] =	wrdreg s21;
	(pc) =	sbr.rel .LBB2_1-.Ltmp0, $4  }
0x13: {  	[dreg:$0x4] =	wrdreg s22;
	s24 =	sadd.s32 s11, s7;
	s7 =	sadd.s32 s1, s7  }
0x14: {  	s10 =	sadd.s32 s25, s1;
	s11 =	sadd.s32 s25, s11;
	s21 =	simm.s32 $0x5300  }
0x15: {  	s22 =	simm.s32 $0x7B00;
	s25 =	simm.s32 $0xA300;
	[dreg:$0x5] =	wrdreg s24  }
0x16: {  	s1 =	simm.s32 $0x1;
	[dreg:$0x6] =	wrdreg s7;
	s24 =	simm.s32 $0x6  }
.LBB2_8:
0x17: {  	_ =	swait.ge [sflag:s28], $0x2800  }
0x18: {  	[sflag:s28] =	ssyncset.done $0x0  }
0x19: {  	[sflag:s28] =	ssyncadd.s32 $0xFFFFD800  }
0x1a: {  	_ =	swait.ge [sflag:s28], $0x2800  }
0x1b: {  	[sflag:s28] =	ssyncset.done $0x0  }
0x1c: {  	[sflag:s28] =	ssyncadd.s32 $0xFFFFD800  }
0x1d: {  	_ =	swait.ge [sflag:s29], $0x2800  }
0x1e: {  	[sflag:s29] =	ssyncset.done $0x0  }
0x1f: {  	[sflag:s29] =	ssyncadd.s32 $0xFFFFD800  }
0x20: {  	_ =	swait.ge [sflag:s29], $0x2800  }
0x21: {  	[sflag:s29] =	ssyncset.done $0x0  }
0x22: {  	[sflag:s29] =	ssyncadd.s32 $0xFFFFD800  }
0x23: {  	_ =	swait.ge [sflag:s30], $0x2800  }
0x24: {  	[sflag:s30] =	ssyncset.done $0x0  }
0x25: {  	[sflag:s30] =	ssyncadd.s32 $0xFFFFD800  }
0x26: {  	_ =	swait.ge [sflag:s30], $0x2800  }
0x27: {  	s6 =	sadd.s32 $0x1, s6;
	s7 =	rddreg [dreg:$0x7]  }
0x28: {  	p0 =	sne.s32 s6, s7  }
.Ltmp1:
0x29: {  	_ = 	snop;
	(pc) =	sbr.rel @!p0 .LBB2_9-.Ltmp1, $3  }
0x2a: {  	_ =	sdelay $0x1  }
0x2b: {  	[sflag:s30] =	ssyncset.done $0x0  }
0x2c: {  	[sflag:s30] =	ssyncadd.s32 $0xFFFFD800  }
.LBB2_1:
0x2d: {  	s7 =	rddreg [dreg:$0x3]  }
0x2e: {  	[tilespmem:s2], [sflag:$0xA] =	stream.linear.gather [hbm4b:s7+s2], $0x50, $0x38;
	[tilespmem:$0xF300] =	vst v63  }
0x2f: {  	_ =	swait.ge [sflag:s14], $0x50  }
0x30: {  	[sflag:s14] =	ssyncset.done $0x0  }
0x31: {  	s8 =	simm.s32 $0x80;
	s15 =	rddreg [dreg:$0x4];
	[sflag:s14] =	ssyncadd.s32 $0xFFFFFFB0  }
0x32: {  	[tilespmem:s8], [sflag:$0xA] =	stream.linear.gather [hbm4b:s15+s2], $0x50, $0x38;
	[tilespmem:$0xF300] =	vst v63  }
0x33: {  	_ =	swait.ge [sflag:s14], $0x50  }
0x34: {  	[sflag:s14] =	ssyncset.done $0x0  }
0x35: {  	s9 =	simm.s32 $0x50;
	[sflag:s14] =	ssyncadd.s32 $0xFFFFFFB0  }
0x36: {  	[tilespmem:s17], [sflag:$0x1] =	stream.indirect.gather [hbm4b:s3+s9], $0x80, s2, s9, $0xb8;
	[tilespmem:$0xF300] =	vst v63  }
0x37: {  	_ = 	snop  }
0x38: {  	[tilespmem:s18], [sflag:$0x2] =	stream.indirect.gather [hbm4b:s4+s9], $0x80, s8, s9, $0xb8;
	[tilespmem:$0xF300] =	vst v63  }
0x39: {  	s19 =	simm.s32 $0x100;
	s16 =	rddreg [dreg:$0x5]  }
0x3a: {  	[tilespmem:s19], [sflag:$0xA] =	stream.linear.gather [hbm4b:s16+s2], $0x50, $0x38;
	[tilespmem:$0xF300] =	vst v63  }
0x3b: {  	_ =	swait.ge [sflag:s14], $0x50  }
0x3c: {  	[sflag:s14] =	ssyncset.done $0x0  }
0x3d: {  	s12 =	simm.s32 $0x180;
	s20 =	rddreg [dreg:$0x6];
	[sflag:s14] =	ssyncadd.s32 $0xFFFFFFB0  }
0x3e: {  	[tilespmem:s12], [sflag:$0xA] =	stream.linear.gather [hbm4b:s20+s2], $0x50, $0x38;
	[tilespmem:$0xF300] =	vst v63  }
0x3f: {  	_ =	swait.ge [sflag:s14], $0x50  }
0x40: {  	[sflag:s14] =	ssyncset.done $0x0  }
.Ltmp2:
0x41: {  	[sflag:s14] =	ssyncadd.s32 $0xFFFFFFB0;
	(pc) =	sbr.rel .LBB2_2-.Ltmp2, $4  }
0x42: {  	[tilespmem:s21], [sflag:$0x3] =	stream.indirect.gather [hbm4b:s3+s9], $0x80, s19, s9, $0xb8;
	[tilespmem:$0xF300] =	vst v63  }
0x43: {  	s13 =	rddreg [dreg:$0x9]  }
0x44: {  	[tilespmem:s22], [sflag:$0x4] =	stream.indirect.gather [hbm4b:s4+s9], $0x80, s12, s9, $0xb8;
	[tilespmem:$0xF300] =	vst v63  }
0x45: {  	s15 =	simm.s32 $0x0;
	s12 =	rddreg [dreg:$0x8];
	s9 =	simm.s32 $0x0  }
.LBB2_6:
0x46: {  	_ =	swait.ge [sflag:s23], $0x2800  }
0x47: {  	[sflag:s23] =	ssyncset.done $0x0  }
0x48: {  	[sflag:s23] =	ssyncadd.s32 $0xFFFFD800  }
0x49: {  	_ =	swait.ge [sflag:s24], $0x2800  }
0x4a: {  	[sflag:s24] =	ssyncset.done $0x0  }
0x4b: {  	p0 =	sgt.u32 s15, $0x7A;
	[sflag:s24] =	ssyncadd.s32 $0xFFFFD800  }
0x4c: {  	[hbm4b:s12+s2] =	stream.linear.scatter [tilespmem:s25], [sflag:$0x9], $0x2800, $0x38;
	[tilespmem:$0xF300] =	vst v63  }
0x4d: {  	s7 =	simm.s32 @!p0 $0x8  }
0x4e: {  	[hbm4b:s13+s2] =	stream.linear.scatter [tilespmem:s26], [sflag:$0x9], $0x2800, $0x38;
	[tilespmem:$0xF300] =	vst v63  }
0x4f: {  	_ =	swait.ge @!p0 [sflag:s7], $0x2800  }
0x50: {  	[sflag:s7] =	ssyncset.done @!p0 $0x0  }
0x51: {  	[sflag:s7] =	ssyncadd.s32 @!p0 $0xFFFFD800  }
0x52: {  	_ =	swait.ge @!p0 [sflag:s7], $0x2800  }
0x53: {  	s8 =	simm.s32 @!p0 $0x0;
	[sflag:s7] =	ssyncset.done @!p0 $0x0  }
0x54: {  	s16 =	simm.s32 @!p0 $0x100;
	[sflag:s7] =	ssyncadd.s32 @!p0 $0xFFFFD800;
	s7 =	sadd.s32 @!p0 s9, s11  }
0x55: {  	[tilespmem:s16], [sflag:$0xA] =	stream.linear.gather @!p0 [hbm4b:s7+s8], $0x50, $0x38;
	[tilespmem:$0xF300] =	vst v63  }
0x56: {  	s7 =	simm.s32 @!p0 $0xA  }
0x57: {  	_ =	swait.ge @!p0 [sflag:s7], $0x50  }
0x58: {  	[sflag:s7] =	ssyncset.done @!p0 $0x0  }
0x59: {  	s19 =	sadd.s32 @!p0 s9, s10;
	s20 =	simm.s32 @!p0 $0x180;
	[sflag:s7] =	ssyncadd.s32 @!p0 $0xFFFFFFB0  }
0x5a: {  	[tilespmem:s20], [sflag:$0xA] =	stream.linear.gather @!p0 [hbm4b:s19+s8], $0x50, $0x38;
	[tilespmem:$0xF300] =	vst v63  }
0x5b: {  	_ =	swait.ge @!p0 [sflag:s7], $0x50  }
0x5c: {  	[sflag:s7] =	ssyncset.done @!p0 $0x0  }
0x5d: {  	s8 =	simm.s32 @!p0 $0x5300;
	[sflag:s7] =	ssyncadd.s32 @!p0 $0xFFFFFFB0;
	s7 =	simm.s32 @!p0 $0x50  }
0x5e: {  	[tilespmem:s8], [sflag:$0x3] =	stream.indirect.gather @!p0 [hbm4b:s3+s7], $0x80, s16, s7, $0xb8;
	[tilespmem:$0xF300] =	vst v63  }
0x5f: {  	s8 =	simm.s32 @!p0 $0x7B00  }
0x60: {  	[tilespmem:s8], [sflag:$0x4] =	stream.indirect.gather @!p0 [hbm4b:s4+s7], $0x80, s20, s7, $0xb8;
	[tilespmem:$0xF300] =	vst v63  }
.LBB2_7:
0x61: {  	s9 =	sadd.s32 $0xA, s9  }
0x62: {  	p0 =	sne.s32 s9, $0x4E2  }
.Ltmp3:
0x63: {  	_ = 	snop;
	(pc) =	sbr.rel @!p0 .LBB2_8-.Ltmp3, $2  }
0x64: {  	_ =	sdelay $0x2  }
0x65: {  	s15 =	sadd.s32 $0x1, s15;
	s12 =	sadd.s32 $0x500, s12;
	s13 =	sadd.s32 $0x500, s13  }
.LBB2_2:
0x66: {  	s8 =	smul.u32 $0xAB, s15;
	_ =	sdelay $0x1  }
0x67: {  	s8 =	sshrl.u32 s8, $0x9  }
0x68: {  	s8 =	sand.u32 $0x7F, s8  }
0x69: {  	s8 =	smul.u32 $0x3, s8;
	_ =	sdelay $0x1  }
0x6a: {  	s8 =	ssub.s32 s15, s8  }
0x6b: {  	s8 =	sand.u32 $0xFF, s8  }
0x6c: {  	p0 =	seq.s32 s8, $0x2  }
.Ltmp4:
0x6d: {  	_ = 	snop;
	(pc) =	sbr.rel @p0 .LBB2_6-.Ltmp4, $1  }
0x6e: {  	_ =	sdelay $0x3  }
0x6f: {  	p0 =	seq.s32 s8, $0x1  }
.Ltmp5:
0x70: {  	_ = 	snop;
	(pc) =	sbr.rel @!p0 .LBB2_4-.Ltmp5, $1  }
0x71: {  	_ =	sdelay $0x3  }
0x72: {  	_ =	swait.ge [sflag:s31], $0x2800  }
0x73: {  	[sflag:s31] =	ssyncset.done $0x0  }
0x74: {  	[sflag:s31] =	ssyncadd.s32 $0xFFFFD800  }
0x75: {  	_ =	swait.ge [sflag:s0], $0x2800  }
0x76: {  	[sflag:s0] =	ssyncset.done $0x0  }
0x77: {  	p0 =	sgt.u32 s15, $0x7A;
	[sflag:s0] =	ssyncadd.s32 $0xFFFFD800  }
0x78: {  	[hbm4b:s12+s2] =	stream.linear.scatter [tilespmem:s21], [sflag:$0x8], $0x2800, $0x38;
	[tilespmem:$0xF300] =	vst v63  }
0x79: {  	s7 =	simm.s32 @!p0 $0x7  }
0x7a: {  	[hbm4b:s13+s2] =	stream.linear.scatter [tilespmem:s22], [sflag:$0x8], $0x2800, $0x38;
	[tilespmem:$0xF300] =	vst v63  }
0x7b: {  	_ =	swait.ge @!p0 [sflag:s7], $0x2800  }
0x7c: {  	[sflag:s7] =	ssyncset.done @!p0 $0x0  }
0x7d: {  	[sflag:s7] =	ssyncadd.s32 @!p0 $0xFFFFD800  }
0x7e: {  	_ =	swait.ge @!p0 [sflag:s7], $0x2800  }
0x7f: {  	[sflag:s7] =	ssyncset.done @!p0 $0x0  }
0x80: {  	s8 =	simm.s32 @!p0 $0x0;
	[sflag:s7] =	ssyncadd.s32 @!p0 $0xFFFFD800;
	s7 =	sadd.s32 @!p0 s9, s11  }
0x81: {  	[tilespmem:s8], [sflag:$0xA] =	stream.linear.gather @!p0 [hbm4b:s7+s8], $0x50, $0x38;
	[tilespmem:$0xF300] =	vst v63  }
0x82: {  	s7 =	simm.s32 @!p0 $0xA  }
0x83: {  	_ =	swait.ge @!p0 [sflag:s7], $0x50  }
0x84: {  	[sflag:s7] =	ssyncset.done @!p0 $0x0  }
0x85: {  	s16 =	sadd.s32 @!p0 s9, s10;
	s19 =	simm.s32 @!p0 $0x80;
	[sflag:s7] =	ssyncadd.s32 @!p0 $0xFFFFFFB0  }
0x86: {  	[tilespmem:s19], [sflag:$0xA] =	stream.linear.gather @!p0 [hbm4b:s16+s8], $0x50, $0x38;
	[tilespmem:$0xF300] =	vst v63  }
0x87: {  	_ =	swait.ge @!p0 [sflag:s7], $0x50  }
.Ltmp6:
0x88: {  	[sflag:s7] =	ssyncset.done @!p0 $0x0;
	(pc) =	sbr.rel .LBB2_7-.Ltmp6, $4  }
0x89: {  	s16 =	simm.s32 @!p0 $0x300;
	[sflag:s7] =	ssyncadd.s32 @!p0 $0xFFFFFFB0;
	s7 =	simm.s32 @!p0 $0x50  }
0x8a: {  	[tilespmem:s16], [sflag:$0x1] =	stream.indirect.gather @!p0 [hbm4b:s3+s7], $0x80, s8, s7, $0xb8;
	[tilespmem:$0xF300] =	vst v63  }
0x8b: {  	s8 =	simm.s32 @!p0 $0x2B00  }
0x8c: {  	[tilespmem:s8], [sflag:$0x2] =	stream.indirect.gather @!p0 [hbm4b:s4+s7], $0x80, s19, s7, $0xb8;
	[tilespmem:$0xF300] =	vst v63  }
.LBB2_4:
0x8d: {  	_ =	swait.ge [sflag:s1], $0x2800  }
0x8e: {  	[sflag:s1] =	ssyncset.done $0x0  }
0x8f: {  	[sflag:s1] =	ssyncadd.s32 $0xFFFFD800  }
0x90: {  	p0 =	sgt.u32 s15, $0x7A;
	_ =	swait.ge [sflag:s5], $0x2800  }
0x91: {  	p1 =	seq.s32 @!p0 s9, $0x0;
	[sflag:s5] =	ssyncset.done $0x0  }
0x92: {  	p1 =	por p1, p0;
	[sflag:s5] =	ssyncadd.s32 $0xFFFFD800  }
0x93: {  	[hbm4b:s12+s2] =	stream.linear.scatter [tilespmem:s17], [sflag:$0x7], $0x2800, $0x38;
	[tilespmem:$0xF300] =	vst v63  }
0x94: {  	s8 =	simm.s32 @!p1 $0x9  }
0x95: {  	[hbm4b:s13+s2] =	stream.linear.scatter [tilespmem:s18], [sflag:$0x7], $0x2800, $0x38;
	[tilespmem:$0xF300] =	vst v63  }
0x96: {  	_ =	swait.ge @!p1 [sflag:s8], $0x2800  }
0x97: {  	[sflag:s8] =	ssyncset.done @!p1 $0x0  }
0x98: {  	[sflag:s8] =	ssyncadd.s32 @!p1 $0xFFFFD800  }
0x99: {  	_ =	swait.ge @!p1 [sflag:s8], $0x2800  }
0x9a: {  	s7 =	simm.s32 @!p0 $0x0;
	[sflag:s8] =	ssyncset.done @!p1 $0x0  }
0x9b: {  	s19 =	simm.s32 @!p0 $0x200;
	[sflag:s8] =	ssyncadd.s32 @!p1 $0xFFFFD800;
	s8 =	sadd.s32 @!p0 s9, s11  }
0x9c: {  	[tilespmem:s19], [sflag:$0xA] =	stream.linear.gather @!p0 [hbm4b:s8+s7], $0x50, $0x38;
	[tilespmem:$0xF300] =	vst v63  }
0x9d: {  	s8 =	simm.s32 @!p0 $0xA  }
0x9e: {  	_ =	swait.ge @!p0 [sflag:s8], $0x50  }
0x9f: {  	[sflag:s8] =	ssyncset.done @!p0 $0x0  }
0xa0: {  	s20 =	sadd.s32 @!p0 s9, s10;
	s16 =	simm.s32 @!p0 $0x280;
	[sflag:s8] =	ssyncadd.s32 @!p0 $0xFFFFFFB0  }
0xa1: {  	[tilespmem:s16], [sflag:$0xA] =	stream.linear.gather @!p0 [hbm4b:s20+s7], $0x50, $0x38;
	[tilespmem:$0xF300] =	vst v63  }
0xa2: {  	_ =	swait.ge @!p0 [sflag:s8], $0x50  }
.Ltmp7:
0xa3: {  	[sflag:s8] =	ssyncset.done @!p0 $0x0;
	(pc) =	sbr.rel .LBB2_7-.Ltmp7, $4  }
0xa4: {  	s7 =	simm.s32 @!p0 $0x50;
	[sflag:s8] =	ssyncadd.s32 @!p0 $0xFFFFFFB0;
	s8 =	simm.s32 @!p0 $0xA300  }
0xa5: {  	[tilespmem:s8], [sflag:$0x5] =	stream.indirect.gather @!p0 [hbm4b:s3+s7], $0x80, s19, s7, $0xb8;
	[tilespmem:$0xF300] =	vst v63  }
0xa6: {  	s8 =	simm.s32 @!p0 $0xCB00  }
0xa7: {  	[tilespmem:s8], [sflag:$0x6] =	stream.indirect.gather @!p0 [hbm4b:s4+s7], $0x80, s16, s7, $0xb8;
	[tilespmem:$0xF300] =	vst v63  }
.LBB2_9:
0xa8: {  	_ =	sfence.sel $0x180000  }
0xa9: {  	[bflag:$0x0] =	sbarrier.arrive $0xFFFF  }
0xaa: {  	_ =	strace $0x90000047  }
0xab: {  	s0 =	stileid.u32;
	[bflag:$0x2] =	sbarrier.arrive $0xFFFF  }
0xac: {  	p0 =	sne.s32 s0, $0x0;
	s0 =	rddreg [dreg:$0x2]  }
0xad: {  	s0 =	sadd.s32 @!p0 $0x100000, s0  }
0xae: {  	[sflag:s0] =	ssyncadd.tile.s32 @!p0 $0x1;
	_ =	shalt  }
.Lfunc_end2:
_tile_overlayer_lowered:
.L_overlay_start_2:
0xaf: {  	(tag) =	ssettag $0x2  }
0xb0: {  	s0 =	rddreg [dreg:$0x0];
	s2 =	stileid.u32  }
0xb1: {  	s1 =	rddreg [dreg:$0x1];
	p0 =	sne.s32 s2, $0x0  }
0xb2: {  	s3 =	rddreg [dreg:$0x2];
	[bflag:$0x3] =	sbarrier.arrive $0xFFFF;
	s2 =	simm.s32 @!p0 $0x1C0A  }
0xb3: {  	[timem:s3], [sflag:s2] =	dma.local @!p0 [hbm:s0], s1  }
0xb4: {  	s0 =	simm.s32 @!p0 $0xA  }
0xb5: {  	_ =	swait.ge @!p0 [sflag:s0], s1  }
0xb6: {  	s1 =	ssub.s32 @!p0 $0x0, s1;
	[sflag:s0] =	ssyncset.done @!p0 $0x0  }
0xb7: {  	[sflag:s0] =	ssyncadd.s32 @!p0 s1  }
0xb8: {  	[bflag:$0x3] =	sbarrier.arrive $0xFFFF  }
0xb9: {  	_ =	shalt  }

// kernel: kernel.18.cloned.1.call-start
scs
__scs_entry_jumppad:
0x0: {  	(pc) =	sbr.rel $0x88, $3  }
0x1: {  	(tag) =	ssettag $0x0;
	lr =	simm.s32 $0x1  }
0x2: {  	[smem:$0x3F88] =	sst lr;
	_ =	strace $0xD0000000  }
0x3: {  	_ = 	snop  }
0x4: {  	_ = 	snop  }
0x5: {  	_ = 	snop  }
0x6: {  	_ = 	snop  }
0x7: {  	_ = 	snop  }
__scs_overlays_trampoline_lowered:
0x8: {  	[smem:$0x3F97] =	sst s0  }
0x9: {  	[smem:$0x3F98] =	sst s1  }
0xa: {  	[smem:$0x3F99] =	sst s2  }
0xb: {  	[smem:$0x3F9A] =	sst s3  }
0xc: {  	[smem:$0x3F9B] =	sst s4  }
0xd: {  	[smem:$0x3F9C] =	sst s5  }
0xe: {  	[smem:$0x3F9D] =	sst s6  }
0xf: {  	[smem:$0x3F9E] =	sst s7  }
0x10: {  	[smem:$0x3F9F] =	sst s8  }
0x11: {  	[smem:$0x3FA0] =	sst s9;
	s0 =	simm.s32 @!p0 $0x0  }
0x12: {  	s1 =	sld [smem:$0x3F86];
	s0 =	simm.s32 @p0 $0x1  }
0x13: {  	[smem:$0x3FA1] =	sst s0;
	s0 =	simm.s32 @!p1 $0x0  }
0x14: {  	s2 =	sld [smem:$0x3F85];
	s0 =	simm.s32 @p1 $0x1  }
0x15: {  	[smem:$0x3FA2] =	sst s0;
	s0 =	simm.s32 @!p2 $0x0  }
0x16: {  	s3 =	sld [smem:$0x3FDB];
	s0 =	simm.s32 @p2 $0x1  }
0x17: {  	s4 =	simm.s32 $0x1BF5;
	[smem:$0x3FA4] =	sst s0  }
0x18: {  	s0 =	sld [smem:$0x3F87];
	_ =	swait.ge [sflag:s4], $0x0  }
0x19: {  	s7 =	sld [smem:$0x3F88]  }
0x1a: {  	s8 =	sadd.s32 $0xFFFFE003, lr  }
0x1b: {  	s9 =	sadd.s32 $0xFFFFFEF7, lr;
	s5 =	simm.s32 $0xFFFFFFFF;
	p2 =	slt.u32 s8, $0xFFFFF086  }
0x1c: {  	p1 =	slt.u32 s9, $0xF7A;
	s5 =	simm.s32 @!p2 $0x0  }
0x1d: {  	s5 =	simm.s32 @p1 $0x1;
	p0 =	seq.s32 s7, s2  }
0x1e: {  	s7 =	smul.u32 @!p0 $0xF7A, s2;
	p2 =	seq.s32 @!p0 s5, $0x0  }
0x1f: {  	s9 =	smul.u32 $0xF7A, s1;
	s8 =	simm.s32 @!p0 $0x1BF5;
	p2 =	por !p2, p0  }
0x20: {  	[sflag:s8] =	ssyncset.s32 @!p0 $0xFFFFF086;
	s6 =	sadd.s32 @!p0 s3, s7;
	s7 =	simm.s32 @!p0 $0x108  }
0x21: {  	s3 =	sadd.s32 s3, s9;
	s6 =	sadd.s32 @!p0 $0x88, s6;
	s7 =	simm.s32 @p2 $0x1082  }
0x22: {  	[simem:s7], [sflag:s8] =	dma.local @!p0 [hbm:s6], $0xF7A  }
0x23: {  	s9 =	sor.u32 $0xD0000000, s2;
	s6 =	simm.s32 $0x108;
	_ =	swait.ge @!p0 [sflag:s8], $0x0  }
0x24: {  	s3 =	sadd.s32 $0x88, s3;
	s6 =	simm.s32 @!p1 $0x1082;
	[sflag:s4] =	ssyncset.s32 $0xFFFFF086  }
0x25: {  	[simem:s6], [sflag:s4] =	dma.local [hbm:s3], $0xF7A  }
0x26: {  	[smem:$0x3F88] =	sst s1;
	(tag) =	ssettag s2;
	_ =	strace s9  }
0x27: {  	s1 =	sld [smem:$0x3F98]  }
0x28: {  	s2 =	sld [smem:$0x3F99]  }
0x29: {  	s4 =	sld [smem:$0x3F9B]  }
0x2a: {  	p0 =	seq.s32 s5, $0x0;
	s5 =	sld [smem:$0x3F9C]  }
0x2b: {  	s6 =	sld [smem:$0x3F9D]  }
0x2c: {  	s7 =	sld [smem:$0x3F9E]  }
0x2d: {  	s3 =	simm.s32 $0x108;
	s8 =	sld [smem:$0x3F9F]  }
0x2e: {  	s3 =	simm.s32 @!p0 $0x1082;
	s9 =	sld [smem:$0x3FA0]  }
0x2f: {  	lr =	sadd.s32 s0, s3;
	s0 =	sld [smem:$0x3F97]  }
0x30: {  	s3 =	sld [smem:$0x3F9A]  }
0x31: {  	[smem:$0x3FA3] =	sst s10  }
0x32: {  	s10 =	sld [smem:$0x3FA1];
	_ =	sdelay $0x3  }
0x33: {  	p0 =	seq.s32 s10, $0x1;
	s10 =	sld [smem:$0x3FA3];
	_ =	sdelay $0x3  }
0x34: {  	[smem:$0x3FA3] =	sst s10  }
0x35: {  	s10 =	sld [smem:$0x3FA2];
	_ =	sdelay $0x3  }
0x36: {  	p1 =	seq.s32 s10, $0x1;
	s10 =	sld [smem:$0x3FA3];
	_ =	sdelay $0x3  }
0x37: {  	[smem:$0x3FA3] =	sst s10  }
0x38: {  	s10 =	sld [smem:$0x3FA4]  }
0x39: {  	_ = 	snop;
	(pc) =	sbr.ind lr, $3  }
0x3a: {  	_ = 	snop  }
0x3b: {  	_ = 	snop  }
0x3c: {  	p2 =	seq.s32 s10, $0x1;
	s10 =	sld [smem:$0x3FA3]  }
0x3d: {  	_ =	shalt  }
0x3e: {  	_ =	shalt  }
0x3f: {  	_ =	shalt  }
0x40: {  	_ =	shalt  }
0x41: {  	_ =	shalt  }
0x42: {  	_ =	shalt  }
0x43: {  	_ =	shalt  }
0x44: {  	_ =	shalt  }
0x45: {  	_ =	shalt  }
0x46: {  	_ =	shalt  }
0x47: {  	_ =	shalt  }
0x48: {  	_ =	shalt  }
0x49: {  	_ =	shalt  }
0x4a: {  	_ =	shalt  }
0x4b: {  	_ =	shalt  }
0x4c: {  	_ =	shalt  }
0x4d: {  	_ =	shalt  }
0x4e: {  	_ =	shalt  }
0x4f: {  	_ =	shalt  }
0x50: {  	_ =	shalt  }
0x51: {  	_ =	shalt  }
0x52: {  	_ =	shalt  }
0x53: {  	_ =	shalt  }
0x54: {  	_ =	shalt  }
0x55: {  	_ =	shalt  }
0x56: {  	_ =	shalt  }
0x57: {  	_ =	shalt  }
0x58: {  	_ =	shalt  }
0x59: {  	_ =	shalt  }
0x5a: {  	_ =	shalt  }
0x5b: {  	_ =	shalt  }
0x5c: {  	_ =	shalt  }
0x5d: {  	_ =	shalt  }
0x5e: {  	_ =	shalt  }
0x5f: {  	_ =	shalt  }
0x60: {  	_ =	shalt  }
0x61: {  	_ =	shalt  }
0x62: {  	_ =	shalt  }
0x63: {  	_ =	shalt  }
0x64: {  	_ =	shalt  }
0x65: {  	_ =	shalt  }
0x66: {  	_ =	shalt  }
0x67: {  	_ =	shalt  }
0x68: {  	_ =	shalt  }
0x69: {  	_ =	shalt  }
0x6a: {  	_ =	shalt  }
0x6b: {  	_ =	shalt  }
0x6c: {  	_ =	shalt  }
0x6d: {  	_ =	shalt  }
0x6e: {  	_ =	shalt  }
0x6f: {  	_ =	shalt  }
0x70: {  	_ =	shalt  }
0x71: {  	_ =	shalt  }
0x72: {  	_ =	shalt  }
0x73: {  	_ =	shalt  }
0x74: {  	_ =	shalt  }
0x75: {  	_ =	shalt  }
0x76: {  	_ =	shalt  }
0x77: {  	_ =	shalt  }
0x78: {  	_ =	shalt  }
0x79: {  	_ =	shalt  }
0x7a: {  	_ =	shalt  }
0x7b: {  	_ =	shalt  }
0x7c: {  	_ =	shalt  }
0x7d: {  	_ =	shalt  }
0x7e: {  	_ =	shalt  }
0x7f: {  	_ =	shalt  }
0x80: {  	_ =	shalt  }
0x81: {  	_ =	shalt  }
0x82: {  	_ =	shalt  }
0x83: {  	_ =	shalt  }
0x84: {  	_ =	shalt  }
0x85: {  	_ =	shalt  }
0x86: {  	_ =	shalt  }
0x87: {  	_ =	shalt  }
.Lfunc_end0:
.L_simem_size_0:
called_computation.1_lowered:
.L_overlay_start_0:
0x88: {  	s2 =	sld [smem:$0x3FD9]  }
0x89: {  	s3 =	sld [smem:$0x3FFE];
	_ =	sdelay $0x1  }
0x8a: {  	s1 =	srdreg.scid  }
0x8b: {  	s0 =	sand.u32 $0x1, s1  }
0x8c: {  	s16 =	sshll.u32 s0, $0xA;
	s2 =	sadd.s32 s3, s2  }
0x8d: {  	s2 =	sadd.s32 s2, s16  }
0x8e: {  	[smem:$0x3FAF] =	sst s2  }
0x8f: {  	_ = 	snop  }
0x90: {  	(tm) =	ssettm $0x1  }
0x91: {  	s17 =	sld [smem:$0x3FFB];
	_ =	sdelay $0x3  }
0x92: {  	_ =	strace s17  }
0x93: {  	s2 =	sld [smem:$0x3FFC];
	_ =	sdelay $0x3  }
0x94: {  	_ =	strace s2  }
0x95: {  	s2 =	sld [smem:$0x3FFD];
	_ =	sdelay $0x3  }
0x96: {  	_ =	strace s2  }
0x97: {  	_ =	strace $0x8FFFFFFF  }
0x98: {  	s18 =	sld [smem:$0x3FDB];
	_ =	sdelay $0x1  }
0x99: {  	s19 =	simm.s32 $_scs_section_size  }
0x9a: {  	s4 =	simm.s32 $_size__tile_overlayer_lowered;
	s5 =	simm.s32 $_tile_overlayer_lowered  }
0x9b: {  	s22 =	simm.s32 $0x1BFF;
	s21 =	sshll.u32 s5, $0x1;
	s2 =	sadd.s32 s19, s18  }
0x9c: {  	s6 =	simm.s32 $0x0;
	s20 =	sshll.u32 s4, $0x1;
	s4 =	sadd.s32 s21, s2  }
0x9d: {  	[timem:s6], [sflag:s22] =	dma.local [hbm:s4], s20  }
0x9e: {  	_ =	swait.ge [sflag:s22], s20  }
0x9f: {  	s3 =	ssub.s32 $0x0, s20;
	[sflag:s22] =	ssyncset.done $0x0  }
0xa0: {  	[sflag:s22] =	ssyncadd.s32 s3;
	_ =	sdelay $0x1  }
0xa1: {  	s23 =	simm.s32 $0x1B8B  }
0xa2: {  	_ =	swait.ge [sflag:s23], $0x1  }
0xa3: {  	[sflag:s23] =	ssyncset.done $0x0  }
0xa4: {  	s25 =	simm.s32 $0x1B8E;
	s24 =	sld [smem:$0x3FFE];
	[sflag:s23] =	ssyncadd.s32 $0xFFFFFFFF  }
0xa5: {  	s26 =	simm.s32 $execute0_lowered;
	[smem:$0x3FD2] =	sst s25  }
0xa6: {  	s4 =	sshll.u32 s26, $0x1;
	_ =	strace $0x80000049;
	[dreg:$0x1] =	wrdreg $0xFFFFFFFF  }
0xa7: {  	s28 =	simm.s32 $_size_execute0_lowered;
	s2 =	sadd.s32 s2, s4;
	[dreg:$0x0] =	wrdreg $0x0  }
0xa8: {  	s4 =	sshll.u32 s28, $0x1;
	[dreg:$0x2] =	wrdreg s2  }
0xa9: {  	[dreg:$0x3] =	wrdreg s4  }
0xaa: {  	[dreg:$0x4] =	wrdreg $0xC0  }
0xab: {  	_ =	task [dreg:s6], $0x5FFFF  }
0xac: {  	[dreg:$0x1] =	wrdreg $0xFFFFFFFF  }
0xad: {  	[dreg:$0x0] =	wrdreg $0x60  }
0xae: {  	[dreg:$0x2] =	wrdreg s24  }
0xaf: {  	[dreg:$0x3] =	wrdreg $0x51000  }
0xb0: {  	[dreg:$0x4] =	wrdreg $0x9  }
0xb1: {  	_ =	task.clear_ibuf [dreg:s6], $0x5FFFF;
	_ =	strace $0x90000049  }
0xb2: {  	s29 =	simm.s32 $0x9;
	_ =	strace $0x8000004B  }
0xb3: {  	_ =	swait.ge [sflag:s29], $0x1  }
0xb4: {  	[sflag:s29] =	ssyncadd.s32 $0xFFFFFFFF  }
0xb5: {  	_ =	strace $0x9000004B  }
0xb6: {  	_ =	sfence  }
0xb7: {  	s30 =	sld [smem:$0x0];
	_ =	sdelay $0x2  }
0xb8: {  	s31 =	sshll.u32 s1, $0xD;
	s1 =	sshrl.u32 s1, $0x2  }
0xb9: {  	s3 =	sand.u32 $0x4000, s31;
	s1 =	sadd.s32 s1, s30  }
0xba: {  	s0 =	sor.u32 s3, s0;
	s1 =	sshll.u32 s1, $0x11  }
0xbb: {  	s0 =	sor.u32 s1, s0  }
0xbc: {  	s0 =	sadd.s32 $0x8F2B, s0  }
0xbd: {  	[sflag:s0] =	ssyncadd.remote.s32 $0x1  }
0xbe: {  	_ =	sfence.sel $0xFFFF  }
0xbf: {  	[dreg:$0x0] =	wrdreg $0xFFFFFFFF;
	(pc) =	sbr.abs _section_cstart, $3  }
0xc0: {  	[dreg:$0x1] =	wrdreg $0xFFFFFFFF  }
0xc1: {  	_ =	task.clear_ibuf [dreg:s6], $0x2FFFF;
	_ =	strace $0x9FFFFFFF  }
0xc2: {  	(tm) =	ssettm $0x7FFFFFFF  }
0xc3: {  	_ =	shalt  }
tec
execute0_lowered:
.L_overlay_start_1:
0x0: {  	(tag) =	ssettag $0x1  }
0x1: {  	s5 =	rddreg [dreg:$0x0]  }
0x2: {  	s1 =	rddreg [dreg:$0x1]  }
0x3: {  	s0 =	rddreg [dreg:$0x2];
	s3 =	simm.s32 $0x0;
	s2 =	stileid.u32  }
0x4: {  	s4 =	srdreg.scid;
	s17 =	simm.s32 $0x61400;
	s6 =	smul.u32 $0x2800, s2  }
0x5: {  	s19 =	simm.s32 $0x0;
	[smem:$0x7FF] =	sst s3;
	s7 =	smul.u32 $0x50000, s2  }
0x6: {  	s10 =	sadd.s32 $0xF4B800, s5;
	s9 =	sand.u32 $0x1, s4;
	s28 =	smul.u32 $0x27100, s2  }
0x7: {  	s4 =	sadd.s32 $0x2F600, s5;
	s25 =	sshll.u32 s2, $0x6;
	s18 =	smul.u32 $0x2710, s2  }
0x8: {  	_ =	strace $0x8000004A;
	s8 =	sshll.u32 s9, $0x4;
	s15 =	smul.u32 $0x271000, s9  }
0x9: {  	s21 =	ssub.s32 $0x2, s9;
	s16 =	smul.u32 $0x27100, s9;
	p0 =	seq.s32 s9, $0x1  }
0xa: {  	s11 =	sadd.s32 s6, s5;
	s22 =	sor.u32 s2, s8;
	s23 =	sshrl.u32 s21, $0x1  }
0xb: {  	s7 =	sshrl.u32 s7, $0x2;
	s6 =	sor.u32 $0x1C03, s25;
	s17 =	simm.s32 @!p0 $0x39400  }
0xc: {  	s12 =	smul.u32 $0x2710, s22;
	s13 =	ssub.s32 s21, s23;
	s14 =	sadd.s32 s7, s1  }
0xd: {  	s24 =	smul.u32 $0x27100, s22;
	s5 =	sadd.s32 $0xF23800, s11;
	s29 =	sadd.s32 s15, s10  }
0xe: {  	s31 =	sadd.s32 s18, s16;
	s15 =	simm.s32 $0x100;
	s16 =	simm.s32 $0x1  }
0xf: {  	s18 =	simm.s32 $0x4;
	s9 =	smax.u32 s13, $0x1;
	s30 =	sadd.s32 s28, s29  }
0x10: {  	s13 =	sshrl.u32 s14, $0x3;
	s14 =	simm.s32 $0x3;
	s26 =	sshrl.u32 s12, $0x3  }
0x11: {  	s8 =	sadd.s32 s10, s24;
	s10 =	sadd.s32 s17, s11;
	s11 =	sadd.s32 $0x500, s30  }
0x12: {  	s12 =	sadd.s32 $0x50, s31;
	s17 =	simm.s32 $0x50;
	s7 =	sadd.s32 s4, s26  }
.LBB2_1:
0x13: {  	[spmem:s13], [sflag:s6] =	dma.local [hbm:s5], $0x2800  }
0x14: {  	_ =	swait.ge [sflag:s14], $0x2800  }
0x15: {  	[sflag:s14] =	ssyncset.done $0x0  }
0x16: {  	s20 =	sand.u32 $0x1, s3;
	[sflag:s14] =	ssyncadd.s32 $0xFFFFD800  }
0x17: {  	p0 =	seq.s32 s20, $0x1;
	[bflag:$0x0] =	sbarrier.arrive $0xFFFF  }
0x18: {  	[tilespmem:s3], [sflag:$0x1] =	stream.linear.gather [hbm4b:s7+s3], $0x50, $0x38;
	[tilespmem:$0x19100] =	vst v63  }
0x19: {  	s20 =	simm.s32 @p0 $0x2  }
0x1a: {  	[tilespmem:s15], [sflag:$0x1] =	stream.linear.gather [hbm4b:s8+s3], $0x2800, $0x38;
	[tilespmem:$0x19100] =	vst v63  }
0x1b: {  	_ =	swait.ge @p0 [sflag:s20], $0x50  }
0x1c: {  	[sflag:s20] =	ssyncset.done @p0 $0x0  }
0x1d: {  	[sflag:s20] =	ssyncadd.s32 @p0 $0xFFFFFFB0  }
0x1e: {  	_ =	swait.ge @p0 [sflag:s20], $0x2800  }
0x1f: {  	s21 =	sshrl.u32 @p0 s12, $0x3;
	[sflag:s20] =	ssyncset.done @p0 $0x0  }
0x20: {  	s21 =	sadd.s32 @p0 s4, s21;
	[sflag:s20] =	ssyncadd.s32 @p0 $0xFFFFD800;
	s20 =	simm.s32 @p0 $0x0  }
0x21: {  	[tilespmem:s20], [sflag:$0x1] =	stream.linear.gather @p0 [hbm4b:s21+s20], $0x50, $0x38;
	[tilespmem:$0x19100] =	vst v63  }
0x22: {  	s22 =	simm.s32 @!p0 $0x1;
	s21 =	simm.s32 @p0 $0x100  }
0x23: {  	[tilespmem:s21], [sflag:$0x1] =	stream.linear.gather @p0 [hbm4b:s11+s20], $0x2800, $0x38;
	[tilespmem:$0x19100] =	vst v63  }
0x24: {  	s23 =	simm.s32 @p0 $0x2900;
	s20 =	simm.s32 @p0 $0x50;
	s21 =	simm.s32 @p0 $0x80  }
0x25: {  	[spmem:s1] =	stream.indirect.scatter.add.f32 @p0 [tilespmem:s23], [sflag:$0x3], $0x80, s21, s20, $0xb8;
	[tilespmem:$0x19100] =	vst v63  }
0x26: {  	_ =	swait.ge @!p0 [sflag:s22], $0x50  }
0x27: {  	[sflag:s22] =	ssyncset.done @!p0 $0x0  }
0x28: {  	[sflag:s22] =	ssyncadd.s32 @!p0 $0xFFFFFFB0  }
0x29: {  	_ =	swait.ge @!p0 [sflag:s22], $0x2800  }
0x2a: {  	s20 =	sshrl.u32 @!p0 s12, $0x3;
	s21 =	simm.s32 @!p0 $0x0;
	[sflag:s22] =	ssyncset.done @!p0 $0x0  }
0x2b: {  	s20 =	sadd.s32 @!p0 s4, s20;
	[sflag:s22] =	ssyncadd.s32 @!p0 $0xFFFFD800;
	s22 =	simm.s32 @!p0 $0x80  }
0x2c: {  	[tilespmem:s22], [sflag:$0x2] =	stream.linear.gather @!p0 [hbm4b:s20+s21], $0x50, $0x38;
	[tilespmem:$0x19100] =	vst v63  }
0x2d: {  	s31 =	simm.s32 $0x1;
	s23 =	simm.s32 @!p0 $0x4;
	s22 =	simm.s32 @!p0 $0x2900  }
0x2e: {  	[tilespmem:s22], [sflag:$0x2] =	stream.linear.gather @!p0 [hbm4b:s11+s21], $0x2800, $0x38;
	[tilespmem:$0x19100] =	vst v63  }
0x2f: {  	s24 =	simm.s32 @!p0 $0x100;
	s23 =	simm.s32 @p0 $0x3;
	s22 =	simm.s32 @!p0 $0x50  }
0x30: {  	[spmem:s1] =	stream.indirect.scatter.add.f32 @!p0 [tilespmem:s24], [sflag:$0x4], $0x80, s21, s22, $0xb8;
	[tilespmem:$0x19100] =	vst v63  }
0x31: {  	s20 =	sadd.s32 $0x500, s11;
	s22 =	simm.s32 $0x2;
	_ =	swait.ge [sflag:s23], $0x2800  }
0x32: {  	s21 =	sadd.s32 $0x50, s12;
	s24 =	sand.u32 $0x1, s31;
	[sflag:s23] =	ssyncset.done $0x0  }
.LBB2_2:
0x33: {  	p0 =	seq.s32 s24, $0x1  }
0x34: {  	[sflag:s23] =	ssyncadd.s32 $0xFFFFD800;
	s24 =	smov.u32 s22;
	s22 =	sadd.s32 $0x1, s22  }
0x35: {  	s25 =	simm.s32 @p0 $0x2;
	s23 =	sshrl.u32 @p0 s21, $0x3;
	s26 =	sshrl.u32 @!p0 s21, $0x3  }
0x36: {  	_ =	swait.ge @p0 [sflag:s25], $0x50;
	s28 =	sadd.s32 @p0 s4, s23;
	s26 =	sadd.s32 @!p0 s4, s26  }
0x37: {  	p1 =	sne.s32 s22, $0x7C;
	s23 =	simm.s32 @!p0 $0x4;
	[sflag:s25] =	ssyncset.done @p0 $0x0  }
0x38: {  	[sflag:s25] =	ssyncadd.s32 @p0 $0xFFFFFFB0  }
0x39: {  	_ =	swait.ge @p0 [sflag:s25], $0x2800  }
0x3a: {  	[sflag:s25] =	ssyncset.done @p0 $0x0  }
0x3b: {  	[sflag:s25] =	ssyncadd.s32 @p0 $0xFFFFD800;
	s25 =	simm.s32 @p0 $0x0  }
0x3c: {  	[tilespmem:s25], [sflag:$0x1] =	stream.linear.gather @p0 [hbm4b:s28+s25], $0x50, $0x38;
	[tilespmem:$0x19100] =	vst v63  }
0x3d: {  	s29 =	simm.s32 @!p0 $0x1;
	s28 =	simm.s32 @p0 $0x100  }
0x3e: {  	[tilespmem:s28], [sflag:$0x1] =	stream.linear.gather @p0 [hbm4b:s20+s25], $0x2800, $0x38;
	[tilespmem:$0x19100] =	vst v63  }
0x3f: {  	s30 =	simm.s32 @p0 $0x2900;
	s25 =	simm.s32 @p0 $0x50;
	s28 =	simm.s32 @p0 $0x80  }
0x40: {  	[spmem:s1] =	stream.indirect.scatter.add.f32 @p0 [tilespmem:s30], [sflag:$0x3], $0x80, s28, s25, $0xb8;
	[tilespmem:$0x19100] =	vst v63  }
0x41: {  	_ =	swait.ge @!p0 [sflag:s29], $0x50  }
0x42: {  	[sflag:s29] =	ssyncset.done @!p0 $0x0  }
0x43: {  	[sflag:s29] =	ssyncadd.s32 @!p0 $0xFFFFFFB0  }
0x44: {  	_ =	swait.ge @!p0 [sflag:s29], $0x2800  }
0x45: {  	[sflag:s29] =	ssyncset.done @!p0 $0x0  }
0x46: {  	s25 =	simm.s32 @!p0 $0x0;
	s28 =	simm.s32 @!p0 $0x80;
	[sflag:s29] =	ssyncadd.s32 @!p0 $0xFFFFD800  }
0x47: {  	[tilespmem:s28], [sflag:$0x2] =	stream.linear.gather @!p0 [hbm4b:s26+s25], $0x50, $0x38;
	[tilespmem:$0x19100] =	vst v63  }
0x48: {  	s26 =	simm.s32 @!p0 $0x2900  }
0x49: {  	[tilespmem:s26], [sflag:$0x2] =	stream.linear.gather @!p0 [hbm4b:s20+s25], $0x2800, $0x38;
	[tilespmem:$0x19100] =	vst v63  }
.Ltmp0:
0x4a: {  	_ = 	snop;
	(pc) =	sbr.rel @p1 .LBB2_2-.Ltmp0, $4  }
0x4b: {  	s23 =	simm.s32 @p0 $0x3;
	s28 =	simm.s32 @!p0 $0x100;
	s26 =	simm.s32 @!p0 $0x50  }
0x4c: {  	[spmem:s1] =	stream.indirect.scatter.add.f32 @!p0 [tilespmem:s28], [sflag:$0x4], $0x80, s25, s26, $0xb8;
	[tilespmem:$0x19100] =	vst v63  }
0x4d: {  	s21 =	sadd.s32 $0x50, s21;
	_ =	swait.ge [sflag:s23], $0x2800  }
0x4e: {  	s24 =	sand.u32 $0x1, s24;
	s20 =	sadd.s32 $0x500, s20;
	[sflag:s23] =	ssyncset.done $0x0  }
0x4f: {  	p0 =	seq.s32 s24, $0x1  }
0x50: {  	[sflag:s23] =	ssyncadd.s32 $0xFFFFD800;
	s22 =	simm.s32 @p0 $0x2  }
0x51: {  	_ =	swait.ge @p0 [sflag:s22], $0x50  }
0x52: {  	[sflag:s22] =	ssyncset.done @p0 $0x0  }
0x53: {  	[sflag:s22] =	ssyncadd.s32 @p0 $0xFFFFFFB0  }
0x54: {  	_ =	swait.ge @p0 [sflag:s22], $0x2800  }
0x55: {  	s23 =	sshrl.u32 @p0 s21, $0x3;
	[sflag:s22] =	ssyncset.done @p0 $0x0  }
0x56: {  	s23 =	sadd.s32 @p0 s4, s23;
	[sflag:s22] =	ssyncadd.s32 @p0 $0xFFFFD800;
	s22 =	simm.s32 @p0 $0x0  }
0x57: {  	[tilespmem:s22], [sflag:$0x1] =	stream.linear.gather @p0 [hbm4b:s23+s22], $0x50, $0x38;
	[tilespmem:$0x19100] =	vst v63  }
0x58: {  	s24 =	simm.s32 @!p0 $0x1;
	s23 =	simm.s32 @p0 $0x100  }
0x59: {  	[tilespmem:s23], [sflag:$0x1] =	stream.linear.gather @p0 [hbm4b:s20+s22], $0x2800, $0x38;
	[tilespmem:$0x19100] =	vst v63  }
0x5a: {  	s25 =	simm.s32 @p0 $0x2900;
	s22 =	simm.s32 @p0 $0x50;
	s23 =	simm.s32 @p0 $0x80  }
0x5b: {  	[spmem:s1] =	stream.indirect.scatter.add.f32 @p0 [tilespmem:s25], [sflag:$0x3], $0x80, s23, s22, $0xb8;
	[tilespmem:$0x19100] =	vst v63  }
0x5c: {  	_ =	swait.ge @!p0 [sflag:s24], $0x50  }
0x5d: {  	[sflag:s24] =	ssyncset.done @!p0 $0x0  }
0x5e: {  	[sflag:s24] =	ssyncadd.s32 @!p0 $0xFFFFFFB0  }
0x5f: {  	s21 =	sshrl.u32 @!p0 s21, $0x3;
	_ =	swait.ge @!p0 [sflag:s24], $0x2800  }
0x60: {  	s21 =	sadd.s32 @!p0 s4, s21;
	[sflag:s24] =	ssyncset.done @!p0 $0x0  }
0x61: {  	s22 =	simm.s32 @!p0 $0x0;
	s23 =	simm.s32 @!p0 $0x80;
	[sflag:s24] =	ssyncadd.s32 @!p0 $0xFFFFD800  }
0x62: {  	[tilespmem:s23], [sflag:$0x2] =	stream.linear.gather @!p0 [hbm4b:s21+s22], $0x50, $0x38;
	[tilespmem:$0x19100] =	vst v63  }
0x63: {  	s21 =	simm.s32 @!p0 $0x4;
	s23 =	simm.s32 @!p0 $0x2900  }
0x64: {  	[tilespmem:s23], [sflag:$0x2] =	stream.linear.gather @!p0 [hbm4b:s20+s22], $0x2800, $0x38;
	[tilespmem:$0x19100] =	vst v63  }
0x65: {  	s21 =	simm.s32 @p0 $0x3;
	s20 =	simm.s32 @!p0 $0x50;
	s23 =	simm.s32 @!p0 $0x100  }
0x66: {  	[spmem:s1] =	stream.indirect.scatter.add.f32 @!p0 [tilespmem:s23], [sflag:$0x4], $0x80, s22, s20, $0xb8;
	[tilespmem:$0x19100] =	vst v63  }
0x67: {  	_ =	swait.ge [sflag:s21], $0x2800  }
0x68: {  	[sflag:s21] =	ssyncset.done $0x0  }
0x69: {  	[sflag:s21] =	ssyncadd.s32 $0xFFFFD800  }
0x6a: {  	_ =	swait.ge [sflag:s16], $0x50  }
0x6b: {  	[sflag:s16] =	ssyncset.done $0x0  }
0x6c: {  	[sflag:s16] =	ssyncadd.s32 $0xFFFFFFB0  }
0x6d: {  	_ =	swait.ge [sflag:s16], $0x2800  }
0x6e: {  	[sflag:s16] =	ssyncset.done $0x0  }
0x6f: {  	[sflag:s16] =	ssyncadd.s32 $0xFFFFD800  }
0x70: {  	[spmem:s1] =	stream.indirect.scatter.add.f32 [tilespmem:s15], [sflag:$0x4], $0x80, s3, s17, $0xb8;
	[tilespmem:$0x19100] =	vst v63  }
0x71: {  	_ =	swait.ge [sflag:s18], $0x2800  }
0x72: {  	s19 =	sadd.s32 $0x1, s19;
	[sflag:s18] =	ssyncset.done $0x0  }
0x73: {  	p0 =	sne.s32 s19, s9;
	[sflag:s18] =	ssyncadd.s32 $0xFFFFD800  }
.Ltmp1:
0x74: {  	[bflag:$0x0] =	sbarrier.arrive $0xFFFF;
	(pc) =	sbr.rel @p0 .LBB2_1-.Ltmp1, $4  }
0x75: {  	[hbm:s10], [sflag:s6] =	dma.local [spmem:s13], $0x2800  }
0x76: {  	_ =	swait.ge [sflag:s14], $0x2800  }
0x77: {  	[sflag:s14] =	ssyncset.done $0x0  }
0x78: {  	[sflag:s14] =	ssyncadd.s32 $0xFFFFD800  }
0x79: {  	_ =	sfence.sel $0x180000  }
0x7a: {  	[bflag:$0x0] =	sbarrier.arrive $0xFFFF  }
0x7b: {  	p0 =	sne.s32 s2, $0x0;
	_ =	strace $0x9000004A  }
0x7c: {  	s0 =	sadd.s32 @!p0 $0x100000, s0;
	[bflag:$0x2] =	sbarrier.arrive $0xFFFF  }
0x7d: {  	[sflag:s0] =	ssyncadd.tile.s32 @!p0 $0x1;
	_ =	shalt  }
.Lfunc_end2:
_tile_overlayer_lowered:
.L_overlay_start_2:
0x7e: {  	(tag) =	ssettag $0x2  }
0x7f: {  	s0 =	rddreg [dreg:$0x0];
	s2 =	stileid.u32  }
0x80: {  	s1 =	rddreg [dreg:$0x1];
	p0 =	sne.s32 s2, $0x0  }
0x81: {  	s3 =	rddreg [dreg:$0x2];
	[bflag:$0x3] =	sbarrier.arrive $0xFFFF;
	s2 =	simm.s32 @!p0 $0x1C03  }
0x82: {  	[timem:s3], [sflag:s2] =	dma.local @!p0 [hbm:s0], s1  }
0x83: {  	s0 =	simm.s32 @!p0 $0x3  }
0x84: {  	_ =	swait.ge @!p0 [sflag:s0], s1  }
0x85: {  	s1 =	ssub.s32 @!p0 $0x0, s1;
	[sflag:s0] =	ssyncset.done @!p0 $0x0  }
0x86: {  	[sflag:s0] =	ssyncadd.s32 @!p0 s1  }
0x87: {  	[bflag:$0x3] =	sbarrier.arrive $0xFFFF  }
0x88: {  	_ =	shalt  }

// kernel: kernel.21.cloned.1.call-start
scs
__scs_entry_jumppad:
0x0: {  	(pc) =	sbr.rel $0x88, $3  }
0x1: {  	(tag) =	ssettag $0x0;
	lr =	simm.s32 $0x1  }
0x2: {  	[smem:$0x3F88] =	sst lr;
	_ =	strace $0xD0000000  }
0x3: {  	_ = 	snop  }
0x4: {  	_ = 	snop  }
0x5: {  	_ = 	snop  }
0x6: {  	_ = 	snop  }
0x7: {  	_ = 	snop  }
__scs_overlays_trampoline_lowered:
0x8: {  	[smem:$0x3F97] =	sst s0  }
0x9: {  	[smem:$0x3F98] =	sst s1  }
0xa: {  	[smem:$0x3F99] =	sst s2  }
0xb: {  	[smem:$0x3F9A] =	sst s3  }
0xc: {  	[smem:$0x3F9B] =	sst s4  }
0xd: {  	[smem:$0x3F9C] =	sst s5  }
0xe: {  	[smem:$0x3F9D] =	sst s6  }
0xf: {  	[smem:$0x3F9E] =	sst s7  }
0x10: {  	[smem:$0x3F9F] =	sst s8  }
0x11: {  	[smem:$0x3FA0] =	sst s9;
	s0 =	simm.s32 @!p0 $0x0  }
0x12: {  	s1 =	sld [smem:$0x3F86];
	s0 =	simm.s32 @p0 $0x1  }
0x13: {  	[smem:$0x3FA1] =	sst s0;
	s0 =	simm.s32 @!p1 $0x0  }
0x14: {  	s2 =	sld [smem:$0x3F85];
	s0 =	simm.s32 @p1 $0x1  }
0x15: {  	[smem:$0x3FA2] =	sst s0;
	s0 =	simm.s32 @!p2 $0x0  }
0x16: {  	s3 =	sld [smem:$0x3FDB];
	s0 =	simm.s32 @p2 $0x1  }
0x17: {  	s4 =	simm.s32 $0x1BF5;
	[smem:$0x3FA4] =	sst s0  }
0x18: {  	s0 =	sld [smem:$0x3F87];
	_ =	swait.ge [sflag:s4], $0x0  }
0x19: {  	s7 =	sld [smem:$0x3F88]  }
0x1a: {  	s8 =	sadd.s32 $0xFFFFE003, lr  }
0x1b: {  	s9 =	sadd.s32 $0xFFFFFEF7, lr;
	s5 =	simm.s32 $0xFFFFFFFF;
	p2 =	slt.u32 s8, $0xFFFFF086  }
0x1c: {  	p1 =	slt.u32 s9, $0xF7A;
	s5 =	simm.s32 @!p2 $0x0  }
0x1d: {  	s5 =	simm.s32 @p1 $0x1;
	p0 =	seq.s32 s7, s2  }
0x1e: {  	s7 =	smul.u32 @!p0 $0xF7A, s2;
	p2 =	seq.s32 @!p0 s5, $0x0  }
0x1f: {  	s9 =	smul.u32 $0xF7A, s1;
	s8 =	simm.s32 @!p0 $0x1BF5;
	p2 =	por !p2, p0  }
0x20: {  	[sflag:s8] =	ssyncset.s32 @!p0 $0xFFFFF086;
	s6 =	sadd.s32 @!p0 s3, s7;
	s7 =	simm.s32 @!p0 $0x108  }
0x21: {  	s3 =	sadd.s32 s3, s9;
	s6 =	sadd.s32 @!p0 $0x88, s6;
	s7 =	simm.s32 @p2 $0x1082  }
0x22: {  	[simem:s7], [sflag:s8] =	dma.local @!p0 [hbm:s6], $0xF7A  }
0x23: {  	s9 =	sor.u32 $0xD0000000, s2;
	s6 =	simm.s32 $0x108;
	_ =	swait.ge @!p0 [sflag:s8], $0x0  }
0x24: {  	s3 =	sadd.s32 $0x88, s3;
	s6 =	simm.s32 @!p1 $0x1082;
	[sflag:s4] =	ssyncset.s32 $0xFFFFF086  }
0x25: {  	[simem:s6], [sflag:s4] =	dma.local [hbm:s3], $0xF7A  }
0x26: {  	[smem:$0x3F88] =	sst s1;
	(tag) =	ssettag s2;
	_ =	strace s9  }
0x27: {  	s1 =	sld [smem:$0x3F98]  }
0x28: {  	s2 =	sld [smem:$0x3F99]  }
0x29: {  	s4 =	sld [smem:$0x3F9B]  }
0x2a: {  	p0 =	seq.s32 s5, $0x0;
	s5 =	sld [smem:$0x3F9C]  }
0x2b: {  	s6 =	sld [smem:$0x3F9D]  }
0x2c: {  	s7 =	sld [smem:$0x3F9E]  }
0x2d: {  	s3 =	simm.s32 $0x108;
	s8 =	sld [smem:$0x3F9F]  }
0x2e: {  	s3 =	simm.s32 @!p0 $0x1082;
	s9 =	sld [smem:$0x3FA0]  }
0x2f: {  	lr =	sadd.s32 s0, s3;
	s0 =	sld [smem:$0x3F97]  }
0x30: {  	s3 =	sld [smem:$0x3F9A]  }
0x31: {  	[smem:$0x3FA3] =	sst s10  }
0x32: {  	s10 =	sld [smem:$0x3FA1];
	_ =	sdelay $0x3  }
0x33: {  	p0 =	seq.s32 s10, $0x1;
	s10 =	sld [smem:$0x3FA3];
	_ =	sdelay $0x3  }
0x34: {  	[smem:$0x3FA3] =	sst s10  }
0x35: {  	s10 =	sld [smem:$0x3FA2];
	_ =	sdelay $0x3  }
0x36: {  	p1 =	seq.s32 s10, $0x1;
	s10 =	sld [smem:$0x3FA3];
	_ =	sdelay $0x3  }
0x37: {  	[smem:$0x3FA3] =	sst s10  }
0x38: {  	s10 =	sld [smem:$0x3FA4]  }
0x39: {  	_ = 	snop;
	(pc) =	sbr.ind lr, $3  }
0x3a: {  	_ = 	snop  }
0x3b: {  	_ = 	snop  }
0x3c: {  	p2 =	seq.s32 s10, $0x1;
	s10 =	sld [smem:$0x3FA3]  }
0x3d: {  	_ =	shalt  }
0x3e: {  	_ =	shalt  }
0x3f: {  	_ =	shalt  }
0x40: {  	_ =	shalt  }
0x41: {  	_ =	shalt  }
0x42: {  	_ =	shalt  }
0x43: {  	_ =	shalt  }
0x44: {  	_ =	shalt  }
0x45: {  	_ =	shalt  }
0x46: {  	_ =	shalt  }
0x47: {  	_ =	shalt  }
0x48: {  	_ =	shalt  }
0x49: {  	_ =	shalt  }
0x4a: {  	_ =	shalt  }
0x4b: {  	_ =	shalt  }
0x4c: {  	_ =	shalt  }
0x4d: {  	_ =	shalt  }
0x4e: {  	_ =	shalt  }
0x4f: {  	_ =	shalt  }
0x50: {  	_ =	shalt  }
0x51: {  	_ =	shalt  }
0x52: {  	_ =	shalt  }
0x53: {  	_ =	shalt  }
0x54: {  	_ =	shalt  }
0x55: {  	_ =	shalt  }
0x56: {  	_ =	shalt  }
0x57: {  	_ =	shalt  }
0x58: {  	_ =	shalt  }
0x59: {  	_ =	shalt  }
0x5a: {  	_ =	shalt  }
0x5b: {  	_ =	shalt  }
0x5c: {  	_ =	shalt  }
0x5d: {  	_ =	shalt  }
0x5e: {  	_ =	shalt  }
0x5f: {  	_ =	shalt  }
0x60: {  	_ =	shalt  }
0x61: {  	_ =	shalt  }
0x62: {  	_ =	shalt  }
0x63: {  	_ =	shalt  }
0x64: {  	_ =	shalt  }
0x65: {  	_ =	shalt  }
0x66: {  	_ =	shalt  }
0x67: {  	_ =	shalt  }
0x68: {  	_ =	shalt  }
0x69: {  	_ =	shalt  }
0x6a: {  	_ =	shalt  }
0x6b: {  	_ =	shalt  }
0x6c: {  	_ =	shalt  }
0x6d: {  	_ =	shalt  }
0x6e: {  	_ =	shalt  }
0x6f: {  	_ =	shalt  }
0x70: {  	_ =	shalt  }
0x71: {  	_ =	shalt  }
0x72: {  	_ =	shalt  }
0x73: {  	_ =	shalt  }
0x74: {  	_ =	shalt  }
0x75: {  	_ =	shalt  }
0x76: {  	_ =	shalt  }
0x77: {  	_ =	shalt  }
0x78: {  	_ =	shalt  }
0x79: {  	_ =	shalt  }
0x7a: {  	_ =	shalt  }
0x7b: {  	_ =	shalt  }
0x7c: {  	_ =	shalt  }
0x7d: {  	_ =	shalt  }
0x7e: {  	_ =	shalt  }
0x7f: {  	_ =	shalt  }
0x80: {  	_ =	shalt  }
0x81: {  	_ =	shalt  }
0x82: {  	_ =	shalt  }
0x83: {  	_ =	shalt  }
0x84: {  	_ =	shalt  }
0x85: {  	_ =	shalt  }
0x86: {  	_ =	shalt  }
0x87: {  	_ =	shalt  }
.Lfunc_end0:
.L_simem_size_0:
called_computation.2_lowered:
.L_overlay_start_0:
0x88: {  	s2 =	sld [smem:$0x3FD9]  }
0x89: {  	s3 =	sld [smem:$0x3FFE];
	_ =	sdelay $0x1  }
0x8a: {  	s1 =	srdreg.scid  }
0x8b: {  	s0 =	sand.u32 $0x1, s1  }
0x8c: {  	s17 =	sshll.u32 s0, $0xA;
	s2 =	sadd.s32 s3, s2  }
0x8d: {  	s2 =	sadd.s32 s2, s17  }
0x8e: {  	[smem:$0x3FAF] =	sst s2  }
0x8f: {  	_ = 	snop  }
0x90: {  	s2 =	sld [smem:$0x3FD0];
	(tm) =	ssettm $0x1  }
0x91: {  	s18 =	sld [smem:$0x3FFB];
	_ =	sdelay $0x3  }
0x92: {  	_ =	strace s18  }
0x93: {  	s3 =	sld [smem:$0x3FFC];
	_ =	sdelay $0x3  }
0x94: {  	_ =	strace s3  }
0x95: {  	s3 =	sld [smem:$0x3FFD];
	_ =	sdelay $0x3  }
0x96: {  	_ =	strace s3  }
0x97: {  	_ =	strace $0x8FFFFFFF  }
0x98: {  	s19 =	sld [smem:$0x3FDB];
	_ =	sdelay $0x1  }
0x99: {  	s4 =	simm.s32 $_scs_section_size  }
0x9a: {  	s5 =	simm.s32 $_size__tile_overlayer_lowered;
	s6 =	simm.s32 $_tile_overlayer_lowered  }
0x9b: {  	s22 =	simm.s32 $0x1BFF;
	s21 =	sshll.u32 s6, $0x1;
	s3 =	sadd.s32 s4, s19  }
0x9c: {  	s7 =	simm.s32 $0x0;
	s20 =	sshll.u32 s5, $0x1;
	s5 =	sadd.s32 s21, s3  }
0x9d: {  	[timem:s7], [sflag:s22] =	dma.local [hbm:s5], s20  }
0x9e: {  	_ =	swait.ge [sflag:s22], s20  }
0x9f: {  	s4 =	ssub.s32 $0x0, s20;
	[sflag:s22] =	ssyncset.done $0x0  }
0xa0: {  	[sflag:s22] =	ssyncadd.s32 s4;
	_ =	sdelay $0x1  }
0xa1: {  	s23 =	simm.s32 $0x1B8B  }
0xa2: {  	_ =	swait.ge [sflag:s23], $0x1  }
0xa3: {  	[sflag:s23] =	ssyncset.done $0x0  }
0xa4: {  	s25 =	simm.s32 $0x1B8E;
	s24 =	sld [smem:$0x3FFE];
	[sflag:s23] =	ssyncadd.s32 $0xFFFFFFFF  }
0xa5: {  	s26 =	simm.s32 $execute0_lowered;
	[smem:$0x3FD2] =	sst s25  }
0xa6: {  	s5 =	sshll.u32 s26, $0x1;
	_ =	strace $0x8000004C;
	[dreg:$0x1] =	wrdreg $0xFFFFFFFF  }
0xa7: {  	s28 =	simm.s32 $_size_execute0_lowered;
	s3 =	sadd.s32 s3, s5;
	[dreg:$0x0] =	wrdreg $0x0  }
0xa8: {  	s5 =	sshll.u32 s28, $0x1;
	[dreg:$0x2] =	wrdreg s3  }
0xa9: {  	[dreg:$0x3] =	wrdreg s5  }
0xaa: {  	[dreg:$0x4] =	wrdreg $0xC0  }
0xab: {  	_ =	task [dreg:s7], $0x5FFFF  }
0xac: {  	[dreg:$0x1] =	wrdreg $0xFFFFFFFF  }
0xad: {  	[dreg:$0x0] =	wrdreg $0x60  }
0xae: {  	[dreg:$0x2] =	wrdreg s24  }
0xaf: {  	[dreg:$0x3] =	wrdreg s2  }
0xb0: {  	[dreg:$0x4] =	wrdreg $0x9  }
0xb1: {  	_ =	task.clear_ibuf [dreg:s7], $0x5FFFF;
	_ =	strace $0x9000004C  }
0xb2: {  	s29 =	simm.s32 $0x9;
	_ =	strace $0x8000004E  }
0xb3: {  	_ =	swait.ge [sflag:s29], $0x1  }
0xb4: {  	[sflag:s29] =	ssyncadd.s32 $0xFFFFFFFF  }
0xb5: {  	_ =	strace $0x9000004E  }
0xb6: {  	_ =	sfence  }
0xb7: {  	s30 =	sld [smem:$0x0];
	_ =	sdelay $0x2  }
0xb8: {  	s31 =	sshll.u32 s1, $0xD;
	s1 =	sshrl.u32 s1, $0x2  }
0xb9: {  	s3 =	sand.u32 $0x4000, s31;
	s1 =	sadd.s32 s1, s30  }
0xba: {  	s0 =	sor.u32 s3, s0;
	s1 =	sshll.u32 s1, $0x11  }
0xbb: {  	s0 =	sor.u32 s1, s0  }
0xbc: {  	s0 =	sadd.s32 $0x8F2B, s0  }
0xbd: {  	[sflag:s0] =	ssyncadd.remote.s32 $0x1  }
0xbe: {  	_ =	sfence.sel $0xFFFF  }
0xbf: {  	[dreg:$0x0] =	wrdreg $0xFFFFFFFF;
	(pc) =	sbr.abs _section_cstart, $3  }
0xc0: {  	[dreg:$0x1] =	wrdreg $0xFFFFFFFF  }
0xc1: {  	_ =	task.clear_ibuf [dreg:s7], $0x2FFFF;
	_ =	strace $0x9FFFFFFF  }
0xc2: {  	(tm) =	ssettm $0x7FFFFFFF  }
0xc3: {  	_ =	shalt  }
tec
execute0_lowered:
.L_overlay_start_1:
0x0: {  	(tag) =	ssettag $0x1  }
0x1: {  	s0 =	rddreg [dreg:$0x0]  }
0x2: {  	s1 =	rddreg [dreg:$0x1]  }
0x3: {  	s9 =	stileid.u32;
	s3 =	srdreg.scid;
	s2 =	simm.s32 $0x0  }
0x4: {  	s14 =	simm.s32 $0xA;
	s17 =	simm.s32 $0x300;
	s18 =	simm.s32 $0x2B00  }
0x5: {  	s28 =	simm.s32 $0x9;
	s29 =	simm.s32 $0x7;
	s30 =	simm.s32 $0x8  }
0x6: {  	s31 =	simm.s32 $0x3;
	s5 =	sand.u32 $0x1, s3;
	s6 =	smul.u32 $0x4E200, s9  }
0x7: {  	s19 =	sshll.u32 s9, $0x1;
	[smem:$0x7FF] =	sst s2;
	s9 =	smul.u32 $0x4E20, s9  }
0x8: {  	s3 =	sadd.s32 $0x8200, s0;
	s11 =	sadd.s32 $0x2F600, s0;
	s12 =	smul.u32 $0x2710, s5  }
0x9: {  	s4 =	sor.u32 s5, s19;
	s8 =	ssub.s32 $0x2, s5;
	s5 =	smul.u32 $0x27100, s5  }
0xa: {  	_ =	strace $0x8000004D;
	s7 =	smul.u32 $0x2710, s4;
	s10 =	sshrl.u32 s8, $0x1  }
0xb: {  	s4 =	sadd.s32 $0x39400, s0;
	s0 =	sadd.s32 s6, s0;
	s20 =	ssub.s32 s8, s10  }
0xc: {  	s23 =	sadd.s32 s12, s9;
	s0 =	sadd.s32 s5, s0;
	s5 =	simm.s32 $0x2  }
0xd: {  	s7 =	sshrl.u32 s7, $0x3;
	s8 =	sadd.s32 $0xA0, s23;
	s6 =	smax.u32 s20, $0x1  }
0xe: {  	s26 =	sadd.s32 $0x60600, s0;
	s0 =	sadd.s32 $0x542600, s0;
	s23 =	simm.s32 $0x5  }
0xf: {  	s21 =	sadd.s32 s11, s7;
	s22 =	sadd.s32 s1, s7;
	[dreg:$0x7] =	wrdreg s6  }
0x10: {  	s7 =	sadd.s32 $0xA, s7;
	s25 =	sshrl.u32 s8, $0x3;
	[dreg:$0x8] =	wrdreg s26  }
0x11: {  	[dreg:$0x9] =	wrdreg s0;
	s26 =	simm.s32 $0xCB00;
	s0 =	simm.s32 $0x4  }
.Ltmp0:
0x12: {  	s6 =	simm.s32 $0x0;
	[dreg:$0x3] =	wrdreg s21;
	(pc) =	sbr.rel .LBB2_1-.Ltmp0, $4  }
0x13: {  	[dreg:$0x4] =	wrdreg s22;
	s24 =	sadd.s32 s11, s7;
	s7 =	sadd.s32 s1, s7  }
0x14: {  	s10 =	sadd.s32 s25, s1;
	s11 =	sadd.s32 s25, s11;
	s21 =	simm.s32 $0x5300  }
0x15: {  	s22 =	simm.s32 $0x7B00;
	s25 =	simm.s32 $0xA300;
	[dreg:$0x5] =	wrdreg s24  }
0x16: {  	s1 =	simm.s32 $0x1;
	[dreg:$0x6] =	wrdreg s7;
	s24 =	simm.s32 $0x6  }
.LBB2_8:
0x17: {  	_ =	swait.ge [sflag:s28], $0x2800  }
0x18: {  	[sflag:s28] =	ssyncset.done $0x0  }
0x19: {  	[sflag:s28] =	ssyncadd.s32 $0xFFFFD800  }
0x1a: {  	_ =	swait.ge [sflag:s28], $0x2800  }
0x1b: {  	[sflag:s28] =	ssyncset.done $0x0  }
0x1c: {  	[sflag:s28] =	ssyncadd.s32 $0xFFFFD800  }
0x1d: {  	_ =	swait.ge [sflag:s29], $0x2800  }
0x1e: {  	[sflag:s29] =	ssyncset.done $0x0  }
0x1f: {  	[sflag:s29] =	ssyncadd.s32 $0xFFFFD800  }
0x20: {  	_ =	swait.ge [sflag:s29], $0x2800  }
0x21: {  	[sflag:s29] =	ssyncset.done $0x0  }
0x22: {  	[sflag:s29] =	ssyncadd.s32 $0xFFFFD800  }
0x23: {  	_ =	swait.ge [sflag:s30], $0x2800  }
0x24: {  	[sflag:s30] =	ssyncset.done $0x0  }
0x25: {  	[sflag:s30] =	ssyncadd.s32 $0xFFFFD800  }
0x26: {  	_ =	swait.ge [sflag:s30], $0x2800  }
0x27: {  	s6 =	sadd.s32 $0x1, s6;
	s7 =	rddreg [dreg:$0x7]  }
0x28: {  	p0 =	sne.s32 s6, s7  }
.Ltmp1:
0x29: {  	_ = 	snop;
	(pc) =	sbr.rel @!p0 .LBB2_9-.Ltmp1, $3  }
0x2a: {  	_ =	sdelay $0x1  }
0x2b: {  	[sflag:s30] =	ssyncset.done $0x0  }
0x2c: {  	[sflag:s30] =	ssyncadd.s32 $0xFFFFD800  }
.LBB2_1:
0x2d: {  	s7 =	rddreg [dreg:$0x3]  }
0x2e: {  	[tilespmem:s2], [sflag:$0xA] =	stream.linear.gather [hbm4b:s7+s2], $0x50, $0x38;
	[tilespmem:$0xF300] =	vst v63  }
0x2f: {  	_ =	swait.ge [sflag:s14], $0x50  }
0x30: {  	[sflag:s14] =	ssyncset.done $0x0  }
0x31: {  	s8 =	simm.s32 $0x80;
	s15 =	rddreg [dreg:$0x4];
	[sflag:s14] =	ssyncadd.s32 $0xFFFFFFB0  }
0x32: {  	[tilespmem:s8], [sflag:$0xA] =	stream.linear.gather [hbm4b:s15+s2], $0x50, $0x38;
	[tilespmem:$0xF300] =	vst v63  }
0x33: {  	_ =	swait.ge [sflag:s14], $0x50  }
0x34: {  	[sflag:s14] =	ssyncset.done $0x0  }
0x35: {  	s9 =	simm.s32 $0x50;
	[sflag:s14] =	ssyncadd.s32 $0xFFFFFFB0  }
0x36: {  	[tilespmem:s17], [sflag:$0x1] =	stream.indirect.gather [hbm4b:s3+s9], $0x80, s2, s9, $0xb8;
	[tilespmem:$0xF300] =	vst v63  }
0x37: {  	_ = 	snop  }
0x38: {  	[tilespmem:s18], [sflag:$0x2] =	stream.indirect.gather [hbm4b:s4+s9], $0x80, s8, s9, $0xb8;
	[tilespmem:$0xF300] =	vst v63  }
0x39: {  	s19 =	simm.s32 $0x100;
	s16 =	rddreg [dreg:$0x5]  }
0x3a: {  	[tilespmem:s19], [sflag:$0xA] =	stream.linear.gather [hbm4b:s16+s2], $0x50, $0x38;
	[tilespmem:$0xF300] =	vst v63  }
0x3b: {  	_ =	swait.ge [sflag:s14], $0x50  }
0x3c: {  	[sflag:s14] =	ssyncset.done $0x0  }
0x3d: {  	s12 =	simm.s32 $0x180;
	s20 =	rddreg [dreg:$0x6];
	[sflag:s14] =	ssyncadd.s32 $0xFFFFFFB0  }
0x3e: {  	[tilespmem:s12], [sflag:$0xA] =	stream.linear.gather [hbm4b:s20+s2], $0x50, $0x38;
	[tilespmem:$0xF300] =	vst v63  }
0x3f: {  	_ =	swait.ge [sflag:s14], $0x50  }
0x40: {  	[sflag:s14] =	ssyncset.done $0x0  }
.Ltmp2:
0x41: {  	[sflag:s14] =	ssyncadd.s32 $0xFFFFFFB0;
	(pc) =	sbr.rel .LBB2_2-.Ltmp2, $4  }
0x42: {  	[tilespmem:s21], [sflag:$0x3] =	stream.indirect.gather [hbm4b:s3+s9], $0x80, s19, s9, $0xb8;
	[tilespmem:$0xF300] =	vst v63  }
0x43: {  	s13 =	rddreg [dreg:$0x9]  }
0x44: {  	[tilespmem:s22], [sflag:$0x4] =	stream.indirect.gather [hbm4b:s4+s9], $0x80, s12, s9, $0xb8;
	[tilespmem:$0xF300] =	vst v63  }
0x45: {  	s15 =	simm.s32 $0x0;
	s12 =	rddreg [dreg:$0x8];
	s9 =	simm.s32 $0x0  }
.LBB2_6:
0x46: {  	_ =	swait.ge [sflag:s23], $0x2800  }
0x47: {  	[sflag:s23] =	ssyncset.done $0x0  }
0x48: {  	[sflag:s23] =	ssyncadd.s32 $0xFFFFD800  }
0x49: {  	_ =	swait.ge [sflag:s24], $0x2800  }
0x4a: {  	[sflag:s24] =	ssyncset.done $0x0  }
0x4b: {  	p0 =	sgt.u32 s15, $0x7A;
	[sflag:s24] =	ssyncadd.s32 $0xFFFFD800  }
0x4c: {  	[hbm4b:s12+s2] =	stream.linear.scatter [tilespmem:s25], [sflag:$0x9], $0x2800, $0x38;
	[tilespmem:$0xF300] =	vst v63  }
0x4d: {  	s7 =	simm.s32 @!p0 $0x8  }
0x4e: {  	[hbm4b:s13+s2] =	stream.linear.scatter [tilespmem:s26], [sflag:$0x9], $0x2800, $0x38;
	[tilespmem:$0xF300] =	vst v63  }
0x4f: {  	_ =	swait.ge @!p0 [sflag:s7], $0x2800  }
0x50: {  	[sflag:s7] =	ssyncset.done @!p0 $0x0  }
0x51: {  	[sflag:s7] =	ssyncadd.s32 @!p0 $0xFFFFD800  }
0x52: {  	_ =	swait.ge @!p0 [sflag:s7], $0x2800  }
0x53: {  	s8 =	simm.s32 @!p0 $0x0;
	[sflag:s7] =	ssyncset.done @!p0 $0x0  }
0x54: {  	s16 =	simm.s32 @!p0 $0x100;
	[sflag:s7] =	ssyncadd.s32 @!p0 $0xFFFFD800;
	s7 =	sadd.s32 @!p0 s9, s11  }
0x55: {  	[tilespmem:s16], [sflag:$0xA] =	stream.linear.gather @!p0 [hbm4b:s7+s8], $0x50, $0x38;
	[tilespmem:$0xF300] =	vst v63  }
0x56: {  	s7 =	simm.s32 @!p0 $0xA  }
0x57: {  	_ =	swait.ge @!p0 [sflag:s7], $0x50  }
0x58: {  	[sflag:s7] =	ssyncset.done @!p0 $0x0  }
0x59: {  	s19 =	sadd.s32 @!p0 s9, s10;
	s20 =	simm.s32 @!p0 $0x180;
	[sflag:s7] =	ssyncadd.s32 @!p0 $0xFFFFFFB0  }
0x5a: {  	[tilespmem:s20], [sflag:$0xA] =	stream.linear.gather @!p0 [hbm4b:s19+s8], $0x50, $0x38;
	[tilespmem:$0xF300] =	vst v63  }
0x5b: {  	_ =	swait.ge @!p0 [sflag:s7], $0x50  }
0x5c: {  	[sflag:s7] =	ssyncset.done @!p0 $0x0  }
0x5d: {  	s8 =	simm.s32 @!p0 $0x5300;
	[sflag:s7] =	ssyncadd.s32 @!p0 $0xFFFFFFB0;
	s7 =	simm.s32 @!p0 $0x50  }
0x5e: {  	[tilespmem:s8], [sflag:$0x3] =	stream.indirect.gather @!p0 [hbm4b:s3+s7], $0x80, s16, s7, $0xb8;
	[tilespmem:$0xF300] =	vst v63  }
0x5f: {  	s8 =	simm.s32 @!p0 $0x7B00  }
0x60: {  	[tilespmem:s8], [sflag:$0x4] =	stream.indirect.gather @!p0 [hbm4b:s4+s7], $0x80, s20, s7, $0xb8;
	[tilespmem:$0xF300] =	vst v63  }
.LBB2_7:
0x61: {  	s9 =	sadd.s32 $0xA, s9  }
0x62: {  	p0 =	sne.s32 s9, $0x4E2  }
.Ltmp3:
0x63: {  	_ = 	snop;
	(pc) =	sbr.rel @!p0 .LBB2_8-.Ltmp3, $2  }
0x64: {  	_ =	sdelay $0x2  }
0x65: {  	s15 =	sadd.s32 $0x1, s15;
	s12 =	sadd.s32 $0x500, s12;
	s13 =	sadd.s32 $0x500, s13  }
.LBB2_2:
0x66: {  	s8 =	smul.u32 $0xAB, s15;
	_ =	sdelay $0x1  }
0x67: {  	s8 =	sshrl.u32 s8, $0x9  }
0x68: {  	s8 =	sand.u32 $0x7F, s8  }
0x69: {  	s8 =	smul.u32 $0x3, s8;
	_ =	sdelay $0x1  }
0x6a: {  	s8 =	ssub.s32 s15, s8  }
0x6b: {  	s8 =	sand.u32 $0xFF, s8  }
0x6c: {  	p0 =	seq.s32 s8, $0x2  }
.Ltmp4:
0x6d: {  	_ = 	snop;
	(pc) =	sbr.rel @p0 .LBB2_6-.Ltmp4, $1  }
0x6e: {  	_ =	sdelay $0x3  }
0x6f: {  	p0 =	seq.s32 s8, $0x1  }
.Ltmp5:
0x70: {  	_ = 	snop;
	(pc) =	sbr.rel @!p0 .LBB2_4-.Ltmp5, $1  }
0x71: {  	_ =	sdelay $0x3  }
0x72: {  	_ =	swait.ge [sflag:s31], $0x2800  }
0x73: {  	[sflag:s31] =	ssyncset.done $0x0  }
0x74: {  	[sflag:s31] =	ssyncadd.s32 $0xFFFFD800  }
0x75: {  	_ =	swait.ge [sflag:s0], $0x2800  }
0x76: {  	[sflag:s0] =	ssyncset.done $0x0  }
0x77: {  	p0 =	sgt.u32 s15, $0x7A;
	[sflag:s0] =	ssyncadd.s32 $0xFFFFD800  }
0x78: {  	[hbm4b:s12+s2] =	stream.linear.scatter [tilespmem:s21], [sflag:$0x8], $0x2800, $0x38;
	[tilespmem:$0xF300] =	vst v63  }
0x79: {  	s7 =	simm.s32 @!p0 $0x7  }
0x7a: {  	[hbm4b:s13+s2] =	stream.linear.scatter [tilespmem:s22], [sflag:$0x8], $0x2800, $0x38;
	[tilespmem:$0xF300] =	vst v63  }
0x7b: {  	_ =	swait.ge @!p0 [sflag:s7], $0x2800  }
0x7c: {  	[sflag:s7] =	ssyncset.done @!p0 $0x0  }
0x7d: {  	[sflag:s7] =	ssyncadd.s32 @!p0 $0xFFFFD800  }
0x7e: {  	_ =	swait.ge @!p0 [sflag:s7], $0x2800  }
0x7f: {  	[sflag:s7] =	ssyncset.done @!p0 $0x0  }
0x80: {  	s8 =	simm.s32 @!p0 $0x0;
	[sflag:s7] =	ssyncadd.s32 @!p0 $0xFFFFD800;
	s7 =	sadd.s32 @!p0 s9, s11  }
0x81: {  	[tilespmem:s8], [sflag:$0xA] =	stream.linear.gather @!p0 [hbm4b:s7+s8], $0x50, $0x38;
	[tilespmem:$0xF300] =	vst v63  }
0x82: {  	s7 =	simm.s32 @!p0 $0xA  }
0x83: {  	_ =	swait.ge @!p0 [sflag:s7], $0x50  }
0x84: {  	[sflag:s7] =	ssyncset.done @!p0 $0x0  }
0x85: {  	s16 =	sadd.s32 @!p0 s9, s10;
	s19 =	simm.s32 @!p0 $0x80;
	[sflag:s7] =	ssyncadd.s32 @!p0 $0xFFFFFFB0  }
0x86: {  	[tilespmem:s19], [sflag:$0xA] =	stream.linear.gather @!p0 [hbm4b:s16+s8], $0x50, $0x38;
	[tilespmem:$0xF300] =	vst v63  }
0x87: {  	_ =	swait.ge @!p0 [sflag:s7], $0x50  }
.Ltmp6:
0x88: {  	[sflag:s7] =	ssyncset.done @!p0 $0x0;
	(pc) =	sbr.rel .LBB2_7-.Ltmp6, $4  }
0x89: {  	s16 =	simm.s32 @!p0 $0x300;
	[sflag:s7] =	ssyncadd.s32 @!p0 $0xFFFFFFB0;
	s7 =	simm.s32 @!p0 $0x50  }
0x8a: {  	[tilespmem:s16], [sflag:$0x1] =	stream.indirect.gather @!p0 [hbm4b:s3+s7], $0x80, s8, s7, $0xb8;
	[tilespmem:$0xF300] =	vst v63  }
0x8b: {  	s8 =	simm.s32 @!p0 $0x2B00  }
0x8c: {  	[tilespmem:s8], [sflag:$0x2] =	stream.indirect.gather @!p0 [hbm4b:s4+s7], $0x80, s19, s7, $0xb8;
	[tilespmem:$0xF300] =	vst v63  }
.LBB2_4:
0x8d: {  	_ =	swait.ge [sflag:s1], $0x2800  }
0x8e: {  	[sflag:s1] =	ssyncset.done $0x0  }
0x8f: {  	[sflag:s1] =	ssyncadd.s32 $0xFFFFD800  }
0x90: {  	p0 =	sgt.u32 s15, $0x7A;
	_ =	swait.ge [sflag:s5], $0x2800  }
0x91: {  	p1 =	seq.s32 @!p0 s9, $0x0;
	[sflag:s5] =	ssyncset.done $0x0  }
0x92: {  	p1 =	por p1, p0;
	[sflag:s5] =	ssyncadd.s32 $0xFFFFD800  }
0x93: {  	[hbm4b:s12+s2] =	stream.linear.scatter [tilespmem:s17], [sflag:$0x7], $0x2800, $0x38;
	[tilespmem:$0xF300] =	vst v63  }
0x94: {  	s8 =	simm.s32 @!p1 $0x9  }
0x95: {  	[hbm4b:s13+s2] =	stream.linear.scatter [tilespmem:s18], [sflag:$0x7], $0x2800, $0x38;
	[tilespmem:$0xF300] =	vst v63  }
0x96: {  	_ =	swait.ge @!p1 [sflag:s8], $0x2800  }
0x97: {  	[sflag:s8] =	ssyncset.done @!p1 $0x0  }
0x98: {  	[sflag:s8] =	ssyncadd.s32 @!p1 $0xFFFFD800  }
0x99: {  	_ =	swait.ge @!p1 [sflag:s8], $0x2800  }
0x9a: {  	s7 =	simm.s32 @!p0 $0x0;
	[sflag:s8] =	ssyncset.done @!p1 $0x0  }
0x9b: {  	s19 =	simm.s32 @!p0 $0x200;
	[sflag:s8] =	ssyncadd.s32 @!p1 $0xFFFFD800;
	s8 =	sadd.s32 @!p0 s9, s11  }
0x9c: {  	[tilespmem:s19], [sflag:$0xA] =	stream.linear.gather @!p0 [hbm4b:s8+s7], $0x50, $0x38;
	[tilespmem:$0xF300] =	vst v63  }
0x9d: {  	s8 =	simm.s32 @!p0 $0xA  }
0x9e: {  	_ =	swait.ge @!p0 [sflag:s8], $0x50  }
0x9f: {  	[sflag:s8] =	ssyncset.done @!p0 $0x0  }
0xa0: {  	s20 =	sadd.s32 @!p0 s9, s10;
	s16 =	simm.s32 @!p0 $0x280;
	[sflag:s8] =	ssyncadd.s32 @!p0 $0xFFFFFFB0  }
0xa1: {  	[tilespmem:s16], [sflag:$0xA] =	stream.linear.gather @!p0 [hbm4b:s20+s7], $0x50, $0x38;
	[tilespmem:$0xF300] =	vst v63  }
0xa2: {  	_ =	swait.ge @!p0 [sflag:s8], $0x50  }
.Ltmp7:
0xa3: {  	[sflag:s8] =	ssyncset.done @!p0 $0x0;
	(pc) =	sbr.rel .LBB2_7-.Ltmp7, $4  }
0xa4: {  	s7 =	simm.s32 @!p0 $0x50;
	[sflag:s8] =	ssyncadd.s32 @!p0 $0xFFFFFFB0;
	s8 =	simm.s32 @!p0 $0xA300  }
0xa5: {  	[tilespmem:s8], [sflag:$0x5] =	stream.indirect.gather @!p0 [hbm4b:s3+s7], $0x80, s19, s7, $0xb8;
	[tilespmem:$0xF300] =	vst v63  }
0xa6: {  	s8 =	simm.s32 @!p0 $0xCB00  }
0xa7: {  	[tilespmem:s8], [sflag:$0x6] =	stream.indirect.gather @!p0 [hbm4b:s4+s7], $0x80, s16, s7, $0xb8;
	[tilespmem:$0xF300] =	vst v63  }
.LBB2_9:
0xa8: {  	_ =	sfence.sel $0x180000  }
0xa9: {  	[bflag:$0x0] =	sbarrier.arrive $0xFFFF  }
0xaa: {  	_ =	strace $0x9000004D  }
0xab: {  	s0 =	stileid.u32;
	[bflag:$0x2] =	sbarrier.arrive $0xFFFF  }
0xac: {  	p0 =	sne.s32 s0, $0x0;
	s0 =	rddreg [dreg:$0x2]  }
0xad: {  	s0 =	sadd.s32 @!p0 $0x100000, s0  }
0xae: {  	[sflag:s0] =	ssyncadd.tile.s32 @!p0 $0x1;
	_ =	shalt  }
.Lfunc_end2:
_tile_overlayer_lowered:
.L_overlay_start_2:
0xaf: {  	(tag) =	ssettag $0x2  }
0xb0: {  	s0 =	rddreg [dreg:$0x0];
	s2 =	stileid.u32  }
0xb1: {  	s1 =	rddreg [dreg:$0x1];
	p0 =	sne.s32 s2, $0x0  }
0xb2: {  	s3 =	rddreg [dreg:$0x2];
	[bflag:$0x3] =	sbarrier.arrive $0xFFFF;
	s2 =	simm.s32 @!p0 $0x1C0A  }
0xb3: {  	[timem:s3], [sflag:s2] =	dma.local @!p0 [hbm:s0], s1  }
0xb4: {  	s0 =	simm.s32 @!p0 $0xA  }
0xb5: {  	_ =	swait.ge @!p0 [sflag:s0], s1  }
0xb6: {  	s1 =	ssub.s32 @!p0 $0x0, s1;
	[sflag:s0] =	ssyncset.done @!p0 $0x0  }
0xb7: {  	[sflag:s0] =	ssyncadd.s32 @!p0 s1  }
0xb8: {  	[bflag:$0x3] =	sbarrier.arrive $0xFFFF  }
0xb9: {  	_ =	shalt  }

// kernel: kernel.24.cloned.1.call-start
scs
__scs_entry_jumppad:
0x0: {  	(pc) =	sbr.rel $0x88, $3  }
0x1: {  	(tag) =	ssettag $0x0;
	lr =	simm.s32 $0x1  }
0x2: {  	[smem:$0x3F88] =	sst lr;
	_ =	strace $0xD0000000  }
0x3: {  	_ = 	snop  }
0x4: {  	_ = 	snop  }
0x5: {  	_ = 	snop  }
0x6: {  	_ = 	snop  }
0x7: {  	_ = 	snop  }
__scs_overlays_trampoline_lowered:
0x8: {  	[smem:$0x3F97] =	sst s0  }
0x9: {  	[smem:$0x3F98] =	sst s1  }
0xa: {  	[smem:$0x3F99] =	sst s2  }
0xb: {  	[smem:$0x3F9A] =	sst s3  }
0xc: {  	[smem:$0x3F9B] =	sst s4  }
0xd: {  	[smem:$0x3F9C] =	sst s5  }
0xe: {  	[smem:$0x3F9D] =	sst s6  }
0xf: {  	[smem:$0x3F9E] =	sst s7  }
0x10: {  	[smem:$0x3F9F] =	sst s8  }
0x11: {  	[smem:$0x3FA0] =	sst s9;
	s0 =	simm.s32 @!p0 $0x0  }
0x12: {  	s1 =	sld [smem:$0x3F86];
	s0 =	simm.s32 @p0 $0x1  }
0x13: {  	[smem:$0x3FA1] =	sst s0;
	s0 =	simm.s32 @!p1 $0x0  }
0x14: {  	s2 =	sld [smem:$0x3F85];
	s0 =	simm.s32 @p1 $0x1  }
0x15: {  	[smem:$0x3FA2] =	sst s0;
	s0 =	simm.s32 @!p2 $0x0  }
0x16: {  	s3 =	sld [smem:$0x3FDB];
	s0 =	simm.s32 @p2 $0x1  }
0x17: {  	s4 =	simm.s32 $0x1BF5;
	[smem:$0x3FA4] =	sst s0  }
0x18: {  	s0 =	sld [smem:$0x3F87];
	_ =	swait.ge [sflag:s4], $0x0  }
0x19: {  	s7 =	sld [smem:$0x3F88]  }
0x1a: {  	s8 =	sadd.s32 $0xFFFFE003, lr  }
0x1b: {  	s9 =	sadd.s32 $0xFFFFFEF7, lr;
	s5 =	simm.s32 $0xFFFFFFFF;
	p2 =	slt.u32 s8, $0xFFFFF086  }
0x1c: {  	p1 =	slt.u32 s9, $0xF7A;
	s5 =	simm.s32 @!p2 $0x0  }
0x1d: {  	s5 =	simm.s32 @p1 $0x1;
	p0 =	seq.s32 s7, s2  }
0x1e: {  	s7 =	smul.u32 @!p0 $0xF7A, s2;
	p2 =	seq.s32 @!p0 s5, $0x0  }
0x1f: {  	s9 =	smul.u32 $0xF7A, s1;
	s8 =	simm.s32 @!p0 $0x1BF5;
	p2 =	por !p2, p0  }
0x20: {  	[sflag:s8] =	ssyncset.s32 @!p0 $0xFFFFF086;
	s6 =	sadd.s32 @!p0 s3, s7;
	s7 =	simm.s32 @!p0 $0x108  }
0x21: {  	s3 =	sadd.s32 s3, s9;
	s6 =	sadd.s32 @!p0 $0x88, s6;
	s7 =	simm.s32 @p2 $0x1082  }
0x22: {  	[simem:s7], [sflag:s8] =	dma.local @!p0 [hbm:s6], $0xF7A  }
0x23: {  	s9 =	sor.u32 $0xD0000000, s2;
	s6 =	simm.s32 $0x108;
	_ =	swait.ge @!p0 [sflag:s8], $0x0  }
0x24: {  	s3 =	sadd.s32 $0x88, s3;
	s6 =	simm.s32 @!p1 $0x1082;
	[sflag:s4] =	ssyncset.s32 $0xFFFFF086  }
0x25: {  	[simem:s6], [sflag:s4] =	dma.local [hbm:s3], $0xF7A  }
0x26: {  	[smem:$0x3F88] =	sst s1;
	(tag) =	ssettag s2;
	_ =	strace s9  }
0x27: {  	s1 =	sld [smem:$0x3F98]  }
0x28: {  	s2 =	sld [smem:$0x3F99]  }
0x29: {  	s4 =	sld [smem:$0x3F9B]  }
0x2a: {  	p0 =	seq.s32 s5, $0x0;
	s5 =	sld [smem:$0x3F9C]  }
0x2b: {  	s6 =	sld [smem:$0x3F9D]  }
0x2c: {  	s7 =	sld [smem:$0x3F9E]  }
0x2d: {  	s3 =	simm.s32 $0x108;
	s8 =	sld [smem:$0x3F9F]  }
0x2e: {  	s3 =	simm.s32 @!p0 $0x1082;
	s9 =	sld [smem:$0x3FA0]  }
0x2f: {  	lr =	sadd.s32 s0, s3;
	s0 =	sld [smem:$0x3F97]  }
0x30: {  	s3 =	sld [smem:$0x3F9A]  }
0x31: {  	[smem:$0x3FA3] =	sst s10  }
0x32: {  	s10 =	sld [smem:$0x3FA1];
	_ =	sdelay $0x3  }
0x33: {  	p0 =	seq.s32 s10, $0x1;
	s10 =	sld [smem:$0x3FA3];
	_ =	sdelay $0x3  }
0x34: {  	[smem:$0x3FA3] =	sst s10  }
0x35: {  	s10 =	sld [smem:$0x3FA2];
	_ =	sdelay $0x3  }
0x36: {  	p1 =	seq.s32 s10, $0x1;
	s10 =	sld [smem:$0x3FA3];
	_ =	sdelay $0x3  }
0x37: {  	[smem:$0x3FA3] =	sst s10  }
0x38: {  	s10 =	sld [smem:$0x3FA4]  }
0x39: {  	_ = 	snop;
	(pc) =	sbr.ind lr, $3  }
0x3a: {  	_ = 	snop  }
0x3b: {  	_ = 	snop  }
0x3c: {  	p2 =	seq.s32 s10, $0x1;
	s10 =	sld [smem:$0x3FA3]  }
0x3d: {  	_ =	shalt  }
0x3e: {  	_ =	shalt  }
0x3f: {  	_ =	shalt  }
0x40: {  	_ =	shalt  }
0x41: {  	_ =	shalt  }
0x42: {  	_ =	shalt  }
0x43: {  	_ =	shalt  }
0x44: {  	_ =	shalt  }
0x45: {  	_ =	shalt  }
0x46: {  	_ =	shalt  }
0x47: {  	_ =	shalt  }
0x48: {  	_ =	shalt  }
0x49: {  	_ =	shalt  }
0x4a: {  	_ =	shalt  }
0x4b: {  	_ =	shalt  }
0x4c: {  	_ =	shalt  }
0x4d: {  	_ =	shalt  }
0x4e: {  	_ =	shalt  }
0x4f: {  	_ =	shalt  }
0x50: {  	_ =	shalt  }
0x51: {  	_ =	shalt  }
0x52: {  	_ =	shalt  }
0x53: {  	_ =	shalt  }
0x54: {  	_ =	shalt  }
0x55: {  	_ =	shalt  }
0x56: {  	_ =	shalt  }
0x57: {  	_ =	shalt  }
0x58: {  	_ =	shalt  }
0x59: {  	_ =	shalt  }
0x5a: {  	_ =	shalt  }
0x5b: {  	_ =	shalt  }
0x5c: {  	_ =	shalt  }
0x5d: {  	_ =	shalt  }
0x5e: {  	_ =	shalt  }
0x5f: {  	_ =	shalt  }
0x60: {  	_ =	shalt  }
0x61: {  	_ =	shalt  }
0x62: {  	_ =	shalt  }
0x63: {  	_ =	shalt  }
0x64: {  	_ =	shalt  }
0x65: {  	_ =	shalt  }
0x66: {  	_ =	shalt  }
0x67: {  	_ =	shalt  }
0x68: {  	_ =	shalt  }
0x69: {  	_ =	shalt  }
0x6a: {  	_ =	shalt  }
0x6b: {  	_ =	shalt  }
0x6c: {  	_ =	shalt  }
0x6d: {  	_ =	shalt  }
0x6e: {  	_ =	shalt  }
0x6f: {  	_ =	shalt  }
0x70: {  	_ =	shalt  }
0x71: {  	_ =	shalt  }
0x72: {  	_ =	shalt  }
0x73: {  	_ =	shalt  }
0x74: {  	_ =	shalt  }
0x75: {  	_ =	shalt  }
0x76: {  	_ =	shalt  }
0x77: {  	_ =	shalt  }
0x78: {  	_ =	shalt  }
0x79: {  	_ =	shalt  }
0x7a: {  	_ =	shalt  }
0x7b: {  	_ =	shalt  }
0x7c: {  	_ =	shalt  }
0x7d: {  	_ =	shalt  }
0x7e: {  	_ =	shalt  }
0x7f: {  	_ =	shalt  }
0x80: {  	_ =	shalt  }
0x81: {  	_ =	shalt  }
0x82: {  	_ =	shalt  }
0x83: {  	_ =	shalt  }
0x84: {  	_ =	shalt  }
0x85: {  	_ =	shalt  }
0x86: {  	_ =	shalt  }
0x87: {  	_ =	shalt  }
.Lfunc_end0:
.L_simem_size_0:
called_computation.3_lowered:
.L_overlay_start_0:
0x88: {  	s2 =	sld [smem:$0x3FD9]  }
0x89: {  	s3 =	sld [smem:$0x3FFE];
	_ =	sdelay $0x1  }
0x8a: {  	s1 =	srdreg.scid  }
0x8b: {  	s0 =	sand.u32 $0x1, s1  }
0x8c: {  	s16 =	sshll.u32 s0, $0xA;
	s2 =	sadd.s32 s3, s2  }
0x8d: {  	s2 =	sadd.s32 s2, s16  }
0x8e: {  	[smem:$0x3FAF] =	sst s2  }
0x8f: {  	_ = 	snop  }
0x90: {  	(tm) =	ssettm $0x1  }
0x91: {  	s17 =	sld [smem:$0x3FFB];
	_ =	sdelay $0x3  }
0x92: {  	_ =	strace s17  }
0x93: {  	s2 =	sld [smem:$0x3FFC];
	_ =	sdelay $0x3  }
0x94: {  	_ =	strace s2  }
0x95: {  	s2 =	sld [smem:$0x3FFD];
	_ =	sdelay $0x3  }
0x96: {  	_ =	strace s2  }
0x97: {  	_ =	strace $0x8FFFFFFF  }
0x98: {  	s18 =	sld [smem:$0x3FDB];
	_ =	sdelay $0x1  }
0x99: {  	s19 =	simm.s32 $_scs_section_size  }
0x9a: {  	s4 =	simm.s32 $_size__tile_overlayer_lowered;
	s5 =	simm.s32 $_tile_overlayer_lowered  }
0x9b: {  	s22 =	simm.s32 $0x1BFF;
	s21 =	sshll.u32 s5, $0x1;
	s2 =	sadd.s32 s19, s18  }
0x9c: {  	s6 =	simm.s32 $0x0;
	s20 =	sshll.u32 s4, $0x1;
	s4 =	sadd.s32 s21, s2  }
0x9d: {  	[timem:s6], [sflag:s22] =	dma.local [hbm:s4], s20  }
0x9e: {  	_ =	swait.ge [sflag:s22], s20  }
0x9f: {  	s3 =	ssub.s32 $0x0, s20;
	[sflag:s22] =	ssyncset.done $0x0  }
0xa0: {  	[sflag:s22] =	ssyncadd.s32 s3;
	_ =	sdelay $0x1  }
0xa1: {  	s23 =	simm.s32 $0x1B8B  }
0xa2: {  	_ =	swait.ge [sflag:s23], $0x1  }
0xa3: {  	[sflag:s23] =	ssyncset.done $0x0  }
0xa4: {  	s25 =	simm.s32 $0x1B8E;
	s24 =	sld [smem:$0x3FFE];
	[sflag:s23] =	ssyncadd.s32 $0xFFFFFFFF  }
0xa5: {  	s26 =	simm.s32 $execute0_lowered;
	[smem:$0x3FD2] =	sst s25  }
0xa6: {  	s4 =	sshll.u32 s26, $0x1;
	_ =	strace $0x8000004F;
	[dreg:$0x1] =	wrdreg $0xFFFFFFFF  }
0xa7: {  	s28 =	simm.s32 $_size_execute0_lowered;
	s2 =	sadd.s32 s2, s4;
	[dreg:$0x0] =	wrdreg $0x0  }
0xa8: {  	s4 =	sshll.u32 s28, $0x1;
	[dreg:$0x2] =	wrdreg s2  }
0xa9: {  	[dreg:$0x3] =	wrdreg s4  }
0xaa: {  	[dreg:$0x4] =	wrdreg $0xC0  }
0xab: {  	_ =	task [dreg:s6], $0x5FFFF  }
0xac: {  	[dreg:$0x1] =	wrdreg $0xFFFFFFFF  }
0xad: {  	[dreg:$0x0] =	wrdreg $0x60  }
0xae: {  	[dreg:$0x2] =	wrdreg s24  }
0xaf: {  	[dreg:$0x3] =	wrdreg $0x51000  }
0xb0: {  	[dreg:$0x4] =	wrdreg $0x9  }
0xb1: {  	_ =	task.clear_ibuf [dreg:s6], $0x5FFFF;
	_ =	strace $0x9000004F  }
0xb2: {  	s29 =	simm.s32 $0x9;
	_ =	strace $0x80000051  }
0xb3: {  	_ =	swait.ge [sflag:s29], $0x1  }
0xb4: {  	[sflag:s29] =	ssyncadd.s32 $0xFFFFFFFF  }
0xb5: {  	_ =	strace $0x90000051  }
0xb6: {  	_ =	sfence  }
0xb7: {  	s30 =	sld [smem:$0x0];
	_ =	sdelay $0x2  }
0xb8: {  	s31 =	sshll.u32 s1, $0xD;
	s1 =	sshrl.u32 s1, $0x2  }
0xb9: {  	s3 =	sand.u32 $0x4000, s31;
	s1 =	sadd.s32 s1, s30  }
0xba: {  	s0 =	sor.u32 s3, s0;
	s1 =	sshll.u32 s1, $0x11  }
0xbb: {  	s0 =	sor.u32 s1, s0  }
0xbc: {  	s0 =	sadd.s32 $0x8F2B, s0  }
0xbd: {  	[sflag:s0] =	ssyncadd.remote.s32 $0x1  }
0xbe: {  	_ =	sfence.sel $0xFFFF  }
0xbf: {  	[dreg:$0x0] =	wrdreg $0xFFFFFFFF;
	(pc) =	sbr.abs _section_cstart, $3  }
0xc0: {  	[dreg:$0x1] =	wrdreg $0xFFFFFFFF  }
0xc1: {  	_ =	task.clear_ibuf [dreg:s6], $0x2FFFF;
	_ =	strace $0x9FFFFFFF  }
0xc2: {  	(tm) =	ssettm $0x7FFFFFFF  }
0xc3: {  	_ =	shalt  }
tec
execute0_lowered:
.L_overlay_start_1:
0x0: {  	(tag) =	ssettag $0x1  }
0x1: {  	s5 =	rddreg [dreg:$0x0]  }
0x2: {  	s1 =	rddreg [dreg:$0x1]  }
0x3: {  	s0 =	rddreg [dreg:$0x2];
	s3 =	simm.s32 $0x0;
	s2 =	stileid.u32  }
0x4: {  	s4 =	srdreg.scid;
	s17 =	simm.s32 $0x61400;
	s6 =	smul.u32 $0x2800, s2  }
0x5: {  	s19 =	simm.s32 $0x0;
	[smem:$0x7FF] =	sst s3;
	s7 =	smul.u32 $0x50000, s2  }
0x6: {  	s10 =	sadd.s32 $0xF4B800, s5;
	s9 =	sand.u32 $0x1, s4;
	s28 =	smul.u32 $0x27100, s2  }
0x7: {  	s4 =	sadd.s32 $0x2F600, s5;
	s25 =	sshll.u32 s2, $0x6;
	s18 =	smul.u32 $0x2710, s2  }
0x8: {  	_ =	strace $0x80000050;
	s8 =	sshll.u32 s9, $0x4;
	s15 =	smul.u32 $0x271000, s9  }
0x9: {  	s21 =	ssub.s32 $0x2, s9;
	s16 =	smul.u32 $0x27100, s9;
	p0 =	seq.s32 s9, $0x1  }
0xa: {  	s11 =	sadd.s32 s6, s5;
	s22 =	sor.u32 s2, s8;
	s23 =	sshrl.u32 s21, $0x1  }
0xb: {  	s7 =	sshrl.u32 s7, $0x2;
	s6 =	sor.u32 $0x1C03, s25;
	s17 =	simm.s32 @!p0 $0x39400  }
0xc: {  	s12 =	smul.u32 $0x2710, s22;
	s13 =	ssub.s32 s21, s23;
	s14 =	sadd.s32 s7, s1  }
0xd: {  	s24 =	smul.u32 $0x27100, s22;
	s5 =	sadd.s32 $0xF23800, s11;
	s29 =	sadd.s32 s15, s10  }
0xe: {  	s31 =	sadd.s32 s18, s16;
	s15 =	simm.s32 $0x100;
	s16 =	simm.s32 $0x1  }
0xf: {  	s18 =	simm.s32 $0x4;
	s9 =	smax.u32 s13, $0x1;
	s30 =	sadd.s32 s28, s29  }
0x10: {  	s13 =	sshrl.u32 s14, $0x3;
	s14 =	simm.s32 $0x3;
	s26 =	sshrl.u32 s12, $0x3  }
0x11: {  	s8 =	sadd.s32 s10, s24;
	s10 =	sadd.s32 s17, s11;
	s11 =	sadd.s32 $0x500, s30  }
0x12: {  	s12 =	sadd.s32 $0x50, s31;
	s17 =	simm.s32 $0x50;
	s7 =	sadd.s32 s4, s26  }
.LBB2_1:
0x13: {  	[spmem:s13], [sflag:s6] =	dma.local [hbm:s5], $0x2800  }
0x14: {  	_ =	swait.ge [sflag:s14], $0x2800  }
0x15: {  	[sflag:s14] =	ssyncset.done $0x0  }
0x16: {  	s20 =	sand.u32 $0x1, s3;
	[sflag:s14] =	ssyncadd.s32 $0xFFFFD800  }
0x17: {  	p0 =	seq.s32 s20, $0x1;
	[bflag:$0x0] =	sbarrier.arrive $0xFFFF  }
0x18: {  	[tilespmem:s3], [sflag:$0x1] =	stream.linear.gather [hbm4b:s7+s3], $0x50, $0x38;
	[tilespmem:$0x19100] =	vst v63  }
0x19: {  	s20 =	simm.s32 @p0 $0x2  }
0x1a: {  	[tilespmem:s15], [sflag:$0x1] =	stream.linear.gather [hbm4b:s8+s3], $0x2800, $0x38;
	[tilespmem:$0x19100] =	vst v63  }
0x1b: {  	_ =	swait.ge @p0 [sflag:s20], $0x50  }
0x1c: {  	[sflag:s20] =	ssyncset.done @p0 $0x0  }
0x1d: {  	[sflag:s20] =	ssyncadd.s32 @p0 $0xFFFFFFB0  }
0x1e: {  	_ =	swait.ge @p0 [sflag:s20], $0x2800  }
0x1f: {  	s21 =	sshrl.u32 @p0 s12, $0x3;
	[sflag:s20] =	ssyncset.done @p0 $0x0  }
0x20: {  	s21 =	sadd.s32 @p0 s4, s21;
	[sflag:s20] =	ssyncadd.s32 @p0 $0xFFFFD800;
	s20 =	simm.s32 @p0 $0x0  }
0x21: {  	[tilespmem:s20], [sflag:$0x1] =	stream.linear.gather @p0 [hbm4b:s21+s20], $0x50, $0x38;
	[tilespmem:$0x19100] =	vst v63  }
0x22: {  	s22 =	simm.s32 @!p0 $0x1;
	s21 =	simm.s32 @p0 $0x100  }
0x23: {  	[tilespmem:s21], [sflag:$0x1] =	stream.linear.gather @p0 [hbm4b:s11+s20], $0x2800, $0x38;
	[tilespmem:$0x19100] =	vst v63  }
0x24: {  	s23 =	simm.s32 @p0 $0x2900;
	s20 =	simm.s32 @p0 $0x50;
	s21 =	simm.s32 @p0 $0x80  }
0x25: {  	[spmem:s1] =	stream.indirect.scatter.add.f32 @p0 [tilespmem:s23], [sflag:$0x3], $0x80, s21, s20, $0xb8;
	[tilespmem:$0x19100] =	vst v63  }
0x26: {  	_ =	swait.ge @!p0 [sflag:s22], $0x50  }
0x27: {  	[sflag:s22] =	ssyncset.done @!p0 $0x0  }
0x28: {  	[sflag:s22] =	ssyncadd.s32 @!p0 $0xFFFFFFB0  }
0x29: {  	_ =	swait.ge @!p0 [sflag:s22], $0x2800  }
0x2a: {  	s20 =	sshrl.u32 @!p0 s12, $0x3;
	s21 =	simm.s32 @!p0 $0x0;
	[sflag:s22] =	ssyncset.done @!p0 $0x0  }
0x2b: {  	s20 =	sadd.s32 @!p0 s4, s20;
	[sflag:s22] =	ssyncadd.s32 @!p0 $0xFFFFD800;
	s22 =	simm.s32 @!p0 $0x80  }
0x2c: {  	[tilespmem:s22], [sflag:$0x2] =	stream.linear.gather @!p0 [hbm4b:s20+s21], $0x50, $0x38;
	[tilespmem:$0x19100] =	vst v63  }
0x2d: {  	s31 =	simm.s32 $0x1;
	s23 =	simm.s32 @!p0 $0x4;
	s22 =	simm.s32 @!p0 $0x2900  }
0x2e: {  	[tilespmem:s22], [sflag:$0x2] =	stream.linear.gather @!p0 [hbm4b:s11+s21], $0x2800, $0x38;
	[tilespmem:$0x19100] =	vst v63  }
0x2f: {  	s24 =	simm.s32 @!p0 $0x100;
	s23 =	simm.s32 @p0 $0x3;
	s22 =	simm.s32 @!p0 $0x50  }
0x30: {  	[spmem:s1] =	stream.indirect.scatter.add.f32 @!p0 [tilespmem:s24], [sflag:$0x4], $0x80, s21, s22, $0xb8;
	[tilespmem:$0x19100] =	vst v63  }
0x31: {  	s20 =	sadd.s32 $0x500, s11;
	s22 =	simm.s32 $0x2;
	_ =	swait.ge [sflag:s23], $0x2800  }
0x32: {  	s21 =	sadd.s32 $0x50, s12;
	s24 =	sand.u32 $0x1, s31;
	[sflag:s23] =	ssyncset.done $0x0  }
.LBB2_2:
0x33: {  	p0 =	seq.s32 s24, $0x1  }
0x34: {  	[sflag:s23] =	ssyncadd.s32 $0xFFFFD800;
	s24 =	smov.u32 s22;
	s22 =	sadd.s32 $0x1, s22  }
0x35: {  	s25 =	simm.s32 @p0 $0x2;
	s23 =	sshrl.u32 @p0 s21, $0x3;
	s26 =	sshrl.u32 @!p0 s21, $0x3  }
0x36: {  	_ =	swait.ge @p0 [sflag:s25], $0x50;
	s28 =	sadd.s32 @p0 s4, s23;
	s26 =	sadd.s32 @!p0 s4, s26  }
0x37: {  	p1 =	sne.s32 s22, $0x7C;
	s23 =	simm.s32 @!p0 $0x4;
	[sflag:s25] =	ssyncset.done @p0 $0x0  }
0x38: {  	[sflag:s25] =	ssyncadd.s32 @p0 $0xFFFFFFB0  }
0x39: {  	_ =	swait.ge @p0 [sflag:s25], $0x2800  }
0x3a: {  	[sflag:s25] =	ssyncset.done @p0 $0x0  }
0x3b: {  	[sflag:s25] =	ssyncadd.s32 @p0 $0xFFFFD800;
	s25 =	simm.s32 @p0 $0x0  }
0x3c: {  	[tilespmem:s25], [sflag:$0x1] =	stream.linear.gather @p0 [hbm4b:s28+s25], $0x50, $0x38;
	[tilespmem:$0x19100] =	vst v63  }
0x3d: {  	s29 =	simm.s32 @!p0 $0x1;
	s28 =	simm.s32 @p0 $0x100  }
0x3e: {  	[tilespmem:s28], [sflag:$0x1] =	stream.linear.gather @p0 [hbm4b:s20+s25], $0x2800, $0x38;
	[tilespmem:$0x19100] =	vst v63  }
0x3f: {  	s30 =	simm.s32 @p0 $0x2900;
	s25 =	simm.s32 @p0 $0x50;
	s28 =	simm.s32 @p0 $0x80  }
0x40: {  	[spmem:s1] =	stream.indirect.scatter.add.f32 @p0 [tilespmem:s30], [sflag:$0x3], $0x80, s28, s25, $0xb8;
	[tilespmem:$0x19100] =	vst v63  }
0x41: {  	_ =	swait.ge @!p0 [sflag:s29], $0x50  }
0x42: {  	[sflag:s29] =	ssyncset.done @!p0 $0x0  }
0x43: {  	[sflag:s29] =	ssyncadd.s32 @!p0 $0xFFFFFFB0  }
0x44: {  	_ =	swait.ge @!p0 [sflag:s29], $0x2800  }
0x45: {  	[sflag:s29] =	ssyncset.done @!p0 $0x0  }
0x46: {  	s25 =	simm.s32 @!p0 $0x0;
	s28 =	simm.s32 @!p0 $0x80;
	[sflag:s29] =	ssyncadd.s32 @!p0 $0xFFFFD800  }
0x47: {  	[tilespmem:s28], [sflag:$0x2] =	stream.linear.gather @!p0 [hbm4b:s26+s25], $0x50, $0x38;
	[tilespmem:$0x19100] =	vst v63  }
0x48: {  	s26 =	simm.s32 @!p0 $0x2900  }
0x49: {  	[tilespmem:s26], [sflag:$0x2] =	stream.linear.gather @!p0 [hbm4b:s20+s25], $0x2800, $0x38;
	[tilespmem:$0x19100] =	vst v63  }
.Ltmp0:
0x4a: {  	_ = 	snop;
	(pc) =	sbr.rel @p1 .LBB2_2-.Ltmp0, $4  }
0x4b: {  	s23 =	simm.s32 @p0 $0x3;
	s28 =	simm.s32 @!p0 $0x100;
	s26 =	simm.s32 @!p0 $0x50  }
0x4c: {  	[spmem:s1] =	stream.indirect.scatter.add.f32 @!p0 [tilespmem:s28], [sflag:$0x4], $0x80, s25, s26, $0xb8;
	[tilespmem:$0x19100] =	vst v63  }
0x4d: {  	s21 =	sadd.s32 $0x50, s21;
	_ =	swait.ge [sflag:s23], $0x2800  }
0x4e: {  	s24 =	sand.u32 $0x1, s24;
	s20 =	sadd.s32 $0x500, s20;
	[sflag:s23] =	ssyncset.done $0x0  }
0x4f: {  	p0 =	seq.s32 s24, $0x1  }
0x50: {  	[sflag:s23] =	ssyncadd.s32 $0xFFFFD800;
	s22 =	simm.s32 @p0 $0x2  }
0x51: {  	_ =	swait.ge @p0 [sflag:s22], $0x50  }
0x52: {  	[sflag:s22] =	ssyncset.done @p0 $0x0  }
0x53: {  	[sflag:s22] =	ssyncadd.s32 @p0 $0xFFFFFFB0  }
0x54: {  	_ =	swait.ge @p0 [sflag:s22], $0x2800  }
0x55: {  	s23 =	sshrl.u32 @p0 s21, $0x3;
	[sflag:s22] =	ssyncset.done @p0 $0x0  }
0x56: {  	s23 =	sadd.s32 @p0 s4, s23;
	[sflag:s22] =	ssyncadd.s32 @p0 $0xFFFFD800;
	s22 =	simm.s32 @p0 $0x0  }
0x57: {  	[tilespmem:s22], [sflag:$0x1] =	stream.linear.gather @p0 [hbm4b:s23+s22], $0x50, $0x38;
	[tilespmem:$0x19100] =	vst v63  }
0x58: {  	s24 =	simm.s32 @!p0 $0x1;
	s23 =	simm.s32 @p0 $0x100  }
0x59: {  	[tilespmem:s23], [sflag:$0x1] =	stream.linear.gather @p0 [hbm4b:s20+s22], $0x2800, $0x38;
	[tilespmem:$0x19100] =	vst v63  }
0x5a: {  	s25 =	simm.s32 @p0 $0x2900;
	s22 =	simm.s32 @p0 $0x50;
	s23 =	simm.s32 @p0 $0x80  }
0x5b: {  	[spmem:s1] =	stream.indirect.scatter.add.f32 @p0 [tilespmem:s25], [sflag:$0x3], $0x80, s23, s22, $0xb8;
	[tilespmem:$0x19100] =	vst v63  }
0x5c: {  	_ =	swait.ge @!p0 [sflag:s24], $0x50  }
0x5d: {  	[sflag:s24] =	ssyncset.done @!p0 $0x0  }
0x5e: {  	[sflag:s24] =	ssyncadd.s32 @!p0 $0xFFFFFFB0  }
0x5f: {  	s21 =	sshrl.u32 @!p0 s21, $0x3;
	_ =	swait.ge @!p0 [sflag:s24], $0x2800  }
0x60: {  	s21 =	sadd.s32 @!p0 s4, s21;
	[sflag:s24] =	ssyncset.done @!p0 $0x0  }
0x61: {  	s22 =	simm.s32 @!p0 $0x0;
	s23 =	simm.s32 @!p0 $0x80;
	[sflag:s24] =	ssyncadd.s32 @!p0 $0xFFFFD800  }
0x62: {  	[tilespmem:s23], [sflag:$0x2] =	stream.linear.gather @!p0 [hbm4b:s21+s22], $0x50, $0x38;
	[tilespmem:$0x19100] =	vst v63  }
0x63: {  	s21 =	simm.s32 @!p0 $0x4;
	s23 =	simm.s32 @!p0 $0x2900  }
0x64: {  	[tilespmem:s23], [sflag:$0x2] =	stream.linear.gather @!p0 [hbm4b:s20+s22], $0x2800, $0x38;
	[tilespmem:$0x19100] =	vst v63  }
0x65: {  	s21 =	simm.s32 @p0 $0x3;
	s20 =	simm.s32 @!p0 $0x50;
	s23 =	simm.s32 @!p0 $0x100  }
0x66: {  	[spmem:s1] =	stream.indirect.scatter.add.f32 @!p0 [tilespmem:s23], [sflag:$0x4], $0x80, s22, s20, $0xb8;
	[tilespmem:$0x19100] =	vst v63  }
0x67: {  	_ =	swait.ge [sflag:s21], $0x2800  }
0x68: {  	[sflag:s21] =	ssyncset.done $0x0  }
0x69: {  	[sflag:s21] =	ssyncadd.s32 $0xFFFFD800  }
0x6a: {  	_ =	swait.ge [sflag:s16], $0x50  }
0x6b: {  	[sflag:s16] =	ssyncset.done $0x0  }
0x6c: {  	[sflag:s16] =	ssyncadd.s32 $0xFFFFFFB0  }
0x6d: {  	_ =	swait.ge [sflag:s16], $0x2800  }
0x6e: {  	[sflag:s16] =	ssyncset.done $0x0  }
0x6f: {  	[sflag:s16] =	ssyncadd.s32 $0xFFFFD800  }
0x70: {  	[spmem:s1] =	stream.indirect.scatter.add.f32 [tilespmem:s15], [sflag:$0x4], $0x80, s3, s17, $0xb8;
	[tilespmem:$0x19100] =	vst v63  }
0x71: {  	_ =	swait.ge [sflag:s18], $0x2800  }
0x72: {  	s19 =	sadd.s32 $0x1, s19;
	[sflag:s18] =	ssyncset.done $0x0  }
0x73: {  	p0 =	sne.s32 s19, s9;
	[sflag:s18] =	ssyncadd.s32 $0xFFFFD800  }
.Ltmp1:
0x74: {  	[bflag:$0x0] =	sbarrier.arrive $0xFFFF;
	(pc) =	sbr.rel @p0 .LBB2_1-.Ltmp1, $4  }
0x75: {  	[hbm:s10], [sflag:s6] =	dma.local [spmem:s13], $0x2800  }
0x76: {  	_ =	swait.ge [sflag:s14], $0x2800  }
0x77: {  	[sflag:s14] =	ssyncset.done $0x0  }
0x78: {  	[sflag:s14] =	ssyncadd.s32 $0xFFFFD800  }
0x79: {  	_ =	sfence.sel $0x180000  }
0x7a: {  	[bflag:$0x0] =	sbarrier.arrive $0xFFFF  }
0x7b: {  	p0 =	sne.s32 s2, $0x0;
	_ =	strace $0x90000050  }
0x7c: {  	s0 =	sadd.s32 @!p0 $0x100000, s0;
	[bflag:$0x2] =	sbarrier.arrive $0xFFFF  }
0x7d: {  	[sflag:s0] =	ssyncadd.tile.s32 @!p0 $0x1;
	_ =	shalt  }
.Lfunc_end2:
_tile_overlayer_lowered:
.L_overlay_start_2:
0x7e: {  	(tag) =	ssettag $0x2  }
0x7f: {  	s0 =	rddreg [dreg:$0x0];
	s2 =	stileid.u32  }
0x80: {  	s1 =	rddreg [dreg:$0x1];
	p0 =	sne.s32 s2, $0x0  }
0x81: {  	s3 =	rddreg [dreg:$0x2];
	[bflag:$0x3] =	sbarrier.arrive $0xFFFF;
	s2 =	simm.s32 @!p0 $0x1C03  }
0x82: {  	[timem:s3], [sflag:s2] =	dma.local @!p0 [hbm:s0], s1  }
0x83: {  	s0 =	simm.s32 @!p0 $0x3  }
0x84: {  	_ =	swait.ge @!p0 [sflag:s0], s1  }
0x85: {  	s1 =	ssub.s32 @!p0 $0x0, s1;
	[sflag:s0] =	ssyncset.done @!p0 $0x0  }
0x86: {  	[sflag:s0] =	ssyncadd.s32 @!p0 s1  }
0x87: {  	[bflag:$0x3] =	sbarrier.arrive $0xFFFF  }
0x88: {  	_ =	shalt  }

// kernel: kernel.27.cloned.1.call-start
scs
__scs_entry_jumppad:
0x0: {  	(pc) =	sbr.rel $0x88, $3  }
0x1: {  	(tag) =	ssettag $0x0;
	lr =	simm.s32 $0x1  }
0x2: {  	[smem:$0x3F88] =	sst lr;
	_ =	strace $0xD0000000  }
0x3: {  	_ = 	snop  }
0x4: {  	_ = 	snop  }
0x5: {  	_ = 	snop  }
0x6: {  	_ = 	snop  }
0x7: {  	_ = 	snop  }
__scs_overlays_trampoline_lowered:
0x8: {  	[smem:$0x3F97] =	sst s0  }
0x9: {  	[smem:$0x3F98] =	sst s1  }
0xa: {  	[smem:$0x3F99] =	sst s2  }
0xb: {  	[smem:$0x3F9A] =	sst s3  }
0xc: {  	[smem:$0x3F9B] =	sst s4  }
0xd: {  	[smem:$0x3F9C] =	sst s5  }
0xe: {  	[smem:$0x3F9D] =	sst s6  }
0xf: {  	[smem:$0x3F9E] =	sst s7  }
0x10: {  	[smem:$0x3F9F] =	sst s8  }
0x11: {  	[smem:$0x3FA0] =	sst s9;
	s0 =	simm.s32 @!p0 $0x0  }
0x12: {  	s1 =	sld [smem:$0x3F86];
	s0 =	simm.s32 @p0 $0x1  }
0x13: {  	[smem:$0x3FA1] =	sst s0;
	s0 =	simm.s32 @!p1 $0x0  }
0x14: {  	s2 =	sld [smem:$0x3F85];
	s0 =	simm.s32 @p1 $0x1  }
0x15: {  	[smem:$0x3FA2] =	sst s0;
	s0 =	simm.s32 @!p2 $0x0  }
0x16: {  	s3 =	sld [smem:$0x3FDB];
	s0 =	simm.s32 @p2 $0x1  }
0x17: {  	s4 =	simm.s32 $0x1BF5;
	[smem:$0x3FA4] =	sst s0  }
0x18: {  	s0 =	sld [smem:$0x3F87];
	_ =	swait.ge [sflag:s4], $0x0  }
0x19: {  	s7 =	sld [smem:$0x3F88]  }
0x1a: {  	s8 =	sadd.s32 $0xFFFFE003, lr  }
0x1b: {  	s9 =	sadd.s32 $0xFFFFFEF7, lr;
	s5 =	simm.s32 $0xFFFFFFFF;
	p2 =	slt.u32 s8, $0xFFFFF086  }
0x1c: {  	p1 =	slt.u32 s9, $0xF7A;
	s5 =	simm.s32 @!p2 $0x0  }
0x1d: {  	s5 =	simm.s32 @p1 $0x1;
	p0 =	seq.s32 s7, s2  }
0x1e: {  	s7 =	smul.u32 @!p0 $0xF7A, s2;
	p2 =	seq.s32 @!p0 s5, $0x0  }
0x1f: {  	s9 =	smul.u32 $0xF7A, s1;
	s8 =	simm.s32 @!p0 $0x1BF5;
	p2 =	por !p2, p0  }
0x20: {  	[sflag:s8] =	ssyncset.s32 @!p0 $0xFFFFF086;
	s6 =	sadd.s32 @!p0 s3, s7;
	s7 =	simm.s32 @!p0 $0x108  }
0x21: {  	s3 =	sadd.s32 s3, s9;
	s6 =	sadd.s32 @!p0 $0x88, s6;
	s7 =	simm.s32 @p2 $0x1082  }
0x22: {  	[simem:s7], [sflag:s8] =	dma.local @!p0 [hbm:s6], $0xF7A  }
0x23: {  	s9 =	sor.u32 $0xD0000000, s2;
	s6 =	simm.s32 $0x108;
	_ =	swait.ge @!p0 [sflag:s8], $0x0  }
0x24: {  	s3 =	sadd.s32 $0x88, s3;
	s6 =	simm.s32 @!p1 $0x1082;
	[sflag:s4] =	ssyncset.s32 $0xFFFFF086  }
0x25: {  	[simem:s6], [sflag:s4] =	dma.local [hbm:s3], $0xF7A  }
0x26: {  	[smem:$0x3F88] =	sst s1;
	(tag) =	ssettag s2;
	_ =	strace s9  }
0x27: {  	s1 =	sld [smem:$0x3F98]  }
0x28: {  	s2 =	sld [smem:$0x3F99]  }
0x29: {  	s4 =	sld [smem:$0x3F9B]  }
0x2a: {  	p0 =	seq.s32 s5, $0x0;
	s5 =	sld [smem:$0x3F9C]  }
0x2b: {  	s6 =	sld [smem:$0x3F9D]  }
0x2c: {  	s7 =	sld [smem:$0x3F9E]  }
0x2d: {  	s3 =	simm.s32 $0x108;
	s8 =	sld [smem:$0x3F9F]  }
0x2e: {  	s3 =	simm.s32 @!p0 $0x1082;
	s9 =	sld [smem:$0x3FA0]  }
0x2f: {  	lr =	sadd.s32 s0, s3;
	s0 =	sld [smem:$0x3F97]  }
0x30: {  	s3 =	sld [smem:$0x3F9A]  }
0x31: {  	[smem:$0x3FA3] =	sst s10  }
0x32: {  	s10 =	sld [smem:$0x3FA1];
	_ =	sdelay $0x3  }
0x33: {  	p0 =	seq.s32 s10, $0x1;
	s10 =	sld [smem:$0x3FA3];
	_ =	sdelay $0x3  }
0x34: {  	[smem:$0x3FA3] =	sst s10  }
0x35: {  	s10 =	sld [smem:$0x3FA2];
	_ =	sdelay $0x3  }
0x36: {  	p1 =	seq.s32 s10, $0x1;
	s10 =	sld [smem:$0x3FA3];
	_ =	sdelay $0x3  }
0x37: {  	[smem:$0x3FA3] =	sst s10  }
0x38: {  	s10 =	sld [smem:$0x3FA4]  }
0x39: {  	_ = 	snop;
	(pc) =	sbr.ind lr, $3  }
0x3a: {  	_ = 	snop  }
0x3b: {  	_ = 	snop  }
0x3c: {  	p2 =	seq.s32 s10, $0x1;
	s10 =	sld [smem:$0x3FA3]  }
0x3d: {  	_ =	shalt  }
0x3e: {  	_ =	shalt  }
0x3f: {  	_ =	shalt  }
0x40: {  	_ =	shalt  }
0x41: {  	_ =	shalt  }
0x42: {  	_ =	shalt  }
0x43: {  	_ =	shalt  }
0x44: {  	_ =	shalt  }
0x45: {  	_ =	shalt  }
0x46: {  	_ =	shalt  }
0x47: {  	_ =	shalt  }
0x48: {  	_ =	shalt  }
0x49: {  	_ =	shalt  }
0x4a: {  	_ =	shalt  }
0x4b: {  	_ =	shalt  }
0x4c: {  	_ =	shalt  }
0x4d: {  	_ =	shalt  }
0x4e: {  	_ =	shalt  }
0x4f: {  	_ =	shalt  }
0x50: {  	_ =	shalt  }
0x51: {  	_ =	shalt  }
0x52: {  	_ =	shalt  }
0x53: {  	_ =	shalt  }
0x54: {  	_ =	shalt  }
0x55: {  	_ =	shalt  }
0x56: {  	_ =	shalt  }
0x57: {  	_ =	shalt  }
0x58: {  	_ =	shalt  }
0x59: {  	_ =	shalt  }
0x5a: {  	_ =	shalt  }
0x5b: {  	_ =	shalt  }
0x5c: {  	_ =	shalt  }
0x5d: {  	_ =	shalt  }
0x5e: {  	_ =	shalt  }
0x5f: {  	_ =	shalt  }
0x60: {  	_ =	shalt  }
0x61: {  	_ =	shalt  }
0x62: {  	_ =	shalt  }
0x63: {  	_ =	shalt  }
0x64: {  	_ =	shalt  }
0x65: {  	_ =	shalt  }
0x66: {  	_ =	shalt  }
0x67: {  	_ =	shalt  }
0x68: {  	_ =	shalt  }
0x69: {  	_ =	shalt  }
0x6a: {  	_ =	shalt  }
0x6b: {  	_ =	shalt  }
0x6c: {  	_ =	shalt  }
0x6d: {  	_ =	shalt  }
0x6e: {  	_ =	shalt  }
0x6f: {  	_ =	shalt  }
0x70: {  	_ =	shalt  }
0x71: {  	_ =	shalt  }
0x72: {  	_ =	shalt  }
0x73: {  	_ =	shalt  }
0x74: {  	_ =	shalt  }
0x75: {  	_ =	shalt  }
0x76: {  	_ =	shalt  }
0x77: {  	_ =	shalt  }
0x78: {  	_ =	shalt  }
0x79: {  	_ =	shalt  }
0x7a: {  	_ =	shalt  }
0x7b: {  	_ =	shalt  }
0x7c: {  	_ =	shalt  }
0x7d: {  	_ =	shalt  }
0x7e: {  	_ =	shalt  }
0x7f: {  	_ =	shalt  }
0x80: {  	_ =	shalt  }
0x81: {  	_ =	shalt  }
0x82: {  	_ =	shalt  }
0x83: {  	_ =	shalt  }
0x84: {  	_ =	shalt  }
0x85: {  	_ =	shalt  }
0x86: {  	_ =	shalt  }
0x87: {  	_ =	shalt  }
.Lfunc_end0:
.L_simem_size_0:
called_computation.4_lowered:
.L_overlay_start_0:
0x88: {  	s2 =	sld [smem:$0x3FD9]  }
0x89: {  	s3 =	sld [smem:$0x3FFE];
	_ =	sdelay $0x1  }
0x8a: {  	s1 =	srdreg.scid  }
0x8b: {  	s0 =	sand.u32 $0x1, s1  }
0x8c: {  	s17 =	sshll.u32 s0, $0xA;
	s2 =	sadd.s32 s3, s2  }
0x8d: {  	s2 =	sadd.s32 s2, s17  }
0x8e: {  	[smem:$0x3FAF] =	sst s2  }
0x8f: {  	_ = 	snop  }
0x90: {  	s2 =	sld [smem:$0x3FD0];
	(tm) =	ssettm $0x1  }
0x91: {  	s18 =	sld [smem:$0x3FFB];
	_ =	sdelay $0x3  }
0x92: {  	_ =	strace s18  }
0x93: {  	s3 =	sld [smem:$0x3FFC];
	_ =	sdelay $0x3  }
0x94: {  	_ =	strace s3  }
0x95: {  	s3 =	sld [smem:$0x3FFD];
	_ =	sdelay $0x3  }
0x96: {  	_ =	strace s3  }
0x97: {  	_ =	strace $0x8FFFFFFF  }
0x98: {  	s19 =	sld [smem:$0x3FDB];
	_ =	sdelay $0x1  }
0x99: {  	s4 =	simm.s32 $_scs_section_size  }
0x9a: {  	s5 =	simm.s32 $_size__tile_overlayer_lowered;
	s6 =	simm.s32 $_tile_overlayer_lowered  }
0x9b: {  	s22 =	simm.s32 $0x1BFF;
	s21 =	sshll.u32 s6, $0x1;
	s3 =	sadd.s32 s4, s19  }
0x9c: {  	s7 =	simm.s32 $0x0;
	s20 =	sshll.u32 s5, $0x1;
	s5 =	sadd.s32 s21, s3  }
0x9d: {  	[timem:s7], [sflag:s22] =	dma.local [hbm:s5], s20  }
0x9e: {  	_ =	swait.ge [sflag:s22], s20  }
0x9f: {  	s4 =	ssub.s32 $0x0, s20;
	[sflag:s22] =	ssyncset.done $0x0  }
0xa0: {  	[sflag:s22] =	ssyncadd.s32 s4;
	_ =	sdelay $0x1  }
0xa1: {  	s23 =	simm.s32 $0x1B8B  }
0xa2: {  	_ =	swait.ge [sflag:s23], $0x1  }
0xa3: {  	[sflag:s23] =	ssyncset.done $0x0  }
0xa4: {  	s25 =	simm.s32 $0x1B8E;
	s24 =	sld [smem:$0x3FFE];
	[sflag:s23] =	ssyncadd.s32 $0xFFFFFFFF  }
0xa5: {  	s26 =	simm.s32 $execute0_lowered;
	[smem:$0x3FD2] =	sst s25  }
0xa6: {  	s5 =	sshll.u32 s26, $0x1;
	_ =	strace $0x80000052;
	[dreg:$0x1] =	wrdreg $0xFFFFFFFF  }
0xa7: {  	s28 =	simm.s32 $_size_execute0_lowered;
	s3 =	sadd.s32 s3, s5;
	[dreg:$0x0] =	wrdreg $0x0  }
0xa8: {  	s5 =	sshll.u32 s28, $0x1;
	[dreg:$0x2] =	wrdreg s3  }
0xa9: {  	[dreg:$0x3] =	wrdreg s5  }
0xaa: {  	[dreg:$0x4] =	wrdreg $0xC0  }
0xab: {  	_ =	task [dreg:s7], $0x5FFFF  }
0xac: {  	[dreg:$0x1] =	wrdreg $0xFFFFFFFF  }
0xad: {  	[dreg:$0x0] =	wrdreg $0x60  }
0xae: {  	[dreg:$0x2] =	wrdreg s24  }
0xaf: {  	[dreg:$0x3] =	wrdreg s2  }
0xb0: {  	[dreg:$0x4] =	wrdreg $0x9  }
0xb1: {  	_ =	task.clear_ibuf [dreg:s7], $0x5FFFF;
	_ =	strace $0x90000052  }
0xb2: {  	s29 =	simm.s32 $0x9;
	_ =	strace $0x80000054  }
0xb3: {  	_ =	swait.ge [sflag:s29], $0x1  }
0xb4: {  	[sflag:s29] =	ssyncadd.s32 $0xFFFFFFFF  }
0xb5: {  	_ =	strace $0x90000054  }
0xb6: {  	_ =	sfence  }
0xb7: {  	s30 =	sld [smem:$0x0];
	_ =	sdelay $0x2  }
0xb8: {  	s31 =	sshll.u32 s1, $0xD;
	s1 =	sshrl.u32 s1, $0x2  }
0xb9: {  	s3 =	sand.u32 $0x4000, s31;
	s1 =	sadd.s32 s1, s30  }
0xba: {  	s0 =	sor.u32 s3, s0;
	s1 =	sshll.u32 s1, $0x11  }
0xbb: {  	s0 =	sor.u32 s1, s0  }
0xbc: {  	s0 =	sadd.s32 $0x8F2B, s0  }
0xbd: {  	[sflag:s0] =	ssyncadd.remote.s32 $0x1  }
0xbe: {  	_ =	sfence.sel $0xFFFF  }
0xbf: {  	[dreg:$0x0] =	wrdreg $0xFFFFFFFF;
	(pc) =	sbr.abs _section_cstart, $3  }
0xc0: {  	[dreg:$0x1] =	wrdreg $0xFFFFFFFF  }
0xc1: {  	_ =	task.clear_ibuf [dreg:s7], $0x2FFFF;
	_ =	strace $0x9FFFFFFF  }
0xc2: {  	(tm) =	ssettm $0x7FFFFFFF  }
0xc3: {  	_ =	shalt  }
tec
execute0_lowered:
.L_overlay_start_1:
0x0: {  	(tag) =	ssettag $0x1  }
0x1: {  	s0 =	rddreg [dreg:$0x0]  }
0x2: {  	s1 =	rddreg [dreg:$0x1]  }
0x3: {  	s2 =	simm.s32 $0x0;
	s10 =	stileid.u32;
	s3 =	srdreg.scid  }
0x4: {  	s14 =	simm.s32 $0xA;
	s16 =	simm.s32 $0x300;
	s13 =	simm.s32 $0x19300  }
0x5: {  	s15 =	simm.s32 $0x8;
	s17 =	simm.s32 $0x7;
	s18 =	simm.s32 $0x3  }
0x6: {  	s19 =	simm.s32 $0x4;
	s20 =	simm.s32 $0x1;
	s21 =	simm.s32 $0x2  }
0x7: {  	s22 =	simm.s32 $0x0;
	[smem:$0x7FF] =	sst s2;
	s6 =	smul.u32 $0x9C400, s10  }
0x8: {  	s5 =	sand.u32 $0x1, s3;
	s23 =	sshll.u32 s10, $0x1;
	s10 =	smul.u32 $0x4E20, s10  }
0x9: {  	s3 =	sadd.s32 $0xD5800, s0;
	s4 =	sadd.s32 $0x39400, s0;
	s12 =	smul.u32 $0x2710, s5  }
0xa: {  	s7 =	sor.u32 s5, s23;
	s9 =	ssub.s32 $0x2, s5;
	s5 =	smul.u32 $0x4E200, s5  }
0xb: {  	s8 =	sadd.s32 $0x2F600, s0;
	_ =	strace $0x80000053;
	s7 =	smul.u32 $0x2710, s7  }
0xc: {  	s11 =	sshrl.u32 s9, $0x1;
	s0 =	sadd.s32 s6, s0;
	s6 =	simm.s32 $0x13B00  }
0xd: {  	s24 =	ssub.s32 s9, s11;
	s10 =	sadd.s32 s12, s10;
	s0 =	sadd.s32 s5, s0  }
0xe: {  	s11 =	simm.s32 $0xA300;
	s5 =	simm.s32 $0x13300;
	s30 =	smax.u32 s24, $0x1  }
0xf: {  	s7 =	sshrl.u32 s7, $0x3;
	s31 =	sadd.s32 $0xF23800, s0;
	[dreg:$0x7] =	wrdreg s30  }
0x10: {  	s29 =	sadd.s32 $0xA0, s10;
	s0 =	sadd.s32 $0x18E7800, s0;
	[dreg:$0x8] =	wrdreg s31  }
0x11: {  	s24 =	simm.s32 $0xF300;
	s25 =	sadd.s32 s8, s7;
	[dreg:$0x9] =	wrdreg s0  }
0x12: {  	s26 =	sadd.s32 $0xA, s7;
	s7 =	sadd.s32 s1, s7;
	[dreg:$0x3] =	wrdreg s25  }
.Ltmp0:
0x13: {  	[dreg:$0x4] =	wrdreg s7;
	s28 =	sadd.s32 s8, s26;
	(pc) =	sbr.rel .LBB2_1-.Ltmp0, $4  }
0x14: {  	s0 =	simm.s32 $0x12300;
	s9 =	sadd.s32 s1, s26;
	[dreg:$0x5] =	wrdreg s28  }
0x15: {  	v2 =	vlaneseq.u32;
	s7 =	sshrl.u32 s29, $0x3;
	s26 =	simm.s32 $0x5300;
	[dreg:$0x6] =	wrdreg s9  }
0x16: {  	vm0 =	vmmov $0xffff;
	v1 =	vshrl.u32 v2, $0x3;
	s10 =	sadd.s32 s7, s1;
	s12 =	sadd.s32 s7, s8;
	s1 =	simm.s32 $0x12B00  }
0x17: {  	v0 =	vand.u32 $0x7, v2;
	v2 =	vor.u32 $0x8, v2;
	v1 =	vmul.u32 $0x8, v1;
	s7 =	simm.s32 $0x5;
	s8 =	simm.s32 $0x6;
	s9 =	simm.s32 $0x14300  }
.LBB2_11:
0x18: {  	s23 =	simm.s32 $0x9  }
0x19: {  	_ =	swait.ge [sflag:s23], $0x5000  }
0x1a: {  	[sflag:s23] =	ssyncset.done $0x0  }
0x1b: {  	[sflag:s23] =	ssyncadd.s32 $0xFFFFB000  }
0x1c: {  	_ =	swait.ge [sflag:s23], $0x5000  }
0x1d: {  	[sflag:s23] =	ssyncset.done $0x0  }
0x1e: {  	[sflag:s23] =	ssyncadd.s32 $0xFFFFB000  }
0x1f: {  	_ =	swait.ge [sflag:s17], $0x5000  }
0x20: {  	[sflag:s17] =	ssyncset.done $0x0  }
0x21: {  	[sflag:s17] =	ssyncadd.s32 $0xFFFFB000  }
0x22: {  	_ =	swait.ge [sflag:s17], $0x5000  }
0x23: {  	[sflag:s17] =	ssyncset.done $0x0  }
0x24: {  	[sflag:s17] =	ssyncadd.s32 $0xFFFFB000  }
0x25: {  	_ =	swait.ge [sflag:s15], $0x5000  }
0x26: {  	[sflag:s15] =	ssyncset.done $0x0  }
0x27: {  	[sflag:s15] =	ssyncadd.s32 $0xFFFFB000  }
0x28: {  	_ =	swait.ge [sflag:s15], $0x5000  }
0x29: {  	s22 =	sadd.s32 $0x1, s22;
	s31 =	rddreg [dreg:$0x7]  }
0x2a: {  	p0 =	sne.s32 s22, s31  }
.Ltmp1:
0x2b: {  	_ = 	snop;
	(pc) =	sbr.rel @!p0 .LBB2_12-.Ltmp1, $3  }
0x2c: {  	_ =	sdelay $0x1  }
0x2d: {  	[sflag:s15] =	ssyncset.done $0x0  }
0x2e: {  	[sflag:s15] =	ssyncadd.s32 $0xFFFFB000  }
.LBB2_1:
0x2f: {  	s23 =	rddreg [dreg:$0x3]  }
0x30: {  	[tilespmem:s2], [sflag:$0xA] =	stream.linear.gather [hbm4b:s23+s2], $0x50, $0x38;
	[tilespmem:$0x1E300] =	vst v63  }
0x31: {  	_ =	swait.ge [sflag:s14], $0x50  }
0x32: {  	[sflag:s14] =	ssyncset.done $0x0  }
0x33: {  	s25 =	simm.s32 $0x80;
	s31 =	rddreg [dreg:$0x4];
	[sflag:s14] =	ssyncadd.s32 $0xFFFFFFB0  }
0x34: {  	[tilespmem:s25], [sflag:$0xA] =	stream.linear.gather [hbm4b:s31+s2], $0x50, $0x38;
	[tilespmem:$0x1E300] =	vst v63  }
0x35: {  	_ =	swait.ge [sflag:s14], $0x50  }
0x36: {  	[sflag:s14] =	ssyncset.done $0x0  }
0x37: {  	[sflag:s14] =	ssyncadd.s32 $0xFFFFFFB0  }
0x38: {  	v3 =	vld [tilespmem:$0x0];
	_ =	sdelay $0x4  }
0x39: {  	v4 =	vshll.u32 v3, $0x1  }
0x3a: {  	v3 =	vand.u32 $0x7, v3;
	v4 =	vand.u32 $0xFFFFFFF0, v4  }
0x3b: {  	v3 =	vor.u32 v3, v4  }
0x3c: {  	v4 =	vperm.xlane v3, v0;
	_ =	sdelay $0x1  }
0x3d: {  	v3 =	vperm.xlane v3, v2;
	v4 =	vadd.s32 v1, v4;
	_ =	sdelay $0x1  }
0x3e: {  	v3 =	vadd.s32 v1, v3;
	_ =	sdelay $0x2  }
0x3f: {  	[tilespmem:s16], [sflag:$0x1] =	stream.indirect_vreg.gather [hbm4b:s3+s2], $0x80, v4, vm0, $0xb8;
	[tilespmem:$0x1E300] =	vst v63  }
0x40: {  	s30 =	simm.s32 $0xB00  }
0x41: {  	[tilespmem:s30], [sflag:$0x1] =	stream.indirect_vreg.gather [hbm4b:s3+s2], $0x80, v3, vm0, $0xb8;
	[tilespmem:$0x1E300] =	vst v63  }
0x42: {  	v3 =	vld [tilespmem:$0x10];
	_ =	sdelay $0x4  }
0x43: {  	v45 =	vshll.u32 v3, $0x1  }
0x44: {  	v3 =	vand.u32 $0x7, v3;
	v4 =	vand.u32 $0xFFFFFFF0, v45  }
0x45: {  	v3 =	vor.u32 v3, v4  }
0x46: {  	v4 =	vperm.xlane v3, v0;
	_ =	sdelay $0x1  }
0x47: {  	v3 =	vperm.xlane v3, v2;
	v4 =	vadd.s32 v1, v4;
	_ =	sdelay $0x1  }
0x48: {  	v3 =	vadd.s32 v1, v3;
	_ =	sdelay $0x1  }
0x49: {  	s31 =	simm.s32 $0x1300  }
0x4a: {  	[tilespmem:s31], [sflag:$0x1] =	stream.indirect_vreg.gather [hbm4b:s3+s2], $0x80, v4, vm0, $0xb8;
	[tilespmem:$0x1E300] =	vst v63  }
0x4b: {  	s25 =	simm.s32 $0x1B00  }
0x4c: {  	[tilespmem:s25], [sflag:$0x1] =	stream.indirect_vreg.gather [hbm4b:s3+s2], $0x80, v3, vm0, $0xb8;
	[tilespmem:$0x1E300] =	vst v63  }
0x4d: {  	v3 =	vld [tilespmem:$0x20];
	_ =	sdelay $0x4  }
0x4e: {  	v46 =	vshll.u32 v3, $0x1  }
0x4f: {  	v3 =	vand.u32 $0x7, v3;
	v4 =	vand.u32 $0xFFFFFFF0, v46  }
0x50: {  	v3 =	vor.u32 v3, v4  }
0x51: {  	v4 =	vperm.xlane v3, v0;
	_ =	sdelay $0x1  }
0x52: {  	v3 =	vperm.xlane v3, v2;
	v4 =	vadd.s32 v1, v4;
	_ =	sdelay $0x1  }
0x53: {  	v3 =	vadd.s32 v1, v3;
	_ =	sdelay $0x1  }
0x54: {  	s30 =	simm.s32 $0x2300  }
0x55: {  	[tilespmem:s30], [sflag:$0x1] =	stream.indirect_vreg.gather [hbm4b:s3+s2], $0x80, v4, vm0, $0xb8;
	[tilespmem:$0x1E300] =	vst v63  }
0x56: {  	s31 =	simm.s32 $0x2B00  }
0x57: {  	[tilespmem:s31], [sflag:$0x1] =	stream.indirect_vreg.gather [hbm4b:s3+s2], $0x80, v3, vm0, $0xb8;
	[tilespmem:$0x1E300] =	vst v63  }
0x58: {  	v3 =	vld [tilespmem:$0x30];
	_ =	sdelay $0x4  }
0x59: {  	v47 =	vshll.u32 v3, $0x1  }
0x5a: {  	v3 =	vand.u32 $0x7, v3;
	v4 =	vand.u32 $0xFFFFFFF0, v47  }
0x5b: {  	v3 =	vor.u32 v3, v4  }
0x5c: {  	v4 =	vperm.xlane v3, v0;
	_ =	sdelay $0x1  }
0x5d: {  	v3 =	vperm.xlane v3, v2;
	v4 =	vadd.s32 v1, v4;
	_ =	sdelay $0x1  }
0x5e: {  	v3 =	vadd.s32 v1, v3;
	_ =	sdelay $0x1  }
0x5f: {  	s25 =	simm.s32 $0x3300  }
0x60: {  	[tilespmem:s25], [sflag:$0x1] =	stream.indirect_vreg.gather [hbm4b:s3+s2], $0x80, v4, vm0, $0xb8;
	[tilespmem:$0x1E300] =	vst v63  }
0x61: {  	s30 =	simm.s32 $0x3B00  }
0x62: {  	[tilespmem:s30], [sflag:$0x1] =	stream.indirect_vreg.gather [hbm4b:s3+s2], $0x80, v3, vm0, $0xb8;
	[tilespmem:$0x1E300] =	vst v63  }
0x63: {  	v3 =	vld [tilespmem:$0x40];
	_ =	sdelay $0x4  }
0x64: {  	v48 =	vshll.u32 v3, $0x1  }
0x65: {  	v3 =	vand.u32 $0x7, v3;
	v4 =	vand.u32 $0xFFFFFFF0, v48  }
0x66: {  	v3 =	vor.u32 v3, v4  }
0x67: {  	v4 =	vperm.xlane v3, v0;
	_ =	sdelay $0x1  }
0x68: {  	v3 =	vperm.xlane v3, v2;
	v4 =	vadd.s32 v1, v4;
	_ =	sdelay $0x1  }
0x69: {  	v3 =	vadd.s32 v1, v3;
	_ =	sdelay $0x1  }
0x6a: {  	s31 =	simm.s32 $0x4300  }
0x6b: {  	[tilespmem:s31], [sflag:$0x1] =	stream.indirect_vreg.gather [hbm4b:s3+s2], $0x80, v4, vm0, $0xb8;
	[tilespmem:$0x1E300] =	vst v63  }
0x6c: {  	s25 =	simm.s32 $0x4B00  }
0x6d: {  	[tilespmem:s25], [sflag:$0x1] =	stream.indirect_vreg.gather [hbm4b:s3+s2], $0x80, v3, vm0, $0xb8;
	[tilespmem:$0x1E300] =	vst v63  }
0x6e: {  	v3 =	vld [tilespmem:$0x80];
	_ =	sdelay $0x4  }
0x6f: {  	v49 =	vshll.u32 v3, $0x1  }
0x70: {  	v3 =	vand.u32 $0x7, v3;
	v4 =	vand.u32 $0xFFFFFFF0, v49  }
0x71: {  	v3 =	vor.u32 v3, v4  }
0x72: {  	v4 =	vperm.xlane v3, v0;
	_ =	sdelay $0x1  }
0x73: {  	v3 =	vperm.xlane v3, v2;
	v4 =	vadd.s32 v1, v4;
	_ =	sdelay $0x1  }
0x74: {  	v3 =	vadd.s32 v1, v3;
	_ =	sdelay $0x2  }
0x75: {  	[tilespmem:s26], [sflag:$0x2] =	stream.indirect_vreg.gather [hbm4b:s4+s2], $0x80, v4, vm0, $0xb8;
	[tilespmem:$0x1E300] =	vst v63  }
0x76: {  	s30 =	simm.s32 $0x5B00  }
0x77: {  	[tilespmem:s30], [sflag:$0x2] =	stream.indirect_vreg.gather [hbm4b:s4+s2], $0x80, v3, vm0, $0xb8;
	[tilespmem:$0x1E300] =	vst v63  }
0x78: {  	v3 =	vld [tilespmem:$0x90];
	_ =	sdelay $0x4  }
0x79: {  	v50 =	vshll.u32 v3, $0x1  }
0x7a: {  	v3 =	vand.u32 $0x7, v3;
	v4 =	vand.u32 $0xFFFFFFF0, v50  }
0x7b: {  	v3 =	vor.u32 v3, v4  }
0x7c: {  	v4 =	vperm.xlane v3, v0;
	_ =	sdelay $0x1  }
0x7d: {  	v3 =	vperm.xlane v3, v2;
	v4 =	vadd.s32 v1, v4;
	_ =	sdelay $0x1  }
0x7e: {  	v3 =	vadd.s32 v1, v3;
	_ =	sdelay $0x1  }
0x7f: {  	s31 =	simm.s32 $0x6300  }
0x80: {  	[tilespmem:s31], [sflag:$0x2] =	stream.indirect_vreg.gather [hbm4b:s4+s2], $0x80, v4, vm0, $0xb8;
	[tilespmem:$0x1E300] =	vst v63  }
0x81: {  	s25 =	simm.s32 $0x6B00  }
0x82: {  	[tilespmem:s25], [sflag:$0x2] =	stream.indirect_vreg.gather [hbm4b:s4+s2], $0x80, v3, vm0, $0xb8;
	[tilespmem:$0x1E300] =	vst v63  }
0x83: {  	v3 =	vld [tilespmem:$0xA0];
	_ =	sdelay $0x4  }
0x84: {  	v51 =	vshll.u32 v3, $0x1  }
0x85: {  	v3 =	vand.u32 $0x7, v3;
	v4 =	vand.u32 $0xFFFFFFF0, v51  }
0x86: {  	v3 =	vor.u32 v3, v4  }
0x87: {  	v4 =	vperm.xlane v3, v0;
	_ =	sdelay $0x1  }
0x88: {  	v3 =	vperm.xlane v3, v2;
	v4 =	vadd.s32 v1, v4;
	_ =	sdelay $0x1  }
0x89: {  	v3 =	vadd.s32 v1, v3;
	_ =	sdelay $0x1  }
0x8a: {  	s30 =	simm.s32 $0x7300  }
0x8b: {  	[tilespmem:s30], [sflag:$0x2] =	stream.indirect_vreg.gather [hbm4b:s4+s2], $0x80, v4, vm0, $0xb8;
	[tilespmem:$0x1E300] =	vst v63  }
0x8c: {  	s31 =	simm.s32 $0x7B00  }
0x8d: {  	[tilespmem:s31], [sflag:$0x2] =	stream.indirect_vreg.gather [hbm4b:s4+s2], $0x80, v3, vm0, $0xb8;
	[tilespmem:$0x1E300] =	vst v63  }
0x8e: {  	v3 =	vld [tilespmem:$0xB0];
	_ =	sdelay $0x4  }
0x8f: {  	v52 =	vshll.u32 v3, $0x1  }
0x90: {  	v3 =	vand.u32 $0x7, v3;
	v4 =	vand.u32 $0xFFFFFFF0, v52  }
0x91: {  	v3 =	vor.u32 v3, v4  }
0x92: {  	v4 =	vperm.xlane v3, v0;
	_ =	sdelay $0x1  }
0x93: {  	v3 =	vperm.xlane v3, v2;
	v4 =	vadd.s32 v1, v4;
	_ =	sdelay $0x1  }
0x94: {  	v3 =	vadd.s32 v1, v3;
	_ =	sdelay $0x1  }
0x95: {  	s25 =	simm.s32 $0x8300  }
0x96: {  	[tilespmem:s25], [sflag:$0x2] =	stream.indirect_vreg.gather [hbm4b:s4+s2], $0x80, v4, vm0, $0xb8;
	[tilespmem:$0x1E300] =	vst v63  }
0x97: {  	s30 =	simm.s32 $0x8B00  }
0x98: {  	[tilespmem:s30], [sflag:$0x2] =	stream.indirect_vreg.gather [hbm4b:s4+s2], $0x80, v3, vm0, $0xb8;
	[tilespmem:$0x1E300] =	vst v63  }
0x99: {  	v3 =	vld [tilespmem:$0xC0];
	_ =	sdelay $0x4  }
0x9a: {  	v53 =	vshll.u32 v3, $0x1  }
0x9b: {  	v3 =	vand.u32 $0x7, v3;
	v4 =	vand.u32 $0xFFFFFFF0, v53  }
0x9c: {  	v3 =	vor.u32 v3, v4  }
0x9d: {  	v4 =	vperm.xlane v3, v0;
	_ =	sdelay $0x1  }
0x9e: {  	v3 =	vperm.xlane v3, v2;
	v4 =	vadd.s32 v1, v4;
	_ =	sdelay $0x1  }
0x9f: {  	v3 =	vadd.s32 v1, v3;
	_ =	sdelay $0x1  }
0xa0: {  	s31 =	simm.s32 $0x9300  }
0xa1: {  	[tilespmem:s31], [sflag:$0x2] =	stream.indirect_vreg.gather [hbm4b:s4+s2], $0x80, v4, vm0, $0xb8;
	[tilespmem:$0x1E300] =	vst v63  }
0xa2: {  	s25 =	simm.s32 $0x9B00  }
0xa3: {  	[tilespmem:s25], [sflag:$0x2] =	stream.indirect_vreg.gather [hbm4b:s4+s2], $0x80, v3, vm0, $0xb8;
	[tilespmem:$0x1E300] =	vst v63  }
0xa4: {  	s30 =	rddreg [dreg:$0x5];
	s31 =	simm.s32 $0x100  }
0xa5: {  	[tilespmem:s31], [sflag:$0xA] =	stream.linear.gather [hbm4b:s30+s2], $0x50, $0x38;
	[tilespmem:$0x1E300] =	vst v63  }
0xa6: {  	_ =	swait.ge [sflag:s14], $0x50  }
0xa7: {  	[sflag:s14] =	ssyncset.done $0x0  }
0xa8: {  	s31 =	simm.s32 $0x180;
	s30 =	rddreg [dreg:$0x6];
	[sflag:s14] =	ssyncadd.s32 $0xFFFFFFB0  }
0xa9: {  	[tilespmem:s31], [sflag:$0xA] =	stream.linear.gather [hbm4b:s30+s2], $0x50, $0x38;
	[tilespmem:$0x1E300] =	vst v63  }
0xaa: {  	_ =	swait.ge [sflag:s14], $0x50  }
0xab: {  	[sflag:s14] =	ssyncset.done $0x0  }
0xac: {  	[sflag:s14] =	ssyncadd.s32 $0xFFFFFFB0  }
0xad: {  	v3 =	vld [tilespmem:$0x100];
	_ =	sdelay $0x4  }
0xae: {  	v54 =	vshll.u32 v3, $0x1  }
0xaf: {  	v3 =	vand.u32 $0x7, v3;
	v4 =	vand.u32 $0xFFFFFFF0, v54  }
0xb0: {  	v3 =	vor.u32 v3, v4  }
0xb1: {  	v4 =	vperm.xlane v3, v0;
	_ =	sdelay $0x1  }
0xb2: {  	v3 =	vperm.xlane v3, v2;
	v4 =	vadd.s32 v1, v4;
	_ =	sdelay $0x1  }
0xb3: {  	v3 =	vadd.s32 v1, v3;
	_ =	sdelay $0x2  }
0xb4: {  	[tilespmem:s11], [sflag:$0x3] =	stream.indirect_vreg.gather [hbm4b:s3+s2], $0x80, v4, vm0, $0xb8;
	[tilespmem:$0x1E300] =	vst v63  }
0xb5: {  	s30 =	simm.s32 $0xAB00  }
0xb6: {  	[tilespmem:s30], [sflag:$0x3] =	stream.indirect_vreg.gather [hbm4b:s3+s2], $0x80, v3, vm0, $0xb8;
	[tilespmem:$0x1E300] =	vst v63  }
0xb7: {  	v3 =	vld [tilespmem:$0x110];
	_ =	sdelay $0x4  }
0xb8: {  	v55 =	vshll.u32 v3, $0x1  }
0xb9: {  	v3 =	vand.u32 $0x7, v3;
	v4 =	vand.u32 $0xFFFFFFF0, v55  }
0xba: {  	v3 =	vor.u32 v3, v4  }
0xbb: {  	v4 =	vperm.xlane v3, v0;
	_ =	sdelay $0x1  }
0xbc: {  	v3 =	vperm.xlane v3, v2;
	v4 =	vadd.s32 v1, v4;
	_ =	sdelay $0x1  }
0xbd: {  	v3 =	vadd.s32 v1, v3;
	_ =	sdelay $0x1  }
0xbe: {  	s31 =	simm.s32 $0xB300  }
0xbf: {  	[tilespmem:s31], [sflag:$0x3] =	stream.indirect_vreg.gather [hbm4b:s3+s2], $0x80, v4, vm0, $0xb8;
	[tilespmem:$0x1E300] =	vst v63  }
0xc0: {  	s25 =	simm.s32 $0xBB00  }
0xc1: {  	[tilespmem:s25], [sflag:$0x3] =	stream.indirect_vreg.gather [hbm4b:s3+s2], $0x80, v3, vm0, $0xb8;
	[tilespmem:$0x1E300] =	vst v63  }
0xc2: {  	v3 =	vld [tilespmem:$0x120];
	_ =	sdelay $0x4  }
0xc3: {  	v56 =	vshll.u32 v3, $0x1  }
0xc4: {  	v3 =	vand.u32 $0x7, v3;
	v4 =	vand.u32 $0xFFFFFFF0, v56  }
0xc5: {  	v3 =	vor.u32 v3, v4  }
0xc6: {  	v4 =	vperm.xlane v3, v0;
	_ =	sdelay $0x1  }
0xc7: {  	v3 =	vperm.xlane v3, v2;
	v4 =	vadd.s32 v1, v4;
	_ =	sdelay $0x1  }
0xc8: {  	v3 =	vadd.s32 v1, v3;
	_ =	sdelay $0x1  }
0xc9: {  	s30 =	simm.s32 $0xC300  }
0xca: {  	[tilespmem:s30], [sflag:$0x3] =	stream.indirect_vreg.gather [hbm4b:s3+s2], $0x80, v4, vm0, $0xb8;
	[tilespmem:$0x1E300] =	vst v63  }
0xcb: {  	s31 =	simm.s32 $0xCB00  }
0xcc: {  	[tilespmem:s31], [sflag:$0x3] =	stream.indirect_vreg.gather [hbm4b:s3+s2], $0x80, v3, vm0, $0xb8;
	[tilespmem:$0x1E300] =	vst v63  }
0xcd: {  	v3 =	vld [tilespmem:$0x130];
	_ =	sdelay $0x4  }
0xce: {  	v57 =	vshll.u32 v3, $0x1  }
0xcf: {  	v3 =	vand.u32 $0x7, v3;
	v4 =	vand.u32 $0xFFFFFFF0, v57  }
0xd0: {  	v3 =	vor.u32 v3, v4  }
0xd1: {  	v4 =	vperm.xlane v3, v0;
	_ =	sdelay $0x1  }
0xd2: {  	v3 =	vperm.xlane v3, v2;
	v4 =	vadd.s32 v1, v4;
	_ =	sdelay $0x1  }
0xd3: {  	v3 =	vadd.s32 v1, v3;
	_ =	sdelay $0x1  }
0xd4: {  	s25 =	simm.s32 $0xD300  }
0xd5: {  	[tilespmem:s25], [sflag:$0x3] =	stream.indirect_vreg.gather [hbm4b:s3+s2], $0x80, v4, vm0, $0xb8;
	[tilespmem:$0x1E300] =	vst v63  }
0xd6: {  	s30 =	simm.s32 $0xDB00  }
0xd7: {  	[tilespmem:s30], [sflag:$0x3] =	stream.indirect_vreg.gather [hbm4b:s3+s2], $0x80, v3, vm0, $0xb8;
	[tilespmem:$0x1E300] =	vst v63  }
0xd8: {  	v3 =	vld [tilespmem:$0x140];
	_ =	sdelay $0x4  }
0xd9: {  	v58 =	vshll.u32 v3, $0x1  }
0xda: {  	v3 =	vand.u32 $0x7, v3;
	v4 =	vand.u32 $0xFFFFFFF0, v58  }
0xdb: {  	v3 =	vor.u32 v3, v4  }
0xdc: {  	v4 =	vperm.xlane v3, v0;
	_ =	sdelay $0x1  }
0xdd: {  	v3 =	vperm.xlane v3, v2;
	v4 =	vadd.s32 v1, v4;
	_ =	sdelay $0x1  }
0xde: {  	v3 =	vadd.s32 v1, v3;
	_ =	sdelay $0x1  }
0xdf: {  	s31 =	simm.s32 $0xE300  }
0xe0: {  	[tilespmem:s31], [sflag:$0x3] =	stream.indirect_vreg.gather [hbm4b:s3+s2], $0x80, v4, vm0, $0xb8;
	[tilespmem:$0x1E300] =	vst v63  }
0xe1: {  	s25 =	simm.s32 $0xEB00  }
0xe2: {  	[tilespmem:s25], [sflag:$0x3] =	stream.indirect_vreg.gather [hbm4b:s3+s2], $0x80, v3, vm0, $0xb8;
	[tilespmem:$0x1E300] =	vst v63  }
0xe3: {  	v3 =	vld [tilespmem:$0x180];
	_ =	sdelay $0x4  }
0xe4: {  	v59 =	vshll.u32 v3, $0x1  }
0xe5: {  	v3 =	vand.u32 $0x7, v3;
	v4 =	vand.u32 $0xFFFFFFF0, v59  }
0xe6: {  	v3 =	vor.u32 v3, v4  }
0xe7: {  	v4 =	vperm.xlane v3, v0;
	_ =	sdelay $0x1  }
0xe8: {  	v3 =	vperm.xlane v3, v2;
	v4 =	vadd.s32 v1, v4;
	_ =	sdelay $0x1  }
0xe9: {  	v3 =	vadd.s32 v1, v3;
	_ =	sdelay $0x2  }
0xea: {  	[tilespmem:s24], [sflag:$0x4] =	stream.indirect_vreg.gather [hbm4b:s4+s2], $0x80, v4, vm0, $0xb8;
	[tilespmem:$0x1E300] =	vst v63  }
0xeb: {  	s30 =	simm.s32 $0xFB00  }
0xec: {  	[tilespmem:s30], [sflag:$0x4] =	stream.indirect_vreg.gather [hbm4b:s4+s2], $0x80, v3, vm0, $0xb8;
	[tilespmem:$0x1E300] =	vst v63  }
0xed: {  	v3 =	vld [tilespmem:$0x190];
	_ =	sdelay $0x4  }
0xee: {  	v60 =	vshll.u32 v3, $0x1  }
0xef: {  	v3 =	vand.u32 $0x7, v3;
	v4 =	vand.u32 $0xFFFFFFF0, v60  }
0xf0: {  	v3 =	vor.u32 v3, v4  }
0xf1: {  	v4 =	vperm.xlane v3, v0;
	_ =	sdelay $0x1  }
0xf2: {  	v3 =	vperm.xlane v3, v2;
	v4 =	vadd.s32 v1, v4;
	_ =	sdelay $0x1  }
0xf3: {  	v3 =	vadd.s32 v1, v3;
	_ =	sdelay $0x1  }
0xf4: {  	s31 =	simm.s32 $0x10300  }
0xf5: {  	[tilespmem:s31], [sflag:$0x4] =	stream.indirect_vreg.gather [hbm4b:s4+s2], $0x80, v4, vm0, $0xb8;
	[tilespmem:$0x1E300] =	vst v63  }
0xf6: {  	s25 =	simm.s32 $0x10B00  }
0xf7: {  	[tilespmem:s25], [sflag:$0x4] =	stream.indirect_vreg.gather [hbm4b:s4+s2], $0x80, v3, vm0, $0xb8;
	[tilespmem:$0x1E300] =	vst v63  }
0xf8: {  	v3 =	vld [tilespmem:$0x1A0];
	_ =	sdelay $0x4  }
0xf9: {  	v61 =	vshll.u32 v3, $0x1  }
0xfa: {  	v3 =	vand.u32 $0x7, v3;
	v4 =	vand.u32 $0xFFFFFFF0, v61  }
0xfb: {  	v3 =	vor.u32 v3, v4  }
0xfc: {  	v4 =	vperm.xlane v3, v0;
	_ =	sdelay $0x1  }
0xfd: {  	v3 =	vperm.xlane v3, v2;
	v4 =	vadd.s32 v1, v4;
	_ =	sdelay $0x1  }
0xfe: {  	v3 =	vadd.s32 v1, v3;
	_ =	sdelay $0x1  }
0xff: {  	s30 =	simm.s32 $0x11300  }
0x100: {  	[tilespmem:s30], [sflag:$0x4] =	stream.indirect_vreg.gather [hbm4b:s4+s2], $0x80, v4, vm0, $0xb8;
	[tilespmem:$0x1E300] =	vst v63  }
0x101: {  	s31 =	simm.s32 $0x11B00  }
0x102: {  	[tilespmem:s31], [sflag:$0x4] =	stream.indirect_vreg.gather [hbm4b:s4+s2], $0x80, v3, vm0, $0xb8;
	[tilespmem:$0x1E300] =	vst v63  }
0x103: {  	v3 =	vld [tilespmem:$0x1B0];
	_ =	sdelay $0x4  }
0x104: {  	v62 =	vshll.u32 v3, $0x1  }
0x105: {  	v3 =	vand.u32 $0x7, v3;
	v4 =	vand.u32 $0xFFFFFFF0, v62  }
0x106: {  	v3 =	vor.u32 v3, v4  }
0x107: {  	v4 =	vperm.xlane v3, v0;
	_ =	sdelay $0x1  }
0x108: {  	v3 =	vperm.xlane v3, v2;
	v4 =	vadd.s32 v1, v4;
	_ =	sdelay $0x1  }
0x109: {  	v3 =	vadd.s32 v1, v3;
	_ =	sdelay $0x2  }
0x10a: {  	[tilespmem:s0], [sflag:$0x4] =	stream.indirect_vreg.gather [hbm4b:s4+s2], $0x80, v4, vm0, $0xb8;
	[tilespmem:$0x1E300] =	vst v63  }
0x10b: {  	_ = 	snop  }
0x10c: {  	[tilespmem:s1], [sflag:$0x4] =	stream.indirect_vreg.gather [hbm4b:s4+s2], $0x80, v3, vm0, $0xb8;
	[tilespmem:$0x1E300] =	vst v63  }
0x10d: {  	v3 =	vld [tilespmem:$0x1C0];
	_ =	sdelay $0x4  }
0x10e: {  	v63 =	vshll.u32 v3, $0x1  }
0x10f: {  	v3 =	vand.u32 $0x7, v3;
	v4 =	vand.u32 $0xFFFFFFF0, v63  }
0x110: {  	v3 =	vor.u32 v3, v4  }
0x111: {  	v4 =	vperm.xlane v3, v0;
	_ =	sdelay $0x1  }
0x112: {  	v3 =	vperm.xlane v3, v2;
	v4 =	vadd.s32 v1, v4;
	_ =	sdelay $0x1  }
0x113: {  	v3 =	vadd.s32 v1, v3  }
.Ltmp2:
0x114: {  	_ = 	snop;
	(pc) =	sbr.rel .LBB2_2-.Ltmp2, $4  }
0x115: {  	s23 =	rddreg [dreg:$0x9]  }
0x116: {  	[tilespmem:s5], [sflag:$0x4] =	stream.indirect_vreg.gather [hbm4b:s4+s2], $0x80, v4, vm0, $0xb8;
	[tilespmem:$0x1E300] =	vst v63  }
0x117: {  	s28 =	simm.s32 $0x0;
	s29 =	simm.s32 $0x0;
	s25 =	rddreg [dreg:$0x8]  }
0x118: {  	[tilespmem:s6], [sflag:$0x4] =	stream.indirect_vreg.gather [hbm4b:s4+s2], $0x80, v3, vm0, $0xb8;
	[tilespmem:$0x1E300] =	vst v63  }
.LBB2_10:
0x119: {  	s28 =	sadd.s32 $0xA, s28  }
0x11a: {  	p0 =	sne.s32 s28, $0x4E2  }
.Ltmp3:
0x11b: {  	_ = 	snop;
	(pc) =	sbr.rel @!p0 .LBB2_11-.Ltmp3, $2  }
0x11c: {  	_ =	sdelay $0x2  }
0x11d: {  	s29 =	sadd.s32 $0x1, s29;
	s25 =	sadd.s32 $0xA00, s25;
	s23 =	sadd.s32 $0xA00, s23  }
.LBB2_2:
0x11e: {  	s30 =	smul.u32 $0xAB, s29;
	_ =	sdelay $0x1  }
0x11f: {  	s30 =	sshrl.u32 s30, $0x9  }
0x120: {  	s30 =	sand.u32 $0x7F, s30  }
0x121: {  	s30 =	smul.u32 $0x3, s30;
	_ =	sdelay $0x1  }
0x122: {  	s30 =	ssub.s32 s29, s30  }
0x123: {  	s30 =	sand.u32 $0xFF, s30  }
0x124: {  	p0 =	seq.s32 s30, $0x2  }
.Ltmp4:
0x125: {  	_ = 	snop;
	(pc) =	sbr.rel @p0 .LBB2_8-.Ltmp4, $1  }
0x126: {  	_ =	sdelay $0x3  }
0x127: {  	p0 =	seq.s32 s30, $0x1  }
.Ltmp5:
0x128: {  	_ = 	snop;
	(pc) =	sbr.rel @!p0 .LBB2_4-.Ltmp5, $1  }
0x129: {  	_ =	sdelay $0x3  }
0x12a: {  	_ =	swait.ge [sflag:s18], $0x5000  }
0x12b: {  	[sflag:s18] =	ssyncset.done $0x0  }
0x12c: {  	[sflag:s18] =	ssyncadd.s32 $0xFFFFB000  }
0x12d: {  	p0 =	sgt.u32 s29, $0x7A;
	_ =	swait.ge [sflag:s19], $0x5000  }
.Ltmp6:
0x12e: {  	[sflag:s19] =	ssyncset.done $0x0;
	(pc) =	sbr.rel @p0 .LBB2_10-.Ltmp6, $4  }
0x12f: {  	[sflag:s19] =	ssyncadd.s32 $0xFFFFB000  }
0x130: {  	[hbm4b:s25+s2] =	stream.linear.scatter [tilespmem:s11], [sflag:$0x8], $0x5000, $0x38;
	[tilespmem:$0x1E300] =	vst v63  }
0x131: {  	_ = 	snop  }
0x132: {  	[hbm4b:s23+s2] =	stream.linear.scatter [tilespmem:s24], [sflag:$0x8], $0x5000, $0x38;
	[tilespmem:$0x1E300] =	vst v63  }
0x133: {  	_ =	swait.ge [sflag:s17], $0x5000  }
0x134: {  	[sflag:s17] =	ssyncset.done $0x0  }
0x135: {  	[sflag:s17] =	ssyncadd.s32 $0xFFFFB000  }
0x136: {  	_ =	swait.ge [sflag:s17], $0x5000  }
0x137: {  	[sflag:s17] =	ssyncset.done $0x0  }
0x138: {  	s30 =	sadd.s32 s28, s12;
	[sflag:s17] =	ssyncadd.s32 $0xFFFFB000  }
0x139: {  	[tilespmem:s2], [sflag:$0xA] =	stream.linear.gather [hbm4b:s30+s2], $0x50, $0x38;
	[tilespmem:$0x1E300] =	vst v63  }
0x13a: {  	_ =	swait.ge [sflag:s14], $0x50  }
0x13b: {  	[sflag:s14] =	ssyncset.done $0x0  }
0x13c: {  	s31 =	simm.s32 $0x80;
	s30 =	sadd.s32 s28, s10;
	[sflag:s14] =	ssyncadd.s32 $0xFFFFFFB0  }
0x13d: {  	[tilespmem:s31], [sflag:$0xA] =	stream.linear.gather [hbm4b:s30+s2], $0x50, $0x38;
	[tilespmem:$0x1E300] =	vst v63  }
0x13e: {  	_ =	swait.ge [sflag:s14], $0x50  }
0x13f: {  	[sflag:s14] =	ssyncset.done $0x0  }
0x140: {  	[sflag:s14] =	ssyncadd.s32 $0xFFFFFFB0  }
0x141: {  	v3 =	vld [tilespmem:$0x0];
	_ =	sdelay $0x4  }
0x142: {  	v4 =	vshll.u32 v3, $0x1  }
0x143: {  	v3 =	vand.u32 $0x7, v3;
	v4 =	vand.u32 $0xFFFFFFF0, v4  }
0x144: {  	v3 =	vor.u32 v3, v4  }
0x145: {  	v4 =	vperm.xlane v3, v0;
	_ =	sdelay $0x1  }
0x146: {  	v3 =	vperm.xlane v3, v2;
	v4 =	vadd.s32 v1, v4;
	_ =	sdelay $0x1  }
0x147: {  	v3 =	vadd.s32 v1, v3;
	_ =	sdelay $0x2  }
0x148: {  	[tilespmem:s16], [sflag:$0x1] =	stream.indirect_vreg.gather [hbm4b:s3+s2], $0x80, v4, vm0, $0xb8;
	[tilespmem:$0x1E300] =	vst v63  }
0x149: {  	s31 =	simm.s32 $0xB00  }
0x14a: {  	[tilespmem:s31], [sflag:$0x1] =	stream.indirect_vreg.gather [hbm4b:s3+s2], $0x80, v3, vm0, $0xb8;
	[tilespmem:$0x1E300] =	vst v63  }
0x14b: {  	v3 =	vld [tilespmem:$0x10];
	_ =	sdelay $0x4  }
0x14c: {  	v55 =	vshll.u32 v3, $0x1  }
0x14d: {  	v3 =	vand.u32 $0x7, v3;
	v4 =	vand.u32 $0xFFFFFFF0, v55  }
0x14e: {  	v3 =	vor.u32 v3, v4  }
0x14f: {  	v4 =	vperm.xlane v3, v0;
	_ =	sdelay $0x1  }
0x150: {  	v3 =	vperm.xlane v3, v2;
	v4 =	vadd.s32 v1, v4;
	_ =	sdelay $0x1  }
0x151: {  	v3 =	vadd.s32 v1, v3;
	_ =	sdelay $0x1  }
0x152: {  	s31 =	simm.s32 $0x1300  }
0x153: {  	[tilespmem:s31], [sflag:$0x1] =	stream.indirect_vreg.gather [hbm4b:s3+s2], $0x80, v4, vm0, $0xb8;
	[tilespmem:$0x1E300] =	vst v63  }
0x154: {  	s31 =	simm.s32 $0x1B00  }
0x155: {  	[tilespmem:s31], [sflag:$0x1] =	stream.indirect_vreg.gather [hbm4b:s3+s2], $0x80, v3, vm0, $0xb8;
	[tilespmem:$0x1E300] =	vst v63  }
0x156: {  	v3 =	vld [tilespmem:$0x20];
	_ =	sdelay $0x4  }
0x157: {  	v56 =	vshll.u32 v3, $0x1  }
0x158: {  	v3 =	vand.u32 $0x7, v3;
	v4 =	vand.u32 $0xFFFFFFF0, v56  }
0x159: {  	v3 =	vor.u32 v3, v4  }
0x15a: {  	v4 =	vperm.xlane v3, v0;
	_ =	sdelay $0x1  }
0x15b: {  	v3 =	vperm.xlane v3, v2;
	v4 =	vadd.s32 v1, v4;
	_ =	sdelay $0x1  }
0x15c: {  	v3 =	vadd.s32 v1, v3;
	_ =	sdelay $0x1  }
0x15d: {  	s31 =	simm.s32 $0x2300  }
0x15e: {  	[tilespmem:s31], [sflag:$0x1] =	stream.indirect_vreg.gather [hbm4b:s3+s2], $0x80, v4, vm0, $0xb8;
	[tilespmem:$0x1E300] =	vst v63  }
0x15f: {  	s31 =	simm.s32 $0x2B00  }
0x160: {  	[tilespmem:s31], [sflag:$0x1] =	stream.indirect_vreg.gather [hbm4b:s3+s2], $0x80, v3, vm0, $0xb8;
	[tilespmem:$0x1E300] =	vst v63  }
0x161: {  	v3 =	vld [tilespmem:$0x30];
	_ =	sdelay $0x4  }
0x162: {  	v57 =	vshll.u32 v3, $0x1  }
0x163: {  	v3 =	vand.u32 $0x7, v3;
	v4 =	vand.u32 $0xFFFFFFF0, v57  }
0x164: {  	v3 =	vor.u32 v3, v4  }
0x165: {  	v4 =	vperm.xlane v3, v0;
	_ =	sdelay $0x1  }
0x166: {  	v3 =	vperm.xlane v3, v2;
	v4 =	vadd.s32 v1, v4;
	_ =	sdelay $0x1  }
0x167: {  	v3 =	vadd.s32 v1, v3;
	_ =	sdelay $0x1  }
0x168: {  	s31 =	simm.s32 $0x3300  }
0x169: {  	[tilespmem:s31], [sflag:$0x1] =	stream.indirect_vreg.gather [hbm4b:s3+s2], $0x80, v4, vm0, $0xb8;
	[tilespmem:$0x1E300] =	vst v63  }
0x16a: {  	s31 =	simm.s32 $0x3B00  }
0x16b: {  	[tilespmem:s31], [sflag:$0x1] =	stream.indirect_vreg.gather [hbm4b:s3+s2], $0x80, v3, vm0, $0xb8;
	[tilespmem:$0x1E300] =	vst v63  }
0x16c: {  	v3 =	vld [tilespmem:$0x40];
	_ =	sdelay $0x4  }
0x16d: {  	v58 =	vshll.u32 v3, $0x1  }
0x16e: {  	v3 =	vand.u32 $0x7, v3;
	v4 =	vand.u32 $0xFFFFFFF0, v58  }
0x16f: {  	v3 =	vor.u32 v3, v4  }
0x170: {  	v4 =	vperm.xlane v3, v0;
	_ =	sdelay $0x1  }
0x171: {  	v3 =	vperm.xlane v3, v2;
	v4 =	vadd.s32 v1, v4;
	_ =	sdelay $0x1  }
0x172: {  	v3 =	vadd.s32 v1, v3;
	_ =	sdelay $0x1  }
0x173: {  	s31 =	simm.s32 $0x4300  }
0x174: {  	[tilespmem:s31], [sflag:$0x1] =	stream.indirect_vreg.gather [hbm4b:s3+s2], $0x80, v4, vm0, $0xb8;
	[tilespmem:$0x1E300] =	vst v63  }
0x175: {  	s31 =	simm.s32 $0x4B00  }
0x176: {  	[tilespmem:s31], [sflag:$0x1] =	stream.indirect_vreg.gather [hbm4b:s3+s2], $0x80, v3, vm0, $0xb8;
	[tilespmem:$0x1E300] =	vst v63  }
0x177: {  	v3 =	vld [tilespmem:$0x80];
	_ =	sdelay $0x4  }
0x178: {  	v59 =	vshll.u32 v3, $0x1  }
0x179: {  	v3 =	vand.u32 $0x7, v3;
	v4 =	vand.u32 $0xFFFFFFF0, v59  }
0x17a: {  	v3 =	vor.u32 v3, v4  }
0x17b: {  	v4 =	vperm.xlane v3, v0;
	_ =	sdelay $0x1  }
0x17c: {  	v3 =	vperm.xlane v3, v2;
	v4 =	vadd.s32 v1, v4;
	_ =	sdelay $0x1  }
0x17d: {  	v3 =	vadd.s32 v1, v3;
	_ =	sdelay $0x2  }
0x17e: {  	[tilespmem:s26], [sflag:$0x2] =	stream.indirect_vreg.gather [hbm4b:s4+s2], $0x80, v4, vm0, $0xb8;
	[tilespmem:$0x1E300] =	vst v63  }
0x17f: {  	s31 =	simm.s32 $0x5B00  }
0x180: {  	[tilespmem:s31], [sflag:$0x2] =	stream.indirect_vreg.gather [hbm4b:s4+s2], $0x80, v3, vm0, $0xb8;
	[tilespmem:$0x1E300] =	vst v63  }
0x181: {  	v3 =	vld [tilespmem:$0x90];
	_ =	sdelay $0x4  }
0x182: {  	v60 =	vshll.u32 v3, $0x1  }
0x183: {  	v3 =	vand.u32 $0x7, v3;
	v4 =	vand.u32 $0xFFFFFFF0, v60  }
0x184: {  	v3 =	vor.u32 v3, v4  }
0x185: {  	v4 =	vperm.xlane v3, v0;
	_ =	sdelay $0x1  }
0x186: {  	v3 =	vperm.xlane v3, v2;
	v4 =	vadd.s32 v1, v4;
	_ =	sdelay $0x1  }
0x187: {  	v3 =	vadd.s32 v1, v3;
	_ =	sdelay $0x1  }
0x188: {  	s31 =	simm.s32 $0x6300  }
0x189: {  	[tilespmem:s31], [sflag:$0x2] =	stream.indirect_vreg.gather [hbm4b:s4+s2], $0x80, v4, vm0, $0xb8;
	[tilespmem:$0x1E300] =	vst v63  }
0x18a: {  	s31 =	simm.s32 $0x6B00  }
0x18b: {  	[tilespmem:s31], [sflag:$0x2] =	stream.indirect_vreg.gather [hbm4b:s4+s2], $0x80, v3, vm0, $0xb8;
	[tilespmem:$0x1E300] =	vst v63  }
0x18c: {  	v3 =	vld [tilespmem:$0xA0];
	_ =	sdelay $0x4  }
0x18d: {  	v61 =	vshll.u32 v3, $0x1  }
0x18e: {  	v3 =	vand.u32 $0x7, v3;
	v4 =	vand.u32 $0xFFFFFFF0, v61  }
0x18f: {  	v3 =	vor.u32 v3, v4  }
0x190: {  	v4 =	vperm.xlane v3, v0;
	_ =	sdelay $0x1  }
0x191: {  	v3 =	vperm.xlane v3, v2;
	v4 =	vadd.s32 v1, v4;
	_ =	sdelay $0x1  }
0x192: {  	v3 =	vadd.s32 v1, v3;
	_ =	sdelay $0x1  }
0x193: {  	s31 =	simm.s32 $0x7300  }
0x194: {  	[tilespmem:s31], [sflag:$0x2] =	stream.indirect_vreg.gather [hbm4b:s4+s2], $0x80, v4, vm0, $0xb8;
	[tilespmem:$0x1E300] =	vst v63  }
0x195: {  	s31 =	simm.s32 $0x7B00  }
0x196: {  	[tilespmem:s31], [sflag:$0x2] =	stream.indirect_vreg.gather [hbm4b:s4+s2], $0x80, v3, vm0, $0xb8;
	[tilespmem:$0x1E300] =	vst v63  }
0x197: {  	v3 =	vld [tilespmem:$0xB0];
	_ =	sdelay $0x4  }
0x198: {  	v62 =	vshll.u32 v3, $0x1  }
0x199: {  	v3 =	vand.u32 $0x7, v3;
	v4 =	vand.u32 $0xFFFFFFF0, v62  }
0x19a: {  	v3 =	vor.u32 v3, v4  }
0x19b: {  	v4 =	vperm.xlane v3, v0;
	_ =	sdelay $0x1  }
0x19c: {  	v3 =	vperm.xlane v3, v2;
	v4 =	vadd.s32 v1, v4;
	_ =	sdelay $0x1  }
0x19d: {  	v3 =	vadd.s32 v1, v3;
	_ =	sdelay $0x1  }
0x19e: {  	s31 =	simm.s32 $0x8300  }
0x19f: {  	[tilespmem:s31], [sflag:$0x2] =	stream.indirect_vreg.gather [hbm4b:s4+s2], $0x80, v4, vm0, $0xb8;
	[tilespmem:$0x1E300] =	vst v63  }
0x1a0: {  	s31 =	simm.s32 $0x8B00  }
0x1a1: {  	[tilespmem:s31], [sflag:$0x2] =	stream.indirect_vreg.gather [hbm4b:s4+s2], $0x80, v3, vm0, $0xb8;
	[tilespmem:$0x1E300] =	vst v63  }
0x1a2: {  	v3 =	vld [tilespmem:$0xC0];
	_ =	sdelay $0x4  }
0x1a3: {  	v63 =	vshll.u32 v3, $0x1  }
0x1a4: {  	v3 =	vand.u32 $0x7, v3;
	v4 =	vand.u32 $0xFFFFFFF0, v63  }
0x1a5: {  	v3 =	vor.u32 v3, v4  }
0x1a6: {  	v4 =	vperm.xlane v3, v0;
	_ =	sdelay $0x1  }
0x1a7: {  	v3 =	vperm.xlane v3, v2;
	v4 =	vadd.s32 v1, v4;
	_ =	sdelay $0x1  }
0x1a8: {  	v3 =	vadd.s32 v1, v3  }
.Ltmp7:
0x1a9: {  	_ = 	snop;
	(pc) =	sbr.rel .LBB2_10-.Ltmp7, $4  }
0x1aa: {  	s31 =	simm.s32 $0x9300  }
0x1ab: {  	[tilespmem:s31], [sflag:$0x2] =	stream.indirect_vreg.gather [hbm4b:s4+s2], $0x80, v4, vm0, $0xb8;
	[tilespmem:$0x1E300] =	vst v63  }
0x1ac: {  	s31 =	simm.s32 $0x9B00  }
0x1ad: {  	[tilespmem:s31], [sflag:$0x2] =	stream.indirect_vreg.gather [hbm4b:s4+s2], $0x80, v3, vm0, $0xb8;
	[tilespmem:$0x1E300] =	vst v63  }
.LBB2_8:
0x1ae: {  	_ =	swait.ge [sflag:s7], $0x5000  }
0x1af: {  	[sflag:s7] =	ssyncset.done $0x0  }
0x1b0: {  	[sflag:s7] =	ssyncadd.s32 $0xFFFFB000  }
0x1b1: {  	p0 =	sgt.u32 s29, $0x7A;
	_ =	swait.ge [sflag:s8], $0x5000  }
.Ltmp8:
0x1b2: {  	[sflag:s8] =	ssyncset.done $0x0;
	(pc) =	sbr.rel @p0 .LBB2_10-.Ltmp8, $4  }
0x1b3: {  	[sflag:s8] =	ssyncadd.s32 $0xFFFFB000  }
0x1b4: {  	[hbm4b:s25+s2] =	stream.linear.scatter [tilespmem:s9], [sflag:$0x9], $0x5000, $0x38;
	[tilespmem:$0x1E300] =	vst v63  }
0x1b5: {  	_ = 	snop  }
0x1b6: {  	[hbm4b:s23+s2] =	stream.linear.scatter [tilespmem:s13], [sflag:$0x9], $0x5000, $0x38;
	[tilespmem:$0x1E300] =	vst v63  }
0x1b7: {  	_ =	swait.ge [sflag:s15], $0x5000  }
0x1b8: {  	[sflag:s15] =	ssyncset.done $0x0  }
0x1b9: {  	[sflag:s15] =	ssyncadd.s32 $0xFFFFB000  }
0x1ba: {  	_ =	swait.ge [sflag:s15], $0x5000  }
0x1bb: {  	[sflag:s15] =	ssyncset.done $0x0  }
0x1bc: {  	s30 =	sadd.s32 s28, s12;
	s31 =	simm.s32 $0x100;
	[sflag:s15] =	ssyncadd.s32 $0xFFFFB000  }
0x1bd: {  	[tilespmem:s31], [sflag:$0xA] =	stream.linear.gather [hbm4b:s30+s2], $0x50, $0x38;
	[tilespmem:$0x1E300] =	vst v63  }
0x1be: {  	_ =	swait.ge [sflag:s14], $0x50  }
0x1bf: {  	[sflag:s14] =	ssyncset.done $0x0  }
0x1c0: {  	s30 =	sadd.s32 s28, s10;
	s31 =	simm.s32 $0x180;
	[sflag:s14] =	ssyncadd.s32 $0xFFFFFFB0  }
0x1c1: {  	[tilespmem:s31], [sflag:$0xA] =	stream.linear.gather [hbm4b:s30+s2], $0x50, $0x38;
	[tilespmem:$0x1E300] =	vst v63  }
0x1c2: {  	_ =	swait.ge [sflag:s14], $0x50  }
0x1c3: {  	[sflag:s14] =	ssyncset.done $0x0  }
0x1c4: {  	[sflag:s14] =	ssyncadd.s32 $0xFFFFFFB0  }
0x1c5: {  	v3 =	vld [tilespmem:$0x100];
	_ =	sdelay $0x4  }
0x1c6: {  	v4 =	vshll.u32 v3, $0x1  }
0x1c7: {  	v3 =	vand.u32 $0x7, v3;
	v4 =	vand.u32 $0xFFFFFFF0, v4  }
0x1c8: {  	v3 =	vor.u32 v3, v4  }
0x1c9: {  	v4 =	vperm.xlane v3, v0;
	_ =	sdelay $0x1  }
0x1ca: {  	v3 =	vperm.xlane v3, v2;
	v4 =	vadd.s32 v1, v4;
	_ =	sdelay $0x1  }
0x1cb: {  	v3 =	vadd.s32 v1, v3;
	_ =	sdelay $0x2  }
0x1cc: {  	[tilespmem:s11], [sflag:$0x3] =	stream.indirect_vreg.gather [hbm4b:s3+s2], $0x80, v4, vm0, $0xb8;
	[tilespmem:$0x1E300] =	vst v63  }
0x1cd: {  	s31 =	simm.s32 $0xAB00  }
0x1ce: {  	[tilespmem:s31], [sflag:$0x3] =	stream.indirect_vreg.gather [hbm4b:s3+s2], $0x80, v3, vm0, $0xb8;
	[tilespmem:$0x1E300] =	vst v63  }
0x1cf: {  	v3 =	vld [tilespmem:$0x110];
	_ =	sdelay $0x4  }
0x1d0: {  	v55 =	vshll.u32 v3, $0x1  }
0x1d1: {  	v3 =	vand.u32 $0x7, v3;
	v4 =	vand.u32 $0xFFFFFFF0, v55  }
0x1d2: {  	v3 =	vor.u32 v3, v4  }
0x1d3: {  	v4 =	vperm.xlane v3, v0;
	_ =	sdelay $0x1  }
0x1d4: {  	v3 =	vperm.xlane v3, v2;
	v4 =	vadd.s32 v1, v4;
	_ =	sdelay $0x1  }
0x1d5: {  	v3 =	vadd.s32 v1, v3;
	_ =	sdelay $0x1  }
0x1d6: {  	s31 =	simm.s32 $0xB300  }
0x1d7: {  	[tilespmem:s31], [sflag:$0x3] =	stream.indirect_vreg.gather [hbm4b:s3+s2], $0x80, v4, vm0, $0xb8;
	[tilespmem:$0x1E300] =	vst v63  }
0x1d8: {  	s31 =	simm.s32 $0xBB00  }
0x1d9: {  	[tilespmem:s31], [sflag:$0x3] =	stream.indirect_vreg.gather [hbm4b:s3+s2], $0x80, v3, vm0, $0xb8;
	[tilespmem:$0x1E300] =	vst v63  }
0x1da: {  	v3 =	vld [tilespmem:$0x120];
	_ =	sdelay $0x4  }
0x1db: {  	v56 =	vshll.u32 v3, $0x1  }
0x1dc: {  	v3 =	vand.u32 $0x7, v3;
	v4 =	vand.u32 $0xFFFFFFF0, v56  }
0x1dd: {  	v3 =	vor.u32 v3, v4  }
0x1de: {  	v4 =	vperm.xlane v3, v0;
	_ =	sdelay $0x1  }
0x1df: {  	v3 =	vperm.xlane v3, v2;
	v4 =	vadd.s32 v1, v4;
	_ =	sdelay $0x1  }
0x1e0: {  	v3 =	vadd.s32 v1, v3;
	_ =	sdelay $0x1  }
0x1e1: {  	s31 =	simm.s32 $0xC300  }
0x1e2: {  	[tilespmem:s31], [sflag:$0x3] =	stream.indirect_vreg.gather [hbm4b:s3+s2], $0x80, v4, vm0, $0xb8;
	[tilespmem:$0x1E300] =	vst v63  }
0x1e3: {  	s31 =	simm.s32 $0xCB00  }
0x1e4: {  	[tilespmem:s31], [sflag:$0x3] =	stream.indirect_vreg.gather [hbm4b:s3+s2], $0x80, v3, vm0, $0xb8;
	[tilespmem:$0x1E300] =	vst v63  }
0x1e5: {  	v3 =	vld [tilespmem:$0x130];
	_ =	sdelay $0x4  }
0x1e6: {  	v57 =	vshll.u32 v3, $0x1  }
0x1e7: {  	v3 =	vand.u32 $0x7, v3;
	v4 =	vand.u32 $0xFFFFFFF0, v57  }
0x1e8: {  	v3 =	vor.u32 v3, v4  }
0x1e9: {  	v4 =	vperm.xlane v3, v0;
	_ =	sdelay $0x1  }
0x1ea: {  	v3 =	vperm.xlane v3, v2;
	v4 =	vadd.s32 v1, v4;
	_ =	sdelay $0x1  }
0x1eb: {  	v3 =	vadd.s32 v1, v3;
	_ =	sdelay $0x1  }
0x1ec: {  	s31 =	simm.s32 $0xD300  }
0x1ed: {  	[tilespmem:s31], [sflag:$0x3] =	stream.indirect_vreg.gather [hbm4b:s3+s2], $0x80, v4, vm0, $0xb8;
	[tilespmem:$0x1E300] =	vst v63  }
0x1ee: {  	s31 =	simm.s32 $0xDB00  }
0x1ef: {  	[tilespmem:s31], [sflag:$0x3] =	stream.indirect_vreg.gather [hbm4b:s3+s2], $0x80, v3, vm0, $0xb8;
	[tilespmem:$0x1E300] =	vst v63  }
0x1f0: {  	v3 =	vld [tilespmem:$0x140];
	_ =	sdelay $0x4  }
0x1f1: {  	v58 =	vshll.u32 v3, $0x1  }
0x1f2: {  	v3 =	vand.u32 $0x7, v3;
	v4 =	vand.u32 $0xFFFFFFF0, v58  }
0x1f3: {  	v3 =	vor.u32 v3, v4  }
0x1f4: {  	v4 =	vperm.xlane v3, v0;
	_ =	sdelay $0x1  }
0x1f5: {  	v3 =	vperm.xlane v3, v2;
	v4 =	vadd.s32 v1, v4;
	_ =	sdelay $0x1  }
0x1f6: {  	v3 =	vadd.s32 v1, v3;
	_ =	sdelay $0x1  }
0x1f7: {  	s31 =	simm.s32 $0xE300  }
0x1f8: {  	[tilespmem:s31], [sflag:$0x3] =	stream.indirect_vreg.gather [hbm4b:s3+s2], $0x80, v4, vm0, $0xb8;
	[tilespmem:$0x1E300] =	vst v63  }
0x1f9: {  	s31 =	simm.s32 $0xEB00  }
0x1fa: {  	[tilespmem:s31], [sflag:$0x3] =	stream.indirect_vreg.gather [hbm4b:s3+s2], $0x80, v3, vm0, $0xb8;
	[tilespmem:$0x1E300] =	vst v63  }
0x1fb: {  	v3 =	vld [tilespmem:$0x180];
	_ =	sdelay $0x4  }
0x1fc: {  	v59 =	vshll.u32 v3, $0x1  }
0x1fd: {  	v3 =	vand.u32 $0x7, v3;
	v4 =	vand.u32 $0xFFFFFFF0, v59  }
0x1fe: {  	v3 =	vor.u32 v3, v4  }
0x1ff: {  	v4 =	vperm.xlane v3, v0;
	_ =	sdelay $0x1  }
0x200: {  	v3 =	vperm.xlane v3, v2;
	v4 =	vadd.s32 v1, v4;
	_ =	sdelay $0x1  }
0x201: {  	v3 =	vadd.s32 v1, v3;
	_ =	sdelay $0x2  }
0x202: {  	[tilespmem:s24], [sflag:$0x4] =	stream.indirect_vreg.gather [hbm4b:s4+s2], $0x80, v4, vm0, $0xb8;
	[tilespmem:$0x1E300] =	vst v63  }
0x203: {  	s31 =	simm.s32 $0xFB00  }
0x204: {  	[tilespmem:s31], [sflag:$0x4] =	stream.indirect_vreg.gather [hbm4b:s4+s2], $0x80, v3, vm0, $0xb8;
	[tilespmem:$0x1E300] =	vst v63  }
0x205: {  	v3 =	vld [tilespmem:$0x190];
	_ =	sdelay $0x4  }
0x206: {  	v60 =	vshll.u32 v3, $0x1  }
0x207: {  	v3 =	vand.u32 $0x7, v3;
	v4 =	vand.u32 $0xFFFFFFF0, v60  }
0x208: {  	v3 =	vor.u32 v3, v4  }
0x209: {  	v4 =	vperm.xlane v3, v0;
	_ =	sdelay $0x1  }
0x20a: {  	v3 =	vperm.xlane v3, v2;
	v4 =	vadd.s32 v1, v4;
	_ =	sdelay $0x1  }
0x20b: {  	v3 =	vadd.s32 v1, v3;
	_ =	sdelay $0x1  }
0x20c: {  	s31 =	simm.s32 $0x10300  }
0x20d: {  	[tilespmem:s31], [sflag:$0x4] =	stream.indirect_vreg.gather [hbm4b:s4+s2], $0x80, v4, vm0, $0xb8;
	[tilespmem:$0x1E300] =	vst v63  }
0x20e: {  	s31 =	simm.s32 $0x10B00  }
0x20f: {  	[tilespmem:s31], [sflag:$0x4] =	stream.indirect_vreg.gather [hbm4b:s4+s2], $0x80, v3, vm0, $0xb8;
	[tilespmem:$0x1E300] =	vst v63  }
0x210: {  	v3 =	vld [tilespmem:$0x1A0];
	_ =	sdelay $0x4  }
0x211: {  	v61 =	vshll.u32 v3, $0x1  }
0x212: {  	v3 =	vand.u32 $0x7, v3;
	v4 =	vand.u32 $0xFFFFFFF0, v61  }
0x213: {  	v3 =	vor.u32 v3, v4  }
0x214: {  	v4 =	vperm.xlane v3, v0;
	_ =	sdelay $0x1  }
0x215: {  	v3 =	vperm.xlane v3, v2;
	v4 =	vadd.s32 v1, v4;
	_ =	sdelay $0x1  }
0x216: {  	v3 =	vadd.s32 v1, v3;
	_ =	sdelay $0x1  }
0x217: {  	s31 =	simm.s32 $0x11300  }
0x218: {  	[tilespmem:s31], [sflag:$0x4] =	stream.indirect_vreg.gather [hbm4b:s4+s2], $0x80, v4, vm0, $0xb8;
	[tilespmem:$0x1E300] =	vst v63  }
0x219: {  	s31 =	simm.s32 $0x11B00  }
0x21a: {  	[tilespmem:s31], [sflag:$0x4] =	stream.indirect_vreg.gather [hbm4b:s4+s2], $0x80, v3, vm0, $0xb8;
	[tilespmem:$0x1E300] =	vst v63  }
0x21b: {  	v3 =	vld [tilespmem:$0x1B0];
	_ =	sdelay $0x4  }
0x21c: {  	v62 =	vshll.u32 v3, $0x1  }
0x21d: {  	v3 =	vand.u32 $0x7, v3;
	v4 =	vand.u32 $0xFFFFFFF0, v62  }
0x21e: {  	v3 =	vor.u32 v3, v4  }
0x21f: {  	v4 =	vperm.xlane v3, v0;
	_ =	sdelay $0x1  }
0x220: {  	v3 =	vperm.xlane v3, v2;
	v4 =	vadd.s32 v1, v4;
	_ =	sdelay $0x1  }
0x221: {  	v3 =	vadd.s32 v1, v3;
	_ =	sdelay $0x2  }
0x222: {  	[tilespmem:s0], [sflag:$0x4] =	stream.indirect_vreg.gather [hbm4b:s4+s2], $0x80, v4, vm0, $0xb8;
	[tilespmem:$0x1E300] =	vst v63  }
0x223: {  	_ = 	snop  }
0x224: {  	[tilespmem:s1], [sflag:$0x4] =	stream.indirect_vreg.gather [hbm4b:s4+s2], $0x80, v3, vm0, $0xb8;
	[tilespmem:$0x1E300] =	vst v63  }
0x225: {  	v3 =	vld [tilespmem:$0x1C0];
	_ =	sdelay $0x4  }
0x226: {  	v63 =	vshll.u32 v3, $0x1  }
0x227: {  	v3 =	vand.u32 $0x7, v3;
	v4 =	vand.u32 $0xFFFFFFF0, v63  }
0x228: {  	v3 =	vor.u32 v3, v4  }
0x229: {  	v4 =	vperm.xlane v3, v0;
	_ =	sdelay $0x1  }
0x22a: {  	v3 =	vperm.xlane v3, v2;
	v4 =	vadd.s32 v1, v4;
	_ =	sdelay $0x1  }
0x22b: {  	v3 =	vadd.s32 v1, v3  }
.Ltmp9:
0x22c: {  	_ = 	snop;
	(pc) =	sbr.rel .LBB2_10-.Ltmp9, $4  }
0x22d: {  	_ = 	snop  }
0x22e: {  	[tilespmem:s5], [sflag:$0x4] =	stream.indirect_vreg.gather [hbm4b:s4+s2], $0x80, v4, vm0, $0xb8;
	[tilespmem:$0x1E300] =	vst v63  }
0x22f: {  	_ = 	snop  }
0x230: {  	[tilespmem:s6], [sflag:$0x4] =	stream.indirect_vreg.gather [hbm4b:s4+s2], $0x80, v3, vm0, $0xb8;
	[tilespmem:$0x1E300] =	vst v63  }
.LBB2_4:
0x231: {  	_ =	swait.ge [sflag:s20], $0x5000  }
0x232: {  	[sflag:s20] =	ssyncset.done $0x0  }
0x233: {  	[sflag:s20] =	ssyncadd.s32 $0xFFFFB000  }
0x234: {  	p0 =	sgt.u32 s29, $0x7A;
	_ =	swait.ge [sflag:s21], $0x5000  }
.Ltmp10:
0x235: {  	[sflag:s21] =	ssyncset.done $0x0;
	(pc) =	sbr.rel @p0 .LBB2_10-.Ltmp10, $4  }
0x236: {  	[sflag:s21] =	ssyncadd.s32 $0xFFFFB000  }
0x237: {  	[hbm4b:s25+s2] =	stream.linear.scatter [tilespmem:s16], [sflag:$0x7], $0x5000, $0x38;
	[tilespmem:$0x1E300] =	vst v63  }
0x238: {  	_ = 	snop  }
0x239: {  	[hbm4b:s23+s2] =	stream.linear.scatter [tilespmem:s26], [sflag:$0x7], $0x5000, $0x38;
	[tilespmem:$0x1E300] =	vst v63  }
0x23a: {  	p0 =	seq.s32 s28, $0x0  }
0x23b: {  	s30 =	simm.s32 @!p0 $0x9  }
0x23c: {  	_ =	swait.ge @!p0 [sflag:s30], $0x5000  }
0x23d: {  	[sflag:s30] =	ssyncset.done @!p0 $0x0  }
0x23e: {  	[sflag:s30] =	ssyncadd.s32 @!p0 $0xFFFFB000  }
0x23f: {  	_ =	swait.ge @!p0 [sflag:s30], $0x5000  }
0x240: {  	[sflag:s30] =	ssyncset.done @!p0 $0x0  }
0x241: {  	s31 =	simm.s32 $0x200;
	[sflag:s30] =	ssyncadd.s32 @!p0 $0xFFFFB000;
	s30 =	sadd.s32 s28, s12  }
0x242: {  	[tilespmem:s31], [sflag:$0xA] =	stream.linear.gather [hbm4b:s30+s2], $0x50, $0x38;
	[tilespmem:$0x1E300] =	vst v63  }
0x243: {  	_ =	swait.ge [sflag:s14], $0x50  }
0x244: {  	[sflag:s14] =	ssyncset.done $0x0  }
0x245: {  	s30 =	sadd.s32 s28, s10;
	s31 =	simm.s32 $0x280;
	[sflag:s14] =	ssyncadd.s32 $0xFFFFFFB0  }
0x246: {  	[tilespmem:s31], [sflag:$0xA] =	stream.linear.gather [hbm4b:s30+s2], $0x50, $0x38;
	[tilespmem:$0x1E300] =	vst v63  }
0x247: {  	_ =	swait.ge [sflag:s14], $0x50  }
0x248: {  	[sflag:s14] =	ssyncset.done $0x0  }
0x249: {  	[sflag:s14] =	ssyncadd.s32 $0xFFFFFFB0  }
0x24a: {  	v3 =	vld [tilespmem:$0x200];
	_ =	sdelay $0x4  }
0x24b: {  	v4 =	vshll.u32 v3, $0x1  }
0x24c: {  	v3 =	vand.u32 $0x7, v3;
	v4 =	vand.u32 $0xFFFFFFF0, v4  }
0x24d: {  	v3 =	vor.u32 v3, v4  }
0x24e: {  	v4 =	vperm.xlane v3, v0;
	_ =	sdelay $0x1  }
0x24f: {  	v3 =	vperm.xlane v3, v2;
	v4 =	vadd.s32 v1, v4;
	_ =	sdelay $0x1  }
0x250: {  	v3 =	vadd.s32 v1, v3;
	_ =	sdelay $0x2  }
0x251: {  	[tilespmem:s9], [sflag:$0x5] =	stream.indirect_vreg.gather [hbm4b:s3+s2], $0x80, v4, vm0, $0xb8;
	[tilespmem:$0x1E300] =	vst v63  }
0x252: {  	s31 =	simm.s32 $0x14B00  }
0x253: {  	[tilespmem:s31], [sflag:$0x5] =	stream.indirect_vreg.gather [hbm4b:s3+s2], $0x80, v3, vm0, $0xb8;
	[tilespmem:$0x1E300] =	vst v63  }
0x254: {  	v3 =	vld [tilespmem:$0x210];
	_ =	sdelay $0x4  }
0x255: {  	v55 =	vshll.u32 v3, $0x1  }
0x256: {  	v3 =	vand.u32 $0x7, v3;
	v4 =	vand.u32 $0xFFFFFFF0, v55  }
0x257: {  	v3 =	vor.u32 v3, v4  }
0x258: {  	v4 =	vperm.xlane v3, v0;
	_ =	sdelay $0x1  }
0x259: {  	v3 =	vperm.xlane v3, v2;
	v4 =	vadd.s32 v1, v4;
	_ =	sdelay $0x1  }
0x25a: {  	v3 =	vadd.s32 v1, v3;
	_ =	sdelay $0x1  }
0x25b: {  	s31 =	simm.s32 $0x15300  }
0x25c: {  	[tilespmem:s31], [sflag:$0x5] =	stream.indirect_vreg.gather [hbm4b:s3+s2], $0x80, v4, vm0, $0xb8;
	[tilespmem:$0x1E300] =	vst v63  }
0x25d: {  	s31 =	simm.s32 $0x15B00  }
0x25e: {  	[tilespmem:s31], [sflag:$0x5] =	stream.indirect_vreg.gather [hbm4b:s3+s2], $0x80, v3, vm0, $0xb8;
	[tilespmem:$0x1E300] =	vst v63  }
0x25f: {  	v3 =	vld [tilespmem:$0x220];
	_ =	sdelay $0x4  }
0x260: {  	v56 =	vshll.u32 v3, $0x1  }
0x261: {  	v3 =	vand.u32 $0x7, v3;
	v4 =	vand.u32 $0xFFFFFFF0, v56  }
0x262: {  	v3 =	vor.u32 v3, v4  }
0x263: {  	v4 =	vperm.xlane v3, v0;
	_ =	sdelay $0x1  }
0x264: {  	v3 =	vperm.xlane v3, v2;
	v4 =	vadd.s32 v1, v4;
	_ =	sdelay $0x1  }
0x265: {  	v3 =	vadd.s32 v1, v3;
	_ =	sdelay $0x1  }
0x266: {  	s31 =	simm.s32 $0x16300  }
0x267: {  	[tilespmem:s31], [sflag:$0x5] =	stream.indirect_vreg.gather [hbm4b:s3+s2], $0x80, v4, vm0, $0xb8;
	[tilespmem:$0x1E300] =	vst v63  }
0x268: {  	s31 =	simm.s32 $0x16B00  }
0x269: {  	[tilespmem:s31], [sflag:$0x5] =	stream.indirect_vreg.gather [hbm4b:s3+s2], $0x80, v3, vm0, $0xb8;
	[tilespmem:$0x1E300] =	vst v63  }
0x26a: {  	v3 =	vld [tilespmem:$0x230];
	_ =	sdelay $0x4  }
0x26b: {  	v57 =	vshll.u32 v3, $0x1  }
0x26c: {  	v3 =	vand.u32 $0x7, v3;
	v4 =	vand.u32 $0xFFFFFFF0, v57  }
0x26d: {  	v3 =	vor.u32 v3, v4  }
0x26e: {  	v4 =	vperm.xlane v3, v0;
	_ =	sdelay $0x1  }
0x26f: {  	v3 =	vperm.xlane v3, v2;
	v4 =	vadd.s32 v1, v4;
	_ =	sdelay $0x1  }
0x270: {  	v3 =	vadd.s32 v1, v3;
	_ =	sdelay $0x1  }
0x271: {  	s31 =	simm.s32 $0x17300  }
0x272: {  	[tilespmem:s31], [sflag:$0x5] =	stream.indirect_vreg.gather [hbm4b:s3+s2], $0x80, v4, vm0, $0xb8;
	[tilespmem:$0x1E300] =	vst v63  }
0x273: {  	s31 =	simm.s32 $0x17B00  }
0x274: {  	[tilespmem:s31], [sflag:$0x5] =	stream.indirect_vreg.gather [hbm4b:s3+s2], $0x80, v3, vm0, $0xb8;
	[tilespmem:$0x1E300] =	vst v63  }
0x275: {  	v3 =	vld [tilespmem:$0x240];
	_ =	sdelay $0x4  }
0x276: {  	v58 =	vshll.u32 v3, $0x1  }
0x277: {  	v3 =	vand.u32 $0x7, v3;
	v4 =	vand.u32 $0xFFFFFFF0, v58  }
0x278: {  	v3 =	vor.u32 v3, v4  }
0x279: {  	v4 =	vperm.xlane v3, v0;
	_ =	sdelay $0x1  }
0x27a: {  	v3 =	vperm.xlane v3, v2;
	v4 =	vadd.s32 v1, v4;
	_ =	sdelay $0x1  }
0x27b: {  	v3 =	vadd.s32 v1, v3;
	_ =	sdelay $0x1  }
0x27c: {  	s31 =	simm.s32 $0x18300  }
0x27d: {  	[tilespmem:s31], [sflag:$0x5] =	stream.indirect_vreg.gather [hbm4b:s3+s2], $0x80, v4, vm0, $0xb8;
	[tilespmem:$0x1E300] =	vst v63  }
0x27e: {  	s31 =	simm.s32 $0x18B00  }
0x27f: {  	[tilespmem:s31], [sflag:$0x5] =	stream.indirect_vreg.gather [hbm4b:s3+s2], $0x80, v3, vm0, $0xb8;
	[tilespmem:$0x1E300] =	vst v63  }
0x280: {  	v3 =	vld [tilespmem:$0x280];
	_ =	sdelay $0x4  }
0x281: {  	v59 =	vshll.u32 v3, $0x1  }
0x282: {  	v3 =	vand.u32 $0x7, v3;
	v4 =	vand.u32 $0xFFFFFFF0, v59  }
0x283: {  	v3 =	vor.u32 v3, v4  }
0x284: {  	v4 =	vperm.xlane v3, v0;
	_ =	sdelay $0x1  }
0x285: {  	v3 =	vperm.xlane v3, v2;
	v4 =	vadd.s32 v1, v4;
	_ =	sdelay $0x1  }
0x286: {  	v3 =	vadd.s32 v1, v3;
	_ =	sdelay $0x2  }
0x287: {  	[tilespmem:s13], [sflag:$0x6] =	stream.indirect_vreg.gather [hbm4b:s4+s2], $0x80, v4, vm0, $0xb8;
	[tilespmem:$0x1E300] =	vst v63  }
0x288: {  	s31 =	simm.s32 $0x19B00  }
0x289: {  	[tilespmem:s31], [sflag:$0x6] =	stream.indirect_vreg.gather [hbm4b:s4+s2], $0x80, v3, vm0, $0xb8;
	[tilespmem:$0x1E300] =	vst v63  }
0x28a: {  	v3 =	vld [tilespmem:$0x290];
	_ =	sdelay $0x4  }
0x28b: {  	v60 =	vshll.u32 v3, $0x1  }
0x28c: {  	v3 =	vand.u32 $0x7, v3;
	v4 =	vand.u32 $0xFFFFFFF0, v60  }
0x28d: {  	v3 =	vor.u32 v3, v4  }
0x28e: {  	v4 =	vperm.xlane v3, v0;
	_ =	sdelay $0x1  }
0x28f: {  	v3 =	vperm.xlane v3, v2;
	v4 =	vadd.s32 v1, v4;
	_ =	sdelay $0x1  }
0x290: {  	v3 =	vadd.s32 v1, v3;
	_ =	sdelay $0x1  }
0x291: {  	s31 =	simm.s32 $0x1A300  }
0x292: {  	[tilespmem:s31], [sflag:$0x6] =	stream.indirect_vreg.gather [hbm4b:s4+s2], $0x80, v4, vm0, $0xb8;
	[tilespmem:$0x1E300] =	vst v63  }
0x293: {  	s31 =	simm.s32 $0x1AB00  }
0x294: {  	[tilespmem:s31], [sflag:$0x6] =	stream.indirect_vreg.gather [hbm4b:s4+s2], $0x80, v3, vm0, $0xb8;
	[tilespmem:$0x1E300] =	vst v63  }
0x295: {  	v3 =	vld [tilespmem:$0x2A0];
	_ =	sdelay $0x4  }
0x296: {  	v61 =	vshll.u32 v3, $0x1  }
0x297: {  	v3 =	vand.u32 $0x7, v3;
	v4 =	vand.u32 $0xFFFFFFF0, v61  }
0x298: {  	v3 =	vor.u32 v3, v4  }
0x299: {  	v4 =	vperm.xlane v3, v0;
	_ =	sdelay $0x1  }
0x29a: {  	v3 =	vperm.xlane v3, v2;
	v4 =	vadd.s32 v1, v4;
	_ =	sdelay $0x1  }
0x29b: {  	v3 =	vadd.s32 v1, v3;
	_ =	sdelay $0x1  }
0x29c: {  	s31 =	simm.s32 $0x1B300  }
0x29d: {  	[tilespmem:s31], [sflag:$0x6] =	stream.indirect_vreg.gather [hbm4b:s4+s2], $0x80, v4, vm0, $0xb8;
	[tilespmem:$0x1E300] =	vst v63  }
0x29e: {  	s31 =	simm.s32 $0x1BB00  }
0x29f: {  	[tilespmem:s31], [sflag:$0x6] =	stream.indirect_vreg.gather [hbm4b:s4+s2], $0x80, v3, vm0, $0xb8;
	[tilespmem:$0x1E300] =	vst v63  }
0x2a0: {  	v3 =	vld [tilespmem:$0x2B0];
	_ =	sdelay $0x4  }
0x2a1: {  	v62 =	vshll.u32 v3, $0x1  }
0x2a2: {  	v3 =	vand.u32 $0x7, v3;
	v4 =	vand.u32 $0xFFFFFFF0, v62  }
0x2a3: {  	v3 =	vor.u32 v3, v4  }
0x2a4: {  	v4 =	vperm.xlane v3, v0;
	_ =	sdelay $0x1  }
0x2a5: {  	v3 =	vperm.xlane v3, v2;
	v4 =	vadd.s32 v1, v4;
	_ =	sdelay $0x1  }
0x2a6: {  	v3 =	vadd.s32 v1, v3;
	_ =	sdelay $0x1  }
0x2a7: {  	s31 =	simm.s32 $0x1C300  }
0x2a8: {  	[tilespmem:s31], [sflag:$0x6] =	stream.indirect_vreg.gather [hbm4b:s4+s2], $0x80, v4, vm0, $0xb8;
	[tilespmem:$0x1E300] =	vst v63  }
0x2a9: {  	s31 =	simm.s32 $0x1CB00  }
0x2aa: {  	[tilespmem:s31], [sflag:$0x6] =	stream.indirect_vreg.gather [hbm4b:s4+s2], $0x80, v3, vm0, $0xb8;
	[tilespmem:$0x1E300] =	vst v63  }
0x2ab: {  	v3 =	vld [tilespmem:$0x2C0];
	_ =	sdelay $0x4  }
0x2ac: {  	v63 =	vshll.u32 v3, $0x1  }
0x2ad: {  	v3 =	vand.u32 $0x7, v3;
	v4 =	vand.u32 $0xFFFFFFF0, v63  }
0x2ae: {  	v3 =	vor.u32 v3, v4  }
0x2af: {  	v4 =	vperm.xlane v3, v0;
	_ =	sdelay $0x1  }
0x2b0: {  	v3 =	vperm.xlane v3, v2;
	v4 =	vadd.s32 v1, v4;
	_ =	sdelay $0x1  }
0x2b1: {  	v3 =	vadd.s32 v1, v3  }
.Ltmp11:
0x2b2: {  	_ = 	snop;
	(pc) =	sbr.rel .LBB2_10-.Ltmp11, $4  }
0x2b3: {  	s31 =	simm.s32 $0x1D300  }
0x2b4: {  	[tilespmem:s31], [sflag:$0x6] =	stream.indirect_vreg.gather [hbm4b:s4+s2], $0x80, v4, vm0, $0xb8;
	[tilespmem:$0x1E300] =	vst v63  }
0x2b5: {  	s31 =	simm.s32 $0x1DB00  }
0x2b6: {  	[tilespmem:s31], [sflag:$0x6] =	stream.indirect_vreg.gather [hbm4b:s4+s2], $0x80, v3, vm0, $0xb8;
	[tilespmem:$0x1E300] =	vst v63  }
.LBB2_12:
0x2b7: {  	_ =	sfence.sel $0x180000  }
0x2b8: {  	[bflag:$0x0] =	sbarrier.arrive $0xFFFF  }
0x2b9: {  	_ =	strace $0x90000053  }
0x2ba: {  	s0 =	stileid.u32;
	[bflag:$0x2] =	sbarrier.arrive $0xFFFF  }
0x2bb: {  	p0 =	sne.s32 s0, $0x0;
	s0 =	rddreg [dreg:$0x2]  }
0x2bc: {  	s0 =	sadd.s32 @!p0 $0x100000, s0  }
0x2bd: {  	[sflag:s0] =	ssyncadd.tile.s32 @!p0 $0x1;
	_ =	shalt  }
.Lfunc_end2:
_tile_overlayer_lowered:
.L_overlay_start_2:
0x2be: {  	(tag) =	ssettag $0x2  }
0x2bf: {  	s0 =	rddreg [dreg:$0x0];
	s2 =	stileid.u32  }
0x2c0: {  	s1 =	rddreg [dreg:$0x1];
	p0 =	sne.s32 s2, $0x0  }
0x2c1: {  	s3 =	rddreg [dreg:$0x2];
	[bflag:$0x3] =	sbarrier.arrive $0xFFFF;
	s2 =	simm.s32 @!p0 $0x1C0A  }
0x2c2: {  	[timem:s3], [sflag:s2] =	dma.local @!p0 [hbm:s0], s1  }
0x2c3: {  	s0 =	simm.s32 @!p0 $0xA  }
0x2c4: {  	_ =	swait.ge @!p0 [sflag:s0], s1  }
0x2c5: {  	s1 =	ssub.s32 @!p0 $0x0, s1;
	[sflag:s0] =	ssyncset.done @!p0 $0x0  }
0x2c6: {  	[sflag:s0] =	ssyncadd.s32 @!p0 s1  }
0x2c7: {  	[bflag:$0x3] =	sbarrier.arrive $0xFFFF  }
0x2c8: {  	_ =	shalt  }

// kernel: kernel.30.cloned.1.call-start
scs
__scs_entry_jumppad:
0x0: {  	(pc) =	sbr.rel $0x88, $3  }
0x1: {  	(tag) =	ssettag $0x0;
	lr =	simm.s32 $0x1  }
0x2: {  	[smem:$0x3F88] =	sst lr;
	_ =	strace $0xD0000000  }
0x3: {  	_ = 	snop  }
0x4: {  	_ = 	snop  }
0x5: {  	_ = 	snop  }
0x6: {  	_ = 	snop  }
0x7: {  	_ = 	snop  }
__scs_overlays_trampoline_lowered:
0x8: {  	[smem:$0x3F97] =	sst s0  }
0x9: {  	[smem:$0x3F98] =	sst s1  }
0xa: {  	[smem:$0x3F99] =	sst s2  }
0xb: {  	[smem:$0x3F9A] =	sst s3  }
0xc: {  	[smem:$0x3F9B] =	sst s4  }
0xd: {  	[smem:$0x3F9C] =	sst s5  }
0xe: {  	[smem:$0x3F9D] =	sst s6  }
0xf: {  	[smem:$0x3F9E] =	sst s7  }
0x10: {  	[smem:$0x3F9F] =	sst s8  }
0x11: {  	[smem:$0x3FA0] =	sst s9;
	s0 =	simm.s32 @!p0 $0x0  }
0x12: {  	s1 =	sld [smem:$0x3F86];
	s0 =	simm.s32 @p0 $0x1  }
0x13: {  	[smem:$0x3FA1] =	sst s0;
	s0 =	simm.s32 @!p1 $0x0  }
0x14: {  	s2 =	sld [smem:$0x3F85];
	s0 =	simm.s32 @p1 $0x1  }
0x15: {  	[smem:$0x3FA2] =	sst s0;
	s0 =	simm.s32 @!p2 $0x0  }
0x16: {  	s3 =	sld [smem:$0x3FDB];
	s0 =	simm.s32 @p2 $0x1  }
0x17: {  	s4 =	simm.s32 $0x1BF5;
	[smem:$0x3FA4] =	sst s0  }
0x18: {  	s0 =	sld [smem:$0x3F87];
	_ =	swait.ge [sflag:s4], $0x0  }
0x19: {  	s7 =	sld [smem:$0x3F88]  }
0x1a: {  	s8 =	sadd.s32 $0xFFFFE003, lr  }
0x1b: {  	s9 =	sadd.s32 $0xFFFFFEF7, lr;
	s5 =	simm.s32 $0xFFFFFFFF;
	p2 =	slt.u32 s8, $0xFFFFF086  }
0x1c: {  	p1 =	slt.u32 s9, $0xF7A;
	s5 =	simm.s32 @!p2 $0x0  }
0x1d: {  	s5 =	simm.s32 @p1 $0x1;
	p0 =	seq.s32 s7, s2  }
0x1e: {  	s7 =	smul.u32 @!p0 $0xF7A, s2;
	p2 =	seq.s32 @!p0 s5, $0x0  }
0x1f: {  	s9 =	smul.u32 $0xF7A, s1;
	s8 =	simm.s32 @!p0 $0x1BF5;
	p2 =	por !p2, p0  }
0x20: {  	[sflag:s8] =	ssyncset.s32 @!p0 $0xFFFFF086;
	s6 =	sadd.s32 @!p0 s3, s7;
	s7 =	simm.s32 @!p0 $0x108  }
0x21: {  	s3 =	sadd.s32 s3, s9;
	s6 =	sadd.s32 @!p0 $0x88, s6;
	s7 =	simm.s32 @p2 $0x1082  }
0x22: {  	[simem:s7], [sflag:s8] =	dma.local @!p0 [hbm:s6], $0xF7A  }
0x23: {  	s9 =	sor.u32 $0xD0000000, s2;
	s6 =	simm.s32 $0x108;
	_ =	swait.ge @!p0 [sflag:s8], $0x0  }
0x24: {  	s3 =	sadd.s32 $0x88, s3;
	s6 =	simm.s32 @!p1 $0x1082;
	[sflag:s4] =	ssyncset.s32 $0xFFFFF086  }
0x25: {  	[simem:s6], [sflag:s4] =	dma.local [hbm:s3], $0xF7A  }
0x26: {  	[smem:$0x3F88] =	sst s1;
	(tag) =	ssettag s2;
	_ =	strace s9  }
0x27: {  	s1 =	sld [smem:$0x3F98]  }
0x28: {  	s2 =	sld [smem:$0x3F99]  }
0x29: {  	s4 =	sld [smem:$0x3F9B]  }
0x2a: {  	p0 =	seq.s32 s5, $0x0;
	s5 =	sld [smem:$0x3F9C]  }
0x2b: {  	s6 =	sld [smem:$0x3F9D]  }
0x2c: {  	s7 =	sld [smem:$0x3F9E]  }
0x2d: {  	s3 =	simm.s32 $0x108;
	s8 =	sld [smem:$0x3F9F]  }
0x2e: {  	s3 =	simm.s32 @!p0 $0x1082;
	s9 =	sld [smem:$0x3FA0]  }
0x2f: {  	lr =	sadd.s32 s0, s3;
	s0 =	sld [smem:$0x3F97]  }
0x30: {  	s3 =	sld [smem:$0x3F9A]  }
0x31: {  	[smem:$0x3FA3] =	sst s10  }
0x32: {  	s10 =	sld [smem:$0x3FA1];
	_ =	sdelay $0x3  }
0x33: {  	p0 =	seq.s32 s10, $0x1;
	s10 =	sld [smem:$0x3FA3];
	_ =	sdelay $0x3  }
0x34: {  	[smem:$0x3FA3] =	sst s10  }
0x35: {  	s10 =	sld [smem:$0x3FA2];
	_ =	sdelay $0x3  }
0x36: {  	p1 =	seq.s32 s10, $0x1;
	s10 =	sld [smem:$0x3FA3];
	_ =	sdelay $0x3  }
0x37: {  	[smem:$0x3FA3] =	sst s10  }
0x38: {  	s10 =	sld [smem:$0x3FA4]  }
0x39: {  	_ = 	snop;
	(pc) =	sbr.ind lr, $3  }
0x3a: {  	_ = 	snop  }
0x3b: {  	_ = 	snop  }
0x3c: {  	p2 =	seq.s32 s10, $0x1;
	s10 =	sld [smem:$0x3FA3]  }
0x3d: {  	_ =	shalt  }
0x3e: {  	_ =	shalt  }
0x3f: {  	_ =	shalt  }
0x40: {  	_ =	shalt  }
0x41: {  	_ =	shalt  }
0x42: {  	_ =	shalt  }
0x43: {  	_ =	shalt  }
0x44: {  	_ =	shalt  }
0x45: {  	_ =	shalt  }
0x46: {  	_ =	shalt  }
0x47: {  	_ =	shalt  }
0x48: {  	_ =	shalt  }
0x49: {  	_ =	shalt  }
0x4a: {  	_ =	shalt  }
0x4b: {  	_ =	shalt  }
0x4c: {  	_ =	shalt  }
0x4d: {  	_ =	shalt  }
0x4e: {  	_ =	shalt  }
0x4f: {  	_ =	shalt  }
0x50: {  	_ =	shalt  }
0x51: {  	_ =	shalt  }
0x52: {  	_ =	shalt  }
0x53: {  	_ =	shalt  }
0x54: {  	_ =	shalt  }
0x55: {  	_ =	shalt  }
0x56: {  	_ =	shalt  }
0x57: {  	_ =	shalt  }
0x58: {  	_ =	shalt  }
0x59: {  	_ =	shalt  }
0x5a: {  	_ =	shalt  }
0x5b: {  	_ =	shalt  }
0x5c: {  	_ =	shalt  }
0x5d: {  	_ =	shalt  }
0x5e: {  	_ =	shalt  }
0x5f: {  	_ =	shalt  }
0x60: {  	_ =	shalt  }
0x61: {  	_ =	shalt  }
0x62: {  	_ =	shalt  }
0x63: {  	_ =	shalt  }
0x64: {  	_ =	shalt  }
0x65: {  	_ =	shalt  }
0x66: {  	_ =	shalt  }
0x67: {  	_ =	shalt  }
0x68: {  	_ =	shalt  }
0x69: {  	_ =	shalt  }
0x6a: {  	_ =	shalt  }
0x6b: {  	_ =	shalt  }
0x6c: {  	_ =	shalt  }
0x6d: {  	_ =	shalt  }
0x6e: {  	_ =	shalt  }
0x6f: {  	_ =	shalt  }
0x70: {  	_ =	shalt  }
0x71: {  	_ =	shalt  }
0x72: {  	_ =	shalt  }
0x73: {  	_ =	shalt  }
0x74: {  	_ =	shalt  }
0x75: {  	_ =	shalt  }
0x76: {  	_ =	shalt  }
0x77: {  	_ =	shalt  }
0x78: {  	_ =	shalt  }
0x79: {  	_ =	shalt  }
0x7a: {  	_ =	shalt  }
0x7b: {  	_ =	shalt  }
0x7c: {  	_ =	shalt  }
0x7d: {  	_ =	shalt  }
0x7e: {  	_ =	shalt  }
0x7f: {  	_ =	shalt  }
0x80: {  	_ =	shalt  }
0x81: {  	_ =	shalt  }
0x82: {  	_ =	shalt  }
0x83: {  	_ =	shalt  }
0x84: {  	_ =	shalt  }
0x85: {  	_ =	shalt  }
0x86: {  	_ =	shalt  }
0x87: {  	_ =	shalt  }
.Lfunc_end0:
.L_simem_size_0:
called_computation.5_lowered:
.L_overlay_start_0:
0x88: {  	s2 =	sld [smem:$0x3FD9]  }
0x89: {  	s3 =	sld [smem:$0x3FFE];
	_ =	sdelay $0x1  }
0x8a: {  	s1 =	srdreg.scid  }
0x8b: {  	s0 =	sand.u32 $0x1, s1  }
0x8c: {  	s16 =	sshll.u32 s0, $0xA;
	s2 =	sadd.s32 s3, s2  }
0x8d: {  	s2 =	sadd.s32 s2, s16  }
0x8e: {  	[smem:$0x3FAF] =	sst s2  }
0x8f: {  	_ = 	snop  }
0x90: {  	(tm) =	ssettm $0x1  }
0x91: {  	s17 =	sld [smem:$0x3FFB];
	_ =	sdelay $0x3  }
0x92: {  	_ =	strace s17  }
0x93: {  	s2 =	sld [smem:$0x3FFC];
	_ =	sdelay $0x3  }
0x94: {  	_ =	strace s2  }
0x95: {  	s2 =	sld [smem:$0x3FFD];
	_ =	sdelay $0x3  }
0x96: {  	_ =	strace s2  }
0x97: {  	_ =	strace $0x8FFFFFFF  }
0x98: {  	s18 =	sld [smem:$0x3FDB];
	_ =	sdelay $0x1  }
0x99: {  	s19 =	simm.s32 $_scs_section_size  }
0x9a: {  	s4 =	simm.s32 $_size__tile_overlayer_lowered;
	s5 =	simm.s32 $_tile_overlayer_lowered  }
0x9b: {  	s22 =	simm.s32 $0x1BFF;
	s21 =	sshll.u32 s5, $0x1;
	s2 =	sadd.s32 s19, s18  }
0x9c: {  	s6 =	simm.s32 $0x0;
	s20 =	sshll.u32 s4, $0x1;
	s4 =	sadd.s32 s21, s2  }
0x9d: {  	[timem:s6], [sflag:s22] =	dma.local [hbm:s4], s20  }
0x9e: {  	_ =	swait.ge [sflag:s22], s20  }
0x9f: {  	s3 =	ssub.s32 $0x0, s20;
	[sflag:s22] =	ssyncset.done $0x0  }
0xa0: {  	[sflag:s22] =	ssyncadd.s32 s3;
	_ =	sdelay $0x1  }
0xa1: {  	s23 =	simm.s32 $0x1B8B  }
0xa2: {  	_ =	swait.ge [sflag:s23], $0x1  }
0xa3: {  	[sflag:s23] =	ssyncset.done $0x0  }
0xa4: {  	s25 =	simm.s32 $0x1B8E;
	s24 =	sld [smem:$0x3FFE];
	[sflag:s23] =	ssyncadd.s32 $0xFFFFFFFF  }
0xa5: {  	s26 =	simm.s32 $execute0_lowered;
	[smem:$0x3FD2] =	sst s25  }
0xa6: {  	s4 =	sshll.u32 s26, $0x1;
	_ =	strace $0x80000055;
	[dreg:$0x1] =	wrdreg $0xFFFFFFFF  }
0xa7: {  	s28 =	simm.s32 $_size_execute0_lowered;
	s2 =	sadd.s32 s2, s4;
	[dreg:$0x0] =	wrdreg $0x0  }
0xa8: {  	s4 =	sshll.u32 s28, $0x1;
	[dreg:$0x2] =	wrdreg s2  }
0xa9: {  	[dreg:$0x3] =	wrdreg s4  }
0xaa: {  	[dreg:$0x4] =	wrdreg $0xC0  }
0xab: {  	_ =	task [dreg:s6], $0x5FFFF  }
0xac: {  	[dreg:$0x1] =	wrdreg $0xFFFFFFFF  }
0xad: {  	[dreg:$0x0] =	wrdreg $0x60  }
0xae: {  	[dreg:$0x2] =	wrdreg s24  }
0xaf: {  	[dreg:$0x3] =	wrdreg $0x51000  }
0xb0: {  	[dreg:$0x4] =	wrdreg $0x9  }
0xb1: {  	_ =	task.clear_ibuf [dreg:s6], $0x5FFFF;
	_ =	strace $0x90000055  }
0xb2: {  	s29 =	simm.s32 $0x9;
	_ =	strace $0x80000057  }
0xb3: {  	_ =	swait.ge [sflag:s29], $0x1  }
0xb4: {  	[sflag:s29] =	ssyncadd.s32 $0xFFFFFFFF  }
0xb5: {  	_ =	strace $0x90000057  }
0xb6: {  	_ =	sfence  }
0xb7: {  	s30 =	sld [smem:$0x0];
	_ =	sdelay $0x2  }
0xb8: {  	s31 =	sshll.u32 s1, $0xD;
	s1 =	sshrl.u32 s1, $0x2  }
0xb9: {  	s3 =	sand.u32 $0x4000, s31;
	s1 =	sadd.s32 s1, s30  }
0xba: {  	s0 =	sor.u32 s3, s0;
	s1 =	sshll.u32 s1, $0x11  }
0xbb: {  	s0 =	sor.u32 s1, s0  }
0xbc: {  	s0 =	sadd.s32 $0x8F2B, s0  }
0xbd: {  	[sflag:s0] =	ssyncadd.remote.s32 $0x1  }
0xbe: {  	_ =	sfence.sel $0xFFFF  }
0xbf: {  	[dreg:$0x0] =	wrdreg $0xFFFFFFFF;
	(pc) =	sbr.abs _section_cstart, $3  }
0xc0: {  	[dreg:$0x1] =	wrdreg $0xFFFFFFFF  }
0xc1: {  	_ =	task.clear_ibuf [dreg:s6], $0x2FFFF;
	_ =	strace $0x9FFFFFFF  }
0xc2: {  	(tm) =	ssettm $0x7FFFFFFF  }
0xc3: {  	_ =	shalt  }
tec
execute0_lowered:
.L_overlay_start_1:
0x0: {  	(tag) =	ssettag $0x1  }
0x1: {  	s5 =	rddreg [dreg:$0x0]  }
0x2: {  	s2 =	rddreg [dreg:$0x1]  }
0x3: {  	s4 =	srdreg.scid;
	s0 =	stileid.u32;
	s3 =	simm.s32 $0x0  }
0x4: {  	s16 =	simm.s32 $0x100;
	s17 =	simm.s32 $0x3;
	s19 =	simm.s32 $0x800  }
0x5: {  	s20 =	simm.s32 $0x2;
	s21 =	simm.s32 $0x50;
	s7 =	smul.u32 $0x28000, s0  }
0x6: {  	s22 =	simm.s32 $0x2900;
	s23 =	simm.s32 $0x0;
	s9 =	smul.u32 $0x50000, s0  }
0x7: {  	s6 =	sand.u32 $0x1, s4;
	[smem:$0x7FF] =	sst s3;
	s28 =	smul.u32 $0x4E2000, s0  }
0x8: {  	s4 =	sadd.s32 $0x22AB800, s5;
	s12 =	sadd.s32 $0x2F600, s5;
	s30 =	smul.u32 $0x4E20, s0  }
0x9: {  	s29 =	sshll.u32 s0, $0x6;
	s15 =	smul.u32 $0x9C4, s0;
	s8 =	sshll.u32 s6, $0xA  }
0xa: {  	_ =	strace $0x80000056;
	s6 =	ssub.s32 $0x2, s6;
	s7 =	sor.u32 s8, s7  }
0xb: {  	s25 =	sshrl.u32 s6, $0x1;
	s26 =	sshrl.u32 s9, $0x2;
	s14 =	sor.u32 s8, s28  }
0xc: {  	s31 =	sshrl.u32 s30, $0x3;
	s7 =	sshrl.u32 s7, $0x3;
	s11 =	ssub.s32 s6, s25  }
0xd: {  	s13 =	sadd.s32 s26, s2;
	s6 =	sor.u32 $0x1C03, s29;
	s8 =	sshrl.u32 s14, $0x3  }
0xe: {  	s10 =	sadd.s32 s7, s5;
	s7 =	sadd.s32 s12, s31;
	s8 =	sadd.s32 s4, s8  }
0xf: {  	s12 =	sadd.s32 s15, s12;
	s13 =	sshrl.u32 s13, $0x3;
	s15 =	simm.s32 $0x80  }
0x10: {  	s5 =	sadd.s32 $0x123A00, s10;
	s9 =	sadd.s32 $0x39400, s10;
	s10 =	smax.u32 s11, $0x1  }
0x11: {  	s11 =	sadd.s32 $0x5000, s14;
	s12 =	sadd.s32 $0xA, s12;
	s14 =	simm.s32 $0x8  }
.LBB2_1:
0x12: {  	[spmem:s13@s15], [sflag:s6] =	dma.strided [hbm:s5@s16], $0x2800, s14, $0x10   }
0x13: {  	_ =	swait.ge [sflag:s17], $0x2800  }
0x14: {  	[sflag:s17] =	ssyncset.done $0x0  }
0x15: {  	s24 =	sand.u32 $0x1, s3;
	[sflag:s17] =	ssyncadd.s32 $0xFFFFD800  }
0x16: {  	p0 =	seq.s32 s24, $0x1;
	[bflag:$0x0] =	sbarrier.arrive $0xFFFF  }
0x17: {  	[tilespmem:s3], [sflag:$0x1] =	stream.linear.gather [hbm4b:s7+s3], $0x50, $0x38;
	[tilespmem:$0x19100] =	vst v63  }
0x18: {  	s0 =	simm.s32 $0x400;
	s24 =	simm.s32 @p0 $0x2  }
0x19: {  	[tilespmem:s16], [sflag:$0x1] =	stream.strided.gather [hbm4b:s8+s0], $0x2800, s19, s0, $0x38;
	[tilespmem:$0x19100] =	vst v63  }
0x1a: {  	_ =	swait.ge @p0 [sflag:s24], $0x50  }
0x1b: {  	[sflag:s24] =	ssyncset.done @p0 $0x0  }
0x1c: {  	[sflag:s24] =	ssyncadd.s32 @p0 $0xFFFFFFB0  }
0x1d: {  	s25 =	sshrl.u32 s11, $0x3;
	_ =	swait.ge @p0 [sflag:s24], $0x2800  }
0x1e: {  	s28 =	sadd.s32 s4, s25;
	[sflag:s24] =	ssyncset.done @p0 $0x0  }
0x1f: {  	s26 =	simm.s32 @!p0 $0x1;
	[sflag:s24] =	ssyncadd.s32 @p0 $0xFFFFD800;
	s24 =	simm.s32 @p0 $0x0  }
0x20: {  	[tilespmem:s24], [sflag:$0x1] =	stream.linear.gather @p0 [hbm4b:s12+s24], $0x50, $0x38;
	[tilespmem:$0x19100] =	vst v63  }
0x21: {  	s25 =	simm.s32 @p0 $0x800;
	s29 =	simm.s32 @p0 $0x100;
	s24 =	simm.s32 @p0 $0x400  }
0x22: {  	[tilespmem:s29], [sflag:$0x1] =	stream.strided.gather @p0 [hbm4b:s28+s24], $0x2800, s25, s24, $0x38;
	[tilespmem:$0x19100] =	vst v63  }
0x23: {  	s24 =	simm.s32 @p0 $0x50;
	s25 =	simm.s32 @p0 $0x80;
	s29 =	simm.s32 @p0 $0x2900  }
0x24: {  	[spmem:s2] =	stream.indirect.scatter.add.f32 @p0 [tilespmem:s29], [sflag:$0x3], $0x80, s25, s24, $0xb8;
	[tilespmem:$0x19100] =	vst v63  }
0x25: {  	_ =	swait.ge @!p0 [sflag:s26], $0x50  }
0x26: {  	[sflag:s26] =	ssyncset.done @!p0 $0x0  }
0x27: {  	[sflag:s26] =	ssyncadd.s32 @!p0 $0xFFFFFFB0  }
0x28: {  	_ =	swait.ge @!p0 [sflag:s26], $0x2800  }
0x29: {  	s30 =	simm.s32 @!p0 $0x800;
	s31 =	simm.s32 @!p0 $0x2900;
	[sflag:s26] =	ssyncset.done @!p0 $0x0  }
0x2a: {  	s24 =	simm.s32 @!p0 $0x0;
	[sflag:s26] =	ssyncadd.s32 @!p0 $0xFFFFD800;
	s26 =	simm.s32 @!p0 $0x80  }
0x2b: {  	[tilespmem:s26], [sflag:$0x2] =	stream.linear.gather @!p0 [hbm4b:s12+s24], $0x50, $0x38;
	[tilespmem:$0x19100] =	vst v63  }
0x2c: {  	s29 =	simm.s32 $0x1;
	s25 =	simm.s32 @!p0 $0x4;
	s26 =	simm.s32 @!p0 $0x400  }
0x2d: {  	[tilespmem:s31], [sflag:$0x2] =	stream.strided.gather @!p0 [hbm4b:s28+s26], $0x2800, s30, s26, $0x38;
	[tilespmem:$0x19100] =	vst v63  }
0x2e: {  	s25 =	simm.s32 @p0 $0x3;
	s26 =	simm.s32 @!p0 $0x50;
	s28 =	simm.s32 @!p0 $0x100  }
0x2f: {  	[spmem:s2] =	stream.indirect.scatter.add.f32 @!p0 [tilespmem:s28], [sflag:$0x4], $0x80, s24, s26, $0xb8;
	[tilespmem:$0x19100] =	vst v63  }
0x30: {  	s29 =	sand.u32 $0x1, s29;
	s28 =	simm.s32 $0x2;
	_ =	swait.ge [sflag:s25], $0x2800  }
0x31: {  	s24 =	sadd.s32 $0xA, s12;
	s26 =	sadd.s32 $0x5000, s11;
	[sflag:s25] =	ssyncset.done $0x0  }
.LBB2_2:
0x32: {  	p1 =	seq.s32 s29, $0x1  }
0x33: {  	[sflag:s25] =	ssyncadd.s32 $0xFFFFD800;
	s29 =	smov.u32 s28;
	s28 =	sadd.s32 $0x1, s28  }
0x34: {  	p0 =	sne.s32 s28, $0xF9;
	s30 =	simm.s32 @p1 $0x2;
	s25 =	simm.s32 @!p1 $0x4  }
0x35: {  	_ =	swait.ge @p1 [sflag:s30], $0x50  }
0x36: {  	[sflag:s30] =	ssyncset.done @p1 $0x0  }
0x37: {  	[sflag:s30] =	ssyncadd.s32 @p1 $0xFFFFFFB0  }
0x38: {  	_ =	swait.ge @p1 [sflag:s30], $0x2800  }
0x39: {  	s31 =	sshrl.u32 s26, $0x3;
	s0 =	simm.s32 @!p1 $0x1;
	[sflag:s30] =	ssyncset.done @p1 $0x0  }
0x3a: {  	s31 =	sadd.s32 s4, s31;
	[sflag:s30] =	ssyncadd.s32 @p1 $0xFFFFD800;
	s30 =	simm.s32 @p1 $0x0  }
0x3b: {  	[tilespmem:s30], [sflag:$0x1] =	stream.linear.gather @p1 [hbm4b:s24+s30], $0x50, $0x38;
	[tilespmem:$0x19100] =	vst v63  }
0x3c: {  	s1 =	simm.s32 @p1 $0x800;
	s18 =	simm.s32 @p1 $0x100;
	s30 =	simm.s32 @p1 $0x400  }
0x3d: {  	[tilespmem:s18], [sflag:$0x1] =	stream.strided.gather @p1 [hbm4b:s31+s30], $0x2800, s1, s30, $0x38;
	[tilespmem:$0x19100] =	vst v63  }
0x3e: {  	s1 =	simm.s32 @p1 $0x50;
	s18 =	simm.s32 @p1 $0x80;
	s30 =	simm.s32 @p1 $0x2900  }
0x3f: {  	[spmem:s2] =	stream.indirect.scatter.add.f32 @p1 [tilespmem:s30], [sflag:$0x3], $0x80, s18, s1, $0xb8;
	[tilespmem:$0x19100] =	vst v63  }
0x40: {  	_ =	swait.ge @!p1 [sflag:s0], $0x50  }
0x41: {  	[sflag:s0] =	ssyncset.done @!p1 $0x0  }
0x42: {  	[sflag:s0] =	ssyncadd.s32 @!p1 $0xFFFFFFB0  }
0x43: {  	_ =	swait.ge @!p1 [sflag:s0], $0x2800  }
0x44: {  	[sflag:s0] =	ssyncset.done @!p1 $0x0  }
0x45: {  	s1 =	simm.s32 @!p1 $0x80;
	[sflag:s0] =	ssyncadd.s32 @!p1 $0xFFFFD800;
	s0 =	simm.s32 @!p1 $0x0  }
0x46: {  	[tilespmem:s1], [sflag:$0x2] =	stream.linear.gather @!p1 [hbm4b:s24+s0], $0x50, $0x38;
	[tilespmem:$0x19100] =	vst v63  }
0x47: {  	s18 =	simm.s32 @!p1 $0x800;
	s30 =	simm.s32 @!p1 $0x2900;
	s1 =	simm.s32 @!p1 $0x400  }
0x48: {  	[tilespmem:s30], [sflag:$0x2] =	stream.strided.gather @!p1 [hbm4b:s31+s1], $0x2800, s18, s1, $0x38;
	[tilespmem:$0x19100] =	vst v63  }
.Ltmp0:
0x49: {  	_ = 	snop;
	(pc) =	sbr.rel @p0 .LBB2_2-.Ltmp0, $4  }
0x4a: {  	s25 =	simm.s32 @p1 $0x3;
	s1 =	simm.s32 @!p1 $0x50;
	s18 =	simm.s32 @!p1 $0x100  }
0x4b: {  	[spmem:s2] =	stream.indirect.scatter.add.f32 @!p1 [tilespmem:s18], [sflag:$0x4], $0x80, s0, s1, $0xb8;
	[tilespmem:$0x19100] =	vst v63  }
0x4c: {  	s24 =	sadd.s32 $0xA, s24;
	_ =	swait.ge [sflag:s25], $0x2800  }
0x4d: {  	s26 =	sadd.s32 $0x5000, s26;
	s29 =	sand.u32 $0x1, s29;
	[sflag:s25] =	ssyncset.done $0x0  }
0x4e: {  	p0 =	seq.s32 s29, $0x1  }
0x4f: {  	[sflag:s25] =	ssyncadd.s32 $0xFFFFD800;
	s0 =	simm.s32 @p0 $0x2  }
0x50: {  	_ =	swait.ge @p0 [sflag:s0], $0x50  }
0x51: {  	[sflag:s0] =	ssyncset.done @p0 $0x0  }
0x52: {  	[sflag:s0] =	ssyncadd.s32 @p0 $0xFFFFFFB0  }
0x53: {  	_ =	swait.ge @p0 [sflag:s0], $0x2800  }
0x54: {  	s1 =	sshrl.u32 s26, $0x3;
	s18 =	simm.s32 @!p0 $0x1;
	[sflag:s0] =	ssyncset.done @p0 $0x0  }
0x55: {  	s1 =	sadd.s32 s4, s1;
	[sflag:s0] =	ssyncadd.s32 @p0 $0xFFFFD800;
	s0 =	simm.s32 @p0 $0x0  }
0x56: {  	[tilespmem:s0], [sflag:$0x1] =	stream.linear.gather @p0 [hbm4b:s24+s0], $0x50, $0x38;
	[tilespmem:$0x19100] =	vst v63  }
0x57: {  	s25 =	simm.s32 @p0 $0x800;
	s26 =	simm.s32 @p0 $0x100;
	s0 =	simm.s32 @p0 $0x400  }
0x58: {  	[tilespmem:s26], [sflag:$0x1] =	stream.strided.gather @p0 [hbm4b:s1+s0], $0x2800, s25, s0, $0x38;
	[tilespmem:$0x19100] =	vst v63  }
0x59: {  	s0 =	simm.s32 @p0 $0x50;
	s25 =	simm.s32 @p0 $0x80;
	s26 =	simm.s32 @p0 $0x2900  }
0x5a: {  	[spmem:s2] =	stream.indirect.scatter.add.f32 @p0 [tilespmem:s26], [sflag:$0x3], $0x80, s25, s0, $0xb8;
	[tilespmem:$0x19100] =	vst v63  }
0x5b: {  	_ =	swait.ge @!p0 [sflag:s18], $0x50  }
0x5c: {  	[sflag:s18] =	ssyncset.done @!p0 $0x0  }
0x5d: {  	[sflag:s18] =	ssyncadd.s32 @!p0 $0xFFFFFFB0  }
0x5e: {  	_ =	swait.ge @!p0 [sflag:s18], $0x2800  }
0x5f: {  	s0 =	simm.s32 @!p0 $0x4;
	[sflag:s18] =	ssyncset.done @!p0 $0x0  }
0x60: {  	s25 =	simm.s32 @!p0 $0x80;
	[sflag:s18] =	ssyncadd.s32 @!p0 $0xFFFFD800;
	s18 =	simm.s32 @!p0 $0x0  }
0x61: {  	[tilespmem:s25], [sflag:$0x2] =	stream.linear.gather @!p0 [hbm4b:s24+s18], $0x50, $0x38;
	[tilespmem:$0x19100] =	vst v63  }
0x62: {  	s26 =	simm.s32 @!p0 $0x2900;
	s24 =	simm.s32 @!p0 $0x400;
	s25 =	simm.s32 @!p0 $0x800  }
0x63: {  	[tilespmem:s26], [sflag:$0x2] =	stream.strided.gather @!p0 [hbm4b:s1+s24], $0x2800, s25, s24, $0x38;
	[tilespmem:$0x19100] =	vst v63  }
0x64: {  	s0 =	simm.s32 @p0 $0x3;
	s1 =	simm.s32 @!p0 $0x50;
	s24 =	simm.s32 @!p0 $0x100  }
0x65: {  	[spmem:s2] =	stream.indirect.scatter.add.f32 @!p0 [tilespmem:s24], [sflag:$0x4], $0x80, s18, s1, $0xb8;
	[tilespmem:$0x19100] =	vst v63  }
0x66: {  	_ =	swait.ge [sflag:s0], $0x2800  }
0x67: {  	[sflag:s0] =	ssyncset.done $0x0  }
0x68: {  	[sflag:s0] =	ssyncadd.s32 $0xFFFFD800  }
0x69: {  	_ =	swait.ge [sflag:s20], $0x50  }
0x6a: {  	[sflag:s20] =	ssyncset.done $0x0  }
0x6b: {  	[sflag:s20] =	ssyncadd.s32 $0xFFFFFFB0  }
0x6c: {  	_ =	swait.ge [sflag:s20], $0x2800  }
0x6d: {  	[sflag:s20] =	ssyncset.done $0x0  }
0x6e: {  	[sflag:s20] =	ssyncadd.s32 $0xFFFFD800  }
0x6f: {  	[spmem:s2] =	stream.indirect.scatter.add.f32 [tilespmem:s22], [sflag:$0x3], $0x80, s15, s21, $0xb8;
	[tilespmem:$0x19100] =	vst v63  }
0x70: {  	_ =	swait.ge [sflag:s17], $0x2800  }
0x71: {  	s23 =	sadd.s32 $0x1, s23;
	[sflag:s17] =	ssyncset.done $0x0  }
0x72: {  	p0 =	sne.s32 s23, s10;
	[sflag:s17] =	ssyncadd.s32 $0xFFFFD800  }
.Ltmp1:
0x73: {  	[bflag:$0x0] =	sbarrier.arrive $0xFFFF;
	(pc) =	sbr.rel @p0 .LBB2_1-.Ltmp1, $4  }
0x74: {  	[hbm:s9@s16], [sflag:s6] =	dma.strided [spmem:s13@s15], $0x2800, s14, $0x10   }
0x75: {  	_ =	swait.ge [sflag:s17], $0x2800  }
0x76: {  	[sflag:s17] =	ssyncset.done $0x0  }
0x77: {  	[sflag:s17] =	ssyncadd.s32 $0xFFFFD800  }
0x78: {  	_ =	sfence.sel $0x180000  }
0x79: {  	[bflag:$0x0] =	sbarrier.arrive $0xFFFF  }
0x7a: {  	_ =	strace $0x90000056  }
0x7b: {  	s0 =	stileid.u32;
	[bflag:$0x2] =	sbarrier.arrive $0xFFFF  }
0x7c: {  	p0 =	sne.s32 s0, $0x0;
	s0 =	rddreg [dreg:$0x2]  }
0x7d: {  	s0 =	sadd.s32 @!p0 $0x100000, s0  }
0x7e: {  	[sflag:s0] =	ssyncadd.tile.s32 @!p0 $0x1;
	_ =	shalt  }
.Lfunc_end2:
_tile_overlayer_lowered:
.L_overlay_start_2:
0x7f: {  	(tag) =	ssettag $0x2  }
0x80: {  	s0 =	rddreg [dreg:$0x0];
	s2 =	stileid.u32  }
0x81: {  	s1 =	rddreg [dreg:$0x1];
	p0 =	sne.s32 s2, $0x0  }
0x82: {  	s3 =	rddreg [dreg:$0x2];
	[bflag:$0x3] =	sbarrier.arrive $0xFFFF;
	s2 =	simm.s32 @!p0 $0x1C03  }
0x83: {  	[timem:s3], [sflag:s2] =	dma.local @!p0 [hbm:s0], s1  }
0x84: {  	s0 =	simm.s32 @!p0 $0x3  }
0x85: {  	_ =	swait.ge @!p0 [sflag:s0], s1  }
0x86: {  	s1 =	ssub.s32 @!p0 $0x0, s1;
	[sflag:s0] =	ssyncset.done @!p0 $0x0  }
0x87: {  	[sflag:s0] =	ssyncadd.s32 @!p0 s1  }
0x88: {  	[bflag:$0x3] =	sbarrier.arrive $0xFFFF  }
0x89: {  	_ =	shalt  }

</sc_bundles>
